<compile_context>
chip_gen: v7x
topology: tpu7x:2x2x1
jax: 0.10.2.dev20260603
libtpu: 0.0.44.dev20260713+nightly
codegen_flags: <defaults>
</compile_context>

<pallas_src>
import functools

import jax
import jax.numpy as jnp
from jax import lax
from jax.experimental import pallas as pl
from jax.experimental.pallas import tpu as pltpu
from jax.experimental.pallas import tpu_sc as plsc

B = 16384
F = 26
D = 32
GW = 128
NV = 1000001
NB = 7813
NB_MAIN = 7808
NGRP = NB * 32
NROW = NGRP * 4
NW = 32
SPW = B // NW
CH = 64
NCHUNK = SPW // CH
G = 128
NG = CH * F // G
ROWS = CH * F
UB = 4
UCOL = UB * 128
UGO = UB * 32
NUNIT = 61


def _tr_body(src_hbm, tail_hbm, out_hbm, tiles_v, outblk_v, tail_v,
             tail24_v, sem_in, sem_out):
    cid = lax.axis_index("c")
    sid = lax.axis_index("s")
    wid = cid * 16 + sid

    iota16 = lax.iota(jnp.int32, 16)

    def in_copies(u, q):
        c0 = pl.multiple_of(u * UCOL, 128)
        return [
            pltpu.make_async_copy(
                src_hbm.at[pl.ds(0, 32), pl.ds(c0, UCOL)],
                tiles_v.at[q], sem_in)
        ]

    def out_copy(u, q):
        g0 = pl.multiple_of(u * UGO, 32)
        return pltpu.make_async_copy(
            outblk_v.at[q], out_hbm.at[pl.ds(g0, UGO)], sem_out)

    def shuffle(src, dst, ncol):
        @plsc.parallel_loop(0, ncol, step=1, unroll=8)
        def col_body(c0):
            c16 = (iota16 + c0) & (ncol - 1)
            go16 = lax.shift_right_logical(c16, 2)
            pb = lax.shift_left(c16 & 3, 5)
            for h in range(2):
                vals = plsc.load_gather(src, [iota16 + h * 16, c16])
                plsc.store_scatter(
                    dst, [go16, pb + iota16 + h * 16], vals)

    for cp in in_copies(wid, 0):
        cp.start()

    def pair_body(i2, carry):
        for q in range(2):
            i = i2 * 2 + q
            u = i * 32 + wid
            for cp in in_copies(u + 32, 1 - q):
                cp.start()
            for cp in in_copies(u, q):
                cp.wait()

            @pl.when(i2 >= 1)
            def _():
                out_copy(u - 64, q).wait()

            shuffle(tiles_v.at[q], outblk_v.at[q], UCOL)
            out_copy(u, q).start()
        return carry

    lax.fori_loop(0, NUNIT // 2, pair_body, None)

    u_last = (NUNIT - 1) * 32 + wid
    for cp in in_copies(u_last, 0):
        cp.wait()
    out_copy((NUNIT - 3) * 32 + wid, 0).wait()
    shuffle(tiles_v.at[0], outblk_v.at[0], UCOL)
    out_copy(u_last, 0).start()
    out_copy((NUNIT - 2) * 32 + wid, 1).wait()
    out_copy(u_last, 0).wait()


    @pl.when(wid < 4)
    def _():
        b = NB_MAIN + wid
        c0 = pl.multiple_of(b * 128, 128)
        for t in range(4):
            pltpu.sync_copy(src_hbm.at[pl.ds(t * 8, 8), pl.ds(c0, 128)],
                            tail_v.at[pl.ds(t * 8, 8)])
        shuffle(tail_v, outblk_v.at[0], 128)
        g0 = pl.multiple_of(b * 32, 32)
        pltpu.sync_copy(outblk_v.at[0, pl.ds(0, 32)],
                        out_hbm.at[pl.ds(g0, 32)])

    @pl.when(wid == 4)
    def _():
        pltpu.sync_copy(tail_hbm, tail24_v)
        pltpu.sync_copy(tail24_v, out_hbm.at[pl.ds(7812 * 32, 24)])


_tr = functools.partial(
    pl.kernel,
    mesh=plsc.VectorSubcoreMesh(core_axis_name="c", subcore_axis_name="s"),
    out_type=jax.ShapeDtypeStruct((NGRP, GW), jnp.float32),
    scratch_types=[
        pltpu.VMEM((2, 32, UCOL), jnp.float32),
        pltpu.VMEM((2, UGO, GW), jnp.float32),
        pltpu.VMEM((32, 128), jnp.float32),
        pltpu.VMEM((24, 128), jnp.float32),
        pltpu.SemaphoreType.DMA,
        pltpu.SemaphoreType.DMA,
    ],
    compiler_params=pltpu.CompilerParams(
        needs_layout_passes=False, use_tc_tiling_on_sc=True
    ),
)(_tr_body)


def _fm_body(x_hbm, emb_hbm, lin_hbm, bias_hbm, out_hbm,
             idx_v, rows_v, lin_v, out_v, bias_v, sem, sem_i):
    cid = lax.axis_index("c")
    sid = lax.axis_index("s")
    wid = cid * 16 + sid

    pltpu.sync_copy(bias_hbm, bias_v.at[pl.ds(0, 1)])
    bias = bias_v[...][0]

    iota16 = lax.iota(jnp.int32, 16)
    lin_mask = iota16 < (F - 16)

    def idx_copy(c, q):
        gc = wid * NCHUNK + c
        return pltpu.make_async_copy(
            x_hbm.at[pl.ds(gc * ROWS, ROWS)],
            idx_v.at[q, pl.ds(0, ROWS)], sem_i)

    def gathers(c, q):
        def fire(j, carry2):
            pltpu.make_async_copy(
                emb_hbm.at[idx_v.at[q, pl.ds(j * G, G)]],
                rows_v.at[q, pl.ds(j * G, G)], sem
            ).start()
            pltpu.make_async_copy(
                lin_hbm.at[idx_v.at[q, pl.ds(j * G, G)]],
                lin_v.at[q, pl.ds(j * G, G)], sem
            ).start()
            return carry2

        lax.fori_loop(0, NG, fire, None)

    def drain(c, q):
        def drain_j(j, carry2):
            pltpu.make_async_copy(
                emb_hbm.at[idx_v.at[q, pl.ds(j * G, G)]],
                rows_v.at[q, pl.ds(j * G, G)], sem
            ).wait()
            pltpu.make_async_copy(
                lin_hbm.at[idx_v.at[q, pl.ds(j * G, G)]],
                lin_v.at[q, pl.ds(j * G, G)], sem
            ).wait()
            return carry2

        lax.fori_loop(0, NG, drain_j, None)

    def compute(c, q):
        def group_body(g, carry2):
            def sample_body(s16, vec):
                s = g * 16 + s16
                rb = s * F
                acc0 = jnp.zeros((16,), jnp.float32)
                acc1 = jnp.zeros((16,), jnp.float32)
                sq0 = jnp.zeros((16,), jnp.float32)
                sq1 = jnp.zeros((16,), jnp.float32)
                for f in range(F):
                    v0 = rows_v[q, rb + f, pl.ds(0, 16)]
                    v1 = rows_v[q, rb + f, pl.ds(16, 16)]
                    acc0 = acc0 + v0
                    acc1 = acc1 + v1
                    sq0 = sq0 + v0 * v0
                    sq1 = sq1 + v1 * v1
                l0 = lin_v[q, pl.ds(rb, 16)]
                l1 = lin_v[q, pl.ds(rb + 16, 16)]
                lin = jnp.sum(l0 + jnp.where(lin_mask, l1, 0.0))
                ps = jnp.sum(acc0 * acc0 + acc1 * acc1)
                sp = jnp.sum(sq0 + sq1)
                val = 0.5 * (ps - sp) + lin + bias
                return jnp.where(iota16 == s16, val, vec)

            vec = lax.fori_loop(0, 16, sample_body,
                                jnp.zeros((16,), jnp.float32))
            out_v[pl.ds(c * CH + g * 16, 16)] = vec
            return carry2

        lax.fori_loop(0, CH // 16, group_body, None)

    idx_copy(0, 0).start()
    idx_copy(0, 0).wait()
    gathers(0, 0)
    idx_copy(1, 1).start()

    def pair_body(i2, carry):
        for q in range(2):
            c = i2 * 2 + q
            nq = 1 - q

            @pl.when(c + 1 < NCHUNK)
            def _():
                idx_copy(c + 1, nq).wait()
                gathers(c + 1, nq)

            drain(c, q)

            @pl.when(c + 2 < NCHUNK)
            def _():
                idx_copy(c + 2, q).start()

            compute(c, q)
        return carry

    lax.fori_loop(0, NCHUNK // 2, pair_body, None)
    pltpu.sync_copy(out_v, out_hbm.at[pl.ds(wid * SPW, SPW)])


_fm = functools.partial(
    pl.kernel,
    mesh=plsc.VectorSubcoreMesh(core_axis_name="c", subcore_axis_name="s"),
    out_type=jax.ShapeDtypeStruct((B,), jnp.float32),
    scratch_types=[
        pltpu.VMEM((2, ROWS), jnp.int32),
        pltpu.VMEM((2, ROWS, D), jnp.float32),
        pltpu.VMEM((2, ROWS + 16), jnp.float32),
        pltpu.VMEM((SPW,), jnp.float32),
        pltpu.VMEM((16,), jnp.float32),
        pltpu.SemaphoreType.DMA,
        pltpu.SemaphoreType.DMA,
    ],
    compiler_params=pltpu.CompilerParams(
        needs_layout_passes=False, use_tc_tiling_on_sc=False
    ),
)(_fm_body)


def kernel(x, emb_w, lin_w, bias):
    x2 = x.astype(jnp.int32).reshape(B * F)
    tail = jnp.pad(emb_w[7812 * 128:], ((0, 31), (0, 0))).reshape(24, GW)
    emb_r = _tr(emb_w.T, tail).reshape(NROW, D)
    lin_flat = lin_w.reshape(-1)
    out = _fm(x2, emb_r, lin_flat, bias)
    return out.reshape(B, 1)

# --- scband reference (transcript-rebuilt; emitter-appended) ---
"""Pipeline reference for scband-factorization-machine-87935160418467 (READ-ONLY COPY).

The authoritative reference and input builder live on the scoring server;
editing this copy changes nothing except your own understanding.
"""

import jax, jax.numpy as jnp
import numpy as np

NUM_INPUT = 1000000
NUM_FACTOR = 32
PADDING_IDX = 0
B = 16384
F = 26


def setup_inputs(seed: int = 0) -> dict:
    key = jax.random.key(seed)
    k1, k2, k3, k4 = jax.random.split(key, 4)
    x = jax.random.randint(k1, (B, F), 0, NUM_INPUT)
    # embedding table (num_input + 1, num_factor), xavier-like small init, padding row zeroed
    emb_w = jax.random.normal(k2, (NUM_INPUT + 1, NUM_FACTOR), dtype=jnp.float32) * 0.001
    emb_w = emb_w.at[PADDING_IDX].set(0.0)
    # linear table (num_input + 1, 1), padding row zeroed
    lin_w = jax.random.normal(k3, (NUM_INPUT + 1, 1), dtype=jnp.float32) * 0.01
    lin_w = lin_w.at[PADDING_IDX].set(0.0)
    bias = jax.random.uniform(k4, (1,), dtype=jnp.float32)
    return {"x": x, "emb_w": emb_w, "lin_w": lin_w, "bias": bias}


def reference(x, emb_w, lin_w, bias):
    # emb: [B, F, D] gather from row-sharded table
    emb = jnp.take(emb_w, x, axis=0)
    pow_of_sum = jnp.sum(jnp.sum(emb, axis=1, keepdims=True) ** 2, axis=2)  # [B, 1]
    sum_of_pow = jnp.sum(jnp.sum(emb ** 2, axis=1, keepdims=True), axis=2)  # [B, 1]
    out_inter = 0.5 * (pow_of_sum - sum_of_pow)
    out_lin = jnp.sum(jnp.take(lin_w, x, axis=0), axis=1)  # [B, 1]
    out = out_inter + out_lin + bias
    return out

if __name__ == "__main__":
    import jax
    _d = setup_inputs()
    print(jax.jit(kernel)(*tuple(_d.values())))

</pallas_src>

<mosaic_0001>
#map = affine_map<(d0, d1) -> (0, 0)>
module attributes {stable_mosaic.version = 14 : i64} {
  func.func @_tr_body(%arg0: i32, %arg1: i32, %arg2: memref<32x1000001xf32, #tpu.memory_space<hbm>>, %arg3: memref<24x128xf32, #tpu.memory_space<hbm>>, %arg4: memref<250016x128xf32, #tpu.memory_space<hbm>>, %arg5: memref<2x32x512xf32, #tpu.memory_space<vmem>>, %arg6: memref<2x128x128xf32, #tpu.memory_space<vmem>>, %arg7: memref<32x128xf32, #tpu.memory_space<vmem>>, %arg8: memref<24x128xf32, #tpu.memory_space<vmem>>, %arg9: memref<!tpu.dma_semaphore, #tpu.memory_space<semaphore_mem>>, %arg10: memref<!tpu.dma_semaphore, #tpu.memory_space<semaphore_mem>>) attributes {dimension_semantics = [#tpu.dimension_semantics<core_parallel>, #tpu.dimension_semantics<subcore_parallel>], iteration_bounds = array<i64: 2, 16>, scalar_prefetch = 0 : i64, scratch_operands = 6 : i64, tpu.core_type = #tpu.core_type<sc_vector_subcore>, window_params = [{transform_indices = #map}, {transform_indices = #map}, {transform_indices = #map}]} {
    %mul3A = arith.constant 16 : i32
    %mul3A_0 = arith.muli %arg0, %mul3A : i32
    %add3A = arith.addi %mul3A_0, %arg1 : i32
    %iota3A = tpu.iota {dimensions = array<i32: 0>} : vector<16xi32>
    %mul3A_1 = arith.constant 512 : i32
    %mul3A_2 = arith.muli %add3A, %mul3A_1 : i32
    %multiple_of3A = tpu.assume_multiple %mul3A_2, 128 : i32
    %dma_start3A = arith.constant 0 : i32
    %dma_start3A_3 = arith.constant 0 : i32
    %dma_start3A_4 = arith.constant 0 : i32
    %dma_start3A_5 = tpu.memref_slice %arg5[%dma_start3A, %dma_start3A_3, %dma_start3A_4] : memref<2x32x512xf32, #tpu.memory_space<vmem>> -> memref<1x32x512xf32, #tpu.memory_space<vmem>>
    %dma_start3A_6 = tpu.memref_squeeze %dma_start3A_5 : memref<1x32x512xf32, #tpu.memory_space<vmem>> -> memref<32x512xf32, #tpu.memory_space<vmem>>
    %dma_start3A_7 = arith.constant 0 : i32
    %dma_start3A_8 = tpu.memref_slice %arg2[%dma_start3A_7, %multiple_of3A] : memref<32x1000001xf32, #tpu.memory_space<hbm>> -> memref<32x512xf32, #tpu.memory_space<hbm>>
    %dma_start3A_9 = arith.constant 0 : i32
    %dma_start3A_10 = arith.constant 0 : i32
    %dma_start3A_11 = tpu.memref_slice %arg5[%dma_start3A, %dma_start3A_9, %dma_start3A_10] : memref<2x32x512xf32, #tpu.memory_space<vmem>> -> memref<1x32x512xf32, #tpu.memory_space<vmem>>
    %dma_start3A_12 = tpu.memref_squeeze %dma_start3A_11 : memref<1x32x512xf32, #tpu.memory_space<vmem>> -> memref<32x512xf32, #tpu.memory_space<vmem>>
    %dma_start3A_13 = arith.constant 0 : i32
    %dma_start3A_14 = tpu.memref_slice %arg2[%dma_start3A_13, %multiple_of3A] : memref<32x1000001xf32, #tpu.memory_space<hbm>> -> memref<32x512xf32, #tpu.memory_space<hbm>>
    tpu.enqueue_dma source(%dma_start3A_14 : memref<32x512xf32, #tpu.memory_space<hbm>>) target(%dma_start3A_12 : memref<32x512xf32, #tpu.memory_space<vmem>>) target_semaphore(%arg9 : memref<!tpu.dma_semaphore, #tpu.memory_space<semaphore_mem>>)
    %scan3A = arith.constant 0 : i32
    %scan3A_15 = arith.constant 30 : i32
    %scan3A_16 = arith.addi %scan3A, %scan3A_15 : i32
    %scan3A_17 = arith.constant 1 : i32
    scf.for %scan3A_114 = %scan3A to %scan3A_16 step %scan3A_17  : i32 {
      %mul3A_115 = arith.constant 2 : i32
      %mul3A_116 = arith.muli %scan3A_114, %mul3A_115 : i32
      %add3A_117 = arith.constant 0 : i32
      %add3A_118 = arith.addi %mul3A_116, %add3A_117 : i32
      %mul3A_119 = arith.constant 32 : i32
      %mul3A_120 = arith.muli %add3A_118, %mul3A_119 : i32
      %add3A_121 = arith.addi %mul3A_120, %add3A : i32
      %add3A_122 = arith.constant 32 : i32
      %add3A_123 = arith.addi %add3A_121, %add3A_122 : i32
      %mul3A_124 = arith.constant 512 : i32
      %mul3A_125 = arith.muli %add3A_123, %mul3A_124 : i32
      %multiple_of3A_126 = tpu.assume_multiple %mul3A_125, 128 : i32
      %dma_start3A_127 = arith.constant 1 : i32
      %dma_start3A_128 = arith.constant 0 : i32
      %dma_start3A_129 = arith.constant 0 : i32
      %dma_start3A_130 = tpu.memref_slice %arg5[%dma_start3A_127, %dma_start3A_128, %dma_start3A_129] : memref<2x32x512xf32, #tpu.memory_space<vmem>> -> memref<1x32x512xf32, #tpu.memory_space<vmem>>
      %dma_start3A_131 = tpu.memref_squeeze %dma_start3A_130 : memref<1x32x512xf32, #tpu.memory_space<vmem>> -> memref<32x512xf32, #tpu.memory_space<vmem>>
      %dma_start3A_132 = arith.constant 0 : i32
      %dma_start3A_133 = tpu.memref_slice %arg2[%dma_start3A_132, %multiple_of3A_126] : memref<32x1000001xf32, #tpu.memory_space<hbm>> -> memref<32x512xf32, #tpu.memory_space<hbm>>
      %dma_start3A_134 = arith.constant 0 : i32
      %dma_start3A_135 = arith.constant 0 : i32
      %dma_start3A_136 = tpu.memref_slice %arg5[%dma_start3A_127, %dma_start3A_134, %dma_start3A_135] : memref<2x32x512xf32, #tpu.memory_space<vmem>> -> memref<1x32x512xf32, #tpu.memory_space<vmem>>
      %dma_start3A_137 = tpu.memref_squeeze %dma_start3A_136 : memref<1x32x512xf32, #tpu.memory_space<vmem>> -> memref<32x512xf32, #tpu.memory_space<vmem>>
      %dma_start3A_138 = arith.constant 0 : i32
      %dma_start3A_139 = tpu.memref_slice %arg2[%dma_start3A_138, %multiple_of3A_126] : memref<32x1000001xf32, #tpu.memory_space<hbm>> -> memref<32x512xf32, #tpu.memory_space<hbm>>
      tpu.enqueue_dma source(%dma_start3A_139 : memref<32x512xf32, #tpu.memory_space<hbm>>) target(%dma_start3A_137 : memref<32x512xf32, #tpu.memory_space<vmem>>) target_semaphore(%arg9 : memref<!tpu.dma_semaphore, #tpu.memory_space<semaphore_mem>>)
      %mul3A_140 = arith.constant 512 : i32
      %mul3A_141 = arith.muli %add3A_121, %mul3A_140 : i32
      %multiple_of3A_142 = tpu.assume_multiple %mul3A_141, 128 : i32
      %dma_wait3A_143 = arith.constant 0 : i32
      %dma_wait3A_144 = arith.constant 0 : i32
      %dma_wait3A_145 = arith.constant 0 : i32
      %dma_wait3A_146 = tpu.memref_slice %arg5[%dma_wait3A_143, %dma_wait3A_144, %dma_wait3A_145] : memref<2x32x512xf32, #tpu.memory_space<vmem>> -> memref<1x32x512xf32, #tpu.memory_space<vmem>>
      %dma_wait3A_147 = tpu.memref_squeeze %dma_wait3A_146 : memref<1x32x512xf32, #tpu.memory_space<vmem>> -> memref<32x512xf32, #tpu.memory_space<vmem>>
      %dma_wait3A_148 = arith.constant 0 : i32
      %dma_wait3A_149 = tpu.memref_slice %arg2[%dma_wait3A_148, %multiple_of3A_142] : memref<32x1000001xf32, #tpu.memory_space<hbm>> -> memref<32x512xf32, #tpu.memory_space<hbm>>
      %dma_wait3A_150 = arith.constant 0 : i32
      %dma_wait3A_151 = arith.constant 0 : i32
      %dma_wait3A_152 = tpu.memref_slice %arg5[%dma_wait3A_143, %dma_wait3A_150, %dma_wait3A_151] : memref<2x32x512xf32, #tpu.memory_space<vmem>> -> memref<1x32x512xf32, #tpu.memory_space<vmem>>
      %dma_wait3A_153 = tpu.memref_squeeze %dma_wait3A_152 : memref<1x32x512xf32, #tpu.memory_space<vmem>> -> memref<32x512xf32, #tpu.memory_space<vmem>>
      %dma_wait3A_154 = arith.constant 0 : i32
      %dma_wait3A_155 = tpu.memref_slice %arg2[%dma_wait3A_154, %multiple_of3A_142] : memref<32x1000001xf32, #tpu.memory_space<hbm>> -> memref<32x512xf32, #tpu.memory_space<hbm>>
      tpu.wait_dma2 semaphore(%arg9 : memref<!tpu.dma_semaphore, #tpu.memory_space<semaphore_mem>>) src(%dma_wait3A_155 : memref<32x512xf32, #tpu.memory_space<hbm>>) dst(%dma_wait3A_153 : memref<32x512xf32, #tpu.memory_space<vmem>>)
      %ge3A = arith.constant 1 : i32
      %ge3A_156 = arith.cmpi sge, %scan3A_114, %ge3A : i32
      %convert_element_type3A_157 = arith.extui %ge3A_156 : i1 to i32
      %cond3A_158 = arith.constant 0 : i32
      %cond3A_159 = arith.cmpi ne, %convert_element_type3A_157, %cond3A_158 : i32
      scf.if %cond3A_159 {
        %sub3A = arith.constant 64 : i32
        %sub3A_248 = arith.subi %add3A_121, %sub3A : i32
        %mul3A_249 = arith.constant 128 : i32
        %mul3A_250 = arith.muli %sub3A_248, %mul3A_249 : i32
        %multiple_of3A_251 = tpu.assume_multiple %mul3A_250, 32 : i32
        %dma_wait3A_252 = arith.constant 0 : i32
        %dma_wait3A_253 = arith.constant 0 : i32
        %dma_wait3A_254 = arith.constant 0 : i32
        %dma_wait3A_255 = tpu.memref_slice %arg6[%dma_wait3A_252, %dma_wait3A_253, %dma_wait3A_254] : memref<2x128x128xf32, #tpu.memory_space<vmem>> -> memref<1x128x128xf32, #tpu.memory_space<vmem>>
        %dma_wait3A_256 = tpu.memref_squeeze %dma_wait3A_255 : memref<1x128x128xf32, #tpu.memory_space<vmem>> -> memref<128x128xf32, #tpu.memory_space<vmem>>
        %dma_wait3A_257 = arith.constant 0 : i32
        %dma_wait3A_258 = tpu.memref_slice %arg4[%multiple_of3A_251, %dma_wait3A_257] : memref<250016x128xf32, #tpu.memory_space<hbm>> -> memref<128x128xf32, #tpu.memory_space<hbm>>
        %dma_wait3A_259 = arith.constant 0 : i32
        %dma_wait3A_260 = tpu.memref_slice %arg4[%multiple_of3A_251, %dma_wait3A_259] : memref<250016x128xf32, #tpu.memory_space<hbm>> -> memref<128x128xf32, #tpu.memory_space<hbm>>
        %dma_wait3A_261 = arith.constant 0 : i32
        %dma_wait3A_262 = arith.constant 0 : i32
        %dma_wait3A_263 = tpu.memref_slice %arg6[%dma_wait3A_252, %dma_wait3A_261, %dma_wait3A_262] : memref<2x128x128xf32, #tpu.memory_space<vmem>> -> memref<1x128x128xf32, #tpu.memory_space<vmem>>
        %dma_wait3A_264 = tpu.memref_squeeze %dma_wait3A_263 : memref<1x128x128xf32, #tpu.memory_space<vmem>> -> memref<128x128xf32, #tpu.memory_space<vmem>>
        tpu.wait_dma2 semaphore(%arg10 : memref<!tpu.dma_semaphore, #tpu.memory_space<semaphore_mem>>) src(%dma_wait3A_264 : memref<128x128xf32, #tpu.memory_space<vmem>>) dst(%dma_wait3A_260 : memref<128x128xf32, #tpu.memory_space<hbm>>)
      } else {
      }
      %parallel_loop3A_160 = arith.constant 0 : i32
      %parallel_loop3A_161 = arith.constant 512 : i32
      %parallel_loop3A_162 = arith.constant 1 : i32
      %parallel_loop3A_163 = arith.constant 0 : i32
      %parallel_loop3A_164 = arith.constant 0 : i32
      scf.for %parallel_loop3A_248 = %parallel_loop3A_160 to %parallel_loop3A_161 step %parallel_loop3A_162  : i32 {
        %parallel_loop3A_249 = vector.broadcast %parallel_loop3A_248 : i32 to vector<16xi32>
        %parallel_loop3A_250 = arith.addi %iota3A, %parallel_loop3A_249 : vector<16xi32>
        %parallel_loop3A_251 = arith.constant 511 : i32
        %parallel_loop3A_252 = vector.broadcast %parallel_loop3A_251 : i32 to vector<16xi32>
        %parallel_loop3A_253 = arith.andi %parallel_loop3A_250, %parallel_loop3A_252 : vector<16xi32>
        %parallel_loop3A_254 = arith.constant 2 : i32
        %parallel_loop3A_255 = vector.broadcast %parallel_loop3A_254 : i32 to vector<16xi32>
        %parallel_loop3A_256 = arith.shrui %parallel_loop3A_253, %parallel_loop3A_255 : vector<16xi32>
        %parallel_loop3A_257 = arith.constant 3 : i32
        %parallel_loop3A_258 = vector.broadcast %parallel_loop3A_257 : i32 to vector<16xi32>
        %parallel_loop3A_259 = arith.andi %parallel_loop3A_253, %parallel_loop3A_258 : vector<16xi32>
        %parallel_loop3A_260 = arith.constant 5 : i32
        %parallel_loop3A_261 = vector.broadcast %parallel_loop3A_260 : i32 to vector<16xi32>
        %parallel_loop3A_262 = arith.shli %parallel_loop3A_259, %parallel_loop3A_261 : vector<16xi32>
        %parallel_loop3A_263 = arith.constant 0 : i32
        %parallel_loop3A_264 = vector.broadcast %parallel_loop3A_263 : i32 to vector<16xi32>
        %parallel_loop3A_265 = arith.addi %iota3A, %parallel_loop3A_264 : vector<16xi32>
        %parallel_loop3A_266 = arith.constant 0 : i32
        %parallel_loop3A_267 = arith.constant 0 : i32
        %parallel_loop3A_268 = tpu.memref_slice %arg5[%parallel_loop3A_163, %parallel_loop3A_266, %parallel_loop3A_267] : memref<2x32x512xf32, #tpu.memory_space<vmem>> -> memref<1x32x512xf32, #tpu.memory_space<vmem>>
        %parallel_loop3A_269 = tpu.memref_squeeze %parallel_loop3A_268 : memref<1x32x512xf32, #tpu.memory_space<vmem>> -> memref<32x512xf32, #tpu.memory_space<vmem>>
        %parallel_loop3A_270 = tpu.vector_load_idx %parallel_loop3A_269[%parallel_loop3A_265, %parallel_loop3A_253] : memref<32x512xf32, #tpu.memory_space<vmem>>[vector<16xi32>, vector<16xi32>], vector<16xf32>,
        %parallel_loop3A_271 = arith.addi %parallel_loop3A_262, %iota3A : vector<16xi32>
        %parallel_loop3A_272 = arith.constant 0 : i32
        %parallel_loop3A_273 = vector.broadcast %parallel_loop3A_272 : i32 to vector<16xi32>
        %parallel_loop3A_274 = arith.addi %parallel_loop3A_271, %parallel_loop3A_273 : vector<16xi32>
        %parallel_loop3A_275 = arith.constant 0 : i32
        %parallel_loop3A_276 = arith.constant 0 : i32
        %parallel_loop3A_277 = tpu.memref_slice %arg6[%parallel_loop3A_164, %parallel_loop3A_275, %parallel_loop3A_276] : memref<2x128x128xf32, #tpu.memory_space<vmem>> -> memref<1x128x128xf32, #tpu.memory_space<vmem>>
        %parallel_loop3A_278 = tpu.memref_squeeze %parallel_loop3A_277 : memref<1x128x128xf32, #tpu.memory_space<vmem>> -> memref<128x128xf32, #tpu.memory_space<vmem>>
        tpu.vector_store_idx %parallel_loop3A_278[%parallel_loop3A_256, %parallel_loop3A_274], %parallel_loop3A_270 : memref<128x128xf32, #tpu.memory_space<vmem>>[vector<16xi32>, vector<16xi32>], vector<16xf32>,
        %parallel_loop3A_279 = arith.constant 16 : i32
        %parallel_loop3A_280 = vector.broadcast %parallel_loop3A_279 : i32 to vector<16xi32>
        %parallel_loop3A_281 = arith.addi %iota3A, %parallel_loop3A_280 : vector<16xi32>
        %parallel_loop3A_282 = arith.constant 0 : i32
        %parallel_loop3A_283 = arith.constant 0 : i32
        %parallel_loop3A_284 = tpu.memref_slice %arg5[%parallel_loop3A_163, %parallel_loop3A_282, %parallel_loop3A_283] : memref<2x32x512xf32, #tpu.memory_space<vmem>> -> memref<1x32x512xf32, #tpu.memory_space<vmem>>
        %parallel_loop3A_285 = tpu.memref_squeeze %parallel_loop3A_284 : memref<1x32x512xf32, #tpu.memory_space<vmem>> -> memref<32x512xf32, #tpu.memory_space<vmem>>
        %parallel_loop3A_286 = tpu.vector_load_idx %parallel_loop3A_285[%parallel_loop3A_281, %parallel_loop3A_253] : memref<32x512xf32, #tpu.memory_space<vmem>>[vector<16xi32>, vector<16xi32>], vector<16xf32>,
        %parallel_loop3A_287 = arith.addi %parallel_loop3A_262, %iota3A : vector<16xi32>
        %parallel_loop3A_288 = arith.constant 16 : i32
        %parallel_loop3A_289 = vector.broadcast %parallel_loop3A_288 : i32 to vector<16xi32>
        %parallel_loop3A_290 = arith.addi %parallel_loop3A_287, %parallel_loop3A_289 : vector<16xi32>
        %parallel_loop3A_291 = arith.constant 0 : i32
        %parallel_loop3A_292 = arith.constant 0 : i32
        %parallel_loop3A_293 = tpu.memref_slice %arg6[%parallel_loop3A_164, %parallel_loop3A_291, %parallel_loop3A_292] : memref<2x128x128xf32, #tpu.memory_space<vmem>> -> memref<1x128x128xf32, #tpu.memory_space<vmem>>
        %parallel_loop3A_294 = tpu.memref_squeeze %parallel_loop3A_293 : memref<1x128x128xf32, #tpu.memory_space<vmem>> -> memref<128x128xf32, #tpu.memory_space<vmem>>
        tpu.vector_store_idx %parallel_loop3A_294[%parallel_loop3A_256, %parallel_loop3A_290], %parallel_loop3A_286 : memref<128x128xf32, #tpu.memory_space<vmem>>[vector<16xi32>, vector<16xi32>], vector<16xf32>,
      } {sc.loop_unroll_factor = 8 : i64, sc.parallel_access}
      %mul3A_165 = arith.constant 128 : i32
      %mul3A_166 = arith.muli %add3A_121, %mul3A_165 : i32
      %multiple_of3A_167 = tpu.assume_multiple %mul3A_166, 32 : i32
      %dma_start3A_168 = arith.constant 0 : i32
      %dma_start3A_169 = arith.constant 0 : i32
      %dma_start3A_170 = arith.constant 0 : i32
      %dma_start3A_171 = tpu.memref_slice %arg6[%dma_start3A_168, %dma_start3A_169, %dma_start3A_170] : memref<2x128x128xf32, #tpu.memory_space<vmem>> -> memref<1x128x128xf32, #tpu.memory_space<vmem>>
      %dma_start3A_172 = tpu.memref_squeeze %dma_start3A_171 : memref<1x128x128xf32, #tpu.memory_space<vmem>> -> memref<128x128xf32, #tpu.memory_space<vmem>>
      %dma_start3A_173 = arith.constant 0 : i32
      %dma_start3A_174 = tpu.memref_slice %arg4[%multiple_of3A_167, %dma_start3A_173] : memref<250016x128xf32, #tpu.memory_space<hbm>> -> memref<128x128xf32, #tpu.memory_space<hbm>>
      %dma_start3A_175 = arith.constant 0 : i32
      %dma_start3A_176 = tpu.memref_slice %arg4[%multiple_of3A_167, %dma_start3A_175] : memref<250016x128xf32, #tpu.memory_space<hbm>> -> memref<128x128xf32, #tpu.memory_space<hbm>>
      %dma_start3A_177 = arith.constant 0 : i32
      %dma_start3A_178 = arith.constant 0 : i32
      %dma_start3A_179 = tpu.memref_slice %arg6[%dma_start3A_168, %dma_start3A_177, %dma_start3A_178] : memref<2x128x128xf32, #tpu.memory_space<vmem>> -> memref<1x128x128xf32, #tpu.memory_space<vmem>>
      %dma_start3A_180 = tpu.memref_squeeze %dma_start3A_179 : memref<1x128x128xf32, #tpu.memory_space<vmem>> -> memref<128x128xf32, #tpu.memory_space<vmem>>
      tpu.enqueue_dma source(%dma_start3A_180 : memref<128x128xf32, #tpu.memory_space<vmem>>) target(%dma_start3A_176 : memref<128x128xf32, #tpu.memory_space<hbm>>) target_semaphore(%arg10 : memref<!tpu.dma_semaphore, #tpu.memory_space<semaphore_mem>>)
      %mul3A_181 = arith.constant 2 : i32
      %mul3A_182 = arith.muli %scan3A_114, %mul3A_181 : i32
      %add3A_183 = arith.constant 1 : i32
      %add3A_184 = arith.addi %mul3A_182, %add3A_183 : i32
      %mul3A_185 = arith.constant 32 : i32
      %mul3A_186 = arith.muli %add3A_184, %mul3A_185 : i32
      %add3A_187 = arith.addi %mul3A_186, %add3A : i32
      %add3A_188 = arith.constant 32 : i32
      %add3A_189 = arith.addi %add3A_187, %add3A_188 : i32
      %mul3A_190 = arith.constant 512 : i32
      %mul3A_191 = arith.muli %add3A_189, %mul3A_190 : i32
      %multiple_of3A_192 = tpu.assume_multiple %mul3A_191, 128 : i32
      %dma_start3A_193 = arith.constant 0 : i32
      %dma_start3A_194 = arith.constant 0 : i32
      %dma_start3A_195 = arith.constant 0 : i32
      %dma_start3A_196 = tpu.memref_slice %arg5[%dma_start3A_193, %dma_start3A_194, %dma_start3A_195] : memref<2x32x512xf32, #tpu.memory_space<vmem>> -> memref<1x32x512xf32, #tpu.memory_space<vmem>>
      %dma_start3A_197 = tpu.memref_squeeze %dma_start3A_196 : memref<1x32x512xf32, #tpu.memory_space<vmem>> -> memref<32x512xf32, #tpu.memory_space<vmem>>
      %dma_start3A_198 = arith.constant 0 : i32
      %dma_start3A_199 = tpu.memref_slice %arg2[%dma_start3A_198, %multiple_of3A_192] : memref<32x1000001xf32, #tpu.memory_space<hbm>> -> memref<32x512xf32, #tpu.memory_space<hbm>>
      %dma_start3A_200 = arith.constant 0 : i32
      %dma_start3A_201 = arith.constant 0 : i32
      %dma_start3A_202 = tpu.memref_slice %arg5[%dma_start3A_193, %dma_start3A_200, %dma_start3A_201] : memref<2x32x512xf32, #tpu.memory_space<vmem>> -> memref<1x32x512xf32, #tpu.memory_space<vmem>>
      %dma_start3A_203 = tpu.memref_squeeze %dma_start3A_202 : memref<1x32x512xf32, #tpu.memory_space<vmem>> -> memref<32x512xf32, #tpu.memory_space<vmem>>
      %dma_start3A_204 = arith.constant 0 : i32
      %dma_start3A_205 = tpu.memref_slice %arg2[%dma_start3A_204, %multiple_of3A_192] : memref<32x1000001xf32, #tpu.memory_space<hbm>> -> memref<32x512xf32, #tpu.memory_space<hbm>>
      tpu.enqueue_dma source(%dma_start3A_205 : memref<32x512xf32, #tpu.memory_space<hbm>>) target(%dma_start3A_203 : memref<32x512xf32, #tpu.memory_space<vmem>>) target_semaphore(%arg9 : memref<!tpu.dma_semaphore, #tpu.memory_space<semaphore_mem>>)
      %mul3A_206 = arith.constant 512 : i32
      %mul3A_207 = arith.muli %add3A_187, %mul3A_206 : i32
      %multiple_of3A_208 = tpu.assume_multiple %mul3A_207, 128 : i32
      %dma_wait3A_209 = arith.constant 1 : i32
      %dma_wait3A_210 = arith.constant 0 : i32
      %dma_wait3A_211 = arith.constant 0 : i32
      %dma_wait3A_212 = tpu.memref_slice %arg5[%dma_wait3A_209, %dma_wait3A_210, %dma_wait3A_211] : memref<2x32x512xf32, #tpu.memory_space<vmem>> -> memref<1x32x512xf32, #tpu.memory_space<vmem>>
      %dma_wait3A_213 = tpu.memref_squeeze %dma_wait3A_212 : memref<1x32x512xf32, #tpu.memory_space<vmem>> -> memref<32x512xf32, #tpu.memory_space<vmem>>
      %dma_wait3A_214 = arith.constant 0 : i32
      %dma_wait3A_215 = tpu.memref_slice %arg2[%dma_wait3A_214, %multiple_of3A_208] : memref<32x1000001xf32, #tpu.memory_space<hbm>> -> memref<32x512xf32, #tpu.memory_space<hbm>>
      %dma_wait3A_216 = arith.constant 0 : i32
      %dma_wait3A_217 = arith.constant 0 : i32
      %dma_wait3A_218 = tpu.memref_slice %arg5[%dma_wait3A_209, %dma_wait3A_216, %dma_wait3A_217] : memref<2x32x512xf32, #tpu.memory_space<vmem>> -> memref<1x32x512xf32, #tpu.memory_space<vmem>>
      %dma_wait3A_219 = tpu.memref_squeeze %dma_wait3A_218 : memref<1x32x512xf32, #tpu.memory_space<vmem>> -> memref<32x512xf32, #tpu.memory_space<vmem>>
      %dma_wait3A_220 = arith.constant 0 : i32
      %dma_wait3A_221 = tpu.memref_slice %arg2[%dma_wait3A_220, %multiple_of3A_208] : memref<32x1000001xf32, #tpu.memory_space<hbm>> -> memref<32x512xf32, #tpu.memory_space<hbm>>
      tpu.wait_dma2 semaphore(%arg9 : memref<!tpu.dma_semaphore, #tpu.memory_space<semaphore_mem>>) src(%dma_wait3A_221 : memref<32x512xf32, #tpu.memory_space<hbm>>) dst(%dma_wait3A_219 : memref<32x512xf32, #tpu.memory_space<vmem>>)
      %ge3A_222 = arith.constant 1 : i32
      %ge3A_223 = arith.cmpi sge, %scan3A_114, %ge3A_222 : i32
      %convert_element_type3A_224 = arith.extui %ge3A_223 : i1 to i32
      %cond3A_225 = arith.constant 0 : i32
      %cond3A_226 = arith.cmpi ne, %convert_element_type3A_224, %cond3A_225 : i32
      scf.if %cond3A_226 {
        %sub3A = arith.constant 64 : i32
        %sub3A_248 = arith.subi %add3A_187, %sub3A : i32
        %mul3A_249 = arith.constant 128 : i32
        %mul3A_250 = arith.muli %sub3A_248, %mul3A_249 : i32
        %multiple_of3A_251 = tpu.assume_multiple %mul3A_250, 32 : i32
        %dma_wait3A_252 = arith.constant 1 : i32
        %dma_wait3A_253 = arith.constant 0 : i32
        %dma_wait3A_254 = arith.constant 0 : i32
        %dma_wait3A_255 = tpu.memref_slice %arg6[%dma_wait3A_252, %dma_wait3A_253, %dma_wait3A_254] : memref<2x128x128xf32, #tpu.memory_space<vmem>> -> memref<1x128x128xf32, #tpu.memory_space<vmem>>
        %dma_wait3A_256 = tpu.memref_squeeze %dma_wait3A_255 : memref<1x128x128xf32, #tpu.memory_space<vmem>> -> memref<128x128xf32, #tpu.memory_space<vmem>>
        %dma_wait3A_257 = arith.constant 0 : i32
        %dma_wait3A_258 = tpu.memref_slice %arg4[%multiple_of3A_251, %dma_wait3A_257] : memref<250016x128xf32, #tpu.memory_space<hbm>> -> memref<128x128xf32, #tpu.memory_space<hbm>>
        %dma_wait3A_259 = arith.constant 0 : i32
        %dma_wait3A_260 = tpu.memref_slice %arg4[%multiple_of3A_251, %dma_wait3A_259] : memref<250016x128xf32, #tpu.memory_space<hbm>> -> memref<128x128xf32, #tpu.memory_space<hbm>>
        %dma_wait3A_261 = arith.constant 0 : i32
        %dma_wait3A_262 = arith.constant 0 : i32
        %dma_wait3A_263 = tpu.memref_slice %arg6[%dma_wait3A_252, %dma_wait3A_261, %dma_wait3A_262] : memref<2x128x128xf32, #tpu.memory_space<vmem>> -> memref<1x128x128xf32, #tpu.memory_space<vmem>>
        %dma_wait3A_264 = tpu.memref_squeeze %dma_wait3A_263 : memref<1x128x128xf32, #tpu.memory_space<vmem>> -> memref<128x128xf32, #tpu.memory_space<vmem>>
        tpu.wait_dma2 semaphore(%arg10 : memref<!tpu.dma_semaphore, #tpu.memory_space<semaphore_mem>>) src(%dma_wait3A_264 : memref<128x128xf32, #tpu.memory_space<vmem>>) dst(%dma_wait3A_260 : memref<128x128xf32, #tpu.memory_space<hbm>>)
      } else {
      }
      %parallel_loop3A_227 = arith.constant 0 : i32
      %parallel_loop3A_228 = arith.constant 512 : i32
      %parallel_loop3A_229 = arith.constant 1 : i32
      %parallel_loop3A_230 = arith.constant 1 : i32
      %parallel_loop3A_231 = arith.constant 1 : i32
      scf.for %parallel_loop3A_248 = %parallel_loop3A_227 to %parallel_loop3A_228 step %parallel_loop3A_229  : i32 {
        %parallel_loop3A_249 = vector.broadcast %parallel_loop3A_248 : i32 to vector<16xi32>
        %parallel_loop3A_250 = arith.addi %iota3A, %parallel_loop3A_249 : vector<16xi32>
        %parallel_loop3A_251 = arith.constant 511 : i32
        %parallel_loop3A_252 = vector.broadcast %parallel_loop3A_251 : i32 to vector<16xi32>
        %parallel_loop3A_253 = arith.andi %parallel_loop3A_250, %parallel_loop3A_252 : vector<16xi32>
        %parallel_loop3A_254 = arith.constant 2 : i32
        %parallel_loop3A_255 = vector.broadcast %parallel_loop3A_254 : i32 to vector<16xi32>
        %parallel_loop3A_256 = arith.shrui %parallel_loop3A_253, %parallel_loop3A_255 : vector<16xi32>
        %parallel_loop3A_257 = arith.constant 3 : i32
        %parallel_loop3A_258 = vector.broadcast %parallel_loop3A_257 : i32 to vector<16xi32>
        %parallel_loop3A_259 = arith.andi %parallel_loop3A_253, %parallel_loop3A_258 : vector<16xi32>
        %parallel_loop3A_260 = arith.constant 5 : i32
        %parallel_loop3A_261 = vector.broadcast %parallel_loop3A_260 : i32 to vector<16xi32>
        %parallel_loop3A_262 = arith.shli %parallel_loop3A_259, %parallel_loop3A_261 : vector<16xi32>
        %parallel_loop3A_263 = arith.constant 0 : i32
        %parallel_loop3A_264 = vector.broadcast %parallel_loop3A_263 : i32 to vector<16xi32>
        %parallel_loop3A_265 = arith.addi %iota3A, %parallel_loop3A_264 : vector<16xi32>
        %parallel_loop3A_266 = arith.constant 0 : i32
        %parallel_loop3A_267 = arith.constant 0 : i32
        %parallel_loop3A_268 = tpu.memref_slice %arg5[%parallel_loop3A_230, %parallel_loop3A_266, %parallel_loop3A_267] : memref<2x32x512xf32, #tpu.memory_space<vmem>> -> memref<1x32x512xf32, #tpu.memory_space<vmem>>
        %parallel_loop3A_269 = tpu.memref_squeeze %parallel_loop3A_268 : memref<1x32x512xf32, #tpu.memory_space<vmem>> -> memref<32x512xf32, #tpu.memory_space<vmem>>
        %parallel_loop3A_270 = tpu.vector_load_idx %parallel_loop3A_269[%parallel_loop3A_265, %parallel_loop3A_253] : memref<32x512xf32, #tpu.memory_space<vmem>>[vector<16xi32>, vector<16xi32>], vector<16xf32>,
        %parallel_loop3A_271 = arith.addi %parallel_loop3A_262, %iota3A : vector<16xi32>
        %parallel_loop3A_272 = arith.constant 0 : i32
        %parallel_loop3A_273 = vector.broadcast %parallel_loop3A_272 : i32 to vector<16xi32>
        %parallel_loop3A_274 = arith.addi %parallel_loop3A_271, %parallel_loop3A_273 : vector<16xi32>
        %parallel_loop3A_275 = arith.constant 0 : i32
        %parallel_loop3A_276 = arith.constant 0 : i32
        %parallel_loop3A_277 = tpu.memref_slice %arg6[%parallel_loop3A_231, %parallel_loop3A_275, %parallel_loop3A_276] : memref<2x128x128xf32, #tpu.memory_space<vmem>> -> memref<1x128x128xf32, #tpu.memory_space<vmem>>
        %parallel_loop3A_278 = tpu.memref_squeeze %parallel_loop3A_277 : memref<1x128x128xf32, #tpu.memory_space<vmem>> -> memref<128x128xf32, #tpu.memory_space<vmem>>
        tpu.vector_store_idx %parallel_loop3A_278[%parallel_loop3A_256, %parallel_loop3A_274], %parallel_loop3A_270 : memref<128x128xf32, #tpu.memory_space<vmem>>[vector<16xi32>, vector<16xi32>], vector<16xf32>,
        %parallel_loop3A_279 = arith.constant 16 : i32
        %parallel_loop3A_280 = vector.broadcast %parallel_loop3A_279 : i32 to vector<16xi32>
        %parallel_loop3A_281 = arith.addi %iota3A, %parallel_loop3A_280 : vector<16xi32>
        %parallel_loop3A_282 = arith.constant 0 : i32
        %parallel_loop3A_283 = arith.constant 0 : i32
        %parallel_loop3A_284 = tpu.memref_slice %arg5[%parallel_loop3A_230, %parallel_loop3A_282, %parallel_loop3A_283] : memref<2x32x512xf32, #tpu.memory_space<vmem>> -> memref<1x32x512xf32, #tpu.memory_space<vmem>>
        %parallel_loop3A_285 = tpu.memref_squeeze %parallel_loop3A_284 : memref<1x32x512xf32, #tpu.memory_space<vmem>> -> memref<32x512xf32, #tpu.memory_space<vmem>>
        %parallel_loop3A_286 = tpu.vector_load_idx %parallel_loop3A_285[%parallel_loop3A_281, %parallel_loop3A_253] : memref<32x512xf32, #tpu.memory_space<vmem>>[vector<16xi32>, vector<16xi32>], vector<16xf32>,
        %parallel_loop3A_287 = arith.addi %parallel_loop3A_262, %iota3A : vector<16xi32>
        %parallel_loop3A_288 = arith.constant 16 : i32
        %parallel_loop3A_289 = vector.broadcast %parallel_loop3A_288 : i32 to vector<16xi32>
        %parallel_loop3A_290 = arith.addi %parallel_loop3A_287, %parallel_loop3A_289 : vector<16xi32>
        %parallel_loop3A_291 = arith.constant 0 : i32
        %parallel_loop3A_292 = arith.constant 0 : i32
        %parallel_loop3A_293 = tpu.memref_slice %arg6[%parallel_loop3A_231, %parallel_loop3A_291, %parallel_loop3A_292] : memref<2x128x128xf32, #tpu.memory_space<vmem>> -> memref<1x128x128xf32, #tpu.memory_space<vmem>>
        %parallel_loop3A_294 = tpu.memref_squeeze %parallel_loop3A_293 : memref<1x128x128xf32, #tpu.memory_space<vmem>> -> memref<128x128xf32, #tpu.memory_space<vmem>>
        tpu.vector_store_idx %parallel_loop3A_294[%parallel_loop3A_256, %parallel_loop3A_290], %parallel_loop3A_286 : memref<128x128xf32, #tpu.memory_space<vmem>>[vector<16xi32>, vector<16xi32>], vector<16xf32>,
      } {sc.loop_unroll_factor = 8 : i64, sc.parallel_access}
      %mul3A_232 = arith.constant 128 : i32
      %mul3A_233 = arith.muli %add3A_187, %mul3A_232 : i32
      %multiple_of3A_234 = tpu.assume_multiple %mul3A_233, 32 : i32
      %dma_start3A_235 = arith.constant 1 : i32
      %dma_start3A_236 = arith.constant 0 : i32
      %dma_start3A_237 = arith.constant 0 : i32
      %dma_start3A_238 = tpu.memref_slice %arg6[%dma_start3A_235, %dma_start3A_236, %dma_start3A_237] : memref<2x128x128xf32, #tpu.memory_space<vmem>> -> memref<1x128x128xf32, #tpu.memory_space<vmem>>
      %dma_start3A_239 = tpu.memref_squeeze %dma_start3A_238 : memref<1x128x128xf32, #tpu.memory_space<vmem>> -> memref<128x128xf32, #tpu.memory_space<vmem>>
      %dma_start3A_240 = arith.constant 0 : i32
      %dma_start3A_241 = tpu.memref_slice %arg4[%multiple_of3A_234, %dma_start3A_240] : memref<250016x128xf32, #tpu.memory_space<hbm>> -> memref<128x128xf32, #tpu.memory_space<hbm>>
      %dma_start3A_242 = arith.constant 0 : i32
      %dma_start3A_243 = tpu.memref_slice %arg4[%multiple_of3A_234, %dma_start3A_242] : memref<250016x128xf32, #tpu.memory_space<hbm>> -> memref<128x128xf32, #tpu.memory_space<hbm>>
      %dma_start3A_244 = arith.constant 0 : i32
      %dma_start3A_245 = arith.constant 0 : i32
      %dma_start3A_246 = tpu.memref_slice %arg6[%dma_start3A_235, %dma_start3A_244, %dma_start3A_245] : memref<2x128x128xf32, #tpu.memory_space<vmem>> -> memref<1x128x128xf32, #tpu.memory_space<vmem>>
      %dma_start3A_247 = tpu.memref_squeeze %dma_start3A_246 : memref<1x128x128xf32, #tpu.memory_space<vmem>> -> memref<128x128xf32, #tpu.memory_space<vmem>>
      tpu.enqueue_dma source(%dma_start3A_247 : memref<128x128xf32, #tpu.memory_space<vmem>>) target(%dma_start3A_243 : memref<128x128xf32, #tpu.memory_space<hbm>>) target_semaphore(%arg10 : memref<!tpu.dma_semaphore, #tpu.memory_space<semaphore_mem>>)
    }
    %scan3A_18 = arith.constant 30 : i32
    %add3A_19 = arith.constant 1920 : i32
    %add3A_20 = arith.addi %add3A_19, %add3A : i32
    %mul3A_21 = arith.constant 512 : i32
    %mul3A_22 = arith.muli %add3A_20, %mul3A_21 : i32
    %multiple_of3A_23 = tpu.assume_multiple %mul3A_22, 128 : i32
    %dma_wait3A = arith.constant 0 : i32
    %dma_wait3A_24 = arith.constant 0 : i32
    %dma_wait3A_25 = arith.constant 0 : i32
    %dma_wait3A_26 = tpu.memref_slice %arg5[%dma_wait3A, %dma_wait3A_24, %dma_wait3A_25] : memref<2x32x512xf32, #tpu.memory_space<vmem>> -> memref<1x32x512xf32, #tpu.memory_space<vmem>>
    %dma_wait3A_27 = tpu.memref_squeeze %dma_wait3A_26 : memref<1x32x512xf32, #tpu.memory_space<vmem>> -> memref<32x512xf32, #tpu.memory_space<vmem>>
    %dma_wait3A_28 = arith.constant 0 : i32
    %dma_wait3A_29 = tpu.memref_slice %arg2[%dma_wait3A_28, %multiple_of3A_23] : memref<32x1000001xf32, #tpu.memory_space<hbm>> -> memref<32x512xf32, #tpu.memory_space<hbm>>
    %dma_wait3A_30 = arith.constant 0 : i32
    %dma_wait3A_31 = arith.constant 0 : i32
    %dma_wait3A_32 = tpu.memref_slice %arg5[%dma_wait3A, %dma_wait3A_30, %dma_wait3A_31] : memref<2x32x512xf32, #tpu.memory_space<vmem>> -> memref<1x32x512xf32, #tpu.memory_space<vmem>>
    %dma_wait3A_33 = tpu.memref_squeeze %dma_wait3A_32 : memref<1x32x512xf32, #tpu.memory_space<vmem>> -> memref<32x512xf32, #tpu.memory_space<vmem>>
    %dma_wait3A_34 = arith.constant 0 : i32
    %dma_wait3A_35 = tpu.memref_slice %arg2[%dma_wait3A_34, %multiple_of3A_23] : memref<32x1000001xf32, #tpu.memory_space<hbm>> -> memref<32x512xf32, #tpu.memory_space<hbm>>
    tpu.wait_dma2 semaphore(%arg9 : memref<!tpu.dma_semaphore, #tpu.memory_space<semaphore_mem>>) src(%dma_wait3A_35 : memref<32x512xf32, #tpu.memory_space<hbm>>) dst(%dma_wait3A_33 : memref<32x512xf32, #tpu.memory_space<vmem>>)
    %add3A_36 = arith.constant 1856 : i32
    %add3A_37 = arith.addi %add3A_36, %add3A : i32
    %mul3A_38 = arith.constant 128 : i32
    %mul3A_39 = arith.muli %add3A_37, %mul3A_38 : i32
    %multiple_of3A_40 = tpu.assume_multiple %mul3A_39, 32 : i32
    %dma_wait3A_41 = arith.constant 0 : i32
    %dma_wait3A_42 = arith.constant 0 : i32
    %dma_wait3A_43 = arith.constant 0 : i32
    %dma_wait3A_44 = tpu.memref_slice %arg6[%dma_wait3A_41, %dma_wait3A_42, %dma_wait3A_43] : memref<2x128x128xf32, #tpu.memory_space<vmem>> -> memref<1x128x128xf32, #tpu.memory_space<vmem>>
    %dma_wait3A_45 = tpu.memref_squeeze %dma_wait3A_44 : memref<1x128x128xf32, #tpu.memory_space<vmem>> -> memref<128x128xf32, #tpu.memory_space<vmem>>
    %dma_wait3A_46 = arith.constant 0 : i32
    %dma_wait3A_47 = tpu.memref_slice %arg4[%multiple_of3A_40, %dma_wait3A_46] : memref<250016x128xf32, #tpu.memory_space<hbm>> -> memref<128x128xf32, #tpu.memory_space<hbm>>
    %dma_wait3A_48 = arith.constant 0 : i32
    %dma_wait3A_49 = tpu.memref_slice %arg4[%multiple_of3A_40, %dma_wait3A_48] : memref<250016x128xf32, #tpu.memory_space<hbm>> -> memref<128x128xf32, #tpu.memory_space<hbm>>
    %dma_wait3A_50 = arith.constant 0 : i32
    %dma_wait3A_51 = arith.constant 0 : i32
    %dma_wait3A_52 = tpu.memref_slice %arg6[%dma_wait3A_41, %dma_wait3A_50, %dma_wait3A_51] : memref<2x128x128xf32, #tpu.memory_space<vmem>> -> memref<1x128x128xf32, #tpu.memory_space<vmem>>
    %dma_wait3A_53 = tpu.memref_squeeze %dma_wait3A_52 : memref<1x128x128xf32, #tpu.memory_space<vmem>> -> memref<128x128xf32, #tpu.memory_space<vmem>>
    tpu.wait_dma2 semaphore(%arg10 : memref<!tpu.dma_semaphore, #tpu.memory_space<semaphore_mem>>) src(%dma_wait3A_53 : memref<128x128xf32, #tpu.memory_space<vmem>>) dst(%dma_wait3A_49 : memref<128x128xf32, #tpu.memory_space<hbm>>)
    %parallel_loop3A = arith.constant 0 : i32
    %parallel_loop3A_54 = arith.constant 512 : i32
    %parallel_loop3A_55 = arith.constant 1 : i32
    %parallel_loop3A_56 = arith.constant 0 : i32
    %parallel_loop3A_57 = arith.constant 0 : i32
    scf.for %parallel_loop3A_114 = %parallel_loop3A to %parallel_loop3A_54 step %parallel_loop3A_55  : i32 {
      %parallel_loop3A_115 = vector.broadcast %parallel_loop3A_114 : i32 to vector<16xi32>
      %parallel_loop3A_116 = arith.addi %iota3A, %parallel_loop3A_115 : vector<16xi32>
      %parallel_loop3A_117 = arith.constant 511 : i32
      %parallel_loop3A_118 = vector.broadcast %parallel_loop3A_117 : i32 to vector<16xi32>
      %parallel_loop3A_119 = arith.andi %parallel_loop3A_116, %parallel_loop3A_118 : vector<16xi32>
      %parallel_loop3A_120 = arith.constant 2 : i32
      %parallel_loop3A_121 = vector.broadcast %parallel_loop3A_120 : i32 to vector<16xi32>
      %parallel_loop3A_122 = arith.shrui %parallel_loop3A_119, %parallel_loop3A_121 : vector<16xi32>
      %parallel_loop3A_123 = arith.constant 3 : i32
      %parallel_loop3A_124 = vector.broadcast %parallel_loop3A_123 : i32 to vector<16xi32>
      %parallel_loop3A_125 = arith.andi %parallel_loop3A_119, %parallel_loop3A_124 : vector<16xi32>
      %parallel_loop3A_126 = arith.constant 5 : i32
      %parallel_loop3A_127 = vector.broadcast %parallel_loop3A_126 : i32 to vector<16xi32>
      %parallel_loop3A_128 = arith.shli %parallel_loop3A_125, %parallel_loop3A_127 : vector<16xi32>
      %parallel_loop3A_129 = arith.constant 0 : i32
      %parallel_loop3A_130 = vector.broadcast %parallel_loop3A_129 : i32 to vector<16xi32>
      %parallel_loop3A_131 = arith.addi %iota3A, %parallel_loop3A_130 : vector<16xi32>
      %parallel_loop3A_132 = arith.constant 0 : i32
      %parallel_loop3A_133 = arith.constant 0 : i32
      %parallel_loop3A_134 = tpu.memref_slice %arg5[%parallel_loop3A_56, %parallel_loop3A_132, %parallel_loop3A_133] : memref<2x32x512xf32, #tpu.memory_space<vmem>> -> memref<1x32x512xf32, #tpu.memory_space<vmem>>
      %parallel_loop3A_135 = tpu.memref_squeeze %parallel_loop3A_134 : memref<1x32x512xf32, #tpu.memory_space<vmem>> -> memref<32x512xf32, #tpu.memory_space<vmem>>
      %parallel_loop3A_136 = tpu.vector_load_idx %parallel_loop3A_135[%parallel_loop3A_131, %parallel_loop3A_119] : memref<32x512xf32, #tpu.memory_space<vmem>>[vector<16xi32>, vector<16xi32>], vector<16xf32>,
      %parallel_loop3A_137 = arith.addi %parallel_loop3A_128, %iota3A : vector<16xi32>
      %parallel_loop3A_138 = arith.constant 0 : i32
      %parallel_loop3A_139 = vector.broadcast %parallel_loop3A_138 : i32 to vector<16xi32>
      %parallel_loop3A_140 = arith.addi %parallel_loop3A_137, %parallel_loop3A_139 : vector<16xi32>
      %parallel_loop3A_141 = arith.constant 0 : i32
      %parallel_loop3A_142 = arith.constant 0 : i32
      %parallel_loop3A_143 = tpu.memref_slice %arg6[%parallel_loop3A_57, %parallel_loop3A_141, %parallel_loop3A_142] : memref<2x128x128xf32, #tpu.memory_space<vmem>> -> memref<1x128x128xf32, #tpu.memory_space<vmem>>
      %parallel_loop3A_144 = tpu.memref_squeeze %parallel_loop3A_143 : memref<1x128x128xf32, #tpu.memory_space<vmem>> -> memref<128x128xf32, #tpu.memory_space<vmem>>
      tpu.vector_store_idx %parallel_loop3A_144[%parallel_loop3A_122, %parallel_loop3A_140], %parallel_loop3A_136 : memref<128x128xf32, #tpu.memory_space<vmem>>[vector<16xi32>, vector<16xi32>], vector<16xf32>,
      %parallel_loop3A_145 = arith.constant 16 : i32
      %parallel_loop3A_146 = vector.broadcast %parallel_loop3A_145 : i32 to vector<16xi32>
      %parallel_loop3A_147 = arith.addi %iota3A, %parallel_loop3A_146 : vector<16xi32>
      %parallel_loop3A_148 = arith.constant 0 : i32
      %parallel_loop3A_149 = arith.constant 0 : i32
      %parallel_loop3A_150 = tpu.memref_slice %arg5[%parallel_loop3A_56, %parallel_loop3A_148, %parallel_loop3A_149] : memref<2x32x512xf32, #tpu.memory_space<vmem>> -> memref<1x32x512xf32, #tpu.memory_space<vmem>>
      %parallel_loop3A_151 = tpu.memref_squeeze %parallel_loop3A_150 : memref<1x32x512xf32, #tpu.memory_space<vmem>> -> memref<32x512xf32, #tpu.memory_space<vmem>>
      %parallel_loop3A_152 = tpu.vector_load_idx %parallel_loop3A_151[%parallel_loop3A_147, %parallel_loop3A_119] : memref<32x512xf32, #tpu.memory_space<vmem>>[vector<16xi32>, vector<16xi32>], vector<16xf32>,
      %parallel_loop3A_153 = arith.addi %parallel_loop3A_128, %iota3A : vector<16xi32>
      %parallel_loop3A_154 = arith.constant 16 : i32
      %parallel_loop3A_155 = vector.broadcast %parallel_loop3A_154 : i32 to vector<16xi32>
      %parallel_loop3A_156 = arith.addi %parallel_loop3A_153, %parallel_loop3A_155 : vector<16xi32>
      %parallel_loop3A_157 = arith.constant 0 : i32
      %parallel_loop3A_158 = arith.constant 0 : i32
      %parallel_loop3A_159 = tpu.memref_slice %arg6[%parallel_loop3A_57, %parallel_loop3A_157, %parallel_loop3A_158] : memref<2x128x128xf32, #tpu.memory_space<vmem>> -> memref<1x128x128xf32, #tpu.memory_space<vmem>>
      %parallel_loop3A_160 = tpu.memref_squeeze %parallel_loop3A_159 : memref<1x128x128xf32, #tpu.memory_space<vmem>> -> memref<128x128xf32, #tpu.memory_space<vmem>>
      tpu.vector_store_idx %parallel_loop3A_160[%parallel_loop3A_122, %parallel_loop3A_156], %parallel_loop3A_152 : memref<128x128xf32, #tpu.memory_space<vmem>>[vector<16xi32>, vector<16xi32>], vector<16xf32>,
    } {sc.loop_unroll_factor = 8 : i64, sc.parallel_access}
    %mul3A_58 = arith.constant 128 : i32
    %mul3A_59 = arith.muli %add3A_20, %mul3A_58 : i32
    %multiple_of3A_60 = tpu.assume_multiple %mul3A_59, 32 : i32
    %dma_start3A_61 = arith.constant 0 : i32
    %dma_start3A_62 = arith.constant 0 : i32
    %dma_start3A_63 = arith.constant 0 : i32
    %dma_start3A_64 = tpu.memref_slice %arg6[%dma_start3A_61, %dma_start3A_62, %dma_start3A_63] : memref<2x128x128xf32, #tpu.memory_space<vmem>> -> memref<1x128x128xf32, #tpu.memory_space<vmem>>
    %dma_start3A_65 = tpu.memref_squeeze %dma_start3A_64 : memref<1x128x128xf32, #tpu.memory_space<vmem>> -> memref<128x128xf32, #tpu.memory_space<vmem>>
    %dma_start3A_66 = arith.constant 0 : i32
    %dma_start3A_67 = tpu.memref_slice %arg4[%multiple_of3A_60, %dma_start3A_66] : memref<250016x128xf32, #tpu.memory_space<hbm>> -> memref<128x128xf32, #tpu.memory_space<hbm>>
    %dma_start3A_68 = arith.constant 0 : i32
    %dma_start3A_69 = tpu.memref_slice %arg4[%multiple_of3A_60, %dma_start3A_68] : memref<250016x128xf32, #tpu.memory_space<hbm>> -> memref<128x128xf32, #tpu.memory_space<hbm>>
    %dma_start3A_70 = arith.constant 0 : i32
    %dma_start3A_71 = arith.constant 0 : i32
    %dma_start3A_72 = tpu.memref_slice %arg6[%dma_start3A_61, %dma_start3A_70, %dma_start3A_71] : memref<2x128x128xf32, #tpu.memory_space<vmem>> -> memref<1x128x128xf32, #tpu.memory_space<vmem>>
    %dma_start3A_73 = tpu.memref_squeeze %dma_start3A_72 : memref<1x128x128xf32, #tpu.memory_space<vmem>> -> memref<128x128xf32, #tpu.memory_space<vmem>>
    tpu.enqueue_dma source(%dma_start3A_73 : memref<128x128xf32, #tpu.memory_space<vmem>>) target(%dma_start3A_69 : memref<128x128xf32, #tpu.memory_space<hbm>>) target_semaphore(%arg10 : memref<!tpu.dma_semaphore, #tpu.memory_space<semaphore_mem>>)
    %add3A_74 = arith.constant 1888 : i32
    %add3A_75 = arith.addi %add3A_74, %add3A : i32
    %mul3A_76 = arith.constant 128 : i32
    %mul3A_77 = arith.muli %add3A_75, %mul3A_76 : i32
    %multiple_of3A_78 = tpu.assume_multiple %mul3A_77, 32 : i32
    %dma_wait3A_79 = arith.constant 1 : i32
    %dma_wait3A_80 = arith.constant 0 : i32
    %dma_wait3A_81 = arith.constant 0 : i32
    %dma_wait3A_82 = tpu.memref_slice %arg6[%dma_wait3A_79, %dma_wait3A_80, %dma_wait3A_81] : memref<2x128x128xf32, #tpu.memory_space<vmem>> -> memref<1x128x128xf32, #tpu.memory_space<vmem>>
    %dma_wait3A_83 = tpu.memref_squeeze %dma_wait3A_82 : memref<1x128x128xf32, #tpu.memory_space<vmem>> -> memref<128x128xf32, #tpu.memory_space<vmem>>
    %dma_wait3A_84 = arith.constant 0 : i32
    %dma_wait3A_85 = tpu.memref_slice %arg4[%multiple_of3A_78, %dma_wait3A_84] : memref<250016x128xf32, #tpu.memory_space<hbm>> -> memref<128x128xf32, #tpu.memory_space<hbm>>
    %dma_wait3A_86 = arith.constant 0 : i32
    %dma_wait3A_87 = tpu.memref_slice %arg4[%multiple_of3A_78, %dma_wait3A_86] : memref<250016x128xf32, #tpu.memory_space<hbm>> -> memref<128x128xf32, #tpu.memory_space<hbm>>
    %dma_wait3A_88 = arith.constant 0 : i32
    %dma_wait3A_89 = arith.constant 0 : i32
    %dma_wait3A_90 = tpu.memref_slice %arg6[%dma_wait3A_79, %dma_wait3A_88, %dma_wait3A_89] : memref<2x128x128xf32, #tpu.memory_space<vmem>> -> memref<1x128x128xf32, #tpu.memory_space<vmem>>
    %dma_wait3A_91 = tpu.memref_squeeze %dma_wait3A_90 : memref<1x128x128xf32, #tpu.memory_space<vmem>> -> memref<128x128xf32, #tpu.memory_space<vmem>>
    tpu.wait_dma2 semaphore(%arg10 : memref<!tpu.dma_semaphore, #tpu.memory_space<semaphore_mem>>) src(%dma_wait3A_91 : memref<128x128xf32, #tpu.memory_space<vmem>>) dst(%dma_wait3A_87 : memref<128x128xf32, #tpu.memory_space<hbm>>)
    %mul3A_92 = arith.constant 128 : i32
    %mul3A_93 = arith.muli %add3A_20, %mul3A_92 : i32
    %multiple_of3A_94 = tpu.assume_multiple %mul3A_93, 32 : i32
    %dma_wait3A_95 = arith.constant 0 : i32
    %dma_wait3A_96 = arith.constant 0 : i32
    %dma_wait3A_97 = arith.constant 0 : i32
    %dma_wait3A_98 = tpu.memref_slice %arg6[%dma_wait3A_95, %dma_wait3A_96, %dma_wait3A_97] : memref<2x128x128xf32, #tpu.memory_space<vmem>> -> memref<1x128x128xf32, #tpu.memory_space<vmem>>
    %dma_wait3A_99 = tpu.memref_squeeze %dma_wait3A_98 : memref<1x128x128xf32, #tpu.memory_space<vmem>> -> memref<128x128xf32, #tpu.memory_space<vmem>>
    %dma_wait3A_100 = arith.constant 0 : i32
    %dma_wait3A_101 = tpu.memref_slice %arg4[%multiple_of3A_94, %dma_wait3A_100] : memref<250016x128xf32, #tpu.memory_space<hbm>> -> memref<128x128xf32, #tpu.memory_space<hbm>>
    %dma_wait3A_102 = arith.constant 0 : i32
    %dma_wait3A_103 = tpu.memref_slice %arg4[%multiple_of3A_94, %dma_wait3A_102] : memref<250016x128xf32, #tpu.memory_space<hbm>> -> memref<128x128xf32, #tpu.memory_space<hbm>>
    %dma_wait3A_104 = arith.constant 0 : i32
    %dma_wait3A_105 = arith.constant 0 : i32
    %dma_wait3A_106 = tpu.memref_slice %arg6[%dma_wait3A_95, %dma_wait3A_104, %dma_wait3A_105] : memref<2x128x128xf32, #tpu.memory_space<vmem>> -> memref<1x128x128xf32, #tpu.memory_space<vmem>>
    %dma_wait3A_107 = tpu.memref_squeeze %dma_wait3A_106 : memref<1x128x128xf32, #tpu.memory_space<vmem>> -> memref<128x128xf32, #tpu.memory_space<vmem>>
    tpu.wait_dma2 semaphore(%arg10 : memref<!tpu.dma_semaphore, #tpu.memory_space<semaphore_mem>>) src(%dma_wait3A_107 : memref<128x128xf32, #tpu.memory_space<vmem>>) dst(%dma_wait3A_103 : memref<128x128xf32, #tpu.memory_space<hbm>>)
    %lt3A = arith.constant 4 : i32
    %lt3A_108 = arith.cmpi slt, %add3A, %lt3A : i32
    %convert_element_type3A = arith.extui %lt3A_108 : i1 to i32
    %cond3A = arith.constant 0 : i32
    %cond3A_109 = arith.cmpi ne, %convert_element_type3A, %cond3A : i32
    scf.if %cond3A_109 {
      %add3A_114 = arith.constant 7808 : i32
      %add3A_115 = arith.addi %add3A_114, %add3A : i32
      %mul3A_116 = arith.constant 128 : i32
      %mul3A_117 = arith.muli %add3A_115, %mul3A_116 : i32
      %multiple_of3A_118 = tpu.assume_multiple %mul3A_117, 128 : i32
      "tpu.region"() ({
        %run_scoped3A_126 = tpu.sem_alloc : memref<!tpu.dma_semaphore, #tpu.memory_space<semaphore_mem>>
        %dma_start3A_127 = arith.constant 0 : i32
        %dma_start3A_128 = arith.constant 0 : i32
        %dma_start3A_129 = tpu.memref_slice %arg7[%dma_start3A_127, %dma_start3A_128] : memref<32x128xf32, #tpu.memory_space<vmem>> -> memref<8x128xf32, #tpu.memory_space<vmem>>
        %dma_start3A_130 = arith.constant 0 : i32
        %dma_start3A_131 = tpu.memref_slice %arg2[%dma_start3A_130, %multiple_of3A_118] : memref<32x1000001xf32, #tpu.memory_space<hbm>> -> memref<8x128xf32, #tpu.memory_space<hbm>>
        %dma_start3A_132 = arith.constant 0 : i32
        %dma_start3A_133 = arith.constant 0 : i32
        %dma_start3A_134 = tpu.memref_slice %arg7[%dma_start3A_132, %dma_start3A_133] : memref<32x128xf32, #tpu.memory_space<vmem>> -> memref<8x128xf32, #tpu.memory_space<vmem>>
        %dma_start3A_135 = arith.constant 0 : i32
        %dma_start3A_136 = tpu.memref_slice %arg2[%dma_start3A_135, %multiple_of3A_118] : memref<32x1000001xf32, #tpu.memory_space<hbm>> -> memref<8x128xf32, #tpu.memory_space<hbm>>
        tpu.enqueue_dma source(%dma_start3A_136 : memref<8x128xf32, #tpu.memory_space<hbm>>) target(%dma_start3A_134 : memref<8x128xf32, #tpu.memory_space<vmem>>) target_semaphore(%run_scoped3A_126 : memref<!tpu.dma_semaphore, #tpu.memory_space<semaphore_mem>>)
        %dma_wait3A_137 = arith.constant 0 : i32
        %dma_wait3A_138 = arith.constant 0 : i32
        %dma_wait3A_139 = tpu.memref_slice %arg7[%dma_wait3A_137, %dma_wait3A_138] : memref<32x128xf32, #tpu.memory_space<vmem>> -> memref<8x128xf32, #tpu.memory_space<vmem>>
        %dma_wait3A_140 = arith.constant 0 : i32
        %dma_wait3A_141 = tpu.memref_slice %arg2[%dma_wait3A_140, %multiple_of3A_118] : memref<32x1000001xf32, #tpu.memory_space<hbm>> -> memref<8x128xf32, #tpu.memory_space<hbm>>
        %dma_wait3A_142 = arith.constant 0 : i32
        %dma_wait3A_143 = arith.constant 0 : i32
        %dma_wait3A_144 = tpu.memref_slice %arg7[%dma_wait3A_142, %dma_wait3A_143] : memref<32x128xf32, #tpu.memory_space<vmem>> -> memref<8x128xf32, #tpu.memory_space<vmem>>
        %dma_wait3A_145 = arith.constant 0 : i32
        %dma_wait3A_146 = tpu.memref_slice %arg2[%dma_wait3A_145, %multiple_of3A_118] : memref<32x1000001xf32, #tpu.memory_space<hbm>> -> memref<8x128xf32, #tpu.memory_space<hbm>>
        tpu.wait_dma2 semaphore(%run_scoped3A_126 : memref<!tpu.dma_semaphore, #tpu.memory_space<semaphore_mem>>) src(%dma_wait3A_146 : memref<8x128xf32, #tpu.memory_space<hbm>>) dst(%dma_wait3A_144 : memref<8x128xf32, #tpu.memory_space<vmem>>)
        tpu.yield
      }) : () -> ()
      "tpu.region"() ({
        %run_scoped3A_126 = tpu.sem_alloc : memref<!tpu.dma_semaphore, #tpu.memory_space<semaphore_mem>>
        %dma_start3A_127 = arith.constant 8 : i32
        %dma_start3A_128 = arith.constant 0 : i32
        %dma_start3A_129 = tpu.memref_slice %arg7[%dma_start3A_127, %dma_start3A_128] : memref<32x128xf32, #tpu.memory_space<vmem>> -> memref<8x128xf32, #tpu.memory_space<vmem>>
        %dma_start3A_130 = arith.constant 8 : i32
        %dma_start3A_131 = tpu.memref_slice %arg2[%dma_start3A_130, %multiple_of3A_118] : memref<32x1000001xf32, #tpu.memory_space<hbm>> -> memref<8x128xf32, #tpu.memory_space<hbm>>
        %dma_start3A_132 = arith.constant 8 : i32
        %dma_start3A_133 = arith.constant 0 : i32
        %dma_start3A_134 = tpu.memref_slice %arg7[%dma_start3A_132, %dma_start3A_133] : memref<32x128xf32, #tpu.memory_space<vmem>> -> memref<8x128xf32, #tpu.memory_space<vmem>>
        %dma_start3A_135 = arith.constant 8 : i32
        %dma_start3A_136 = tpu.memref_slice %arg2[%dma_start3A_135, %multiple_of3A_118] : memref<32x1000001xf32, #tpu.memory_space<hbm>> -> memref<8x128xf32, #tpu.memory_space<hbm>>
        tpu.enqueue_dma source(%dma_start3A_136 : memref<8x128xf32, #tpu.memory_space<hbm>>) target(%dma_start3A_134 : memref<8x128xf32, #tpu.memory_space<vmem>>) target_semaphore(%run_scoped3A_126 : memref<!tpu.dma_semaphore, #tpu.memory_space<semaphore_mem>>)
        %dma_wait3A_137 = arith.constant 8 : i32
        %dma_wait3A_138 = arith.constant 0 : i32
        %dma_wait3A_139 = tpu.memref_slice %arg7[%dma_wait3A_137, %dma_wait3A_138] : memref<32x128xf32, #tpu.memory_space<vmem>> -> memref<8x128xf32, #tpu.memory_space<vmem>>
        %dma_wait3A_140 = arith.constant 8 : i32
        %dma_wait3A_141 = tpu.memref_slice %arg2[%dma_wait3A_140, %multiple_of3A_118] : memref<32x1000001xf32, #tpu.memory_space<hbm>> -> memref<8x128xf32, #tpu.memory_space<hbm>>
        %dma_wait3A_142 = arith.constant 8 : i32
        %dma_wait3A_143 = arith.constant 0 : i32
        %dma_wait3A_144 = tpu.memref_slice %arg7[%dma_wait3A_142, %dma_wait3A_143] : memref<32x128xf32, #tpu.memory_space<vmem>> -> memref<8x128xf32, #tpu.memory_space<vmem>>
        %dma_wait3A_145 = arith.constant 8 : i32
        %dma_wait3A_146 = tpu.memref_slice %arg2[%dma_wait3A_145, %multiple_of3A_118] : memref<32x1000001xf32, #tpu.memory_space<hbm>> -> memref<8x128xf32, #tpu.memory_space<hbm>>
        tpu.wait_dma2 semaphore(%run_scoped3A_126 : memref<!tpu.dma_semaphore, #tpu.memory_space<semaphore_mem>>) src(%dma_wait3A_146 : memref<8x128xf32, #tpu.memory_space<hbm>>) dst(%dma_wait3A_144 : memref<8x128xf32, #tpu.memory_space<vmem>>)
        tpu.yield
      }) : () -> ()
      "tpu.region"() ({
        %run_scoped3A_126 = tpu.sem_alloc : memref<!tpu.dma_semaphore, #tpu.memory_space<semaphore_mem>>
        %dma_start3A_127 = arith.constant 16 : i32
        %dma_start3A_128 = arith.constant 0 : i32
        %dma_start3A_129 = tpu.memref_slice %arg7[%dma_start3A_127, %dma_start3A_128] : memref<32x128xf32, #tpu.memory_space<vmem>> -> memref<8x128xf32, #tpu.memory_space<vmem>>
        %dma_start3A_130 = arith.constant 16 : i32
        %dma_start3A_131 = tpu.memref_slice %arg2[%dma_start3A_130, %multiple_of3A_118] : memref<32x1000001xf32, #tpu.memory_space<hbm>> -> memref<8x128xf32, #tpu.memory_space<hbm>>
        %dma_start3A_132 = arith.constant 16 : i32
        %dma_start3A_133 = arith.constant 0 : i32
        %dma_start3A_134 = tpu.memref_slice %arg7[%dma_start3A_132, %dma_start3A_133] : memref<32x128xf32, #tpu.memory_space<vmem>> -> memref<8x128xf32, #tpu.memory_space<vmem>>
        %dma_start3A_135 = arith.constant 16 : i32
        %dma_start3A_136 = tpu.memref_slice %arg2[%dma_start3A_135, %multiple_of3A_118] : memref<32x1000001xf32, #tpu.memory_space<hbm>> -> memref<8x128xf32, #tpu.memory_space<hbm>>
        tpu.enqueue_dma source(%dma_start3A_136 : memref<8x128xf32, #tpu.memory_space<hbm>>) target(%dma_start3A_134 : memref<8x128xf32, #tpu.memory_space<vmem>>) target_semaphore(%run_scoped3A_126 : memref<!tpu.dma_semaphore, #tpu.memory_space<semaphore_mem>>)
        %dma_wait3A_137 = arith.constant 16 : i32
        %dma_wait3A_138 = arith.constant 0 : i32
        %dma_wait3A_139 = tpu.memref_slice %arg7[%dma_wait3A_137, %dma_wait3A_138] : memref<32x128xf32, #tpu.memory_space<vmem>> -> memref<8x128xf32, #tpu.memory_space<vmem>>
        %dma_wait3A_140 = arith.constant 16 : i32
        %dma_wait3A_141 = tpu.memref_slice %arg2[%dma_wait3A_140, %multiple_of3A_118] : memref<32x1000001xf32, #tpu.memory_space<hbm>> -> memref<8x128xf32, #tpu.memory_space<hbm>>
        %dma_wait3A_142 = arith.constant 16 : i32
        %dma_wait3A_143 = arith.constant 0 : i32
        %dma_wait3A_144 = tpu.memref_slice %arg7[%dma_wait3A_142, %dma_wait3A_143] : memref<32x128xf32, #tpu.memory_space<vmem>> -> memref<8x128xf32, #tpu.memory_space<vmem>>
        %dma_wait3A_145 = arith.constant 16 : i32
        %dma_wait3A_146 = tpu.memref_slice %arg2[%dma_wait3A_145, %multiple_of3A_118] : memref<32x1000001xf32, #tpu.memory_space<hbm>> -> memref<8x128xf32, #tpu.memory_space<hbm>>
        tpu.wait_dma2 semaphore(%run_scoped3A_126 : memref<!tpu.dma_semaphore, #tpu.memory_space<semaphore_mem>>) src(%dma_wait3A_146 : memref<8x128xf32, #tpu.memory_space<hbm>>) dst(%dma_wait3A_144 : memref<8x128xf32, #tpu.memory_space<vmem>>)
        tpu.yield
      }) : () -> ()
      "tpu.region"() ({
        %run_scoped3A_126 = tpu.sem_alloc : memref<!tpu.dma_semaphore, #tpu.memory_space<semaphore_mem>>
        %dma_start3A_127 = arith.constant 24 : i32
        %dma_start3A_128 = arith.constant 0 : i32
        %dma_start3A_129 = tpu.memref_slice %arg7[%dma_start3A_127, %dma_start3A_128] : memref<32x128xf32, #tpu.memory_space<vmem>> -> memref<8x128xf32, #tpu.memory_space<vmem>>
        %dma_start3A_130 = arith.constant 24 : i32
        %dma_start3A_131 = tpu.memref_slice %arg2[%dma_start3A_130, %multiple_of3A_118] : memref<32x1000001xf32, #tpu.memory_space<hbm>> -> memref<8x128xf32, #tpu.memory_space<hbm>>
        %dma_start3A_132 = arith.constant 24 : i32
        %dma_start3A_133 = arith.constant 0 : i32
        %dma_start3A_134 = tpu.memref_slice %arg7[%dma_start3A_132, %dma_start3A_133] : memref<32x128xf32, #tpu.memory_space<vmem>> -> memref<8x128xf32, #tpu.memory_space<vmem>>
        %dma_start3A_135 = arith.constant 24 : i32
        %dma_start3A_136 = tpu.memref_slice %arg2[%dma_start3A_135, %multiple_of3A_118] : memref<32x1000001xf32, #tpu.memory_space<hbm>> -> memref<8x128xf32, #tpu.memory_space<hbm>>
        tpu.enqueue_dma source(%dma_start3A_136 : memref<8x128xf32, #tpu.memory_space<hbm>>) target(%dma_start3A_134 : memref<8x128xf32, #tpu.memory_space<vmem>>) target_semaphore(%run_scoped3A_126 : memref<!tpu.dma_semaphore, #tpu.memory_space<semaphore_mem>>)
        %dma_wait3A_137 = arith.constant 24 : i32
        %dma_wait3A_138 = arith.constant 0 : i32
        %dma_wait3A_139 = tpu.memref_slice %arg7[%dma_wait3A_137, %dma_wait3A_138] : memref<32x128xf32, #tpu.memory_space<vmem>> -> memref<8x128xf32, #tpu.memory_space<vmem>>
        %dma_wait3A_140 = arith.constant 24 : i32
        %dma_wait3A_141 = tpu.memref_slice %arg2[%dma_wait3A_140, %multiple_of3A_118] : memref<32x1000001xf32, #tpu.memory_space<hbm>> -> memref<8x128xf32, #tpu.memory_space<hbm>>
        %dma_wait3A_142 = arith.constant 24 : i32
        %dma_wait3A_143 = arith.constant 0 : i32
        %dma_wait3A_144 = tpu.memref_slice %arg7[%dma_wait3A_142, %dma_wait3A_143] : memref<32x128xf32, #tpu.memory_space<vmem>> -> memref<8x128xf32, #tpu.memory_space<vmem>>
        %dma_wait3A_145 = arith.constant 24 : i32
        %dma_wait3A_146 = tpu.memref_slice %arg2[%dma_wait3A_145, %multiple_of3A_118] : memref<32x1000001xf32, #tpu.memory_space<hbm>> -> memref<8x128xf32, #tpu.memory_space<hbm>>
        tpu.wait_dma2 semaphore(%run_scoped3A_126 : memref<!tpu.dma_semaphore, #tpu.memory_space<semaphore_mem>>) src(%dma_wait3A_146 : memref<8x128xf32, #tpu.memory_space<hbm>>) dst(%dma_wait3A_144 : memref<8x128xf32, #tpu.memory_space<vmem>>)
        tpu.yield
      }) : () -> ()
      %parallel_loop3A_119 = arith.constant 0 : i32
      %parallel_loop3A_120 = arith.constant 128 : i32
      %parallel_loop3A_121 = arith.constant 1 : i32
      %parallel_loop3A_122 = arith.constant 0 : i32
      scf.for %parallel_loop3A_126 = %parallel_loop3A_119 to %parallel_loop3A_120 step %parallel_loop3A_121  : i32 {
        %parallel_loop3A_127 = vector.broadcast %parallel_loop3A_126 : i32 to vector<16xi32>
        %parallel_loop3A_128 = arith.addi %iota3A, %parallel_loop3A_127 : vector<16xi32>
        %parallel_loop3A_129 = arith.constant 127 : i32
        %parallel_loop3A_130 = vector.broadcast %parallel_loop3A_129 : i32 to vector<16xi32>
        %parallel_loop3A_131 = arith.andi %parallel_loop3A_128, %parallel_loop3A_130 : vector<16xi32>
        %parallel_loop3A_132 = arith.constant 2 : i32
        %parallel_loop3A_133 = vector.broadcast %parallel_loop3A_132 : i32 to vector<16xi32>
        %parallel_loop3A_134 = arith.shrui %parallel_loop3A_131, %parallel_loop3A_133 : vector<16xi32>
        %parallel_loop3A_135 = arith.constant 3 : i32
        %parallel_loop3A_136 = vector.broadcast %parallel_loop3A_135 : i32 to vector<16xi32>
        %parallel_loop3A_137 = arith.andi %parallel_loop3A_131, %parallel_loop3A_136 : vector<16xi32>
        %parallel_loop3A_138 = arith.constant 5 : i32
        %parallel_loop3A_139 = vector.broadcast %parallel_loop3A_138 : i32 to vector<16xi32>
        %parallel_loop3A_140 = arith.shli %parallel_loop3A_137, %parallel_loop3A_139 : vector<16xi32>
        %parallel_loop3A_141 = arith.constant 0 : i32
        %parallel_loop3A_142 = vector.broadcast %parallel_loop3A_141 : i32 to vector<16xi32>
        %parallel_loop3A_143 = arith.addi %iota3A, %parallel_loop3A_142 : vector<16xi32>
        %parallel_loop3A_144 = tpu.vector_load_idx %arg7[%parallel_loop3A_143, %parallel_loop3A_131] : memref<32x128xf32, #tpu.memory_space<vmem>>[vector<16xi32>, vector<16xi32>], vector<16xf32>,
        %parallel_loop3A_145 = arith.addi %parallel_loop3A_140, %iota3A : vector<16xi32>
        %parallel_loop3A_146 = arith.constant 0 : i32
        %parallel_loop3A_147 = vector.broadcast %parallel_loop3A_146 : i32 to vector<16xi32>
        %parallel_loop3A_148 = arith.addi %parallel_loop3A_145, %parallel_loop3A_147 : vector<16xi32>
        %parallel_loop3A_149 = arith.constant 0 : i32
        %parallel_loop3A_150 = arith.constant 0 : i32
        %parallel_loop3A_151 = tpu.memref_slice %arg6[%parallel_loop3A_122, %parallel_loop3A_149, %parallel_loop3A_150] : memref<2x128x128xf32, #tpu.memory_space<vmem>> -> memref<1x128x128xf32, #tpu.memory_space<vmem>>
        %parallel_loop3A_152 = tpu.memref_squeeze %parallel_loop3A_151 : memref<1x128x128xf32, #tpu.memory_space<vmem>> -> memref<128x128xf32, #tpu.memory_space<vmem>>
        tpu.vector_store_idx %parallel_loop3A_152[%parallel_loop3A_134, %parallel_loop3A_148], %parallel_loop3A_144 : memref<128x128xf32, #tpu.memory_space<vmem>>[vector<16xi32>, vector<16xi32>], vector<16xf32>,
        %parallel_loop3A_153 = arith.constant 16 : i32
        %parallel_loop3A_154 = vector.broadcast %parallel_loop3A_153 : i32 to vector<16xi32>
        %parallel_loop3A_155 = arith.addi %iota3A, %parallel_loop3A_154 : vector<16xi32>
        %parallel_loop3A_156 = tpu.vector_load_idx %arg7[%parallel_loop3A_155, %parallel_loop3A_131] : memref<32x128xf32, #tpu.memory_space<vmem>>[vector<16xi32>, vector<16xi32>], vector<16xf32>,
        %parallel_loop3A_157 = arith.addi %parallel_loop3A_140, %iota3A : vector<16xi32>
        %parallel_loop3A_158 = arith.constant 16 : i32
        %parallel_loop3A_159 = vector.broadcast %parallel_loop3A_158 : i32 to vector<16xi32>
        %parallel_loop3A_160 = arith.addi %parallel_loop3A_157, %parallel_loop3A_159 : vector<16xi32>
        %parallel_loop3A_161 = arith.constant 0 : i32
        %parallel_loop3A_162 = arith.constant 0 : i32
        %parallel_loop3A_163 = tpu.memref_slice %arg6[%parallel_loop3A_122, %parallel_loop3A_161, %parallel_loop3A_162] : memref<2x128x128xf32, #tpu.memory_space<vmem>> -> memref<1x128x128xf32, #tpu.memory_space<vmem>>
        %parallel_loop3A_164 = tpu.memref_squeeze %parallel_loop3A_163 : memref<1x128x128xf32, #tpu.memory_space<vmem>> -> memref<128x128xf32, #tpu.memory_space<vmem>>
        tpu.vector_store_idx %parallel_loop3A_164[%parallel_loop3A_134, %parallel_loop3A_160], %parallel_loop3A_156 : memref<128x128xf32, #tpu.memory_space<vmem>>[vector<16xi32>, vector<16xi32>], vector<16xf32>,
      } {sc.loop_unroll_factor = 8 : i64, sc.parallel_access}
      %mul3A_123 = arith.constant 32 : i32
      %mul3A_124 = arith.muli %add3A_115, %mul3A_123 : i32
      %multiple_of3A_125 = tpu.assume_multiple %mul3A_124, 32 : i32
      %run_scoped3A = arith.constant 0 : i32
      "tpu.region"() ({
        %run_scoped3A_126 = tpu.sem_alloc : memref<!tpu.dma_semaphore, #tpu.memory_space<semaphore_mem>>
        %dma_start3A_127 = arith.constant 0 : i32
        %dma_start3A_128 = arith.constant 0 : i32
        %dma_start3A_129 = tpu.memref_slice %arg6[%run_scoped3A, %dma_start3A_127, %dma_start3A_128] : memref<2x128x128xf32, #tpu.memory_space<vmem>> -> memref<1x32x128xf32, #tpu.memory_space<vmem>>
        %dma_start3A_130 = tpu.memref_squeeze %dma_start3A_129 : memref<1x32x128xf32, #tpu.memory_space<vmem>> -> memref<32x128xf32, #tpu.memory_space<vmem>>
        %dma_start3A_131 = arith.constant 0 : i32
        %dma_start3A_132 = tpu.memref_slice %arg4[%multiple_of3A_125, %dma_start3A_131] : memref<250016x128xf32, #tpu.memory_space<hbm>> -> memref<32x128xf32, #tpu.memory_space<hbm>>
        %dma_start3A_133 = arith.constant 0 : i32
        %dma_start3A_134 = tpu.memref_slice %arg4[%multiple_of3A_125, %dma_start3A_133] : memref<250016x128xf32, #tpu.memory_space<hbm>> -> memref<32x128xf32, #tpu.memory_space<hbm>>
        %dma_start3A_135 = arith.constant 0 : i32
        %dma_start3A_136 = arith.constant 0 : i32
        %dma_start3A_137 = tpu.memref_slice %arg6[%run_scoped3A, %dma_start3A_135, %dma_start3A_136] : memref<2x128x128xf32, #tpu.memory_space<vmem>> -> memref<1x32x128xf32, #tpu.memory_space<vmem>>
        %dma_start3A_138 = tpu.memref_squeeze %dma_start3A_137 : memref<1x32x128xf32, #tpu.memory_space<vmem>> -> memref<32x128xf32, #tpu.memory_space<vmem>>
        tpu.enqueue_dma source(%dma_start3A_138 : memref<32x128xf32, #tpu.memory_space<vmem>>) target(%dma_start3A_134 : memref<32x128xf32, #tpu.memory_space<hbm>>) target_semaphore(%run_scoped3A_126 : memref<!tpu.dma_semaphore, #tpu.memory_space<semaphore_mem>>)
        %dma_wait3A_139 = arith.constant 0 : i32
        %dma_wait3A_140 = arith.constant 0 : i32
        %dma_wait3A_141 = tpu.memref_slice %arg6[%run_scoped3A, %dma_wait3A_139, %dma_wait3A_140] : memref<2x128x128xf32, #tpu.memory_space<vmem>> -> memref<1x32x128xf32, #tpu.memory_space<vmem>>
        %dma_wait3A_142 = tpu.memref_squeeze %dma_wait3A_141 : memref<1x32x128xf32, #tpu.memory_space<vmem>> -> memref<32x128xf32, #tpu.memory_space<vmem>>
        %dma_wait3A_143 = arith.constant 0 : i32
        %dma_wait3A_144 = tpu.memref_slice %arg4[%multiple_of3A_125, %dma_wait3A_143] : memref<250016x128xf32, #tpu.memory_space<hbm>> -> memref<32x128xf32, #tpu.memory_space<hbm>>
        %dma_wait3A_145 = arith.constant 0 : i32
        %dma_wait3A_146 = tpu.memref_slice %arg4[%multiple_of3A_125, %dma_wait3A_145] : memref<250016x128xf32, #tpu.memory_space<hbm>> -> memref<32x128xf32, #tpu.memory_space<hbm>>
        %dma_wait3A_147 = arith.constant 0 : i32
        %dma_wait3A_148 = arith.constant 0 : i32
        %dma_wait3A_149 = tpu.memref_slice %arg6[%run_scoped3A, %dma_wait3A_147, %dma_wait3A_148] : memref<2x128x128xf32, #tpu.memory_space<vmem>> -> memref<1x32x128xf32, #tpu.memory_space<vmem>>
        %dma_wait3A_150 = tpu.memref_squeeze %dma_wait3A_149 : memref<1x32x128xf32, #tpu.memory_space<vmem>> -> memref<32x128xf32, #tpu.memory_space<vmem>>
        tpu.wait_dma2 semaphore(%run_scoped3A_126 : memref<!tpu.dma_semaphore, #tpu.memory_space<semaphore_mem>>) src(%dma_wait3A_150 : memref<32x128xf32, #tpu.memory_space<vmem>>) dst(%dma_wait3A_146 : memref<32x128xf32, #tpu.memory_space<hbm>>)
        tpu.yield
      }) : () -> ()
    } else {
    }
    %eq3A = arith.constant 4 : i32
    %eq3A_110 = arith.cmpi eq, %add3A, %eq3A : i32
    %convert_element_type3A_111 = arith.extui %eq3A_110 : i1 to i32
    %cond3A_112 = arith.constant 0 : i32
    %cond3A_113 = arith.cmpi ne, %convert_element_type3A_111, %cond3A_112 : i32
    scf.if %cond3A_113 {
      "tpu.region"() ({
        %run_scoped3A = tpu.sem_alloc : memref<!tpu.dma_semaphore, #tpu.memory_space<semaphore_mem>>
        tpu.enqueue_dma source(%arg3 : memref<24x128xf32, #tpu.memory_space<hbm>>) target(%arg8 : memref<24x128xf32, #tpu.memory_space<vmem>>) target_semaphore(%run_scoped3A : memref<!tpu.dma_semaphore, #tpu.memory_space<semaphore_mem>>)
        tpu.wait_dma2 semaphore(%run_scoped3A : memref<!tpu.dma_semaphore, #tpu.memory_space<semaphore_mem>>) src(%arg3 : memref<24x128xf32, #tpu.memory_space<hbm>>) dst(%arg8 : memref<24x128xf32, #tpu.memory_space<vmem>>)
        tpu.yield
      }) : () -> ()
      "tpu.region"() ({
        %run_scoped3A = tpu.sem_alloc : memref<!tpu.dma_semaphore, #tpu.memory_space<semaphore_mem>>
        %dma_start3A_114 = arith.constant 249984 : i32
        %dma_start3A_115 = arith.constant 0 : i32
        %dma_start3A_116 = tpu.memref_slice %arg4[%dma_start3A_114, %dma_start3A_115] : memref<250016x128xf32, #tpu.memory_space<hbm>> -> memref<24x128xf32, #tpu.memory_space<hbm>>
        %dma_start3A_117 = arith.constant 249984 : i32
        %dma_start3A_118 = arith.constant 0 : i32
        %dma_start3A_119 = tpu.memref_slice %arg4[%dma_start3A_117, %dma_start3A_118] : memref<250016x128xf32, #tpu.memory_space<hbm>> -> memref<24x128xf32, #tpu.memory_space<hbm>>
        tpu.enqueue_dma source(%arg8 : memref<24x128xf32, #tpu.memory_space<vmem>>) target(%dma_start3A_119 : memref<24x128xf32, #tpu.memory_space<hbm>>) target_semaphore(%run_scoped3A : memref<!tpu.dma_semaphore, #tpu.memory_space<semaphore_mem>>)
        %dma_wait3A_120 = arith.constant 249984 : i32
        %dma_wait3A_121 = arith.constant 0 : i32
        %dma_wait3A_122 = tpu.memref_slice %arg4[%dma_wait3A_120, %dma_wait3A_121] : memref<250016x128xf32, #tpu.memory_space<hbm>> -> memref<24x128xf32, #tpu.memory_space<hbm>>
        %dma_wait3A_123 = arith.constant 249984 : i32
        %dma_wait3A_124 = arith.constant 0 : i32
        %dma_wait3A_125 = tpu.memref_slice %arg4[%dma_wait3A_123, %dma_wait3A_124] : memref<250016x128xf32, #tpu.memory_space<hbm>> -> memref<24x128xf32, #tpu.memory_space<hbm>>
        tpu.wait_dma2 semaphore(%run_scoped3A : memref<!tpu.dma_semaphore, #tpu.memory_space<semaphore_mem>>) src(%arg8 : memref<24x128xf32, #tpu.memory_space<vmem>>) dst(%dma_wait3A_125 : memref<24x128xf32, #tpu.memory_space<hbm>>)
        tpu.yield
      }) : () -> ()
    } else {
    }
    return
  }
}

#map = affine_map<(d0, d1) -> (0)>
#map1 = affine_map<(d0, d1) -> (0, 0)>
module attributes {stable_mosaic.version = 14 : i64} {
  func.func @_fm_body(%arg0: i32, %arg1: i32, %arg2: memref<425984xi32, #tpu.memory_space<hbm>>, %arg3: memref<1000064x32xf32, #tpu.memory_space<hbm>>, %arg4: memref<1000001xf32, #tpu.memory_space<hbm>>, %arg5: memref<1xf32, #tpu.memory_space<hbm>>, %arg6: memref<16384xf32, #tpu.memory_space<hbm>>, %arg7: memref<2x1664xi32, #tpu.memory_space<vmem>>, %arg8: memref<2x1664x32xf32, #tpu.memory_space<vmem>>, %arg9: memref<2x1680xf32, #tpu.memory_space<vmem>>, %arg10: memref<512xf32, #tpu.memory_space<vmem>>, %arg11: memref<16xf32, #tpu.memory_space<vmem>>, %arg12: memref<!tpu.dma_semaphore, #tpu.memory_space<semaphore_mem>>, %arg13: memref<!tpu.dma_semaphore, #tpu.memory_space<semaphore_mem>>) attributes {dimension_semantics = [#tpu.dimension_semantics<core_parallel>, #tpu.dimension_semantics<subcore_parallel>], iteration_bounds = array<i64: 2, 16>, scalar_prefetch = 0 : i64, scratch_operands = 7 : i64, tpu.core_type = #tpu.core_type<sc_vector_subcore>, window_params = [{transform_indices = #map}, {transform_indices = #map1}, {transform_indices = #map}, {transform_indices = #map}, {transform_indices = #map}]} {
    %mul3A = arith.constant 16 : i32
    %mul3A_0 = arith.muli %arg0, %mul3A : i32
    %add3A = arith.addi %mul3A_0, %arg1 : i32
    "tpu.region"() ({
      %run_scoped3A = tpu.sem_alloc : memref<!tpu.dma_semaphore, #tpu.memory_space<semaphore_mem>>
      %dma_start3A_58 = arith.constant 0 : i32
      %dma_start3A_59 = tpu.memref_slice %arg11[%dma_start3A_58] : memref<16xf32, #tpu.memory_space<vmem>> -> memref<1xf32, #tpu.memory_space<vmem>>
      %dma_start3A_60 = arith.constant 0 : i32
      %dma_start3A_61 = tpu.memref_slice %arg11[%dma_start3A_60] : memref<16xf32, #tpu.memory_space<vmem>> -> memref<1xf32, #tpu.memory_space<vmem>>
      tpu.enqueue_dma source(%arg5 : memref<1xf32, #tpu.memory_space<hbm>>) target(%dma_start3A_61 : memref<1xf32, #tpu.memory_space<vmem>>) target_semaphore(%run_scoped3A : memref<!tpu.dma_semaphore, #tpu.memory_space<semaphore_mem>>)
      %dma_wait3A_62 = arith.constant 0 : i32
      %dma_wait3A_63 = tpu.memref_slice %arg11[%dma_wait3A_62] : memref<16xf32, #tpu.memory_space<vmem>> -> memref<1xf32, #tpu.memory_space<vmem>>
      %dma_wait3A_64 = arith.constant 0 : i32
      %dma_wait3A_65 = tpu.memref_slice %arg11[%dma_wait3A_64] : memref<16xf32, #tpu.memory_space<vmem>> -> memref<1xf32, #tpu.memory_space<vmem>>
      tpu.wait_dma2 semaphore(%run_scoped3A : memref<!tpu.dma_semaphore, #tpu.memory_space<semaphore_mem>>) src(%arg5 : memref<1xf32, #tpu.memory_space<hbm>>) dst(%dma_wait3A_65 : memref<1xf32, #tpu.memory_space<vmem>>)
      tpu.yield
    }) : () -> ()
    %get3A = arith.constant 0 : index
    %get3A_1 = tpu.vector_load %arg11[%get3A] {strides = array<i32>} : memref<16xf32, #tpu.memory_space<vmem>>, vector<16xf32>,
    %slice3A = vector.extract_strided_slice %get3A_1 {offsets = [0], sizes = [1], strides = [1]} : vector<16xf32> to vector<1xf32>
    %squeeze3A = vector.extract %slice3A[0] : f32 from vector<1xf32>
    %iota3A = tpu.iota {dimensions = array<i32: 0>} : vector<16xi32>
    %lt3A = arith.constant 10 : i32
    %lt3A_2 = vector.broadcast %lt3A : i32 to vector<16xi32>
    %lt3A_3 = arith.cmpi slt, %iota3A, %lt3A_2 : vector<16xi32>
    %mul3A_4 = arith.constant 8 : i32
    %mul3A_5 = arith.muli %add3A, %mul3A_4 : i32
    %add3A_6 = arith.constant 0 : i32
    %add3A_7 = arith.addi %mul3A_5, %add3A_6 : i32
    %mul3A_8 = arith.constant 1664 : i32
    %mul3A_9 = arith.muli %add3A_7, %mul3A_8 : i32
    %dma_start3A = arith.constant 0 : i32
    %dma_start3A_10 = arith.constant 0 : i32
    %dma_start3A_11 = tpu.memref_slice %arg7[%dma_start3A, %dma_start3A_10] : memref<2x1664xi32, #tpu.memory_space<vmem>> -> memref<1x1664xi32, #tpu.memory_space<vmem>>
    %dma_start3A_12 = tpu.memref_squeeze %dma_start3A_11 : memref<1x1664xi32, #tpu.memory_space<vmem>> -> memref<1664xi32, #tpu.memory_space<vmem>>
    %dma_start3A_13 = tpu.memref_slice %arg2[%mul3A_9] : memref<425984xi32, #tpu.memory_space<hbm>> -> memref<1664xi32, #tpu.memory_space<hbm>>
    %dma_start3A_14 = arith.constant 0 : i32
    %dma_start3A_15 = tpu.memref_slice %arg7[%dma_start3A, %dma_start3A_14] : memref<2x1664xi32, #tpu.memory_space<vmem>> -> memref<1x1664xi32, #tpu.memory_space<vmem>>
    %dma_start3A_16 = tpu.memref_squeeze %dma_start3A_15 : memref<1x1664xi32, #tpu.memory_space<vmem>> -> memref<1664xi32, #tpu.memory_space<vmem>>
    %dma_start3A_17 = tpu.memref_slice %arg2[%mul3A_9] : memref<425984xi32, #tpu.memory_space<hbm>> -> memref<1664xi32, #tpu.memory_space<hbm>>
    tpu.enqueue_dma source(%dma_start3A_17 : memref<1664xi32, #tpu.memory_space<hbm>>) target(%dma_start3A_16 : memref<1664xi32, #tpu.memory_space<vmem>>) target_semaphore(%arg13 : memref<!tpu.dma_semaphore, #tpu.memory_space<semaphore_mem>>)
    %mul3A_18 = arith.constant 8 : i32
    %mul3A_19 = arith.muli %add3A, %mul3A_18 : i32
    %add3A_20 = arith.constant 0 : i32
    %add3A_21 = arith.addi %mul3A_19, %add3A_20 : i32
    %mul3A_22 = arith.constant 1664 : i32
    %mul3A_23 = arith.muli %add3A_21, %mul3A_22 : i32
    %dma_wait3A = arith.constant 0 : i32
    %dma_wait3A_24 = arith.constant 0 : i32
    %dma_wait3A_25 = tpu.memref_slice %arg7[%dma_wait3A, %dma_wait3A_24] : memref<2x1664xi32, #tpu.memory_space<vmem>> -> memref<1x1664xi32, #tpu.memory_space<vmem>>
    %dma_wait3A_26 = tpu.memref_squeeze %dma_wait3A_25 : memref<1x1664xi32, #tpu.memory_space<vmem>> -> memref<1664xi32, #tpu.memory_space<vmem>>
    %dma_wait3A_27 = tpu.memref_slice %arg2[%mul3A_23] : memref<425984xi32, #tpu.memory_space<hbm>> -> memref<1664xi32, #tpu.memory_space<hbm>>
    %dma_wait3A_28 = arith.constant 0 : i32
    %dma_wait3A_29 = tpu.memref_slice %arg7[%dma_wait3A, %dma_wait3A_28] : memref<2x1664xi32, #tpu.memory_space<vmem>> -> memref<1x1664xi32, #tpu.memory_space<vmem>>
    %dma_wait3A_30 = tpu.memref_squeeze %dma_wait3A_29 : memref<1x1664xi32, #tpu.memory_space<vmem>> -> memref<1664xi32, #tpu.memory_space<vmem>>
    %dma_wait3A_31 = tpu.memref_slice %arg2[%mul3A_23] : memref<425984xi32, #tpu.memory_space<hbm>> -> memref<1664xi32, #tpu.memory_space<hbm>>
    tpu.wait_dma2 semaphore(%arg13 : memref<!tpu.dma_semaphore, #tpu.memory_space<semaphore_mem>>) src(%dma_wait3A_31 : memref<1664xi32, #tpu.memory_space<hbm>>) dst(%dma_wait3A_30 : memref<1664xi32, #tpu.memory_space<vmem>>)
    %scan3A = arith.constant 0 : i32
    %scan3A_32 = arith.constant 13 : i32
    %scan3A_33 = arith.addi %scan3A, %scan3A_32 : i32
    %scan3A_34 = arith.constant 1 : i32
    scf.for %scan3A_58 = %scan3A to %scan3A_33 step %scan3A_34  : i32 {
      %mul3A_59 = arith.constant 128 : i32
      %mul3A_60 = arith.muli %scan3A_58, %mul3A_59 : i32
      %mul3A_61 = arith.constant 128 : i32
      %mul3A_62 = arith.muli %scan3A_58, %mul3A_61 : i32
      %dma_start3A_63 = arith.constant 0 : i32
      %dma_start3A_64 = arith.constant 0 : i32
      %dma_start3A_65 = arith.constant 0 : i32
      %dma_start3A_66 = tpu.memref_slice %arg8[%dma_start3A_64, %mul3A_62, %dma_start3A_65] : memref<2x1664x32xf32, #tpu.memory_space<vmem>> -> memref<1x128x32xf32, #tpu.memory_space<vmem>>
      %dma_start3A_67 = tpu.memref_squeeze %dma_start3A_66 : memref<1x128x32xf32, #tpu.memory_space<vmem>> -> memref<128x32xf32, #tpu.memory_space<vmem>>
      %dma_start3A_68 = tpu.memref_slice %arg7[%dma_start3A_63, %mul3A_60] : memref<2x1664xi32, #tpu.memory_space<vmem>> -> memref<1x128xi32, #tpu.memory_space<vmem>>
      %dma_start3A_69 = tpu.memref_squeeze %dma_start3A_68 : memref<1x128xi32, #tpu.memory_space<vmem>> -> memref<128xi32, #tpu.memory_space<vmem>>
      %dma_start3A_70 = arith.constant 0 : i32
      %dma_start3A_71 = arith.constant 0 : i32
      %dma_start3A_72 = tpu.memref_slice %arg3[%dma_start3A_70, %dma_start3A_71] : memref<1000064x32xf32, #tpu.memory_space<hbm>> -> memref<1000064x32xf32, #tpu.memory_space<hbm>>
      tpu.enqueue_indirect_dma source(%dma_start3A_72 : memref<1000064x32xf32, #tpu.memory_space<hbm>>) target(%dma_start3A_67 : memref<128x32xf32, #tpu.memory_space<vmem>>) offsets(%dma_start3A_69 : memref<128xi32, #tpu.memory_space<vmem>>) semaphore(%arg12 : memref<!tpu.dma_semaphore, #tpu.memory_space<semaphore_mem>>)
      %mul3A_73 = arith.constant 128 : i32
      %mul3A_74 = arith.muli %scan3A_58, %mul3A_73 : i32
      %mul3A_75 = arith.constant 128 : i32
      %mul3A_76 = arith.muli %scan3A_58, %mul3A_75 : i32
      %dma_start3A_77 = arith.constant 0 : i32
      %dma_start3A_78 = arith.constant 0 : i32
      %dma_start3A_79 = tpu.memref_slice %arg9[%dma_start3A_78, %mul3A_76] : memref<2x1680xf32, #tpu.memory_space<vmem>> -> memref<1x128xf32, #tpu.memory_space<vmem>>
      %dma_start3A_80 = tpu.memref_squeeze %dma_start3A_79 : memref<1x128xf32, #tpu.memory_space<vmem>> -> memref<128xf32, #tpu.memory_space<vmem>>
      %dma_start3A_81 = tpu.memref_slice %arg7[%dma_start3A_77, %mul3A_74] : memref<2x1664xi32, #tpu.memory_space<vmem>> -> memref<1x128xi32, #tpu.memory_space<vmem>>
      %dma_start3A_82 = tpu.memref_squeeze %dma_start3A_81 : memref<1x128xi32, #tpu.memory_space<vmem>> -> memref<128xi32, #tpu.memory_space<vmem>>
      %dma_start3A_83 = arith.constant 0 : i32
      %dma_start3A_84 = tpu.memref_slice %arg4[%dma_start3A_83] : memref<1000001xf32, #tpu.memory_space<hbm>> -> memref<1000001xf32, #tpu.memory_space<hbm>>
      tpu.enqueue_indirect_dma source(%dma_start3A_84 : memref<1000001xf32, #tpu.memory_space<hbm>>) target(%dma_start3A_80 : memref<128xf32, #tpu.memory_space<vmem>>) offsets(%dma_start3A_82 : memref<128xi32, #tpu.memory_space<vmem>>) semaphore(%arg12 : memref<!tpu.dma_semaphore, #tpu.memory_space<semaphore_mem>>)
    }
    %scan3A_35 = arith.constant 13 : i32
    %mul3A_36 = arith.constant 8 : i32
    %mul3A_37 = arith.muli %add3A, %mul3A_36 : i32
    %add3A_38 = arith.constant 1 : i32
    %add3A_39 = arith.addi %mul3A_37, %add3A_38 : i32
    %mul3A_40 = arith.constant 1664 : i32
    %mul3A_41 = arith.muli %add3A_39, %mul3A_40 : i32
    %dma_start3A_42 = arith.constant 1 : i32
    %dma_start3A_43 = arith.constant 0 : i32
    %dma_start3A_44 = tpu.memref_slice %arg7[%dma_start3A_42, %dma_start3A_43] : memref<2x1664xi32, #tpu.memory_space<vmem>> -> memref<1x1664xi32, #tpu.memory_space<vmem>>
    %dma_start3A_45 = tpu.memref_squeeze %dma_start3A_44 : memref<1x1664xi32, #tpu.memory_space<vmem>> -> memref<1664xi32, #tpu.memory_space<vmem>>
    %dma_start3A_46 = tpu.memref_slice %arg2[%mul3A_41] : memref<425984xi32, #tpu.memory_space<hbm>> -> memref<1664xi32, #tpu.memory_space<hbm>>
    %dma_start3A_47 = arith.constant 0 : i32
    %dma_start3A_48 = tpu.memref_slice %arg7[%dma_start3A_42, %dma_start3A_47] : memref<2x1664xi32, #tpu.memory_space<vmem>> -> memref<1x1664xi32, #tpu.memory_space<vmem>>
    %dma_start3A_49 = tpu.memref_squeeze %dma_start3A_48 : memref<1x1664xi32, #tpu.memory_space<vmem>> -> memref<1664xi32, #tpu.memory_space<vmem>>
    %dma_start3A_50 = tpu.memref_slice %arg2[%mul3A_41] : memref<425984xi32, #tpu.memory_space<hbm>> -> memref<1664xi32, #tpu.memory_space<hbm>>
    tpu.enqueue_dma source(%dma_start3A_50 : memref<1664xi32, #tpu.memory_space<hbm>>) target(%dma_start3A_49 : memref<1664xi32, #tpu.memory_space<vmem>>) target_semaphore(%arg13 : memref<!tpu.dma_semaphore, #tpu.memory_space<semaphore_mem>>)
    %scan3A_51 = arith.constant 0 : i32
    %scan3A_52 = arith.constant 4 : i32
    %scan3A_53 = arith.addi %scan3A_51, %scan3A_52 : i32
    %scan3A_54 = arith.constant 1 : i32
    scf.for %scan3A_58 = %scan3A_51 to %scan3A_53 step %scan3A_54  : i32 {
      %mul3A_59 = arith.constant 2 : i32
      %mul3A_60 = arith.muli %scan3A_58, %mul3A_59 : i32
      %add3A_61 = arith.constant 0 : i32
      %add3A_62 = arith.addi %mul3A_60, %add3A_61 : i32
      %add3A_63 = arith.constant 1 : i32
      %add3A_64 = arith.addi %add3A_62, %add3A_63 : i32
      %lt3A_65 = arith.constant 8 : i32
      %lt3A_66 = arith.cmpi slt, %add3A_64, %lt3A_65 : i32
      %convert_element_type3A = arith.extui %lt3A_66 : i1 to i32
      %cond3A = arith.constant 0 : i32
      %cond3A_67 = arith.cmpi ne, %convert_element_type3A, %cond3A : i32
      scf.if %cond3A_67 {
        %add3A_113 = arith.constant 1 : i32
        %add3A_114 = arith.addi %add3A_62, %add3A_113 : i32
        %mul3A_115 = arith.constant 8 : i32
        %mul3A_116 = arith.muli %add3A, %mul3A_115 : i32
        %add3A_117 = arith.addi %mul3A_116, %add3A_114 : i32
        %mul3A_118 = arith.constant 1664 : i32
        %mul3A_119 = arith.muli %add3A_117, %mul3A_118 : i32
        %dma_wait3A_120 = arith.constant 1 : i32
        %dma_wait3A_121 = arith.constant 0 : i32
        %dma_wait3A_122 = tpu.memref_slice %arg7[%dma_wait3A_120, %dma_wait3A_121] : memref<2x1664xi32, #tpu.memory_space<vmem>> -> memref<1x1664xi32, #tpu.memory_space<vmem>>
        %dma_wait3A_123 = tpu.memref_squeeze %dma_wait3A_122 : memref<1x1664xi32, #tpu.memory_space<vmem>> -> memref<1664xi32, #tpu.memory_space<vmem>>
        %dma_wait3A_124 = tpu.memref_slice %arg2[%mul3A_119] : memref<425984xi32, #tpu.memory_space<hbm>> -> memref<1664xi32, #tpu.memory_space<hbm>>
        %dma_wait3A_125 = arith.constant 0 : i32
        %dma_wait3A_126 = tpu.memref_slice %arg7[%dma_wait3A_120, %dma_wait3A_125] : memref<2x1664xi32, #tpu.memory_space<vmem>> -> memref<1x1664xi32, #tpu.memory_space<vmem>>
        %dma_wait3A_127 = tpu.memref_squeeze %dma_wait3A_126 : memref<1x1664xi32, #tpu.memory_space<vmem>> -> memref<1664xi32, #tpu.memory_space<vmem>>
        %dma_wait3A_128 = tpu.memref_slice %arg2[%mul3A_119] : memref<425984xi32, #tpu.memory_space<hbm>> -> memref<1664xi32, #tpu.memory_space<hbm>>
        tpu.wait_dma2 semaphore(%arg13 : memref<!tpu.dma_semaphore, #tpu.memory_space<semaphore_mem>>) src(%dma_wait3A_128 : memref<1664xi32, #tpu.memory_space<hbm>>) dst(%dma_wait3A_127 : memref<1664xi32, #tpu.memory_space<vmem>>)
        %add3A_129 = arith.constant 1 : i32
        %add3A_130 = arith.addi %add3A_62, %add3A_129 : i32
        %scan3A_131 = arith.constant 0 : i32
        %scan3A_132 = arith.constant 13 : i32
        %scan3A_133 = arith.addi %scan3A_131, %scan3A_132 : i32
        %scan3A_134 = arith.constant 1 : i32
        scf.for %scan3A_136 = %scan3A_131 to %scan3A_133 step %scan3A_134  : i32 {
          %mul3A_137 = arith.constant 128 : i32
          %mul3A_138 = arith.muli %scan3A_136, %mul3A_137 : i32
          %mul3A_139 = arith.constant 128 : i32
          %mul3A_140 = arith.muli %scan3A_136, %mul3A_139 : i32
          %dma_start3A_141 = arith.constant 1 : i32
          %dma_start3A_142 = arith.constant 1 : i32
          %dma_start3A_143 = arith.constant 0 : i32
          %dma_start3A_144 = tpu.memref_slice %arg8[%dma_start3A_142, %mul3A_140, %dma_start3A_143] : memref<2x1664x32xf32, #tpu.memory_space<vmem>> -> memref<1x128x32xf32, #tpu.memory_space<vmem>>
          %dma_start3A_145 = tpu.memref_squeeze %dma_start3A_144 : memref<1x128x32xf32, #tpu.memory_space<vmem>> -> memref<128x32xf32, #tpu.memory_space<vmem>>
          %dma_start3A_146 = tpu.memref_slice %arg7[%dma_start3A_141, %mul3A_138] : memref<2x1664xi32, #tpu.memory_space<vmem>> -> memref<1x128xi32, #tpu.memory_space<vmem>>
          %dma_start3A_147 = tpu.memref_squeeze %dma_start3A_146 : memref<1x128xi32, #tpu.memory_space<vmem>> -> memref<128xi32, #tpu.memory_space<vmem>>
          %dma_start3A_148 = arith.constant 0 : i32
          %dma_start3A_149 = arith.constant 0 : i32
          %dma_start3A_150 = tpu.memref_slice %arg3[%dma_start3A_148, %dma_start3A_149] : memref<1000064x32xf32, #tpu.memory_space<hbm>> -> memref<1000064x32xf32, #tpu.memory_space<hbm>>
          tpu.enqueue_indirect_dma source(%dma_start3A_150 : memref<1000064x32xf32, #tpu.memory_space<hbm>>) target(%dma_start3A_145 : memref<128x32xf32, #tpu.memory_space<vmem>>) offsets(%dma_start3A_147 : memref<128xi32, #tpu.memory_space<vmem>>) semaphore(%arg12 : memref<!tpu.dma_semaphore, #tpu.memory_space<semaphore_mem>>)
          %mul3A_151 = arith.constant 128 : i32
          %mul3A_152 = arith.muli %scan3A_136, %mul3A_151 : i32
          %mul3A_153 = arith.constant 128 : i32
          %mul3A_154 = arith.muli %scan3A_136, %mul3A_153 : i32
          %dma_start3A_155 = arith.constant 1 : i32
          %dma_start3A_156 = arith.constant 1 : i32
          %dma_start3A_157 = tpu.memref_slice %arg9[%dma_start3A_156, %mul3A_154] : memref<2x1680xf32, #tpu.memory_space<vmem>> -> memref<1x128xf32, #tpu.memory_space<vmem>>
          %dma_start3A_158 = tpu.memref_squeeze %dma_start3A_157 : memref<1x128xf32, #tpu.memory_space<vmem>> -> memref<128xf32, #tpu.memory_space<vmem>>
          %dma_start3A_159 = tpu.memref_slice %arg7[%dma_start3A_155, %mul3A_152] : memref<2x1664xi32, #tpu.memory_space<vmem>> -> memref<1x128xi32, #tpu.memory_space<vmem>>
          %dma_start3A_160 = tpu.memref_squeeze %dma_start3A_159 : memref<1x128xi32, #tpu.memory_space<vmem>> -> memref<128xi32, #tpu.memory_space<vmem>>
          %dma_start3A_161 = arith.constant 0 : i32
          %dma_start3A_162 = tpu.memref_slice %arg4[%dma_start3A_161] : memref<1000001xf32, #tpu.memory_space<hbm>> -> memref<1000001xf32, #tpu.memory_space<hbm>>
          tpu.enqueue_indirect_dma source(%dma_start3A_162 : memref<1000001xf32, #tpu.memory_space<hbm>>) target(%dma_start3A_158 : memref<128xf32, #tpu.memory_space<vmem>>) offsets(%dma_start3A_160 : memref<128xi32, #tpu.memory_space<vmem>>) semaphore(%arg12 : memref<!tpu.dma_semaphore, #tpu.memory_space<semaphore_mem>>)
        }
        %scan3A_135 = arith.constant 13 : i32
      } else {
      }
      %scan3A_68 = arith.constant 0 : i32
      %scan3A_69 = arith.constant 13 : i32
      %scan3A_70 = arith.addi %scan3A_68, %scan3A_69 : i32
      %scan3A_71 = arith.constant 1 : i32
      scf.for %scan3A_113 = %scan3A_68 to %scan3A_70 step %scan3A_71  : i32 {
        %mul3A_114 = arith.constant 128 : i32
        %mul3A_115 = arith.muli %scan3A_113, %mul3A_114 : i32
        %mul3A_116 = arith.constant 128 : i32
        %mul3A_117 = arith.muli %scan3A_113, %mul3A_116 : i32
        %dma_wait3A_118 = arith.constant 0 : i32
        %dma_wait3A_119 = arith.constant 0 : i32
        %dma_wait3A_120 = arith.constant 0 : i32
        %dma_wait3A_121 = tpu.memref_slice %arg8[%dma_wait3A_119, %mul3A_117, %dma_wait3A_120] : memref<2x1664x32xf32, #tpu.memory_space<vmem>> -> memref<1x128x32xf32, #tpu.memory_space<vmem>>
        %dma_wait3A_122 = tpu.memref_squeeze %dma_wait3A_121 : memref<1x128x32xf32, #tpu.memory_space<vmem>> -> memref<128x32xf32, #tpu.memory_space<vmem>>
        %dma_wait3A_123 = tpu.memref_slice %arg7[%dma_wait3A_118, %mul3A_115] : memref<2x1664xi32, #tpu.memory_space<vmem>> -> memref<1x128xi32, #tpu.memory_space<vmem>>
        %dma_wait3A_124 = tpu.memref_squeeze %dma_wait3A_123 : memref<1x128xi32, #tpu.memory_space<vmem>> -> memref<128xi32, #tpu.memory_space<vmem>>
        %dma_wait3A_125 = arith.constant 0 : i32
        %dma_wait3A_126 = arith.constant 0 : i32
        %dma_wait3A_127 = tpu.memref_slice %arg3[%dma_wait3A_125, %dma_wait3A_126] : memref<1000064x32xf32, #tpu.memory_space<hbm>> -> memref<1000064x32xf32, #tpu.memory_space<hbm>>
        tpu.wait_indirect_dma semaphore(%arg12 : memref<!tpu.dma_semaphore, #tpu.memory_space<semaphore_mem>>) src(%dma_wait3A_127 : memref<1000064x32xf32, #tpu.memory_space<hbm>>) dst(%dma_wait3A_122 : memref<128x32xf32, #tpu.memory_space<vmem>>)
        %mul3A_128 = arith.constant 128 : i32
        %mul3A_129 = arith.muli %scan3A_113, %mul3A_128 : i32
        %mul3A_130 = arith.constant 128 : i32
        %mul3A_131 = arith.muli %scan3A_113, %mul3A_130 : i32
        %dma_wait3A_132 = arith.constant 0 : i32
        %dma_wait3A_133 = arith.constant 0 : i32
        %dma_wait3A_134 = tpu.memref_slice %arg9[%dma_wait3A_133, %mul3A_131] : memref<2x1680xf32, #tpu.memory_space<vmem>> -> memref<1x128xf32, #tpu.memory_space<vmem>>
        %dma_wait3A_135 = tpu.memref_squeeze %dma_wait3A_134 : memref<1x128xf32, #tpu.memory_space<vmem>> -> memref<128xf32, #tpu.memory_space<vmem>>
        %dma_wait3A_136 = tpu.memref_slice %arg7[%dma_wait3A_132, %mul3A_129] : memref<2x1664xi32, #tpu.memory_space<vmem>> -> memref<1x128xi32, #tpu.memory_space<vmem>>
        %dma_wait3A_137 = tpu.memref_squeeze %dma_wait3A_136 : memref<1x128xi32, #tpu.memory_space<vmem>> -> memref<128xi32, #tpu.memory_space<vmem>>
        %dma_wait3A_138 = arith.constant 0 : i32
        %dma_wait3A_139 = tpu.memref_slice %arg4[%dma_wait3A_138] : memref<1000001xf32, #tpu.memory_space<hbm>> -> memref<1000001xf32, #tpu.memory_space<hbm>>
        tpu.wait_indirect_dma semaphore(%arg12 : memref<!tpu.dma_semaphore, #tpu.memory_space<semaphore_mem>>) src(%dma_wait3A_139 : memref<1000001xf32, #tpu.memory_space<hbm>>) dst(%dma_wait3A_135 : memref<128xf32, #tpu.memory_space<vmem>>)
      }
      %scan3A_72 = arith.constant 13 : i32
      %add3A_73 = arith.constant 2 : i32
      %add3A_74 = arith.addi %add3A_62, %add3A_73 : i32
      %lt3A_75 = arith.constant 8 : i32
      %lt3A_76 = arith.cmpi slt, %add3A_74, %lt3A_75 : i32
      %convert_element_type3A_77 = arith.extui %lt3A_76 : i1 to i32
      %cond3A_78 = arith.constant 0 : i32
      %cond3A_79 = arith.cmpi ne, %convert_element_type3A_77, %cond3A_78 : i32
      scf.if %cond3A_79 {
        %add3A_113 = arith.constant 2 : i32
        %add3A_114 = arith.addi %add3A_62, %add3A_113 : i32
        %mul3A_115 = arith.constant 8 : i32
        %mul3A_116 = arith.muli %add3A, %mul3A_115 : i32
        %add3A_117 = arith.addi %mul3A_116, %add3A_114 : i32
        %mul3A_118 = arith.constant 1664 : i32
        %mul3A_119 = arith.muli %add3A_117, %mul3A_118 : i32
        %dma_start3A_120 = arith.constant 0 : i32
        %dma_start3A_121 = arith.constant 0 : i32
        %dma_start3A_122 = tpu.memref_slice %arg7[%dma_start3A_120, %dma_start3A_121] : memref<2x1664xi32, #tpu.memory_space<vmem>> -> memref<1x1664xi32, #tpu.memory_space<vmem>>
        %dma_start3A_123 = tpu.memref_squeeze %dma_start3A_122 : memref<1x1664xi32, #tpu.memory_space<vmem>> -> memref<1664xi32, #tpu.memory_space<vmem>>
        %dma_start3A_124 = tpu.memref_slice %arg2[%mul3A_119] : memref<425984xi32, #tpu.memory_space<hbm>> -> memref<1664xi32, #tpu.memory_space<hbm>>
        %dma_start3A_125 = arith.constant 0 : i32
        %dma_start3A_126 = tpu.memref_slice %arg7[%dma_start3A_120, %dma_start3A_125] : memref<2x1664xi32, #tpu.memory_space<vmem>> -> memref<1x1664xi32, #tpu.memory_space<vmem>>
        %dma_start3A_127 = tpu.memref_squeeze %dma_start3A_126 : memref<1x1664xi32, #tpu.memory_space<vmem>> -> memref<1664xi32, #tpu.memory_space<vmem>>
        %dma_start3A_128 = tpu.memref_slice %arg2[%mul3A_119] : memref<425984xi32, #tpu.memory_space<hbm>> -> memref<1664xi32, #tpu.memory_space<hbm>>
        tpu.enqueue_dma source(%dma_start3A_128 : memref<1664xi32, #tpu.memory_space<hbm>>) target(%dma_start3A_127 : memref<1664xi32, #tpu.memory_space<vmem>>) target_semaphore(%arg13 : memref<!tpu.dma_semaphore, #tpu.memory_space<semaphore_mem>>)
      } else {
      }
      %scan3A_80 = arith.constant 0 : i32
      %scan3A_81 = arith.constant 4 : i32
      %scan3A_82 = arith.addi %scan3A_80, %scan3A_81 : i32
      %scan3A_83 = arith.constant 1 : i32
      scf.for %scan3A_113 = %scan3A_80 to %scan3A_82 step %scan3A_83  : i32 {
        %broadcast_in_dim3A = arith.constant 0.000000e+00 : f32
        %broadcast_in_dim3A_114 = vector.broadcast %broadcast_in_dim3A : f32 to vector<16xf32>
        %scan3A_115 = arith.constant 0 : i32
        %scan3A_116 = arith.constant 16 : i32
        %scan3A_117 = arith.addi %scan3A_115, %scan3A_116 : i32
        %scan3A_118 = arith.constant 1 : i32
        %scan3A_119 = scf.for %scan3A_127 = %scan3A_115 to %scan3A_117 step %scan3A_118 iter_args(%scan3A_128 = %broadcast_in_dim3A_114) -> (vector<16xf32>)  : i32 {
          %mul3A_129 = arith.constant 16 : i32
          %mul3A_130 = arith.muli %scan3A_113, %mul3A_129 : i32
          %add3A_131 = arith.addi %mul3A_130, %scan3A_127 : i32
          %mul3A_132 = arith.constant 26 : i32
          %mul3A_133 = arith.muli %add3A_131, %mul3A_132 : i32
          %broadcast_in_dim3A_134 = arith.constant 0.000000e+00 : f32
          %broadcast_in_dim3A_135 = vector.broadcast %broadcast_in_dim3A_134 : f32 to vector<16xf32>
          %broadcast_in_dim3A_136 = arith.constant 0.000000e+00 : f32
          %broadcast_in_dim3A_137 = vector.broadcast %broadcast_in_dim3A_136 : f32 to vector<16xf32>
          %broadcast_in_dim3A_138 = arith.constant 0.000000e+00 : f32
          %broadcast_in_dim3A_139 = vector.broadcast %broadcast_in_dim3A_138 : f32 to vector<16xf32>
          %broadcast_in_dim3A_140 = arith.constant 0.000000e+00 : f32
          %broadcast_in_dim3A_141 = vector.broadcast %broadcast_in_dim3A_140 : f32 to vector<16xf32>
          %add3A_142 = arith.constant 0 : i32
          %add3A_143 = arith.addi %mul3A_133, %add3A_142 : i32
          %get3A_144 = arith.constant 0 : i32
          %get3A_145 = arith.index_cast %get3A_144 : i32 to index
          %get3A_146 = arith.index_cast %add3A_143 : i32 to index
          %get3A_147 = arith.constant 0 : index
          %get3A_148 = tpu.vector_load %arg8[%get3A_145, %get3A_146, %get3A_147] {strides = array<i32>} : memref<2x1664x32xf32, #tpu.memory_space<vmem>>, vector<16xf32>,
          %add3A_149 = arith.constant 0 : i32
          %add3A_150 = arith.addi %mul3A_133, %add3A_149 : i32
          %get3A_151 = arith.constant 0 : i32
          %get3A_152 = arith.index_cast %get3A_151 : i32 to index
          %get3A_153 = arith.index_cast %add3A_150 : i32 to index
          %get3A_154 = arith.constant 16 : index
          %get3A_155 = tpu.vector_load %arg8[%get3A_152, %get3A_153, %get3A_154] {strides = array<i32>} : memref<2x1664x32xf32, #tpu.memory_space<vmem>>, vector<16xf32>,
          %add3A_156 = arith.addf %broadcast_in_dim3A_135, %get3A_148 : vector<16xf32>
          %add3A_157 = arith.addf %broadcast_in_dim3A_137, %get3A_155 : vector<16xf32>
          %mul3A_158 = arith.mulf %get3A_148, %get3A_148 : vector<16xf32>
          %add3A_159 = arith.addf %broadcast_in_dim3A_139, %mul3A_158 : vector<16xf32>
          %mul3A_160 = arith.mulf %get3A_155, %get3A_155 : vector<16xf32>
          %add3A_161 = arith.addf %broadcast_in_dim3A_141, %mul3A_160 : vector<16xf32>
          %add3A_162 = arith.constant 1 : i32
          %add3A_163 = arith.addi %mul3A_133, %add3A_162 : i32
          %get3A_164 = arith.constant 0 : i32
          %get3A_165 = arith.index_cast %get3A_164 : i32 to index
          %get3A_166 = arith.index_cast %add3A_163 : i32 to index
          %get3A_167 = arith.constant 0 : index
          %get3A_168 = tpu.vector_load %arg8[%get3A_165, %get3A_166, %get3A_167] {strides = array<i32>} : memref<2x1664x32xf32, #tpu.memory_space<vmem>>, vector<16xf32>,
          %add3A_169 = arith.constant 1 : i32
          %add3A_170 = arith.addi %mul3A_133, %add3A_169 : i32
          %get3A_171 = arith.constant 0 : i32
          %get3A_172 = arith.index_cast %get3A_171 : i32 to index
          %get3A_173 = arith.index_cast %add3A_170 : i32 to index
          %get3A_174 = arith.constant 16 : index
          %get3A_175 = tpu.vector_load %arg8[%get3A_172, %get3A_173, %get3A_174] {strides = array<i32>} : memref<2x1664x32xf32, #tpu.memory_space<vmem>>, vector<16xf32>,
          %add3A_176 = arith.addf %add3A_156, %get3A_168 : vector<16xf32>
          %add3A_177 = arith.addf %add3A_157, %get3A_175 : vector<16xf32>
          %mul3A_178 = arith.mulf %get3A_168, %get3A_168 : vector<16xf32>
          %add3A_179 = arith.addf %add3A_159, %mul3A_178 : vector<16xf32>
          %mul3A_180 = arith.mulf %get3A_175, %get3A_175 : vector<16xf32>
          %add3A_181 = arith.addf %add3A_161, %mul3A_180 : vector<16xf32>
          %add3A_182 = arith.constant 2 : i32
          %add3A_183 = arith.addi %mul3A_133, %add3A_182 : i32
          %get3A_184 = arith.constant 0 : i32
          %get3A_185 = arith.index_cast %get3A_184 : i32 to index
          %get3A_186 = arith.index_cast %add3A_183 : i32 to index
          %get3A_187 = arith.constant 0 : index
          %get3A_188 = tpu.vector_load %arg8[%get3A_185, %get3A_186, %get3A_187] {strides = array<i32>} : memref<2x1664x32xf32, #tpu.memory_space<vmem>>, vector<16xf32>,
          %add3A_189 = arith.constant 2 : i32
          %add3A_190 = arith.addi %mul3A_133, %add3A_189 : i32
          %get3A_191 = arith.constant 0 : i32
          %get3A_192 = arith.index_cast %get3A_191 : i32 to index
          %get3A_193 = arith.index_cast %add3A_190 : i32 to index
          %get3A_194 = arith.constant 16 : index
          %get3A_195 = tpu.vector_load %arg8[%get3A_192, %get3A_193, %get3A_194] {strides = array<i32>} : memref<2x1664x32xf32, #tpu.memory_space<vmem>>, vector<16xf32>,
          %add3A_196 = arith.addf %add3A_176, %get3A_188 : vector<16xf32>
          %add3A_197 = arith.addf %add3A_177, %get3A_195 : vector<16xf32>
          %mul3A_198 = arith.mulf %get3A_188, %get3A_188 : vector<16xf32>
          %add3A_199 = arith.addf %add3A_179, %mul3A_198 : vector<16xf32>
          %mul3A_200 = arith.mulf %get3A_195, %get3A_195 : vector<16xf32>
          %add3A_201 = arith.addf %add3A_181, %mul3A_200 : vector<16xf32>
          %add3A_202 = arith.constant 3 : i32
          %add3A_203 = arith.addi %mul3A_133, %add3A_202 : i32
          %get3A_204 = arith.constant 0 : i32
          %get3A_205 = arith.index_cast %get3A_204 : i32 to index
          %get3A_206 = arith.index_cast %add3A_203 : i32 to index
          %get3A_207 = arith.constant 0 : index
          %get3A_208 = tpu.vector_load %arg8[%get3A_205, %get3A_206, %get3A_207] {strides = array<i32>} : memref<2x1664x32xf32, #tpu.memory_space<vmem>>, vector<16xf32>,
          %add3A_209 = arith.constant 3 : i32
          %add3A_210 = arith.addi %mul3A_133, %add3A_209 : i32
          %get3A_211 = arith.constant 0 : i32
          %get3A_212 = arith.index_cast %get3A_211 : i32 to index
          %get3A_213 = arith.index_cast %add3A_210 : i32 to index
          %get3A_214 = arith.constant 16 : index
          %get3A_215 = tpu.vector_load %arg8[%get3A_212, %get3A_213, %get3A_214] {strides = array<i32>} : memref<2x1664x32xf32, #tpu.memory_space<vmem>>, vector<16xf32>,
          %add3A_216 = arith.addf %add3A_196, %get3A_208 : vector<16xf32>
          %add3A_217 = arith.addf %add3A_197, %get3A_215 : vector<16xf32>
          %mul3A_218 = arith.mulf %get3A_208, %get3A_208 : vector<16xf32>
          %add3A_219 = arith.addf %add3A_199, %mul3A_218 : vector<16xf32>
          %mul3A_220 = arith.mulf %get3A_215, %get3A_215 : vector<16xf32>
          %add3A_221 = arith.addf %add3A_201, %mul3A_220 : vector<16xf32>
          %add3A_222 = arith.constant 4 : i32
          %add3A_223 = arith.addi %mul3A_133, %add3A_222 : i32
          %get3A_224 = arith.constant 0 : i32
          %get3A_225 = arith.index_cast %get3A_224 : i32 to index
          %get3A_226 = arith.index_cast %add3A_223 : i32 to index
          %get3A_227 = arith.constant 0 : index
          %get3A_228 = tpu.vector_load %arg8[%get3A_225, %get3A_226, %get3A_227] {strides = array<i32>} : memref<2x1664x32xf32, #tpu.memory_space<vmem>>, vector<16xf32>,
          %add3A_229 = arith.constant 4 : i32
          %add3A_230 = arith.addi %mul3A_133, %add3A_229 : i32
          %get3A_231 = arith.constant 0 : i32
          %get3A_232 = arith.index_cast %get3A_231 : i32 to index
          %get3A_233 = arith.index_cast %add3A_230 : i32 to index
          %get3A_234 = arith.constant 16 : index
          %get3A_235 = tpu.vector_load %arg8[%get3A_232, %get3A_233, %get3A_234] {strides = array<i32>} : memref<2x1664x32xf32, #tpu.memory_space<vmem>>, vector<16xf32>,
          %add3A_236 = arith.addf %add3A_216, %get3A_228 : vector<16xf32>
          %add3A_237 = arith.addf %add3A_217, %get3A_235 : vector<16xf32>
          %mul3A_238 = arith.mulf %get3A_228, %get3A_228 : vector<16xf32>
          %add3A_239 = arith.addf %add3A_219, %mul3A_238 : vector<16xf32>
          %mul3A_240 = arith.mulf %get3A_235, %get3A_235 : vector<16xf32>
          %add3A_241 = arith.addf %add3A_221, %mul3A_240 : vector<16xf32>
          %add3A_242 = arith.constant 5 : i32
          %add3A_243 = arith.addi %mul3A_133, %add3A_242 : i32
          %get3A_244 = arith.constant 0 : i32
          %get3A_245 = arith.index_cast %get3A_244 : i32 to index
          %get3A_246 = arith.index_cast %add3A_243 : i32 to index
          %get3A_247 = arith.constant 0 : index
          %get3A_248 = tpu.vector_load %arg8[%get3A_245, %get3A_246, %get3A_247] {strides = array<i32>} : memref<2x1664x32xf32, #tpu.memory_space<vmem>>, vector<16xf32>,
          %add3A_249 = arith.constant 5 : i32
          %add3A_250 = arith.addi %mul3A_133, %add3A_249 : i32
          %get3A_251 = arith.constant 0 : i32
          %get3A_252 = arith.index_cast %get3A_251 : i32 to index
          %get3A_253 = arith.index_cast %add3A_250 : i32 to index
          %get3A_254 = arith.constant 16 : index
          %get3A_255 = tpu.vector_load %arg8[%get3A_252, %get3A_253, %get3A_254] {strides = array<i32>} : memref<2x1664x32xf32, #tpu.memory_space<vmem>>, vector<16xf32>,
          %add3A_256 = arith.addf %add3A_236, %get3A_248 : vector<16xf32>
          %add3A_257 = arith.addf %add3A_237, %get3A_255 : vector<16xf32>
          %mul3A_258 = arith.mulf %get3A_248, %get3A_248 : vector<16xf32>
          %add3A_259 = arith.addf %add3A_239, %mul3A_258 : vector<16xf32>
          %mul3A_260 = arith.mulf %get3A_255, %get3A_255 : vector<16xf32>
          %add3A_261 = arith.addf %add3A_241, %mul3A_260 : vector<16xf32>
          %add3A_262 = arith.constant 6 : i32
          %add3A_263 = arith.addi %mul3A_133, %add3A_262 : i32
          %get3A_264 = arith.constant 0 : i32
          %get3A_265 = arith.index_cast %get3A_264 : i32 to index
          %get3A_266 = arith.index_cast %add3A_263 : i32 to index
          %get3A_267 = arith.constant 0 : index
          %get3A_268 = tpu.vector_load %arg8[%get3A_265, %get3A_266, %get3A_267] {strides = array<i32>} : memref<2x1664x32xf32, #tpu.memory_space<vmem>>, vector<16xf32>,
          %add3A_269 = arith.constant 6 : i32
          %add3A_270 = arith.addi %mul3A_133, %add3A_269 : i32
          %get3A_271 = arith.constant 0 : i32
          %get3A_272 = arith.index_cast %get3A_271 : i32 to index
          %get3A_273 = arith.index_cast %add3A_270 : i32 to index
          %get3A_274 = arith.constant 16 : index
          %get3A_275 = tpu.vector_load %arg8[%get3A_272, %get3A_273, %get3A_274] {strides = array<i32>} : memref<2x1664x32xf32, #tpu.memory_space<vmem>>, vector<16xf32>,
          %add3A_276 = arith.addf %add3A_256, %get3A_268 : vector<16xf32>
          %add3A_277 = arith.addf %add3A_257, %get3A_275 : vector<16xf32>
          %mul3A_278 = arith.mulf %get3A_268, %get3A_268 : vector<16xf32>
          %add3A_279 = arith.addf %add3A_259, %mul3A_278 : vector<16xf32>
          %mul3A_280 = arith.mulf %get3A_275, %get3A_275 : vector<16xf32>
          %add3A_281 = arith.addf %add3A_261, %mul3A_280 : vector<16xf32>
          %add3A_282 = arith.constant 7 : i32
          %add3A_283 = arith.addi %mul3A_133, %add3A_282 : i32
          %get3A_284 = arith.constant 0 : i32
          %get3A_285 = arith.index_cast %get3A_284 : i32 to index
          %get3A_286 = arith.index_cast %add3A_283 : i32 to index
          %get3A_287 = arith.constant 0 : index
          %get3A_288 = tpu.vector_load %arg8[%get3A_285, %get3A_286, %get3A_287] {strides = array<i32>} : memref<2x1664x32xf32, #tpu.memory_space<vmem>>, vector<16xf32>,
          %add3A_289 = arith.constant 7 : i32
          %add3A_290 = arith.addi %mul3A_133, %add3A_289 : i32
          %get3A_291 = arith.constant 0 : i32
          %get3A_292 = arith.index_cast %get3A_291 : i32 to index
          %get3A_293 = arith.index_cast %add3A_290 : i32 to index
          %get3A_294 = arith.constant 16 : index
          %get3A_295 = tpu.vector_load %arg8[%get3A_292, %get3A_293, %get3A_294] {strides = array<i32>} : memref<2x1664x32xf32, #tpu.memory_space<vmem>>, vector<16xf32>,
          %add3A_296 = arith.addf %add3A_276, %get3A_288 : vector<16xf32>
          %add3A_297 = arith.addf %add3A_277, %get3A_295 : vector<16xf32>
          %mul3A_298 = arith.mulf %get3A_288, %get3A_288 : vector<16xf32>
          %add3A_299 = arith.addf %add3A_279, %mul3A_298 : vector<16xf32>
          %mul3A_300 = arith.mulf %get3A_295, %get3A_295 : vector<16xf32>
          %add3A_301 = arith.addf %add3A_281, %mul3A_300 : vector<16xf32>
          %add3A_302 = arith.constant 8 : i32
          %add3A_303 = arith.addi %mul3A_133, %add3A_302 : i32
          %get3A_304 = arith.constant 0 : i32
          %get3A_305 = arith.index_cast %get3A_304 : i32 to index
          %get3A_306 = arith.index_cast %add3A_303 : i32 to index
          %get3A_307 = arith.constant 0 : index
          %get3A_308 = tpu.vector_load %arg8[%get3A_305, %get3A_306, %get3A_307] {strides = array<i32>} : memref<2x1664x32xf32, #tpu.memory_space<vmem>>, vector<16xf32>,
          %add3A_309 = arith.constant 8 : i32
          %add3A_310 = arith.addi %mul3A_133, %add3A_309 : i32
          %get3A_311 = arith.constant 0 : i32
          %get3A_312 = arith.index_cast %get3A_311 : i32 to index
          %get3A_313 = arith.index_cast %add3A_310 : i32 to index
          %get3A_314 = arith.constant 16 : index
          %get3A_315 = tpu.vector_load %arg8[%get3A_312, %get3A_313, %get3A_314] {strides = array<i32>} : memref<2x1664x32xf32, #tpu.memory_space<vmem>>, vector<16xf32>,
          %add3A_316 = arith.addf %add3A_296, %get3A_308 : vector<16xf32>
          %add3A_317 = arith.addf %add3A_297, %get3A_315 : vector<16xf32>
          %mul3A_318 = arith.mulf %get3A_308, %get3A_308 : vector<16xf32>
          %add3A_319 = arith.addf %add3A_299, %mul3A_318 : vector<16xf32>
          %mul3A_320 = arith.mulf %get3A_315, %get3A_315 : vector<16xf32>
          %add3A_321 = arith.addf %add3A_301, %mul3A_320 : vector<16xf32>
          %add3A_322 = arith.constant 9 : i32
          %add3A_323 = arith.addi %mul3A_133, %add3A_322 : i32
          %get3A_324 = arith.constant 0 : i32
          %get3A_325 = arith.index_cast %get3A_324 : i32 to index
          %get3A_326 = arith.index_cast %add3A_323 : i32 to index
          %get3A_327 = arith.constant 0 : index
          %get3A_328 = tpu.vector_load %arg8[%get3A_325, %get3A_326, %get3A_327] {strides = array<i32>} : memref<2x1664x32xf32, #tpu.memory_space<vmem>>, vector<16xf32>,
          %add3A_329 = arith.constant 9 : i32
          %add3A_330 = arith.addi %mul3A_133, %add3A_329 : i32
          %get3A_331 = arith.constant 0 : i32
          %get3A_332 = arith.index_cast %get3A_331 : i32 to index
          %get3A_333 = arith.index_cast %add3A_330 : i32 to index
          %get3A_334 = arith.constant 16 : index
          %get3A_335 = tpu.vector_load %arg8[%get3A_332, %get3A_333, %get3A_334] {strides = array<i32>} : memref<2x1664x32xf32, #tpu.memory_space<vmem>>, vector<16xf32>,
          %add3A_336 = arith.addf %add3A_316, %get3A_328 : vector<16xf32>
          %add3A_337 = arith.addf %add3A_317, %get3A_335 : vector<16xf32>
          %mul3A_338 = arith.mulf %get3A_328, %get3A_328 : vector<16xf32>
          %add3A_339 = arith.addf %add3A_319, %mul3A_338 : vector<16xf32>
          %mul3A_340 = arith.mulf %get3A_335, %get3A_335 : vector<16xf32>
          %add3A_341 = arith.addf %add3A_321, %mul3A_340 : vector<16xf32>
          %add3A_342 = arith.constant 10 : i32
          %add3A_343 = arith.addi %mul3A_133, %add3A_342 : i32
          %get3A_344 = arith.constant 0 : i32
          %get3A_345 = arith.index_cast %get3A_344 : i32 to index
          %get3A_346 = arith.index_cast %add3A_343 : i32 to index
          %get3A_347 = arith.constant 0 : index
          %get3A_348 = tpu.vector_load %arg8[%get3A_345, %get3A_346, %get3A_347] {strides = array<i32>} : memref<2x1664x32xf32, #tpu.memory_space<vmem>>, vector<16xf32>,
          %add3A_349 = arith.constant 10 : i32
          %add3A_350 = arith.addi %mul3A_133, %add3A_349 : i32
          %get3A_351 = arith.constant 0 : i32
          %get3A_352 = arith.index_cast %get3A_351 : i32 to index
          %get3A_353 = arith.index_cast %add3A_350 : i32 to index
          %get3A_354 = arith.constant 16 : index
          %get3A_355 = tpu.vector_load %arg8[%get3A_352, %get3A_353, %get3A_354] {strides = array<i32>} : memref<2x1664x32xf32, #tpu.memory_space<vmem>>, vector<16xf32>,
          %add3A_356 = arith.addf %add3A_336, %get3A_348 : vector<16xf32>
          %add3A_357 = arith.addf %add3A_337, %get3A_355 : vector<16xf32>
          %mul3A_358 = arith.mulf %get3A_348, %get3A_348 : vector<16xf32>
          %add3A_359 = arith.addf %add3A_339, %mul3A_358 : vector<16xf32>
          %mul3A_360 = arith.mulf %get3A_355, %get3A_355 : vector<16xf32>
          %add3A_361 = arith.addf %add3A_341, %mul3A_360 : vector<16xf32>
          %add3A_362 = arith.constant 11 : i32
          %add3A_363 = arith.addi %mul3A_133, %add3A_362 : i32
          %get3A_364 = arith.constant 0 : i32
          %get3A_365 = arith.index_cast %get3A_364 : i32 to index
          %get3A_366 = arith.index_cast %add3A_363 : i32 to index
          %get3A_367 = arith.constant 0 : index
          %get3A_368 = tpu.vector_load %arg8[%get3A_365, %get3A_366, %get3A_367] {strides = array<i32>} : memref<2x1664x32xf32, #tpu.memory_space<vmem>>, vector<16xf32>,
          %add3A_369 = arith.constant 11 : i32
          %add3A_370 = arith.addi %mul3A_133, %add3A_369 : i32
          %get3A_371 = arith.constant 0 : i32
          %get3A_372 = arith.index_cast %get3A_371 : i32 to index
          %get3A_373 = arith.index_cast %add3A_370 : i32 to index
          %get3A_374 = arith.constant 16 : index
          %get3A_375 = tpu.vector_load %arg8[%get3A_372, %get3A_373, %get3A_374] {strides = array<i32>} : memref<2x1664x32xf32, #tpu.memory_space<vmem>>, vector<16xf32>,
          %add3A_376 = arith.addf %add3A_356, %get3A_368 : vector<16xf32>
          %add3A_377 = arith.addf %add3A_357, %get3A_375 : vector<16xf32>
          %mul3A_378 = arith.mulf %get3A_368, %get3A_368 : vector<16xf32>
          %add3A_379 = arith.addf %add3A_359, %mul3A_378 : vector<16xf32>
          %mul3A_380 = arith.mulf %get3A_375, %get3A_375 : vector<16xf32>
          %add3A_381 = arith.addf %add3A_361, %mul3A_380 : vector<16xf32>
          %add3A_382 = arith.constant 12 : i32
          %add3A_383 = arith.addi %mul3A_133, %add3A_382 : i32
          %get3A_384 = arith.constant 0 : i32
          %get3A_385 = arith.index_cast %get3A_384 : i32 to index
          %get3A_386 = arith.index_cast %add3A_383 : i32 to index
          %get3A_387 = arith.constant 0 : index
          %get3A_388 = tpu.vector_load %arg8[%get3A_385, %get3A_386, %get3A_387] {strides = array<i32>} : memref<2x1664x32xf32, #tpu.memory_space<vmem>>, vector<16xf32>,
          %add3A_389 = arith.constant 12 : i32
          %add3A_390 = arith.addi %mul3A_133, %add3A_389 : i32
          %get3A_391 = arith.constant 0 : i32
          %get3A_392 = arith.index_cast %get3A_391 : i32 to index
          %get3A_393 = arith.index_cast %add3A_390 : i32 to index
          %get3A_394 = arith.constant 16 : index
          %get3A_395 = tpu.vector_load %arg8[%get3A_392, %get3A_393, %get3A_394] {strides = array<i32>} : memref<2x1664x32xf32, #tpu.memory_space<vmem>>, vector<16xf32>,
          %add3A_396 = arith.addf %add3A_376, %get3A_388 : vector<16xf32>
          %add3A_397 = arith.addf %add3A_377, %get3A_395 : vector<16xf32>
          %mul3A_398 = arith.mulf %get3A_388, %get3A_388 : vector<16xf32>
          %add3A_399 = arith.addf %add3A_379, %mul3A_398 : vector<16xf32>
          %mul3A_400 = arith.mulf %get3A_395, %get3A_395 : vector<16xf32>
          %add3A_401 = arith.addf %add3A_381, %mul3A_400 : vector<16xf32>
          %add3A_402 = arith.constant 13 : i32
          %add3A_403 = arith.addi %mul3A_133, %add3A_402 : i32
          %get3A_404 = arith.constant 0 : i32
          %get3A_405 = arith.index_cast %get3A_404 : i32 to index
          %get3A_406 = arith.index_cast %add3A_403 : i32 to index
          %get3A_407 = arith.constant 0 : index
          %get3A_408 = tpu.vector_load %arg8[%get3A_405, %get3A_406, %get3A_407] {strides = array<i32>} : memref<2x1664x32xf32, #tpu.memory_space<vmem>>, vector<16xf32>,
          %add3A_409 = arith.constant 13 : i32
          %add3A_410 = arith.addi %mul3A_133, %add3A_409 : i32
          %get3A_411 = arith.constant 0 : i32
          %get3A_412 = arith.index_cast %get3A_411 : i32 to index
          %get3A_413 = arith.index_cast %add3A_410 : i32 to index
          %get3A_414 = arith.constant 16 : index
          %get3A_415 = tpu.vector_load %arg8[%get3A_412, %get3A_413, %get3A_414] {strides = array<i32>} : memref<2x1664x32xf32, #tpu.memory_space<vmem>>, vector<16xf32>,
          %add3A_416 = arith.addf %add3A_396, %get3A_408 : vector<16xf32>
          %add3A_417 = arith.addf %add3A_397, %get3A_415 : vector<16xf32>
          %mul3A_418 = arith.mulf %get3A_408, %get3A_408 : vector<16xf32>
          %add3A_419 = arith.addf %add3A_399, %mul3A_418 : vector<16xf32>
          %mul3A_420 = arith.mulf %get3A_415, %get3A_415 : vector<16xf32>
          %add3A_421 = arith.addf %add3A_401, %mul3A_420 : vector<16xf32>
          %add3A_422 = arith.constant 14 : i32
          %add3A_423 = arith.addi %mul3A_133, %add3A_422 : i32
          %get3A_424 = arith.constant 0 : i32
          %get3A_425 = arith.index_cast %get3A_424 : i32 to index
          %get3A_426 = arith.index_cast %add3A_423 : i32 to index
          %get3A_427 = arith.constant 0 : index
          %get3A_428 = tpu.vector_load %arg8[%get3A_425, %get3A_426, %get3A_427] {strides = array<i32>} : memref<2x1664x32xf32, #tpu.memory_space<vmem>>, vector<16xf32>,
          %add3A_429 = arith.constant 14 : i32
          %add3A_430 = arith.addi %mul3A_133, %add3A_429 : i32
          %get3A_431 = arith.constant 0 : i32
          %get3A_432 = arith.index_cast %get3A_431 : i32 to index
          %get3A_433 = arith.index_cast %add3A_430 : i32 to index
          %get3A_434 = arith.constant 16 : index
          %get3A_435 = tpu.vector_load %arg8[%get3A_432, %get3A_433, %get3A_434] {strides = array<i32>} : memref<2x1664x32xf32, #tpu.memory_space<vmem>>, vector<16xf32>,
          %add3A_436 = arith.addf %add3A_416, %get3A_428 : vector<16xf32>
          %add3A_437 = arith.addf %add3A_417, %get3A_435 : vector<16xf32>
          %mul3A_438 = arith.mulf %get3A_428, %get3A_428 : vector<16xf32>
          %add3A_439 = arith.addf %add3A_419, %mul3A_438 : vector<16xf32>
          %mul3A_440 = arith.mulf %get3A_435, %get3A_435 : vector<16xf32>
          %add3A_441 = arith.addf %add3A_421, %mul3A_440 : vector<16xf32>
          %add3A_442 = arith.constant 15 : i32
          %add3A_443 = arith.addi %mul3A_133, %add3A_442 : i32
          %get3A_444 = arith.constant 0 : i32
          %get3A_445 = arith.index_cast %get3A_444 : i32 to index
          %get3A_446 = arith.index_cast %add3A_443 : i32 to index
          %get3A_447 = arith.constant 0 : index
          %get3A_448 = tpu.vector_load %arg8[%get3A_445, %get3A_446, %get3A_447] {strides = array<i32>} : memref<2x1664x32xf32, #tpu.memory_space<vmem>>, vector<16xf32>,
          %add3A_449 = arith.constant 15 : i32
          %add3A_450 = arith.addi %mul3A_133, %add3A_449 : i32
          %get3A_451 = arith.constant 0 : i32
          %get3A_452 = arith.index_cast %get3A_451 : i32 to index
          %get3A_453 = arith.index_cast %add3A_450 : i32 to index
          %get3A_454 = arith.constant 16 : index
          %get3A_455 = tpu.vector_load %arg8[%get3A_452, %get3A_453, %get3A_454] {strides = array<i32>} : memref<2x1664x32xf32, #tpu.memory_space<vmem>>, vector<16xf32>,
          %add3A_456 = arith.addf %add3A_436, %get3A_448 : vector<16xf32>
          %add3A_457 = arith.addf %add3A_437, %get3A_455 : vector<16xf32>
          %mul3A_458 = arith.mulf %get3A_448, %get3A_448 : vector<16xf32>
          %add3A_459 = arith.addf %add3A_439, %mul3A_458 : vector<16xf32>
          %mul3A_460 = arith.mulf %get3A_455, %get3A_455 : vector<16xf32>
          %add3A_461 = arith.addf %add3A_441, %mul3A_460 : vector<16xf32>
          %add3A_462 = arith.constant 16 : i32
          %add3A_463 = arith.addi %mul3A_133, %add3A_462 : i32
          %get3A_464 = arith.constant 0 : i32
          %get3A_465 = arith.index_cast %get3A_464 : i32 to index
          %get3A_466 = arith.index_cast %add3A_463 : i32 to index
          %get3A_467 = arith.constant 0 : index
          %get3A_468 = tpu.vector_load %arg8[%get3A_465, %get3A_466, %get3A_467] {strides = array<i32>} : memref<2x1664x32xf32, #tpu.memory_space<vmem>>, vector<16xf32>,
          %add3A_469 = arith.constant 16 : i32
          %add3A_470 = arith.addi %mul3A_133, %add3A_469 : i32
          %get3A_471 = arith.constant 0 : i32
          %get3A_472 = arith.index_cast %get3A_471 : i32 to index
          %get3A_473 = arith.index_cast %add3A_470 : i32 to index
          %get3A_474 = arith.constant 16 : index
          %get3A_475 = tpu.vector_load %arg8[%get3A_472, %get3A_473, %get3A_474] {strides = array<i32>} : memref<2x1664x32xf32, #tpu.memory_space<vmem>>, vector<16xf32>,
          %add3A_476 = arith.addf %add3A_456, %get3A_468 : vector<16xf32>
          %add3A_477 = arith.addf %add3A_457, %get3A_475 : vector<16xf32>
          %mul3A_478 = arith.mulf %get3A_468, %get3A_468 : vector<16xf32>
          %add3A_479 = arith.addf %add3A_459, %mul3A_478 : vector<16xf32>
          %mul3A_480 = arith.mulf %get3A_475, %get3A_475 : vector<16xf32>
          %add3A_481 = arith.addf %add3A_461, %mul3A_480 : vector<16xf32>
          %add3A_482 = arith.constant 17 : i32
          %add3A_483 = arith.addi %mul3A_133, %add3A_482 : i32
          %get3A_484 = arith.constant 0 : i32
          %get3A_485 = arith.index_cast %get3A_484 : i32 to index
          %get3A_486 = arith.index_cast %add3A_483 : i32 to index
          %get3A_487 = arith.constant 0 : index
          %get3A_488 = tpu.vector_load %arg8[%get3A_485, %get3A_486, %get3A_487] {strides = array<i32>} : memref<2x1664x32xf32, #tpu.memory_space<vmem>>, vector<16xf32>,
          %add3A_489 = arith.constant 17 : i32
          %add3A_490 = arith.addi %mul3A_133, %add3A_489 : i32
          %get3A_491 = arith.constant 0 : i32
          %get3A_492 = arith.index_cast %get3A_491 : i32 to index
          %get3A_493 = arith.index_cast %add3A_490 : i32 to index
          %get3A_494 = arith.constant 16 : index
          %get3A_495 = tpu.vector_load %arg8[%get3A_492, %get3A_493, %get3A_494] {strides = array<i32>} : memref<2x1664x32xf32, #tpu.memory_space<vmem>>, vector<16xf32>,
          %add3A_496 = arith.addf %add3A_476, %get3A_488 : vector<16xf32>
          %add3A_497 = arith.addf %add3A_477, %get3A_495 : vector<16xf32>
          %mul3A_498 = arith.mulf %get3A_488, %get3A_488 : vector<16xf32>
          %add3A_499 = arith.addf %add3A_479, %mul3A_498 : vector<16xf32>
          %mul3A_500 = arith.mulf %get3A_495, %get3A_495 : vector<16xf32>
          %add3A_501 = arith.addf %add3A_481, %mul3A_500 : vector<16xf32>
          %add3A_502 = arith.constant 18 : i32
          %add3A_503 = arith.addi %mul3A_133, %add3A_502 : i32
          %get3A_504 = arith.constant 0 : i32
          %get3A_505 = arith.index_cast %get3A_504 : i32 to index
          %get3A_506 = arith.index_cast %add3A_503 : i32 to index
          %get3A_507 = arith.constant 0 : index
          %get3A_508 = tpu.vector_load %arg8[%get3A_505, %get3A_506, %get3A_507] {strides = array<i32>} : memref<2x1664x32xf32, #tpu.memory_space<vmem>>, vector<16xf32>,
          %add3A_509 = arith.constant 18 : i32
          %add3A_510 = arith.addi %mul3A_133, %add3A_509 : i32
          %get3A_511 = arith.constant 0 : i32
          %get3A_512 = arith.index_cast %get3A_511 : i32 to index
          %get3A_513 = arith.index_cast %add3A_510 : i32 to index
          %get3A_514 = arith.constant 16 : index
          %get3A_515 = tpu.vector_load %arg8[%get3A_512, %get3A_513, %get3A_514] {strides = array<i32>} : memref<2x1664x32xf32, #tpu.memory_space<vmem>>, vector<16xf32>,
          %add3A_516 = arith.addf %add3A_496, %get3A_508 : vector<16xf32>
          %add3A_517 = arith.addf %add3A_497, %get3A_515 : vector<16xf32>
          %mul3A_518 = arith.mulf %get3A_508, %get3A_508 : vector<16xf32>
          %add3A_519 = arith.addf %add3A_499, %mul3A_518 : vector<16xf32>
          %mul3A_520 = arith.mulf %get3A_515, %get3A_515 : vector<16xf32>
          %add3A_521 = arith.addf %add3A_501, %mul3A_520 : vector<16xf32>
          %add3A_522 = arith.constant 19 : i32
          %add3A_523 = arith.addi %mul3A_133, %add3A_522 : i32
          %get3A_524 = arith.constant 0 : i32
          %get3A_525 = arith.index_cast %get3A_524 : i32 to index
          %get3A_526 = arith.index_cast %add3A_523 : i32 to index
          %get3A_527 = arith.constant 0 : index
          %get3A_528 = tpu.vector_load %arg8[%get3A_525, %get3A_526, %get3A_527] {strides = array<i32>} : memref<2x1664x32xf32, #tpu.memory_space<vmem>>, vector<16xf32>,
          %add3A_529 = arith.constant 19 : i32
          %add3A_530 = arith.addi %mul3A_133, %add3A_529 : i32
          %get3A_531 = arith.constant 0 : i32
          %get3A_532 = arith.index_cast %get3A_531 : i32 to index
          %get3A_533 = arith.index_cast %add3A_530 : i32 to index
          %get3A_534 = arith.constant 16 : index
          %get3A_535 = tpu.vector_load %arg8[%get3A_532, %get3A_533, %get3A_534] {strides = array<i32>} : memref<2x1664x32xf32, #tpu.memory_space<vmem>>, vector<16xf32>,
          %add3A_536 = arith.addf %add3A_516, %get3A_528 : vector<16xf32>
          %add3A_537 = arith.addf %add3A_517, %get3A_535 : vector<16xf32>
          %mul3A_538 = arith.mulf %get3A_528, %get3A_528 : vector<16xf32>
          %add3A_539 = arith.addf %add3A_519, %mul3A_538 : vector<16xf32>
          %mul3A_540 = arith.mulf %get3A_535, %get3A_535 : vector<16xf32>
          %add3A_541 = arith.addf %add3A_521, %mul3A_540 : vector<16xf32>
          %add3A_542 = arith.constant 20 : i32
          %add3A_543 = arith.addi %mul3A_133, %add3A_542 : i32
          %get3A_544 = arith.constant 0 : i32
          %get3A_545 = arith.index_cast %get3A_544 : i32 to index
          %get3A_546 = arith.index_cast %add3A_543 : i32 to index
          %get3A_547 = arith.constant 0 : index
          %get3A_548 = tpu.vector_load %arg8[%get3A_545, %get3A_546, %get3A_547] {strides = array<i32>} : memref<2x1664x32xf32, #tpu.memory_space<vmem>>, vector<16xf32>,
          %add3A_549 = arith.constant 20 : i32
          %add3A_550 = arith.addi %mul3A_133, %add3A_549 : i32
          %get3A_551 = arith.constant 0 : i32
          %get3A_552 = arith.index_cast %get3A_551 : i32 to index
          %get3A_553 = arith.index_cast %add3A_550 : i32 to index
          %get3A_554 = arith.constant 16 : index
          %get3A_555 = tpu.vector_load %arg8[%get3A_552, %get3A_553, %get3A_554] {strides = array<i32>} : memref<2x1664x32xf32, #tpu.memory_space<vmem>>, vector<16xf32>,
          %add3A_556 = arith.addf %add3A_536, %get3A_548 : vector<16xf32>
          %add3A_557 = arith.addf %add3A_537, %get3A_555 : vector<16xf32>
          %mul3A_558 = arith.mulf %get3A_548, %get3A_548 : vector<16xf32>
          %add3A_559 = arith.addf %add3A_539, %mul3A_558 : vector<16xf32>
          %mul3A_560 = arith.mulf %get3A_555, %get3A_555 : vector<16xf32>
          %add3A_561 = arith.addf %add3A_541, %mul3A_560 : vector<16xf32>
          %add3A_562 = arith.constant 21 : i32
          %add3A_563 = arith.addi %mul3A_133, %add3A_562 : i32
          %get3A_564 = arith.constant 0 : i32
          %get3A_565 = arith.index_cast %get3A_564 : i32 to index
          %get3A_566 = arith.index_cast %add3A_563 : i32 to index
          %get3A_567 = arith.constant 0 : index
          %get3A_568 = tpu.vector_load %arg8[%get3A_565, %get3A_566, %get3A_567] {strides = array<i32>} : memref<2x1664x32xf32, #tpu.memory_space<vmem>>, vector<16xf32>,
          %add3A_569 = arith.constant 21 : i32
          %add3A_570 = arith.addi %mul3A_133, %add3A_569 : i32
          %get3A_571 = arith.constant 0 : i32
          %get3A_572 = arith.index_cast %get3A_571 : i32 to index
          %get3A_573 = arith.index_cast %add3A_570 : i32 to index
          %get3A_574 = arith.constant 16 : index
          %get3A_575 = tpu.vector_load %arg8[%get3A_572, %get3A_573, %get3A_574] {strides = array<i32>} : memref<2x1664x32xf32, #tpu.memory_space<vmem>>, vector<16xf32>,
          %add3A_576 = arith.addf %add3A_556, %get3A_568 : vector<16xf32>
          %add3A_577 = arith.addf %add3A_557, %get3A_575 : vector<16xf32>
          %mul3A_578 = arith.mulf %get3A_568, %get3A_568 : vector<16xf32>
          %add3A_579 = arith.addf %add3A_559, %mul3A_578 : vector<16xf32>
          %mul3A_580 = arith.mulf %get3A_575, %get3A_575 : vector<16xf32>
          %add3A_581 = arith.addf %add3A_561, %mul3A_580 : vector<16xf32>
          %add3A_582 = arith.constant 22 : i32
          %add3A_583 = arith.addi %mul3A_133, %add3A_582 : i32
          %get3A_584 = arith.constant 0 : i32
          %get3A_585 = arith.index_cast %get3A_584 : i32 to index
          %get3A_586 = arith.index_cast %add3A_583 : i32 to index
          %get3A_587 = arith.constant 0 : index
          %get3A_588 = tpu.vector_load %arg8[%get3A_585, %get3A_586, %get3A_587] {strides = array<i32>} : memref<2x1664x32xf32, #tpu.memory_space<vmem>>, vector<16xf32>,
          %add3A_589 = arith.constant 22 : i32
          %add3A_590 = arith.addi %mul3A_133, %add3A_589 : i32
          %get3A_591 = arith.constant 0 : i32
          %get3A_592 = arith.index_cast %get3A_591 : i32 to index
          %get3A_593 = arith.index_cast %add3A_590 : i32 to index
          %get3A_594 = arith.constant 16 : index
          %get3A_595 = tpu.vector_load %arg8[%get3A_592, %get3A_593, %get3A_594] {strides = array<i32>} : memref<2x1664x32xf32, #tpu.memory_space<vmem>>, vector<16xf32>,
          %add3A_596 = arith.addf %add3A_576, %get3A_588 : vector<16xf32>
          %add3A_597 = arith.addf %add3A_577, %get3A_595 : vector<16xf32>
          %mul3A_598 = arith.mulf %get3A_588, %get3A_588 : vector<16xf32>
          %add3A_599 = arith.addf %add3A_579, %mul3A_598 : vector<16xf32>
          %mul3A_600 = arith.mulf %get3A_595, %get3A_595 : vector<16xf32>
          %add3A_601 = arith.addf %add3A_581, %mul3A_600 : vector<16xf32>
          %add3A_602 = arith.constant 23 : i32
          %add3A_603 = arith.addi %mul3A_133, %add3A_602 : i32
          %get3A_604 = arith.constant 0 : i32
          %get3A_605 = arith.index_cast %get3A_604 : i32 to index
          %get3A_606 = arith.index_cast %add3A_603 : i32 to index
          %get3A_607 = arith.constant 0 : index
          %get3A_608 = tpu.vector_load %arg8[%get3A_605, %get3A_606, %get3A_607] {strides = array<i32>} : memref<2x1664x32xf32, #tpu.memory_space<vmem>>, vector<16xf32>,
          %add3A_609 = arith.constant 23 : i32
          %add3A_610 = arith.addi %mul3A_133, %add3A_609 : i32
          %get3A_611 = arith.constant 0 : i32
          %get3A_612 = arith.index_cast %get3A_611 : i32 to index
          %get3A_613 = arith.index_cast %add3A_610 : i32 to index
          %get3A_614 = arith.constant 16 : index
          %get3A_615 = tpu.vector_load %arg8[%get3A_612, %get3A_613, %get3A_614] {strides = array<i32>} : memref<2x1664x32xf32, #tpu.memory_space<vmem>>, vector<16xf32>,
          %add3A_616 = arith.addf %add3A_596, %get3A_608 : vector<16xf32>
          %add3A_617 = arith.addf %add3A_597, %get3A_615 : vector<16xf32>
          %mul3A_618 = arith.mulf %get3A_608, %get3A_608 : vector<16xf32>
          %add3A_619 = arith.addf %add3A_599, %mul3A_618 : vector<16xf32>
          %mul3A_620 = arith.mulf %get3A_615, %get3A_615 : vector<16xf32>
          %add3A_621 = arith.addf %add3A_601, %mul3A_620 : vector<16xf32>
          %add3A_622 = arith.constant 24 : i32
          %add3A_623 = arith.addi %mul3A_133, %add3A_622 : i32
          %get3A_624 = arith.constant 0 : i32
          %get3A_625 = arith.index_cast %get3A_624 : i32 to index
          %get3A_626 = arith.index_cast %add3A_623 : i32 to index
          %get3A_627 = arith.constant 0 : index
          %get3A_628 = tpu.vector_load %arg8[%get3A_625, %get3A_626, %get3A_627] {strides = array<i32>} : memref<2x1664x32xf32, #tpu.memory_space<vmem>>, vector<16xf32>,
          %add3A_629 = arith.constant 24 : i32
          %add3A_630 = arith.addi %mul3A_133, %add3A_629 : i32
          %get3A_631 = arith.constant 0 : i32
          %get3A_632 = arith.index_cast %get3A_631 : i32 to index
          %get3A_633 = arith.index_cast %add3A_630 : i32 to index
          %get3A_634 = arith.constant 16 : index
          %get3A_635 = tpu.vector_load %arg8[%get3A_632, %get3A_633, %get3A_634] {strides = array<i32>} : memref<2x1664x32xf32, #tpu.memory_space<vmem>>, vector<16xf32>,
          %add3A_636 = arith.addf %add3A_616, %get3A_628 : vector<16xf32>
          %add3A_637 = arith.addf %add3A_617, %get3A_635 : vector<16xf32>
          %mul3A_638 = arith.mulf %get3A_628, %get3A_628 : vector<16xf32>
          %add3A_639 = arith.addf %add3A_619, %mul3A_638 : vector<16xf32>
          %mul3A_640 = arith.mulf %get3A_635, %get3A_635 : vector<16xf32>
          %add3A_641 = arith.addf %add3A_621, %mul3A_640 : vector<16xf32>
          %add3A_642 = arith.constant 25 : i32
          %add3A_643 = arith.addi %mul3A_133, %add3A_642 : i32
          %get3A_644 = arith.constant 0 : i32
          %get3A_645 = arith.index_cast %get3A_644 : i32 to index
          %get3A_646 = arith.index_cast %add3A_643 : i32 to index
          %get3A_647 = arith.constant 0 : index
          %get3A_648 = tpu.vector_load %arg8[%get3A_645, %get3A_646, %get3A_647] {strides = array<i32>} : memref<2x1664x32xf32, #tpu.memory_space<vmem>>, vector<16xf32>,
          %add3A_649 = arith.constant 25 : i32
          %add3A_650 = arith.addi %mul3A_133, %add3A_649 : i32
          %get3A_651 = arith.constant 0 : i32
          %get3A_652 = arith.index_cast %get3A_651 : i32 to index
          %get3A_653 = arith.index_cast %add3A_650 : i32 to index
          %get3A_654 = arith.constant 16 : index
          %get3A_655 = tpu.vector_load %arg8[%get3A_652, %get3A_653, %get3A_654] {strides = array<i32>} : memref<2x1664x32xf32, #tpu.memory_space<vmem>>, vector<16xf32>,
          %add3A_656 = arith.addf %add3A_636, %get3A_648 : vector<16xf32>
          %add3A_657 = arith.addf %add3A_637, %get3A_655 : vector<16xf32>
          %mul3A_658 = arith.mulf %get3A_648, %get3A_648 : vector<16xf32>
          %add3A_659 = arith.addf %add3A_639, %mul3A_658 : vector<16xf32>
          %mul3A_660 = arith.mulf %get3A_655, %get3A_655 : vector<16xf32>
          %add3A_661 = arith.addf %add3A_641, %mul3A_660 : vector<16xf32>
          %get3A_662 = arith.constant 0 : i32
          %get3A_663 = arith.index_cast %get3A_662 : i32 to index
          %get3A_664 = arith.index_cast %mul3A_133 : i32 to index
          %get3A_665 = tpu.vector_load %arg9[%get3A_663, %get3A_664] {strides = array<i32>} : memref<2x1680xf32, #tpu.memory_space<vmem>>, vector<16xf32>,
          %add3A_666 = arith.constant 16 : i32
          %add3A_667 = arith.addi %mul3A_133, %add3A_666 : i32
          %get3A_668 = arith.constant 0 : i32
          %get3A_669 = arith.index_cast %get3A_668 : i32 to index
          %get3A_670 = arith.index_cast %add3A_667 : i32 to index
          %get3A_671 = tpu.vector_load %arg9[%get3A_669, %get3A_670] {strides = array<i32>} : memref<2x1680xf32, #tpu.memory_space<vmem>>, vector<16xf32>,
          %jit3A = arith.constant 0.000000e+00 : f32
          %broadcast_in_dim3A_672 = vector.broadcast %jit3A : f32 to vector<16xf32>
          %select_n3A = arith.select %lt3A_3, %get3A_671, %broadcast_in_dim3A_672 : vector<16xi1>, vector<16xf32>
          %add3A_673 = arith.addf %get3A_665, %select_n3A : vector<16xf32>
          %reduce_sum3A = arith.constant true
          %reduce_sum3A_674 = vector.broadcast %reduce_sum3A : i1 to vector<16xi1>
          %reduce_sum3A_675 = tpu.scan <sum>, %add3A_673 masked %reduce_sum3A_674 : vector<16xf32>, vector<16xi1> -> vector<16xf32>
          %reduce_sum3A_676 = vector.extract %reduce_sum3A_675[15] : f32 from vector<16xf32>
          %mul3A_677 = arith.mulf %add3A_656, %add3A_656 : vector<16xf32>
          %mul3A_678 = arith.mulf %add3A_657, %add3A_657 : vector<16xf32>
          %add3A_679 = arith.addf %mul3A_677, %mul3A_678 : vector<16xf32>
          %reduce_sum3A_680 = arith.constant true
          %reduce_sum3A_681 = vector.broadcast %reduce_sum3A_680 : i1 to vector<16xi1>
          %reduce_sum3A_682 = tpu.scan <sum>, %add3A_679 masked %reduce_sum3A_681 : vector<16xf32>, vector<16xi1> -> vector<16xf32>
          %reduce_sum3A_683 = vector.extract %reduce_sum3A_682[15] : f32 from vector<16xf32>
          %add3A_684 = arith.addf %add3A_659, %add3A_661 : vector<16xf32>
          %reduce_sum3A_685 = arith.constant true
          %reduce_sum3A_686 = vector.broadcast %reduce_sum3A_685 : i1 to vector<16xi1>
          %reduce_sum3A_687 = tpu.scan <sum>, %add3A_684 masked %reduce_sum3A_686 : vector<16xf32>, vector<16xi1> -> vector<16xf32>
          %reduce_sum3A_688 = vector.extract %reduce_sum3A_687[15] : f32 from vector<16xf32>
          %sub3A = arith.subf %reduce_sum3A_683, %reduce_sum3A_688 : f32
          %mul3A_689 = arith.constant 5.000000e-01 : f32
          %mul3A_690 = arith.mulf %mul3A_689, %sub3A : f32
          %add3A_691 = arith.addf %mul3A_690, %reduce_sum3A_676 : f32
          %add3A_692 = arith.addf %add3A_691, %squeeze3A : f32
          %eq3A = vector.broadcast %scan3A_127 : i32 to vector<16xi32>
          %eq3A_693 = arith.cmpi eq, %iota3A, %eq3A : vector<16xi32>
          %broadcast_in_dim3A_694 = vector.broadcast %add3A_692 : f32 to vector<16xf32>
          %select_n3A_695 = arith.select %eq3A_693, %broadcast_in_dim3A_694, %scan3A_128 : vector<16xi1>, vector<16xf32>
          scf.yield %select_n3A_695 : vector<16xf32>
        }
        %scan3A_120 = arith.constant 16 : i32
        %mul3A_121 = arith.constant 64 : i32
        %mul3A_122 = arith.muli %add3A_62, %mul3A_121 : i32
        %mul3A_123 = arith.constant 16 : i32
        %mul3A_124 = arith.muli %scan3A_113, %mul3A_123 : i32
        %add3A_125 = arith.addi %mul3A_122, %mul3A_124 : i32
        %swap3A = arith.index_cast %add3A_125 : i32 to index
        %swap3A_126 = tpu.vector_load %arg10[%swap3A] {strides = array<i32>} : memref<512xf32, #tpu.memory_space<vmem>>, vector<16xf32>,
        tpu.vector_store %arg10[%swap3A], %scan3A_119 {strides = array<i32>} : memref<512xf32, #tpu.memory_space<vmem>>, vector<16xf32>,
      }
      %scan3A_84 = arith.constant 4 : i32
      %mul3A_85 = arith.constant 2 : i32
      %mul3A_86 = arith.muli %scan3A_58, %mul3A_85 : i32
      %add3A_87 = arith.constant 1 : i32
      %add3A_88 = arith.addi %mul3A_86, %add3A_87 : i32
      %add3A_89 = arith.constant 1 : i32
      %add3A_90 = arith.addi %add3A_88, %add3A_89 : i32
      %lt3A_91 = arith.constant 8 : i32
      %lt3A_92 = arith.cmpi slt, %add3A_90, %lt3A_91 : i32
      %convert_element_type3A_93 = arith.extui %lt3A_92 : i1 to i32
      %cond3A_94 = arith.constant 0 : i32
      %cond3A_95 = arith.cmpi ne, %convert_element_type3A_93, %cond3A_94 : i32
      scf.if %cond3A_95 {
        %add3A_113 = arith.constant 1 : i32
        %add3A_114 = arith.addi %add3A_88, %add3A_113 : i32
        %mul3A_115 = arith.constant 8 : i32
        %mul3A_116 = arith.muli %add3A, %mul3A_115 : i32
        %add3A_117 = arith.addi %mul3A_116, %add3A_114 : i32
        %mul3A_118 = arith.constant 1664 : i32
        %mul3A_119 = arith.muli %add3A_117, %mul3A_118 : i32
        %dma_wait3A_120 = arith.constant 0 : i32
        %dma_wait3A_121 = arith.constant 0 : i32
        %dma_wait3A_122 = tpu.memref_slice %arg7[%dma_wait3A_120, %dma_wait3A_121] : memref<2x1664xi32, #tpu.memory_space<vmem>> -> memref<1x1664xi32, #tpu.memory_space<vmem>>
        %dma_wait3A_123 = tpu.memref_squeeze %dma_wait3A_122 : memref<1x1664xi32, #tpu.memory_space<vmem>> -> memref<1664xi32, #tpu.memory_space<vmem>>
        %dma_wait3A_124 = tpu.memref_slice %arg2[%mul3A_119] : memref<425984xi32, #tpu.memory_space<hbm>> -> memref<1664xi32, #tpu.memory_space<hbm>>
        %dma_wait3A_125 = arith.constant 0 : i32
        %dma_wait3A_126 = tpu.memref_slice %arg7[%dma_wait3A_120, %dma_wait3A_125] : memref<2x1664xi32, #tpu.memory_space<vmem>> -> memref<1x1664xi32, #tpu.memory_space<vmem>>
        %dma_wait3A_127 = tpu.memref_squeeze %dma_wait3A_126 : memref<1x1664xi32, #tpu.memory_space<vmem>> -> memref<1664xi32, #tpu.memory_space<vmem>>
        %dma_wait3A_128 = tpu.memref_slice %arg2[%mul3A_119] : memref<425984xi32, #tpu.memory_space<hbm>> -> memref<1664xi32, #tpu.memory_space<hbm>>
        tpu.wait_dma2 semaphore(%arg13 : memref<!tpu.dma_semaphore, #tpu.memory_space<semaphore_mem>>) src(%dma_wait3A_128 : memref<1664xi32, #tpu.memory_space<hbm>>) dst(%dma_wait3A_127 : memref<1664xi32, #tpu.memory_space<vmem>>)
        %add3A_129 = arith.constant 1 : i32
        %add3A_130 = arith.addi %add3A_88, %add3A_129 : i32
        %scan3A_131 = arith.constant 0 : i32
        %scan3A_132 = arith.constant 13 : i32
        %scan3A_133 = arith.addi %scan3A_131, %scan3A_132 : i32
        %scan3A_134 = arith.constant 1 : i32
        scf.for %scan3A_136 = %scan3A_131 to %scan3A_133 step %scan3A_134  : i32 {
          %mul3A_137 = arith.constant 128 : i32
          %mul3A_138 = arith.muli %scan3A_136, %mul3A_137 : i32
          %mul3A_139 = arith.constant 128 : i32
          %mul3A_140 = arith.muli %scan3A_136, %mul3A_139 : i32
          %dma_start3A_141 = arith.constant 0 : i32
          %dma_start3A_142 = arith.constant 0 : i32
          %dma_start3A_143 = arith.constant 0 : i32
          %dma_start3A_144 = tpu.memref_slice %arg8[%dma_start3A_142, %mul3A_140, %dma_start3A_143] : memref<2x1664x32xf32, #tpu.memory_space<vmem>> -> memref<1x128x32xf32, #tpu.memory_space<vmem>>
          %dma_start3A_145 = tpu.memref_squeeze %dma_start3A_144 : memref<1x128x32xf32, #tpu.memory_space<vmem>> -> memref<128x32xf32, #tpu.memory_space<vmem>>
          %dma_start3A_146 = tpu.memref_slice %arg7[%dma_start3A_141, %mul3A_138] : memref<2x1664xi32, #tpu.memory_space<vmem>> -> memref<1x128xi32, #tpu.memory_space<vmem>>
          %dma_start3A_147 = tpu.memref_squeeze %dma_start3A_146 : memref<1x128xi32, #tpu.memory_space<vmem>> -> memref<128xi32, #tpu.memory_space<vmem>>
          %dma_start3A_148 = arith.constant 0 : i32
          %dma_start3A_149 = arith.constant 0 : i32
          %dma_start3A_150 = tpu.memref_slice %arg3[%dma_start3A_148, %dma_start3A_149] : memref<1000064x32xf32, #tpu.memory_space<hbm>> -> memref<1000064x32xf32, #tpu.memory_space<hbm>>
          tpu.enqueue_indirect_dma source(%dma_start3A_150 : memref<1000064x32xf32, #tpu.memory_space<hbm>>) target(%dma_start3A_145 : memref<128x32xf32, #tpu.memory_space<vmem>>) offsets(%dma_start3A_147 : memref<128xi32, #tpu.memory_space<vmem>>) semaphore(%arg12 : memref<!tpu.dma_semaphore, #tpu.memory_space<semaphore_mem>>)
          %mul3A_151 = arith.constant 128 : i32
          %mul3A_152 = arith.muli %scan3A_136, %mul3A_151 : i32
          %mul3A_153 = arith.constant 128 : i32
          %mul3A_154 = arith.muli %scan3A_136, %mul3A_153 : i32
          %dma_start3A_155 = arith.constant 0 : i32
          %dma_start3A_156 = arith.constant 0 : i32
          %dma_start3A_157 = tpu.memref_slice %arg9[%dma_start3A_156, %mul3A_154] : memref<2x1680xf32, #tpu.memory_space<vmem>> -> memref<1x128xf32, #tpu.memory_space<vmem>>
          %dma_start3A_158 = tpu.memref_squeeze %dma_start3A_157 : memref<1x128xf32, #tpu.memory_space<vmem>> -> memref<128xf32, #tpu.memory_space<vmem>>
          %dma_start3A_159 = tpu.memref_slice %arg7[%dma_start3A_155, %mul3A_152] : memref<2x1664xi32, #tpu.memory_space<vmem>> -> memref<1x128xi32, #tpu.memory_space<vmem>>
          %dma_start3A_160 = tpu.memref_squeeze %dma_start3A_159 : memref<1x128xi32, #tpu.memory_space<vmem>> -> memref<128xi32, #tpu.memory_space<vmem>>
          %dma_start3A_161 = arith.constant 0 : i32
          %dma_start3A_162 = tpu.memref_slice %arg4[%dma_start3A_161] : memref<1000001xf32, #tpu.memory_space<hbm>> -> memref<1000001xf32, #tpu.memory_space<hbm>>
          tpu.enqueue_indirect_dma source(%dma_start3A_162 : memref<1000001xf32, #tpu.memory_space<hbm>>) target(%dma_start3A_158 : memref<128xf32, #tpu.memory_space<vmem>>) offsets(%dma_start3A_160 : memref<128xi32, #tpu.memory_space<vmem>>) semaphore(%arg12 : memref<!tpu.dma_semaphore, #tpu.memory_space<semaphore_mem>>)
        }
        %scan3A_135 = arith.constant 13 : i32
      } else {
      }
      %scan3A_96 = arith.constant 0 : i32
      %scan3A_97 = arith.constant 13 : i32
      %scan3A_98 = arith.addi %scan3A_96, %scan3A_97 : i32
      %scan3A_99 = arith.constant 1 : i32
      scf.for %scan3A_113 = %scan3A_96 to %scan3A_98 step %scan3A_99  : i32 {
        %mul3A_114 = arith.constant 128 : i32
        %mul3A_115 = arith.muli %scan3A_113, %mul3A_114 : i32
        %mul3A_116 = arith.constant 128 : i32
        %mul3A_117 = arith.muli %scan3A_113, %mul3A_116 : i32
        %dma_wait3A_118 = arith.constant 1 : i32
        %dma_wait3A_119 = arith.constant 1 : i32
        %dma_wait3A_120 = arith.constant 0 : i32
        %dma_wait3A_121 = tpu.memref_slice %arg8[%dma_wait3A_119, %mul3A_117, %dma_wait3A_120] : memref<2x1664x32xf32, #tpu.memory_space<vmem>> -> memref<1x128x32xf32, #tpu.memory_space<vmem>>
        %dma_wait3A_122 = tpu.memref_squeeze %dma_wait3A_121 : memref<1x128x32xf32, #tpu.memory_space<vmem>> -> memref<128x32xf32, #tpu.memory_space<vmem>>
        %dma_wait3A_123 = tpu.memref_slice %arg7[%dma_wait3A_118, %mul3A_115] : memref<2x1664xi32, #tpu.memory_space<vmem>> -> memref<1x128xi32, #tpu.memory_space<vmem>>
        %dma_wait3A_124 = tpu.memref_squeeze %dma_wait3A_123 : memref<1x128xi32, #tpu.memory_space<vmem>> -> memref<128xi32, #tpu.memory_space<vmem>>
        %dma_wait3A_125 = arith.constant 0 : i32
        %dma_wait3A_126 = arith.constant 0 : i32
        %dma_wait3A_127 = tpu.memref_slice %arg3[%dma_wait3A_125, %dma_wait3A_126] : memref<1000064x32xf32, #tpu.memory_space<hbm>> -> memref<1000064x32xf32, #tpu.memory_space<hbm>>
        tpu.wait_indirect_dma semaphore(%arg12 : memref<!tpu.dma_semaphore, #tpu.memory_space<semaphore_mem>>) src(%dma_wait3A_127 : memref<1000064x32xf32, #tpu.memory_space<hbm>>) dst(%dma_wait3A_122 : memref<128x32xf32, #tpu.memory_space<vmem>>)
        %mul3A_128 = arith.constant 128 : i32
        %mul3A_129 = arith.muli %scan3A_113, %mul3A_128 : i32
        %mul3A_130 = arith.constant 128 : i32
        %mul3A_131 = arith.muli %scan3A_113, %mul3A_130 : i32
        %dma_wait3A_132 = arith.constant 1 : i32
        %dma_wait3A_133 = arith.constant 1 : i32
        %dma_wait3A_134 = tpu.memref_slice %arg9[%dma_wait3A_133, %mul3A_131] : memref<2x1680xf32, #tpu.memory_space<vmem>> -> memref<1x128xf32, #tpu.memory_space<vmem>>
        %dma_wait3A_135 = tpu.memref_squeeze %dma_wait3A_134 : memref<1x128xf32, #tpu.memory_space<vmem>> -> memref<128xf32, #tpu.memory_space<vmem>>
        %dma_wait3A_136 = tpu.memref_slice %arg7[%dma_wait3A_132, %mul3A_129] : memref<2x1664xi32, #tpu.memory_space<vmem>> -> memref<1x128xi32, #tpu.memory_space<vmem>>
        %dma_wait3A_137 = tpu.memref_squeeze %dma_wait3A_136 : memref<1x128xi32, #tpu.memory_space<vmem>> -> memref<128xi32, #tpu.memory_space<vmem>>
        %dma_wait3A_138 = arith.constant 0 : i32
        %dma_wait3A_139 = tpu.memref_slice %arg4[%dma_wait3A_138] : memref<1000001xf32, #tpu.memory_space<hbm>> -> memref<1000001xf32, #tpu.memory_space<hbm>>
        tpu.wait_indirect_dma semaphore(%arg12 : memref<!tpu.dma_semaphore, #tpu.memory_space<semaphore_mem>>) src(%dma_wait3A_139 : memref<1000001xf32, #tpu.memory_space<hbm>>) dst(%dma_wait3A_135 : memref<128xf32, #tpu.memory_space<vmem>>)
      }
      %scan3A_100 = arith.constant 13 : i32
      %add3A_101 = arith.constant 2 : i32
      %add3A_102 = arith.addi %add3A_88, %add3A_101 : i32
      %lt3A_103 = arith.constant 8 : i32
      %lt3A_104 = arith.cmpi slt, %add3A_102, %lt3A_103 : i32
      %convert_element_type3A_105 = arith.extui %lt3A_104 : i1 to i32
      %cond3A_106 = arith.constant 0 : i32
      %cond3A_107 = arith.cmpi ne, %convert_element_type3A_105, %cond3A_106 : i32
      scf.if %cond3A_107 {
        %add3A_113 = arith.constant 2 : i32
        %add3A_114 = arith.addi %add3A_88, %add3A_113 : i32
        %mul3A_115 = arith.constant 8 : i32
        %mul3A_116 = arith.muli %add3A, %mul3A_115 : i32
        %add3A_117 = arith.addi %mul3A_116, %add3A_114 : i32
        %mul3A_118 = arith.constant 1664 : i32
        %mul3A_119 = arith.muli %add3A_117, %mul3A_118 : i32
        %dma_start3A_120 = arith.constant 1 : i32
        %dma_start3A_121 = arith.constant 0 : i32
        %dma_start3A_122 = tpu.memref_slice %arg7[%dma_start3A_120, %dma_start3A_121] : memref<2x1664xi32, #tpu.memory_space<vmem>> -> memref<1x1664xi32, #tpu.memory_space<vmem>>
        %dma_start3A_123 = tpu.memref_squeeze %dma_start3A_122 : memref<1x1664xi32, #tpu.memory_space<vmem>> -> memref<1664xi32, #tpu.memory_space<vmem>>
        %dma_start3A_124 = tpu.memref_slice %arg2[%mul3A_119] : memref<425984xi32, #tpu.memory_space<hbm>> -> memref<1664xi32, #tpu.memory_space<hbm>>
        %dma_start3A_125 = arith.constant 0 : i32
        %dma_start3A_126 = tpu.memref_slice %arg7[%dma_start3A_120, %dma_start3A_125] : memref<2x1664xi32, #tpu.memory_space<vmem>> -> memref<1x1664xi32, #tpu.memory_space<vmem>>
        %dma_start3A_127 = tpu.memref_squeeze %dma_start3A_126 : memref<1x1664xi32, #tpu.memory_space<vmem>> -> memref<1664xi32, #tpu.memory_space<vmem>>
        %dma_start3A_128 = tpu.memref_slice %arg2[%mul3A_119] : memref<425984xi32, #tpu.memory_space<hbm>> -> memref<1664xi32, #tpu.memory_space<hbm>>
        tpu.enqueue_dma source(%dma_start3A_128 : memref<1664xi32, #tpu.memory_space<hbm>>) target(%dma_start3A_127 : memref<1664xi32, #tpu.memory_space<vmem>>) target_semaphore(%arg13 : memref<!tpu.dma_semaphore, #tpu.memory_space<semaphore_mem>>)
      } else {
      }
      %scan3A_108 = arith.constant 0 : i32
      %scan3A_109 = arith.constant 4 : i32
      %scan3A_110 = arith.addi %scan3A_108, %scan3A_109 : i32
      %scan3A_111 = arith.constant 1 : i32
      scf.for %scan3A_113 = %scan3A_108 to %scan3A_110 step %scan3A_111  : i32 {
        %broadcast_in_dim3A = arith.constant 0.000000e+00 : f32
        %broadcast_in_dim3A_114 = vector.broadcast %broadcast_in_dim3A : f32 to vector<16xf32>
        %scan3A_115 = arith.constant 0 : i32
        %scan3A_116 = arith.constant 16 : i32
        %scan3A_117 = arith.addi %scan3A_115, %scan3A_116 : i32
        %scan3A_118 = arith.constant 1 : i32
        %scan3A_119 = scf.for %scan3A_127 = %scan3A_115 to %scan3A_117 step %scan3A_118 iter_args(%scan3A_128 = %broadcast_in_dim3A_114) -> (vector<16xf32>)  : i32 {
          %mul3A_129 = arith.constant 16 : i32
          %mul3A_130 = arith.muli %scan3A_113, %mul3A_129 : i32
          %add3A_131 = arith.addi %mul3A_130, %scan3A_127 : i32
          %mul3A_132 = arith.constant 26 : i32
          %mul3A_133 = arith.muli %add3A_131, %mul3A_132 : i32
          %broadcast_in_dim3A_134 = arith.constant 0.000000e+00 : f32
          %broadcast_in_dim3A_135 = vector.broadcast %broadcast_in_dim3A_134 : f32 to vector<16xf32>
          %broadcast_in_dim3A_136 = arith.constant 0.000000e+00 : f32
          %broadcast_in_dim3A_137 = vector.broadcast %broadcast_in_dim3A_136 : f32 to vector<16xf32>
          %broadcast_in_dim3A_138 = arith.constant 0.000000e+00 : f32
          %broadcast_in_dim3A_139 = vector.broadcast %broadcast_in_dim3A_138 : f32 to vector<16xf32>
          %broadcast_in_dim3A_140 = arith.constant 0.000000e+00 : f32
          %broadcast_in_dim3A_141 = vector.broadcast %broadcast_in_dim3A_140 : f32 to vector<16xf32>
          %add3A_142 = arith.constant 0 : i32
          %add3A_143 = arith.addi %mul3A_133, %add3A_142 : i32
          %get3A_144 = arith.constant 1 : i32
          %get3A_145 = arith.index_cast %get3A_144 : i32 to index
          %get3A_146 = arith.index_cast %add3A_143 : i32 to index
          %get3A_147 = arith.constant 0 : index
          %get3A_148 = tpu.vector_load %arg8[%get3A_145, %get3A_146, %get3A_147] {strides = array<i32>} : memref<2x1664x32xf32, #tpu.memory_space<vmem>>, vector<16xf32>,
          %add3A_149 = arith.constant 0 : i32
          %add3A_150 = arith.addi %mul3A_133, %add3A_149 : i32
          %get3A_151 = arith.constant 1 : i32
          %get3A_152 = arith.index_cast %get3A_151 : i32 to index
          %get3A_153 = arith.index_cast %add3A_150 : i32 to index
          %get3A_154 = arith.constant 16 : index
          %get3A_155 = tpu.vector_load %arg8[%get3A_152, %get3A_153, %get3A_154] {strides = array<i32>} : memref<2x1664x32xf32, #tpu.memory_space<vmem>>, vector<16xf32>,
          %add3A_156 = arith.addf %broadcast_in_dim3A_135, %get3A_148 : vector<16xf32>
          %add3A_157 = arith.addf %broadcast_in_dim3A_137, %get3A_155 : vector<16xf32>
          %mul3A_158 = arith.mulf %get3A_148, %get3A_148 : vector<16xf32>
          %add3A_159 = arith.addf %broadcast_in_dim3A_139, %mul3A_158 : vector<16xf32>
          %mul3A_160 = arith.mulf %get3A_155, %get3A_155 : vector<16xf32>
          %add3A_161 = arith.addf %broadcast_in_dim3A_141, %mul3A_160 : vector<16xf32>
          %add3A_162 = arith.constant 1 : i32
          %add3A_163 = arith.addi %mul3A_133, %add3A_162 : i32
          %get3A_164 = arith.constant 1 : i32
          %get3A_165 = arith.index_cast %get3A_164 : i32 to index
          %get3A_166 = arith.index_cast %add3A_163 : i32 to index
          %get3A_167 = arith.constant 0 : index
          %get3A_168 = tpu.vector_load %arg8[%get3A_165, %get3A_166, %get3A_167] {strides = array<i32>} : memref<2x1664x32xf32, #tpu.memory_space<vmem>>, vector<16xf32>,
          %add3A_169 = arith.constant 1 : i32
          %add3A_170 = arith.addi %mul3A_133, %add3A_169 : i32
          %get3A_171 = arith.constant 1 : i32
          %get3A_172 = arith.index_cast %get3A_171 : i32 to index
          %get3A_173 = arith.index_cast %add3A_170 : i32 to index
          %get3A_174 = arith.constant 16 : index
          %get3A_175 = tpu.vector_load %arg8[%get3A_172, %get3A_173, %get3A_174] {strides = array<i32>} : memref<2x1664x32xf32, #tpu.memory_space<vmem>>, vector<16xf32>,
          %add3A_176 = arith.addf %add3A_156, %get3A_168 : vector<16xf32>
          %add3A_177 = arith.addf %add3A_157, %get3A_175 : vector<16xf32>
          %mul3A_178 = arith.mulf %get3A_168, %get3A_168 : vector<16xf32>
          %add3A_179 = arith.addf %add3A_159, %mul3A_178 : vector<16xf32>
          %mul3A_180 = arith.mulf %get3A_175, %get3A_175 : vector<16xf32>
          %add3A_181 = arith.addf %add3A_161, %mul3A_180 : vector<16xf32>
          %add3A_182 = arith.constant 2 : i32
          %add3A_183 = arith.addi %mul3A_133, %add3A_182 : i32
          %get3A_184 = arith.constant 1 : i32
          %get3A_185 = arith.index_cast %get3A_184 : i32 to index
          %get3A_186 = arith.index_cast %add3A_183 : i32 to index
          %get3A_187 = arith.constant 0 : index
          %get3A_188 = tpu.vector_load %arg8[%get3A_185, %get3A_186, %get3A_187] {strides = array<i32>} : memref<2x1664x32xf32, #tpu.memory_space<vmem>>, vector<16xf32>,
          %add3A_189 = arith.constant 2 : i32
          %add3A_190 = arith.addi %mul3A_133, %add3A_189 : i32
          %get3A_191 = arith.constant 1 : i32
          %get3A_192 = arith.index_cast %get3A_191 : i32 to index
          %get3A_193 = arith.index_cast %add3A_190 : i32 to index
          %get3A_194 = arith.constant 16 : index
          %get3A_195 = tpu.vector_load %arg8[%get3A_192, %get3A_193, %get3A_194] {strides = array<i32>} : memref<2x1664x32xf32, #tpu.memory_space<vmem>>, vector<16xf32>,
          %add3A_196 = arith.addf %add3A_176, %get3A_188 : vector<16xf32>
          %add3A_197 = arith.addf %add3A_177, %get3A_195 : vector<16xf32>
          %mul3A_198 = arith.mulf %get3A_188, %get3A_188 : vector<16xf32>
          %add3A_199 = arith.addf %add3A_179, %mul3A_198 : vector<16xf32>
          %mul3A_200 = arith.mulf %get3A_195, %get3A_195 : vector<16xf32>
          %add3A_201 = arith.addf %add3A_181, %mul3A_200 : vector<16xf32>
          %add3A_202 = arith.constant 3 : i32
          %add3A_203 = arith.addi %mul3A_133, %add3A_202 : i32
          %get3A_204 = arith.constant 1 : i32
          %get3A_205 = arith.index_cast %get3A_204 : i32 to index
          %get3A_206 = arith.index_cast %add3A_203 : i32 to index
          %get3A_207 = arith.constant 0 : index
          %get3A_208 = tpu.vector_load %arg8[%get3A_205, %get3A_206, %get3A_207] {strides = array<i32>} : memref<2x1664x32xf32, #tpu.memory_space<vmem>>, vector<16xf32>,
          %add3A_209 = arith.constant 3 : i32
          %add3A_210 = arith.addi %mul3A_133, %add3A_209 : i32
          %get3A_211 = arith.constant 1 : i32
          %get3A_212 = arith.index_cast %get3A_211 : i32 to index
          %get3A_213 = arith.index_cast %add3A_210 : i32 to index
          %get3A_214 = arith.constant 16 : index
          %get3A_215 = tpu.vector_load %arg8[%get3A_212, %get3A_213, %get3A_214] {strides = array<i32>} : memref<2x1664x32xf32, #tpu.memory_space<vmem>>, vector<16xf32>,
          %add3A_216 = arith.addf %add3A_196, %get3A_208 : vector<16xf32>
          %add3A_217 = arith.addf %add3A_197, %get3A_215 : vector<16xf32>
          %mul3A_218 = arith.mulf %get3A_208, %get3A_208 : vector<16xf32>
          %add3A_219 = arith.addf %add3A_199, %mul3A_218 : vector<16xf32>
          %mul3A_220 = arith.mulf %get3A_215, %get3A_215 : vector<16xf32>
          %add3A_221 = arith.addf %add3A_201, %mul3A_220 : vector<16xf32>
          %add3A_222 = arith.constant 4 : i32
          %add3A_223 = arith.addi %mul3A_133, %add3A_222 : i32
          %get3A_224 = arith.constant 1 : i32
          %get3A_225 = arith.index_cast %get3A_224 : i32 to index
          %get3A_226 = arith.index_cast %add3A_223 : i32 to index
          %get3A_227 = arith.constant 0 : index
          %get3A_228 = tpu.vector_load %arg8[%get3A_225, %get3A_226, %get3A_227] {strides = array<i32>} : memref<2x1664x32xf32, #tpu.memory_space<vmem>>, vector<16xf32>,
          %add3A_229 = arith.constant 4 : i32
          %add3A_230 = arith.addi %mul3A_133, %add3A_229 : i32
          %get3A_231 = arith.constant 1 : i32
          %get3A_232 = arith.index_cast %get3A_231 : i32 to index
          %get3A_233 = arith.index_cast %add3A_230 : i32 to index
          %get3A_234 = arith.constant 16 : index
          %get3A_235 = tpu.vector_load %arg8[%get3A_232, %get3A_233, %get3A_234] {strides = array<i32>} : memref<2x1664x32xf32, #tpu.memory_space<vmem>>, vector<16xf32>,
          %add3A_236 = arith.addf %add3A_216, %get3A_228 : vector<16xf32>
          %add3A_237 = arith.addf %add3A_217, %get3A_235 : vector<16xf32>
          %mul3A_238 = arith.mulf %get3A_228, %get3A_228 : vector<16xf32>
          %add3A_239 = arith.addf %add3A_219, %mul3A_238 : vector<16xf32>
          %mul3A_240 = arith.mulf %get3A_235, %get3A_235 : vector<16xf32>
          %add3A_241 = arith.addf %add3A_221, %mul3A_240 : vector<16xf32>
          %add3A_242 = arith.constant 5 : i32
          %add3A_243 = arith.addi %mul3A_133, %add3A_242 : i32
          %get3A_244 = arith.constant 1 : i32
          %get3A_245 = arith.index_cast %get3A_244 : i32 to index
          %get3A_246 = arith.index_cast %add3A_243 : i32 to index
          %get3A_247 = arith.constant 0 : index
          %get3A_248 = tpu.vector_load %arg8[%get3A_245, %get3A_246, %get3A_247] {strides = array<i32>} : memref<2x1664x32xf32, #tpu.memory_space<vmem>>, vector<16xf32>,
          %add3A_249 = arith.constant 5 : i32
          %add3A_250 = arith.addi %mul3A_133, %add3A_249 : i32
          %get3A_251 = arith.constant 1 : i32
          %get3A_252 = arith.index_cast %get3A_251 : i32 to index
          %get3A_253 = arith.index_cast %add3A_250 : i32 to index
          %get3A_254 = arith.constant 16 : index
          %get3A_255 = tpu.vector_load %arg8[%get3A_252, %get3A_253, %get3A_254] {strides = array<i32>} : memref<2x1664x32xf32, #tpu.memory_space<vmem>>, vector<16xf32>,
          %add3A_256 = arith.addf %add3A_236, %get3A_248 : vector<16xf32>
          %add3A_257 = arith.addf %add3A_237, %get3A_255 : vector<16xf32>
          %mul3A_258 = arith.mulf %get3A_248, %get3A_248 : vector<16xf32>
          %add3A_259 = arith.addf %add3A_239, %mul3A_258 : vector<16xf32>
          %mul3A_260 = arith.mulf %get3A_255, %get3A_255 : vector<16xf32>
          %add3A_261 = arith.addf %add3A_241, %mul3A_260 : vector<16xf32>
          %add3A_262 = arith.constant 6 : i32
          %add3A_263 = arith.addi %mul3A_133, %add3A_262 : i32
          %get3A_264 = arith.constant 1 : i32
          %get3A_265 = arith.index_cast %get3A_264 : i32 to index
          %get3A_266 = arith.index_cast %add3A_263 : i32 to index
          %get3A_267 = arith.constant 0 : index
          %get3A_268 = tpu.vector_load %arg8[%get3A_265, %get3A_266, %get3A_267] {strides = array<i32>} : memref<2x1664x32xf32, #tpu.memory_space<vmem>>, vector<16xf32>,
          %add3A_269 = arith.constant 6 : i32
          %add3A_270 = arith.addi %mul3A_133, %add3A_269 : i32
          %get3A_271 = arith.constant 1 : i32
          %get3A_272 = arith.index_cast %get3A_271 : i32 to index
          %get3A_273 = arith.index_cast %add3A_270 : i32 to index
          %get3A_274 = arith.constant 16 : index
          %get3A_275 = tpu.vector_load %arg8[%get3A_272, %get3A_273, %get3A_274] {strides = array<i32>} : memref<2x1664x32xf32, #tpu.memory_space<vmem>>, vector<16xf32>,
          %add3A_276 = arith.addf %add3A_256, %get3A_268 : vector<16xf32>
          %add3A_277 = arith.addf %add3A_257, %get3A_275 : vector<16xf32>
          %mul3A_278 = arith.mulf %get3A_268, %get3A_268 : vector<16xf32>
          %add3A_279 = arith.addf %add3A_259, %mul3A_278 : vector<16xf32>
          %mul3A_280 = arith.mulf %get3A_275, %get3A_275 : vector<16xf32>
          %add3A_281 = arith.addf %add3A_261, %mul3A_280 : vector<16xf32>
          %add3A_282 = arith.constant 7 : i32
          %add3A_283 = arith.addi %mul3A_133, %add3A_282 : i32
          %get3A_284 = arith.constant 1 : i32
          %get3A_285 = arith.index_cast %get3A_284 : i32 to index
          %get3A_286 = arith.index_cast %add3A_283 : i32 to index
          %get3A_287 = arith.constant 0 : index
          %get3A_288 = tpu.vector_load %arg8[%get3A_285, %get3A_286, %get3A_287] {strides = array<i32>} : memref<2x1664x32xf32, #tpu.memory_space<vmem>>, vector<16xf32>,
          %add3A_289 = arith.constant 7 : i32
          %add3A_290 = arith.addi %mul3A_133, %add3A_289 : i32
          %get3A_291 = arith.constant 1 : i32
          %get3A_292 = arith.index_cast %get3A_291 : i32 to index
          %get3A_293 = arith.index_cast %add3A_290 : i32 to index
          %get3A_294 = arith.constant 16 : index
          %get3A_295 = tpu.vector_load %arg8[%get3A_292, %get3A_293, %get3A_294] {strides = array<i32>} : memref<2x1664x32xf32, #tpu.memory_space<vmem>>, vector<16xf32>,
          %add3A_296 = arith.addf %add3A_276, %get3A_288 : vector<16xf32>
          %add3A_297 = arith.addf %add3A_277, %get3A_295 : vector<16xf32>
          %mul3A_298 = arith.mulf %get3A_288, %get3A_288 : vector<16xf32>
          %add3A_299 = arith.addf %add3A_279, %mul3A_298 : vector<16xf32>
          %mul3A_300 = arith.mulf %get3A_295, %get3A_295 : vector<16xf32>
          %add3A_301 = arith.addf %add3A_281, %mul3A_300 : vector<16xf32>
          %add3A_302 = arith.constant 8 : i32
          %add3A_303 = arith.addi %mul3A_133, %add3A_302 : i32
          %get3A_304 = arith.constant 1 : i32
          %get3A_305 = arith.index_cast %get3A_304 : i32 to index
          %get3A_306 = arith.index_cast %add3A_303 : i32 to index
          %get3A_307 = arith.constant 0 : index
          %get3A_308 = tpu.vector_load %arg8[%get3A_305, %get3A_306, %get3A_307] {strides = array<i32>} : memref<2x1664x32xf32, #tpu.memory_space<vmem>>, vector<16xf32>,
          %add3A_309 = arith.constant 8 : i32
          %add3A_310 = arith.addi %mul3A_133, %add3A_309 : i32
          %get3A_311 = arith.constant 1 : i32
          %get3A_312 = arith.index_cast %get3A_311 : i32 to index
          %get3A_313 = arith.index_cast %add3A_310 : i32 to index
          %get3A_314 = arith.constant 16 : index
          %get3A_315 = tpu.vector_load %arg8[%get3A_312, %get3A_313, %get3A_314] {strides = array<i32>} : memref<2x1664x32xf32, #tpu.memory_space<vmem>>, vector<16xf32>,
          %add3A_316 = arith.addf %add3A_296, %get3A_308 : vector<16xf32>
          %add3A_317 = arith.addf %add3A_297, %get3A_315 : vector<16xf32>
          %mul3A_318 = arith.mulf %get3A_308, %get3A_308 : vector<16xf32>
          %add3A_319 = arith.addf %add3A_299, %mul3A_318 : vector<16xf32>
          %mul3A_320 = arith.mulf %get3A_315, %get3A_315 : vector<16xf32>
          %add3A_321 = arith.addf %add3A_301, %mul3A_320 : vector<16xf32>
          %add3A_322 = arith.constant 9 : i32
          %add3A_323 = arith.addi %mul3A_133, %add3A_322 : i32
          %get3A_324 = arith.constant 1 : i32
          %get3A_325 = arith.index_cast %get3A_324 : i32 to index
          %get3A_326 = arith.index_cast %add3A_323 : i32 to index
          %get3A_327 = arith.constant 0 : index
          %get3A_328 = tpu.vector_load %arg8[%get3A_325, %get3A_326, %get3A_327] {strides = array<i32>} : memref<2x1664x32xf32, #tpu.memory_space<vmem>>, vector<16xf32>,
          %add3A_329 = arith.constant 9 : i32
          %add3A_330 = arith.addi %mul3A_133, %add3A_329 : i32
          %get3A_331 = arith.constant 1 : i32
          %get3A_332 = arith.index_cast %get3A_331 : i32 to index
          %get3A_333 = arith.index_cast %add3A_330 : i32 to index
          %get3A_334 = arith.constant 16 : index
          %get3A_335 = tpu.vector_load %arg8[%get3A_332, %get3A_333, %get3A_334] {strides = array<i32>} : memref<2x1664x32xf32, #tpu.memory_space<vmem>>, vector<16xf32>,
          %add3A_336 = arith.addf %add3A_316, %get3A_328 : vector<16xf32>
          %add3A_337 = arith.addf %add3A_317, %get3A_335 : vector<16xf32>
          %mul3A_338 = arith.mulf %get3A_328, %get3A_328 : vector<16xf32>
          %add3A_339 = arith.addf %add3A_319, %mul3A_338 : vector<16xf32>
          %mul3A_340 = arith.mulf %get3A_335, %get3A_335 : vector<16xf32>
          %add3A_341 = arith.addf %add3A_321, %mul3A_340 : vector<16xf32>
          %add3A_342 = arith.constant 10 : i32
          %add3A_343 = arith.addi %mul3A_133, %add3A_342 : i32
          %get3A_344 = arith.constant 1 : i32
          %get3A_345 = arith.index_cast %get3A_344 : i32 to index
          %get3A_346 = arith.index_cast %add3A_343 : i32 to index
          %get3A_347 = arith.constant 0 : index
          %get3A_348 = tpu.vector_load %arg8[%get3A_345, %get3A_346, %get3A_347] {strides = array<i32>} : memref<2x1664x32xf32, #tpu.memory_space<vmem>>, vector<16xf32>,
          %add3A_349 = arith.constant 10 : i32
          %add3A_350 = arith.addi %mul3A_133, %add3A_349 : i32
          %get3A_351 = arith.constant 1 : i32
          %get3A_352 = arith.index_cast %get3A_351 : i32 to index
          %get3A_353 = arith.index_cast %add3A_350 : i32 to index
          %get3A_354 = arith.constant 16 : index
          %get3A_355 = tpu.vector_load %arg8[%get3A_352, %get3A_353, %get3A_354] {strides = array<i32>} : memref<2x1664x32xf32, #tpu.memory_space<vmem>>, vector<16xf32>,
          %add3A_356 = arith.addf %add3A_336, %get3A_348 : vector<16xf32>
          %add3A_357 = arith.addf %add3A_337, %get3A_355 : vector<16xf32>
          %mul3A_358 = arith.mulf %get3A_348, %get3A_348 : vector<16xf32>
          %add3A_359 = arith.addf %add3A_339, %mul3A_358 : vector<16xf32>
          %mul3A_360 = arith.mulf %get3A_355, %get3A_355 : vector<16xf32>
          %add3A_361 = arith.addf %add3A_341, %mul3A_360 : vector<16xf32>
          %add3A_362 = arith.constant 11 : i32
          %add3A_363 = arith.addi %mul3A_133, %add3A_362 : i32
          %get3A_364 = arith.constant 1 : i32
          %get3A_365 = arith.index_cast %get3A_364 : i32 to index
          %get3A_366 = arith.index_cast %add3A_363 : i32 to index
          %get3A_367 = arith.constant 0 : index
          %get3A_368 = tpu.vector_load %arg8[%get3A_365, %get3A_366, %get3A_367] {strides = array<i32>} : memref<2x1664x32xf32, #tpu.memory_space<vmem>>, vector<16xf32>,
          %add3A_369 = arith.constant 11 : i32
          %add3A_370 = arith.addi %mul3A_133, %add3A_369 : i32
          %get3A_371 = arith.constant 1 : i32
          %get3A_372 = arith.index_cast %get3A_371 : i32 to index
          %get3A_373 = arith.index_cast %add3A_370 : i32 to index
          %get3A_374 = arith.constant 16 : index
          %get3A_375 = tpu.vector_load %arg8[%get3A_372, %get3A_373, %get3A_374] {strides = array<i32>} : memref<2x1664x32xf32, #tpu.memory_space<vmem>>, vector<16xf32>,
          %add3A_376 = arith.addf %add3A_356, %get3A_368 : vector<16xf32>
          %add3A_377 = arith.addf %add3A_357, %get3A_375 : vector<16xf32>
          %mul3A_378 = arith.mulf %get3A_368, %get3A_368 : vector<16xf32>
          %add3A_379 = arith.addf %add3A_359, %mul3A_378 : vector<16xf32>
          %mul3A_380 = arith.mulf %get3A_375, %get3A_375 : vector<16xf32>
          %add3A_381 = arith.addf %add3A_361, %mul3A_380 : vector<16xf32>
          %add3A_382 = arith.constant 12 : i32
          %add3A_383 = arith.addi %mul3A_133, %add3A_382 : i32
          %get3A_384 = arith.constant 1 : i32
          %get3A_385 = arith.index_cast %get3A_384 : i32 to index
          %get3A_386 = arith.index_cast %add3A_383 : i32 to index
          %get3A_387 = arith.constant 0 : index
          %get3A_388 = tpu.vector_load %arg8[%get3A_385, %get3A_386, %get3A_387] {strides = array<i32>} : memref<2x1664x32xf32, #tpu.memory_space<vmem>>, vector<16xf32>,
          %add3A_389 = arith.constant 12 : i32
          %add3A_390 = arith.addi %mul3A_133, %add3A_389 : i32
          %get3A_391 = arith.constant 1 : i32
          %get3A_392 = arith.index_cast %get3A_391 : i32 to index
          %get3A_393 = arith.index_cast %add3A_390 : i32 to index
          %get3A_394 = arith.constant 16 : index
          %get3A_395 = tpu.vector_load %arg8[%get3A_392, %get3A_393, %get3A_394] {strides = array<i32>} : memref<2x1664x32xf32, #tpu.memory_space<vmem>>, vector<16xf32>,
          %add3A_396 = arith.addf %add3A_376, %get3A_388 : vector<16xf32>
          %add3A_397 = arith.addf %add3A_377, %get3A_395 : vector<16xf32>
          %mul3A_398 = arith.mulf %get3A_388, %get3A_388 : vector<16xf32>
          %add3A_399 = arith.addf %add3A_379, %mul3A_398 : vector<16xf32>
          %mul3A_400 = arith.mulf %get3A_395, %get3A_395 : vector<16xf32>
          %add3A_401 = arith.addf %add3A_381, %mul3A_400 : vector<16xf32>
          %add3A_402 = arith.constant 13 : i32
          %add3A_403 = arith.addi %mul3A_133, %add3A_402 : i32
          %get3A_404 = arith.constant 1 : i32
          %get3A_405 = arith.index_cast %get3A_404 : i32 to index
          %get3A_406 = arith.index_cast %add3A_403 : i32 to index
          %get3A_407 = arith.constant 0 : index
          %get3A_408 = tpu.vector_load %arg8[%get3A_405, %get3A_406, %get3A_407] {strides = array<i32>} : memref<2x1664x32xf32, #tpu.memory_space<vmem>>, vector<16xf32>,
          %add3A_409 = arith.constant 13 : i32
          %add3A_410 = arith.addi %mul3A_133, %add3A_409 : i32
          %get3A_411 = arith.constant 1 : i32
          %get3A_412 = arith.index_cast %get3A_411 : i32 to index
          %get3A_413 = arith.index_cast %add3A_410 : i32 to index
          %get3A_414 = arith.constant 16 : index
          %get3A_415 = tpu.vector_load %arg8[%get3A_412, %get3A_413, %get3A_414] {strides = array<i32>} : memref<2x1664x32xf32, #tpu.memory_space<vmem>>, vector<16xf32>,
          %add3A_416 = arith.addf %add3A_396, %get3A_408 : vector<16xf32>
          %add3A_417 = arith.addf %add3A_397, %get3A_415 : vector<16xf32>
          %mul3A_418 = arith.mulf %get3A_408, %get3A_408 : vector<16xf32>
          %add3A_419 = arith.addf %add3A_399, %mul3A_418 : vector<16xf32>
          %mul3A_420 = arith.mulf %get3A_415, %get3A_415 : vector<16xf32>
          %add3A_421 = arith.addf %add3A_401, %mul3A_420 : vector<16xf32>
          %add3A_422 = arith.constant 14 : i32
          %add3A_423 = arith.addi %mul3A_133, %add3A_422 : i32
          %get3A_424 = arith.constant 1 : i32
          %get3A_425 = arith.index_cast %get3A_424 : i32 to index
          %get3A_426 = arith.index_cast %add3A_423 : i32 to index
          %get3A_427 = arith.constant 0 : index
          %get3A_428 = tpu.vector_load %arg8[%get3A_425, %get3A_426, %get3A_427] {strides = array<i32>} : memref<2x1664x32xf32, #tpu.memory_space<vmem>>, vector<16xf32>,
          %add3A_429 = arith.constant 14 : i32
          %add3A_430 = arith.addi %mul3A_133, %add3A_429 : i32
          %get3A_431 = arith.constant 1 : i32
          %get3A_432 = arith.index_cast %get3A_431 : i32 to index
          %get3A_433 = arith.index_cast %add3A_430 : i32 to index
          %get3A_434 = arith.constant 16 : index
          %get3A_435 = tpu.vector_load %arg8[%get3A_432, %get3A_433, %get3A_434] {strides = array<i32>} : memref<2x1664x32xf32, #tpu.memory_space<vmem>>, vector<16xf32>,
          %add3A_436 = arith.addf %add3A_416, %get3A_428 : vector<16xf32>
          %add3A_437 = arith.addf %add3A_417, %get3A_435 : vector<16xf32>
          %mul3A_438 = arith.mulf %get3A_428, %get3A_428 : vector<16xf32>
          %add3A_439 = arith.addf %add3A_419, %mul3A_438 : vector<16xf32>
          %mul3A_440 = arith.mulf %get3A_435, %get3A_435 : vector<16xf32>
          %add3A_441 = arith.addf %add3A_421, %mul3A_440 : vector<16xf32>
          %add3A_442 = arith.constant 15 : i32
          %add3A_443 = arith.addi %mul3A_133, %add3A_442 : i32
          %get3A_444 = arith.constant 1 : i32
          %get3A_445 = arith.index_cast %get3A_444 : i32 to index
          %get3A_446 = arith.index_cast %add3A_443 : i32 to index
          %get3A_447 = arith.constant 0 : index
          %get3A_448 = tpu.vector_load %arg8[%get3A_445, %get3A_446, %get3A_447] {strides = array<i32>} : memref<2x1664x32xf32, #tpu.memory_space<vmem>>, vector<16xf32>,
          %add3A_449 = arith.constant 15 : i32
          %add3A_450 = arith.addi %mul3A_133, %add3A_449 : i32
          %get3A_451 = arith.constant 1 : i32
          %get3A_452 = arith.index_cast %get3A_451 : i32 to index
          %get3A_453 = arith.index_cast %add3A_450 : i32 to index
          %get3A_454 = arith.constant 16 : index
          %get3A_455 = tpu.vector_load %arg8[%get3A_452, %get3A_453, %get3A_454] {strides = array<i32>} : memref<2x1664x32xf32, #tpu.memory_space<vmem>>, vector<16xf32>,
          %add3A_456 = arith.addf %add3A_436, %get3A_448 : vector<16xf32>
          %add3A_457 = arith.addf %add3A_437, %get3A_455 : vector<16xf32>
          %mul3A_458 = arith.mulf %get3A_448, %get3A_448 : vector<16xf32>
          %add3A_459 = arith.addf %add3A_439, %mul3A_458 : vector<16xf32>
          %mul3A_460 = arith.mulf %get3A_455, %get3A_455 : vector<16xf32>
          %add3A_461 = arith.addf %add3A_441, %mul3A_460 : vector<16xf32>
          %add3A_462 = arith.constant 16 : i32
          %add3A_463 = arith.addi %mul3A_133, %add3A_462 : i32
          %get3A_464 = arith.constant 1 : i32
          %get3A_465 = arith.index_cast %get3A_464 : i32 to index
          %get3A_466 = arith.index_cast %add3A_463 : i32 to index
          %get3A_467 = arith.constant 0 : index
          %get3A_468 = tpu.vector_load %arg8[%get3A_465, %get3A_466, %get3A_467] {strides = array<i32>} : memref<2x1664x32xf32, #tpu.memory_space<vmem>>, vector<16xf32>,
          %add3A_469 = arith.constant 16 : i32
          %add3A_470 = arith.addi %mul3A_133, %add3A_469 : i32
          %get3A_471 = arith.constant 1 : i32
          %get3A_472 = arith.index_cast %get3A_471 : i32 to index
          %get3A_473 = arith.index_cast %add3A_470 : i32 to index
          %get3A_474 = arith.constant 16 : index
          %get3A_475 = tpu.vector_load %arg8[%get3A_472, %get3A_473, %get3A_474] {strides = array<i32>} : memref<2x1664x32xf32, #tpu.memory_space<vmem>>, vector<16xf32>,
          %add3A_476 = arith.addf %add3A_456, %get3A_468 : vector<16xf32>
          %add3A_477 = arith.addf %add3A_457, %get3A_475 : vector<16xf32>
          %mul3A_478 = arith.mulf %get3A_468, %get3A_468 : vector<16xf32>
          %add3A_479 = arith.addf %add3A_459, %mul3A_478 : vector<16xf32>
          %mul3A_480 = arith.mulf %get3A_475, %get3A_475 : vector<16xf32>
          %add3A_481 = arith.addf %add3A_461, %mul3A_480 : vector<16xf32>
          %add3A_482 = arith.constant 17 : i32
          %add3A_483 = arith.addi %mul3A_133, %add3A_482 : i32
          %get3A_484 = arith.constant 1 : i32
          %get3A_485 = arith.index_cast %get3A_484 : i32 to index
          %get3A_486 = arith.index_cast %add3A_483 : i32 to index
          %get3A_487 = arith.constant 0 : index
          %get3A_488 = tpu.vector_load %arg8[%get3A_485, %get3A_486, %get3A_487] {strides = array<i32>} : memref<2x1664x32xf32, #tpu.memory_space<vmem>>, vector<16xf32>,
          %add3A_489 = arith.constant 17 : i32
          %add3A_490 = arith.addi %mul3A_133, %add3A_489 : i32
          %get3A_491 = arith.constant 1 : i32
          %get3A_492 = arith.index_cast %get3A_491 : i32 to index
          %get3A_493 = arith.index_cast %add3A_490 : i32 to index
          %get3A_494 = arith.constant 16 : index
          %get3A_495 = tpu.vector_load %arg8[%get3A_492, %get3A_493, %get3A_494] {strides = array<i32>} : memref<2x1664x32xf32, #tpu.memory_space<vmem>>, vector<16xf32>,
          %add3A_496 = arith.addf %add3A_476, %get3A_488 : vector<16xf32>
          %add3A_497 = arith.addf %add3A_477, %get3A_495 : vector<16xf32>
          %mul3A_498 = arith.mulf %get3A_488, %get3A_488 : vector<16xf32>
          %add3A_499 = arith.addf %add3A_479, %mul3A_498 : vector<16xf32>
          %mul3A_500 = arith.mulf %get3A_495, %get3A_495 : vector<16xf32>
          %add3A_501 = arith.addf %add3A_481, %mul3A_500 : vector<16xf32>
          %add3A_502 = arith.constant 18 : i32
          %add3A_503 = arith.addi %mul3A_133, %add3A_502 : i32
          %get3A_504 = arith.constant 1 : i32
          %get3A_505 = arith.index_cast %get3A_504 : i32 to index
          %get3A_506 = arith.index_cast %add3A_503 : i32 to index
          %get3A_507 = arith.constant 0 : index
          %get3A_508 = tpu.vector_load %arg8[%get3A_505, %get3A_506, %get3A_507] {strides = array<i32>} : memref<2x1664x32xf32, #tpu.memory_space<vmem>>, vector<16xf32>,
          %add3A_509 = arith.constant 18 : i32
          %add3A_510 = arith.addi %mul3A_133, %add3A_509 : i32
          %get3A_511 = arith.constant 1 : i32
          %get3A_512 = arith.index_cast %get3A_511 : i32 to index
          %get3A_513 = arith.index_cast %add3A_510 : i32 to index
          %get3A_514 = arith.constant 16 : index
          %get3A_515 = tpu.vector_load %arg8[%get3A_512, %get3A_513, %get3A_514] {strides = array<i32>} : memref<2x1664x32xf32, #tpu.memory_space<vmem>>, vector<16xf32>,
          %add3A_516 = arith.addf %add3A_496, %get3A_508 : vector<16xf32>
          %add3A_517 = arith.addf %add3A_497, %get3A_515 : vector<16xf32>
          %mul3A_518 = arith.mulf %get3A_508, %get3A_508 : vector<16xf32>
          %add3A_519 = arith.addf %add3A_499, %mul3A_518 : vector<16xf32>
          %mul3A_520 = arith.mulf %get3A_515, %get3A_515 : vector<16xf32>
          %add3A_521 = arith.addf %add3A_501, %mul3A_520 : vector<16xf32>
          %add3A_522 = arith.constant 19 : i32
          %add3A_523 = arith.addi %mul3A_133, %add3A_522 : i32
          %get3A_524 = arith.constant 1 : i32
          %get3A_525 = arith.index_cast %get3A_524 : i32 to index
          %get3A_526 = arith.index_cast %add3A_523 : i32 to index
          %get3A_527 = arith.constant 0 : index
          %get3A_528 = tpu.vector_load %arg8[%get3A_525, %get3A_526, %get3A_527] {strides = array<i32>} : memref<2x1664x32xf32, #tpu.memory_space<vmem>>, vector<16xf32>,
          %add3A_529 = arith.constant 19 : i32
          %add3A_530 = arith.addi %mul3A_133, %add3A_529 : i32
          %get3A_531 = arith.constant 1 : i32
          %get3A_532 = arith.index_cast %get3A_531 : i32 to index
          %get3A_533 = arith.index_cast %add3A_530 : i32 to index
          %get3A_534 = arith.constant 16 : index
          %get3A_535 = tpu.vector_load %arg8[%get3A_532, %get3A_533, %get3A_534] {strides = array<i32>} : memref<2x1664x32xf32, #tpu.memory_space<vmem>>, vector<16xf32>,
          %add3A_536 = arith.addf %add3A_516, %get3A_528 : vector<16xf32>
          %add3A_537 = arith.addf %add3A_517, %get3A_535 : vector<16xf32>
          %mul3A_538 = arith.mulf %get3A_528, %get3A_528 : vector<16xf32>
          %add3A_539 = arith.addf %add3A_519, %mul3A_538 : vector<16xf32>
          %mul3A_540 = arith.mulf %get3A_535, %get3A_535 : vector<16xf32>
          %add3A_541 = arith.addf %add3A_521, %mul3A_540 : vector<16xf32>
          %add3A_542 = arith.constant 20 : i32
          %add3A_543 = arith.addi %mul3A_133, %add3A_542 : i32
          %get3A_544 = arith.constant 1 : i32
          %get3A_545 = arith.index_cast %get3A_544 : i32 to index
          %get3A_546 = arith.index_cast %add3A_543 : i32 to index
          %get3A_547 = arith.constant 0 : index
          %get3A_548 = tpu.vector_load %arg8[%get3A_545, %get3A_546, %get3A_547] {strides = array<i32>} : memref<2x1664x32xf32, #tpu.memory_space<vmem>>, vector<16xf32>,
          %add3A_549 = arith.constant 20 : i32
          %add3A_550 = arith.addi %mul3A_133, %add3A_549 : i32
          %get3A_551 = arith.constant 1 : i32
          %get3A_552 = arith.index_cast %get3A_551 : i32 to index
          %get3A_553 = arith.index_cast %add3A_550 : i32 to index
          %get3A_554 = arith.constant 16 : index
          %get3A_555 = tpu.vector_load %arg8[%get3A_552, %get3A_553, %get3A_554] {strides = array<i32>} : memref<2x1664x32xf32, #tpu.memory_space<vmem>>, vector<16xf32>,
          %add3A_556 = arith.addf %add3A_536, %get3A_548 : vector<16xf32>
          %add3A_557 = arith.addf %add3A_537, %get3A_555 : vector<16xf32>
          %mul3A_558 = arith.mulf %get3A_548, %get3A_548 : vector<16xf32>
          %add3A_559 = arith.addf %add3A_539, %mul3A_558 : vector<16xf32>
          %mul3A_560 = arith.mulf %get3A_555, %get3A_555 : vector<16xf32>
          %add3A_561 = arith.addf %add3A_541, %mul3A_560 : vector<16xf32>
          %add3A_562 = arith.constant 21 : i32
          %add3A_563 = arith.addi %mul3A_133, %add3A_562 : i32
          %get3A_564 = arith.constant 1 : i32
          %get3A_565 = arith.index_cast %get3A_564 : i32 to index
          %get3A_566 = arith.index_cast %add3A_563 : i32 to index
          %get3A_567 = arith.constant 0 : index
          %get3A_568 = tpu.vector_load %arg8[%get3A_565, %get3A_566, %get3A_567] {strides = array<i32>} : memref<2x1664x32xf32, #tpu.memory_space<vmem>>, vector<16xf32>,
          %add3A_569 = arith.constant 21 : i32
          %add3A_570 = arith.addi %mul3A_133, %add3A_569 : i32
          %get3A_571 = arith.constant 1 : i32
          %get3A_572 = arith.index_cast %get3A_571 : i32 to index
          %get3A_573 = arith.index_cast %add3A_570 : i32 to index
          %get3A_574 = arith.constant 16 : index
          %get3A_575 = tpu.vector_load %arg8[%get3A_572, %get3A_573, %get3A_574] {strides = array<i32>} : memref<2x1664x32xf32, #tpu.memory_space<vmem>>, vector<16xf32>,
          %add3A_576 = arith.addf %add3A_556, %get3A_568 : vector<16xf32>
          %add3A_577 = arith.addf %add3A_557, %get3A_575 : vector<16xf32>
          %mul3A_578 = arith.mulf %get3A_568, %get3A_568 : vector<16xf32>
          %add3A_579 = arith.addf %add3A_559, %mul3A_578 : vector<16xf32>
          %mul3A_580 = arith.mulf %get3A_575, %get3A_575 : vector<16xf32>
          %add3A_581 = arith.addf %add3A_561, %mul3A_580 : vector<16xf32>
          %add3A_582 = arith.constant 22 : i32
          %add3A_583 = arith.addi %mul3A_133, %add3A_582 : i32
          %get3A_584 = arith.constant 1 : i32
          %get3A_585 = arith.index_cast %get3A_584 : i32 to index
          %get3A_586 = arith.index_cast %add3A_583 : i32 to index
          %get3A_587 = arith.constant 0 : index
          %get3A_588 = tpu.vector_load %arg8[%get3A_585, %get3A_586, %get3A_587] {strides = array<i32>} : memref<2x1664x32xf32, #tpu.memory_space<vmem>>, vector<16xf32>,
          %add3A_589 = arith.constant 22 : i32
          %add3A_590 = arith.addi %mul3A_133, %add3A_589 : i32
          %get3A_591 = arith.constant 1 : i32
          %get3A_592 = arith.index_cast %get3A_591 : i32 to index
          %get3A_593 = arith.index_cast %add3A_590 : i32 to index
          %get3A_594 = arith.constant 16 : index
          %get3A_595 = tpu.vector_load %arg8[%get3A_592, %get3A_593, %get3A_594] {strides = array<i32>} : memref<2x1664x32xf32, #tpu.memory_space<vmem>>, vector<16xf32>,
          %add3A_596 = arith.addf %add3A_576, %get3A_588 : vector<16xf32>
          %add3A_597 = arith.addf %add3A_577, %get3A_595 : vector<16xf32>
          %mul3A_598 = arith.mulf %get3A_588, %get3A_588 : vector<16xf32>
          %add3A_599 = arith.addf %add3A_579, %mul3A_598 : vector<16xf32>
          %mul3A_600 = arith.mulf %get3A_595, %get3A_595 : vector<16xf32>
          %add3A_601 = arith.addf %add3A_581, %mul3A_600 : vector<16xf32>
          %add3A_602 = arith.constant 23 : i32
          %add3A_603 = arith.addi %mul3A_133, %add3A_602 : i32
          %get3A_604 = arith.constant 1 : i32
          %get3A_605 = arith.index_cast %get3A_604 : i32 to index
          %get3A_606 = arith.index_cast %add3A_603 : i32 to index
          %get3A_607 = arith.constant 0 : index
          %get3A_608 = tpu.vector_load %arg8[%get3A_605, %get3A_606, %get3A_607] {strides = array<i32>} : memref<2x1664x32xf32, #tpu.memory_space<vmem>>, vector<16xf32>,
          %add3A_609 = arith.constant 23 : i32
          %add3A_610 = arith.addi %mul3A_133, %add3A_609 : i32
          %get3A_611 = arith.constant 1 : i32
          %get3A_612 = arith.index_cast %get3A_611 : i32 to index
          %get3A_613 = arith.index_cast %add3A_610 : i32 to index
          %get3A_614 = arith.constant 16 : index
          %get3A_615 = tpu.vector_load %arg8[%get3A_612, %get3A_613, %get3A_614] {strides = array<i32>} : memref<2x1664x32xf32, #tpu.memory_space<vmem>>, vector<16xf32>,
          %add3A_616 = arith.addf %add3A_596, %get3A_608 : vector<16xf32>
          %add3A_617 = arith.addf %add3A_597, %get3A_615 : vector<16xf32>
          %mul3A_618 = arith.mulf %get3A_608, %get3A_608 : vector<16xf32>
          %add3A_619 = arith.addf %add3A_599, %mul3A_618 : vector<16xf32>
          %mul3A_620 = arith.mulf %get3A_615, %get3A_615 : vector<16xf32>
          %add3A_621 = arith.addf %add3A_601, %mul3A_620 : vector<16xf32>
          %add3A_622 = arith.constant 24 : i32
          %add3A_623 = arith.addi %mul3A_133, %add3A_622 : i32
          %get3A_624 = arith.constant 1 : i32
          %get3A_625 = arith.index_cast %get3A_624 : i32 to index
          %get3A_626 = arith.index_cast %add3A_623 : i32 to index
          %get3A_627 = arith.constant 0 : index
          %get3A_628 = tpu.vector_load %arg8[%get3A_625, %get3A_626, %get3A_627] {strides = array<i32>} : memref<2x1664x32xf32, #tpu.memory_space<vmem>>, vector<16xf32>,
          %add3A_629 = arith.constant 24 : i32
          %add3A_630 = arith.addi %mul3A_133, %add3A_629 : i32
          %get3A_631 = arith.constant 1 : i32
          %get3A_632 = arith.index_cast %get3A_631 : i32 to index
          %get3A_633 = arith.index_cast %add3A_630 : i32 to index
          %get3A_634 = arith.constant 16 : index
          %get3A_635 = tpu.vector_load %arg8[%get3A_632, %get3A_633, %get3A_634] {strides = array<i32>} : memref<2x1664x32xf32, #tpu.memory_space<vmem>>, vector<16xf32>,
          %add3A_636 = arith.addf %add3A_616, %get3A_628 : vector<16xf32>
          %add3A_637 = arith.addf %add3A_617, %get3A_635 : vector<16xf32>
          %mul3A_638 = arith.mulf %get3A_628, %get3A_628 : vector<16xf32>
          %add3A_639 = arith.addf %add3A_619, %mul3A_638 : vector<16xf32>
          %mul3A_640 = arith.mulf %get3A_635, %get3A_635 : vector<16xf32>
          %add3A_641 = arith.addf %add3A_621, %mul3A_640 : vector<16xf32>
          %add3A_642 = arith.constant 25 : i32
          %add3A_643 = arith.addi %mul3A_133, %add3A_642 : i32
          %get3A_644 = arith.constant 1 : i32
          %get3A_645 = arith.index_cast %get3A_644 : i32 to index
          %get3A_646 = arith.index_cast %add3A_643 : i32 to index
          %get3A_647 = arith.constant 0 : index
          %get3A_648 = tpu.vector_load %arg8[%get3A_645, %get3A_646, %get3A_647] {strides = array<i32>} : memref<2x1664x32xf32, #tpu.memory_space<vmem>>, vector<16xf32>,
          %add3A_649 = arith.constant 25 : i32
          %add3A_650 = arith.addi %mul3A_133, %add3A_649 : i32
          %get3A_651 = arith.constant 1 : i32
          %get3A_652 = arith.index_cast %get3A_651 : i32 to index
          %get3A_653 = arith.index_cast %add3A_650 : i32 to index
          %get3A_654 = arith.constant 16 : index
          %get3A_655 = tpu.vector_load %arg8[%get3A_652, %get3A_653, %get3A_654] {strides = array<i32>} : memref<2x1664x32xf32, #tpu.memory_space<vmem>>, vector<16xf32>,
          %add3A_656 = arith.addf %add3A_636, %get3A_648 : vector<16xf32>
          %add3A_657 = arith.addf %add3A_637, %get3A_655 : vector<16xf32>
          %mul3A_658 = arith.mulf %get3A_648, %get3A_648 : vector<16xf32>
          %add3A_659 = arith.addf %add3A_639, %mul3A_658 : vector<16xf32>
          %mul3A_660 = arith.mulf %get3A_655, %get3A_655 : vector<16xf32>
          %add3A_661 = arith.addf %add3A_641, %mul3A_660 : vector<16xf32>
          %get3A_662 = arith.constant 1 : i32
          %get3A_663 = arith.index_cast %get3A_662 : i32 to index
          %get3A_664 = arith.index_cast %mul3A_133 : i32 to index
          %get3A_665 = tpu.vector_load %arg9[%get3A_663, %get3A_664] {strides = array<i32>} : memref<2x1680xf32, #tpu.memory_space<vmem>>, vector<16xf32>,
          %add3A_666 = arith.constant 16 : i32
          %add3A_667 = arith.addi %mul3A_133, %add3A_666 : i32
          %get3A_668 = arith.constant 1 : i32
          %get3A_669 = arith.index_cast %get3A_668 : i32 to index
          %get3A_670 = arith.index_cast %add3A_667 : i32 to index
          %get3A_671 = tpu.vector_load %arg9[%get3A_669, %get3A_670] {strides = array<i32>} : memref<2x1680xf32, #tpu.memory_space<vmem>>, vector<16xf32>,
          %jit3A = arith.constant 0.000000e+00 : f32
          %broadcast_in_dim3A_672 = vector.broadcast %jit3A : f32 to vector<16xf32>
          %select_n3A = arith.select %lt3A_3, %get3A_671, %broadcast_in_dim3A_672 : vector<16xi1>, vector<16xf32>
          %add3A_673 = arith.addf %get3A_665, %select_n3A : vector<16xf32>
          %reduce_sum3A = arith.constant true
          %reduce_sum3A_674 = vector.broadcast %reduce_sum3A : i1 to vector<16xi1>
          %reduce_sum3A_675 = tpu.scan <sum>, %add3A_673 masked %reduce_sum3A_674 : vector<16xf32>, vector<16xi1> -> vector<16xf32>
          %reduce_sum3A_676 = vector.extract %reduce_sum3A_675[15] : f32 from vector<16xf32>
          %mul3A_677 = arith.mulf %add3A_656, %add3A_656 : vector<16xf32>
          %mul3A_678 = arith.mulf %add3A_657, %add3A_657 : vector<16xf32>
          %add3A_679 = arith.addf %mul3A_677, %mul3A_678 : vector<16xf32>
          %reduce_sum3A_680 = arith.constant true
          %reduce_sum3A_681 = vector.broadcast %reduce_sum3A_680 : i1 to vector<16xi1>
          %reduce_sum3A_682 = tpu.scan <sum>, %add3A_679 masked %reduce_sum3A_681 : vector<16xf32>, vector<16xi1> -> vector<16xf32>
          %reduce_sum3A_683 = vector.extract %reduce_sum3A_682[15] : f32 from vector<16xf32>
          %add3A_684 = arith.addf %add3A_659, %add3A_661 : vector<16xf32>
          %reduce_sum3A_685 = arith.constant true
          %reduce_sum3A_686 = vector.broadcast %reduce_sum3A_685 : i1 to vector<16xi1>
          %reduce_sum3A_687 = tpu.scan <sum>, %add3A_684 masked %reduce_sum3A_686 : vector<16xf32>, vector<16xi1> -> vector<16xf32>
          %reduce_sum3A_688 = vector.extract %reduce_sum3A_687[15] : f32 from vector<16xf32>
          %sub3A = arith.subf %reduce_sum3A_683, %reduce_sum3A_688 : f32
          %mul3A_689 = arith.constant 5.000000e-01 : f32
          %mul3A_690 = arith.mulf %mul3A_689, %sub3A : f32
          %add3A_691 = arith.addf %mul3A_690, %reduce_sum3A_676 : f32
          %add3A_692 = arith.addf %add3A_691, %squeeze3A : f32
          %eq3A = vector.broadcast %scan3A_127 : i32 to vector<16xi32>
          %eq3A_693 = arith.cmpi eq, %iota3A, %eq3A : vector<16xi32>
          %broadcast_in_dim3A_694 = vector.broadcast %add3A_692 : f32 to vector<16xf32>
          %select_n3A_695 = arith.select %eq3A_693, %broadcast_in_dim3A_694, %scan3A_128 : vector<16xi1>, vector<16xf32>
          scf.yield %select_n3A_695 : vector<16xf32>
        }
        %scan3A_120 = arith.constant 16 : i32
        %mul3A_121 = arith.constant 64 : i32
        %mul3A_122 = arith.muli %add3A_88, %mul3A_121 : i32
        %mul3A_123 = arith.constant 16 : i32
        %mul3A_124 = arith.muli %scan3A_113, %mul3A_123 : i32
        %add3A_125 = arith.addi %mul3A_122, %mul3A_124 : i32
        %swap3A = arith.index_cast %add3A_125 : i32 to index
        %swap3A_126 = tpu.vector_load %arg10[%swap3A] {strides = array<i32>} : memref<512xf32, #tpu.memory_space<vmem>>, vector<16xf32>,
        tpu.vector_store %arg10[%swap3A], %scan3A_119 {strides = array<i32>} : memref<512xf32, #tpu.memory_space<vmem>>, vector<16xf32>,
      }
      %scan3A_112 = arith.constant 4 : i32
    }
    %scan3A_55 = arith.constant 4 : i32
    %mul3A_56 = arith.constant 512 : i32
    %mul3A_57 = arith.muli %add3A, %mul3A_56 : i32
    "tpu.region"() ({
      %run_scoped3A = tpu.sem_alloc : memref<!tpu.dma_semaphore, #tpu.memory_space<semaphore_mem>>
      %dma_start3A_58 = tpu.memref_slice %arg6[%mul3A_57] : memref<16384xf32, #tpu.memory_space<hbm>> -> memref<512xf32, #tpu.memory_space<hbm>>
      %dma_start3A_59 = tpu.memref_slice %arg6[%mul3A_57] : memref<16384xf32, #tpu.memory_space<hbm>> -> memref<512xf32, #tpu.memory_space<hbm>>
      tpu.enqueue_dma source(%arg10 : memref<512xf32, #tpu.memory_space<vmem>>) target(%dma_start3A_59 : memref<512xf32, #tpu.memory_space<hbm>>) target_semaphore(%run_scoped3A : memref<!tpu.dma_semaphore, #tpu.memory_space<semaphore_mem>>)
      %dma_wait3A_60 = tpu.memref_slice %arg6[%mul3A_57] : memref<16384xf32, #tpu.memory_space<hbm>> -> memref<512xf32, #tpu.memory_space<hbm>>
      %dma_wait3A_61 = tpu.memref_slice %arg6[%mul3A_57] : memref<16384xf32, #tpu.memory_space<hbm>> -> memref<512xf32, #tpu.memory_space<hbm>>
      tpu.wait_dma2 semaphore(%run_scoped3A : memref<!tpu.dma_semaphore, #tpu.memory_space<semaphore_mem>>) src(%arg10 : memref<512xf32, #tpu.memory_space<vmem>>) dst(%dma_wait3A_61 : memref<512xf32, #tpu.memory_space<hbm>>)
      tpu.yield
    }) : () -> ()
    return
  }
}

</mosaic_0001>

<sc_bundles>
// kernel: kernel.4.cloned.1.call-start
scs
__scs_entry_jumppad:
0x0: {  	(pc) =	sbr.rel $0x88, $3  }
0x1: {  	(tag) =	ssettag $0x0;
	lr =	simm.s32 $0x1  }
0x2: {  	[smem:$0x3F9D] =	sst lr;
	_ =	strace $0xD0000000  }
0x3: {  	_ = 	snop  }
0x4: {  	_ = 	snop  }
0x5: {  	_ = 	snop  }
0x6: {  	_ = 	snop  }
0x7: {  	_ = 	snop  }
__scs_overlays_trampoline_lowered:
0x8: {  	[smem:$0x3FAC] =	sst s0  }
0x9: {  	[smem:$0x3FAD] =	sst s1  }
0xa: {  	[smem:$0x3FAE] =	sst s2  }
0xb: {  	[smem:$0x3FAF] =	sst s3  }
0xc: {  	[smem:$0x3FB0] =	sst s4  }
0xd: {  	[smem:$0x3FB1] =	sst s5  }
0xe: {  	[smem:$0x3FB2] =	sst s6  }
0xf: {  	[smem:$0x3FB3] =	sst s7  }
0x10: {  	[smem:$0x3FB4] =	sst s8  }
0x11: {  	[smem:$0x3FB5] =	sst s9;
	s0 =	simm.s32 @!p0 $0x0  }
0x12: {  	s1 =	sld [smem:$0x3F9B];
	s0 =	simm.s32 @p0 $0x1  }
0x13: {  	[smem:$0x3FB6] =	sst s0;
	s0 =	simm.s32 @!p1 $0x0  }
0x14: {  	s2 =	sld [smem:$0x3F9A];
	s0 =	simm.s32 @p1 $0x1  }
0x15: {  	[smem:$0x3FB7] =	sst s0;
	s0 =	simm.s32 @!p2 $0x0  }
0x16: {  	s3 =	sld [smem:$0x3FDB];
	s0 =	simm.s32 @p2 $0x1  }
0x17: {  	s4 =	simm.s32 $0x1BF5;
	[smem:$0x3FB9] =	sst s0  }
0x18: {  	s0 =	sld [smem:$0x3F9C];
	_ =	swait.ge [sflag:s4], $0x0  }
0x19: {  	s7 =	sld [smem:$0x3F9D]  }
0x1a: {  	s8 =	sadd.s32 $0xFFFFE003, lr  }
0x1b: {  	s9 =	sadd.s32 $0xFFFFFEF7, lr;
	s5 =	simm.s32 $0xFFFFFFFF;
	p2 =	slt.u32 s8, $0xFFFFF086  }
0x1c: {  	p1 =	slt.u32 s9, $0xF7A;
	s5 =	simm.s32 @!p2 $0x0  }
0x1d: {  	s5 =	simm.s32 @p1 $0x1;
	p0 =	seq.s32 s7, s2  }
0x1e: {  	s7 =	smul.u32 @!p0 $0xF7A, s2;
	p2 =	seq.s32 @!p0 s5, $0x0  }
0x1f: {  	s9 =	smul.u32 $0xF7A, s1;
	s8 =	simm.s32 @!p0 $0x1BF5;
	p2 =	por !p2, p0  }
0x20: {  	[sflag:s8] =	ssyncset.s32 @!p0 $0xFFFFF086;
	s6 =	sadd.s32 @!p0 s3, s7;
	s7 =	simm.s32 @!p0 $0x108  }
0x21: {  	s3 =	sadd.s32 s3, s9;
	s6 =	sadd.s32 @!p0 $0x88, s6;
	s7 =	simm.s32 @p2 $0x1082  }
0x22: {  	[simem:s7], [sflag:s8] =	dma.local @!p0 [hbm:s6], $0xF7A  }
0x23: {  	s9 =	sor.u32 $0xD0000000, s2;
	s6 =	simm.s32 $0x108;
	_ =	swait.ge @!p0 [sflag:s8], $0x0  }
0x24: {  	s3 =	sadd.s32 $0x88, s3;
	s6 =	simm.s32 @!p1 $0x1082;
	[sflag:s4] =	ssyncset.s32 $0xFFFFF086  }
0x25: {  	[simem:s6], [sflag:s4] =	dma.local [hbm:s3], $0xF7A  }
0x26: {  	[smem:$0x3F9D] =	sst s1;
	(tag) =	ssettag s2;
	_ =	strace s9  }
0x27: {  	s1 =	sld [smem:$0x3FAD]  }
0x28: {  	s2 =	sld [smem:$0x3FAE]  }
0x29: {  	s4 =	sld [smem:$0x3FB0]  }
0x2a: {  	p0 =	seq.s32 s5, $0x0;
	s5 =	sld [smem:$0x3FB1]  }
0x2b: {  	s6 =	sld [smem:$0x3FB2]  }
0x2c: {  	s7 =	sld [smem:$0x3FB3]  }
0x2d: {  	s3 =	simm.s32 $0x108;
	s8 =	sld [smem:$0x3FB4]  }
0x2e: {  	s3 =	simm.s32 @!p0 $0x1082;
	s9 =	sld [smem:$0x3FB5]  }
0x2f: {  	lr =	sadd.s32 s0, s3;
	s0 =	sld [smem:$0x3FAC]  }
0x30: {  	s3 =	sld [smem:$0x3FAF]  }
0x31: {  	[smem:$0x3FB8] =	sst s10  }
0x32: {  	s10 =	sld [smem:$0x3FB6];
	_ =	sdelay $0x3  }
0x33: {  	p0 =	seq.s32 s10, $0x1;
	s10 =	sld [smem:$0x3FB8];
	_ =	sdelay $0x3  }
0x34: {  	[smem:$0x3FB8] =	sst s10  }
0x35: {  	s10 =	sld [smem:$0x3FB7];
	_ =	sdelay $0x3  }
0x36: {  	p1 =	seq.s32 s10, $0x1;
	s10 =	sld [smem:$0x3FB8];
	_ =	sdelay $0x3  }
0x37: {  	[smem:$0x3FB8] =	sst s10  }
0x38: {  	s10 =	sld [smem:$0x3FB9]  }
0x39: {  	_ = 	snop;
	(pc) =	sbr.ind lr, $3  }
0x3a: {  	_ = 	snop  }
0x3b: {  	_ = 	snop  }
0x3c: {  	p2 =	seq.s32 s10, $0x1;
	s10 =	sld [smem:$0x3FB8]  }
0x3d: {  	_ =	shalt  }
0x3e: {  	_ =	shalt  }
0x3f: {  	_ =	shalt  }
0x40: {  	_ =	shalt  }
0x41: {  	_ =	shalt  }
0x42: {  	_ =	shalt  }
0x43: {  	_ =	shalt  }
0x44: {  	_ =	shalt  }
0x45: {  	_ =	shalt  }
0x46: {  	_ =	shalt  }
0x47: {  	_ =	shalt  }
0x48: {  	_ =	shalt  }
0x49: {  	_ =	shalt  }
0x4a: {  	_ =	shalt  }
0x4b: {  	_ =	shalt  }
0x4c: {  	_ =	shalt  }
0x4d: {  	_ =	shalt  }
0x4e: {  	_ =	shalt  }
0x4f: {  	_ =	shalt  }
0x50: {  	_ =	shalt  }
0x51: {  	_ =	shalt  }
0x52: {  	_ =	shalt  }
0x53: {  	_ =	shalt  }
0x54: {  	_ =	shalt  }
0x55: {  	_ =	shalt  }
0x56: {  	_ =	shalt  }
0x57: {  	_ =	shalt  }
0x58: {  	_ =	shalt  }
0x59: {  	_ =	shalt  }
0x5a: {  	_ =	shalt  }
0x5b: {  	_ =	shalt  }
0x5c: {  	_ =	shalt  }
0x5d: {  	_ =	shalt  }
0x5e: {  	_ =	shalt  }
0x5f: {  	_ =	shalt  }
0x60: {  	_ =	shalt  }
0x61: {  	_ =	shalt  }
0x62: {  	_ =	shalt  }
0x63: {  	_ =	shalt  }
0x64: {  	_ =	shalt  }
0x65: {  	_ =	shalt  }
0x66: {  	_ =	shalt  }
0x67: {  	_ =	shalt  }
0x68: {  	_ =	shalt  }
0x69: {  	_ =	shalt  }
0x6a: {  	_ =	shalt  }
0x6b: {  	_ =	shalt  }
0x6c: {  	_ =	shalt  }
0x6d: {  	_ =	shalt  }
0x6e: {  	_ =	shalt  }
0x6f: {  	_ =	shalt  }
0x70: {  	_ =	shalt  }
0x71: {  	_ =	shalt  }
0x72: {  	_ =	shalt  }
0x73: {  	_ =	shalt  }
0x74: {  	_ =	shalt  }
0x75: {  	_ =	shalt  }
0x76: {  	_ =	shalt  }
0x77: {  	_ =	shalt  }
0x78: {  	_ =	shalt  }
0x79: {  	_ =	shalt  }
0x7a: {  	_ =	shalt  }
0x7b: {  	_ =	shalt  }
0x7c: {  	_ =	shalt  }
0x7d: {  	_ =	shalt  }
0x7e: {  	_ =	shalt  }
0x7f: {  	_ =	shalt  }
0x80: {  	_ =	shalt  }
0x81: {  	_ =	shalt  }
0x82: {  	_ =	shalt  }
0x83: {  	_ =	shalt  }
0x84: {  	_ =	shalt  }
0x85: {  	_ =	shalt  }
0x86: {  	_ =	shalt  }
0x87: {  	_ =	shalt  }
.Lfunc_end0:
.L_simem_size_0:
called_computation_lowered:
.L_overlay_start_0:
0x88: {  	s2 =	sld [smem:$0x3FD9]  }
0x89: {  	s3 =	sld [smem:$0x3FFE];
	_ =	sdelay $0x1  }
0x8a: {  	s1 =	srdreg.scid  }
0x8b: {  	s0 =	sand.u32 $0x1, s1  }
0x8c: {  	s17 =	sshll.u32 s0, $0xA;
	s2 =	sadd.s32 s3, s2  }
0x8d: {  	s2 =	sadd.s32 s2, s17  }
0x8e: {  	[smem:$0x3FC4] =	sst s2  }
0x8f: {  	_ = 	snop  }
0x90: {  	s2 =	sld [smem:$0x3FC8]  }
0x91: {  	s18 =	sld [smem:$0x3FD0];
	(tm) =	ssettm $0x1  }
0x92: {  	s4 =	sld [smem:$0x3FFB];
	_ =	sdelay $0x3  }
0x93: {  	_ =	strace s4  }
0x94: {  	s4 =	sld [smem:$0x3FFC];
	_ =	sdelay $0x3  }
0x95: {  	_ =	strace s4  }
0x96: {  	s4 =	sld [smem:$0x3FFD];
	_ =	sdelay $0x3  }
0x97: {  	_ =	strace s4  }
0x98: {  	_ =	strace $0x8FFFFFFF  }
0x99: {  	s19 =	sld [smem:$0x3FDB];
	_ =	sdelay $0x1  }
0x9a: {  	s5 =	simm.s32 $_scs_section_size  }
0x9b: {  	s6 =	simm.s32 $_size__tile_overlayer_lowered;
	s7 =	simm.s32 $_tile_overlayer_lowered  }
0x9c: {  	s22 =	simm.s32 $0x1BFF;
	s21 =	sshll.u32 s7, $0x1;
	s4 =	sadd.s32 s5, s19  }
0x9d: {  	s8 =	simm.s32 $0x0;
	s20 =	sshll.u32 s6, $0x1;
	s6 =	sadd.s32 s21, s4  }
0x9e: {  	[timem:s8], [sflag:s22] =	dma.local [hbm:s6], s20  }
0x9f: {  	_ =	swait.ge [sflag:s22], s20  }
0xa0: {  	s5 =	ssub.s32 $0x0, s20;
	[sflag:s22] =	ssyncset.done $0x0  }
0xa1: {  	[sflag:s22] =	ssyncadd.s32 s5;
	_ =	sdelay $0x1  }
0xa2: {  	s23 =	simm.s32 $0x1B8B  }
0xa3: {  	_ =	swait.ge [sflag:s23], $0x1  }
0xa4: {  	[sflag:s23] =	ssyncset.done $0x0  }
0xa5: {  	s25 =	simm.s32 $0x1B8E;
	s24 =	sld [smem:$0x3FFE];
	[sflag:s23] =	ssyncadd.s32 $0xFFFFFFFF  }
0xa6: {  	s26 =	simm.s32 $execute0_lowered;
	[smem:$0x3FD2] =	sst s25  }
0xa7: {  	s6 =	sshll.u32 s26, $0x1;
	_ =	strace $0x80000046;
	[dreg:$0x1] =	wrdreg $0xFFFFFFFF  }
0xa8: {  	s28 =	simm.s32 $_size_execute0_lowered;
	s4 =	sadd.s32 s4, s6;
	[dreg:$0x0] =	wrdreg $0x0  }
0xa9: {  	s6 =	sshll.u32 s28, $0x1;
	[dreg:$0x2] =	wrdreg s4  }
0xaa: {  	[dreg:$0x3] =	wrdreg s6  }
0xab: {  	[dreg:$0x4] =	wrdreg $0xC0  }
0xac: {  	_ =	task [dreg:s8], $0x5FFFF  }
0xad: {  	[dreg:$0x1] =	wrdreg $0xFFFFFFFF  }
0xae: {  	[dreg:$0x0] =	wrdreg $0x60  }
0xaf: {  	[dreg:$0x2] =	wrdreg s2  }
0xb0: {  	[dreg:$0x3] =	wrdreg s18  }
0xb1: {  	[dreg:$0x4] =	wrdreg s24  }
0xb2: {  	[dreg:$0x5] =	wrdreg $0x9  }
0xb3: {  	_ =	task.clear_ibuf [dreg:s8], $0x6FFFF;
	_ =	strace $0x90000046  }
0xb4: {  	s29 =	simm.s32 $0x9;
	_ =	strace $0x80000048  }
0xb5: {  	_ =	swait.ge [sflag:s29], $0x1  }
0xb6: {  	[sflag:s29] =	ssyncadd.s32 $0xFFFFFFFF  }
0xb7: {  	_ =	strace $0x90000048  }
0xb8: {  	_ =	sfence  }
0xb9: {  	s30 =	sld [smem:$0x0];
	_ =	sdelay $0x2  }
0xba: {  	s31 =	sshll.u32 s1, $0xD;
	s1 =	sshrl.u32 s1, $0x2  }
0xbb: {  	s3 =	sand.u32 $0x4000, s31;
	s1 =	sadd.s32 s1, s30  }
0xbc: {  	s0 =	sor.u32 s3, s0;
	s1 =	sshll.u32 s1, $0x11  }
0xbd: {  	s0 =	sor.u32 s1, s0  }
0xbe: {  	s0 =	sadd.s32 $0x8F2B, s0  }
0xbf: {  	[sflag:s0] =	ssyncadd.remote.s32 $0x1  }
0xc0: {  	_ =	sfence.sel $0xFFFF  }
0xc1: {  	[dreg:$0x0] =	wrdreg $0xFFFFFFFF;
	(pc) =	sbr.abs _section_cstart, $3  }
0xc2: {  	[dreg:$0x1] =	wrdreg $0xFFFFFFFF  }
0xc3: {  	_ =	task.clear_ibuf [dreg:s8], $0x2FFFF;
	_ =	strace $0x9FFFFFFF  }
0xc4: {  	(tm) =	ssettm $0x7FFFFFFF  }
0xc5: {  	_ =	shalt  }
tec
execute0_lowered:
.L_overlay_start_1:
0x0: {  	(tag) =	ssettag $0x1  }
0x1: {  	v0 =	vimm.s32 $0x1380;
	vm0 =	vcmask $0x300;
	vm11 =	vcmask $0x704  }
0x2: {  	vm10 =	vcmask $0xB08;
	vm9 =	vcmask $0xF0C;
	vm8 =	vcmask $0x1310  }
0x3: {  	vm7 =	vcmask $0x1714;
	vm6 =	vcmask $0x1B18;
	v0 =	vsel vm0, $0x0, v0  }
0x4: {  	vm5 =	vcmask $0x1F1C;
	vm4 =	vcmask $0x2320;
	v0 =	vsel vm11, $0x80, v0  }
0x5: {  	vm3 =	vcmask $0x2724;
	vm2 =	vcmask $0x2B28;
	v0 =	vsel vm10, $0x100, v0  }
0x6: {  	v2 =	vimm.s32 $0x3380;
	vm1 =	vcmask $0x2F2C;
	v0 =	vsel vm9, $0x180, v0  }
0x7: {  	vm12 =	vcmask $0x3330;
	v3 =	vimm.s32 $0x6B4A2908;
	v0 =	vsel vm8, $0x200, v0  }
0x8: {  	v4 =	vimm.s32 $0x6F4E2D0C;
	v5 =	vimm.s32 $0x63422100;
	v0 =	vsel vm7, $0x280, v0  }
0x9: {  	s3 =	rddreg [dreg:$0x0];
	v6 =	vimm.s32 $0x67462504;
	vm13 =	vcmask $0x1F10;
	v0 =	vsel vm6, $0x300, v0  }
0xa: {  	s1 =	rddreg [dreg:$0x2];
	vm14 =	vcmask $0x3734;
	v2 =	vsel vm0, $0x2000, v2;
	v1 =	vsel vm5, $0x380, v0  }
0xb: {  	s2 =	simm.s32 $0x0;
	s5 =	srdreg.scid;
	s0 =	stileid.u32;
	v3 =	vunpack.c.0.s8.s32 v3;
	v2 =	vsel vm11, $0x2080, v2;
	v1 =	vsel vm4, $0x1000, v1  }
0xc: {  	s15 =	simm.s32 $0x7A1400;
	s17 =	simm.s32 $0x1000;
	s18 =	simm.s32 $0x4000;
	v4 =	vunpack.c.0.s8.s32 v4;
	v2 =	vsel vm10, $0x2100, v2;
	v1 =	vsel vm3, $0x1080, v1  }
0xd: {  	s19 =	simm.s32 $0x1;
	s20 =	simm.s32 $0x8000;
	s21 =	simm.s32 $0xC000;
	v5 =	vunpack.c.0.s8.s32 v5;
	v2 =	vsel vm9, $0x2180, v2;
	v1 =	vsel vm2, $0x1100, v1  }
0xe: {  	s22 =	simm.s32 $0x2;
	s23 =	simm.s32 $0x10000;
	s28 =	simm.s32 $0x10C00;
	v6 =	vunpack.c.0.s8.s32 v6;
	v2 =	vsel vm8, $0x2200, v2;
	v1 =	vsel vm1, $0x1180, v1  }
0xf: {  	vm15 =	vcmask $0x3B38;
	[smem:$0x7FF] =	sst s2;
	s4 =	sadd.s32 $0x800, s1;
	s13 =	sor.u32 $0x1E80, s0;
	v2 =	vsel vm7, $0x2280, v2;
	v7 =	vsel vm12, $0x1200, v1  }
0x10: {  	s7 =	sadd.s32 $0x4000, s3;
	s14 =	sadd.s32 $0x3D1000, s1;
	_ =	strace $0x80000047;
	v1 =	vsel vm6, $0x2300, v2;
	v2 =	vsel vm13, v4, v3;
	v3 =	vsel vm13, v6, v5  }
0x11: {  	s24 =	simm.s32 $0x3;
	s29 =	simm.s32 $0x0;
	s5 =	sand.u32 $0x1, s5;
	v4 =	vimm.s32 $0x7B5A3918;
	v5 =	vimm.s32 $0x7F5E3D1C;
	v1 =	vsel vm5, $0x2380, v1  }
0x12: {  	s9 =	ssub.s32 $0x2, s5;
	s5 =	sshll.u32 s5, $0x4;
	s6 =	sshll.u32 s13, $0x7;
	v4 =	vunpack.c.0.s8.s32 v4;
	v5 =	vunpack.c.0.s8.s32 v5;
	v1 =	vsel vm4, $0x3000, v1  }
0x13: {  	s31 =	sshll.u32 s13, $0x9;
	s10 =	sshrl.u32 s9, $0x1;
	s5 =	sor.u32 s0, s5;
	v6 =	vsel vm3, $0x3080, v1;
	v1 =	vcombine.low v3, v2;
	v3 =	vimm.s32 $0x73523110  }
.Ltmp0:
0x14: {  	s6 =	sadd.s32 s3, s6;
	s13 =	sadd.s32 s4, s31;
	v4 =	vsel vm13, v5, v4;
	v5 =	vimm.s32 $0x77563514;
	v2 =	vsel vm2, $0x3100, v6;
	(pc) =	sbr.rel .LBB2_1-.Ltmp0, $4  }
0x15: {  	s11 =	sshll.u32 s5, $0x9;
	s8 =	sshll.u32 s5, $0xB;
	s16 =	ssub.s32 s9, s10;
	v3 =	vunpack.c.0.s8.s32 v3;
	v5 =	vunpack.c.0.s8.s32 v5;
	v2 =	vsel vm1, $0x3180, v2  }
0x16: {  	p0 =	sgt.u32 s5, $0x3;
	p1 =	sne.s32 s5, $0x4;
	s12 =	sadd.s32 s8, s4;
	v0 =	vlaneseq.u32;
	v6 =	vsel vm14, $0x1280, v7;
	v7 =	vsel vm12, $0x3200, v2  }
0x17: {  	s8 =	sadd.s32 $0x1E8500, s6;
	s9 =	sadd.s32 s3, s11;
	s11 =	sadd.s32 $0xF4280, s6;
	v2 =	vsel vm15, $0x1300, v6;
	v5 =	vsel vm13, v5, v3;
	v6 =	vsel vm14, $0x3280, v7  }
0x18: {  	s16 =	smax.u32 s16, $0x1;
	s10 =	sadd.s32 $0x3C0000, s12;
	s12 =	sadd.s32 $0x2DC780, s6;
	v4 =	vcombine.low v5, v4;
	v5 =	vor.u32 $0x10, v0;
	v3 =	vsel vm15, $0x3300, v6  }
.LBB2_13:
0x19: {  	s0 =	simm.s32 @!p1 $0x0;
	s1 =	simm.s32 @!p1 $0x11000;
	s3 =	rddreg [dreg:$0x1]  }
0x1a: {  	[tilespmem:s1], [sflag:$0x3] =	stream.linear.gather @!p1 [hbm4b:s3+s0], $0xC00, $0x38;
	[tilespmem:$0x11C00] =	vst v63  }
0x1b: {  	s3 =	simm.s32 @!p1 $0x3  }
0x1c: {  	_ =	swait.ge @!p1 [sflag:s3], $0xC00  }
0x1d: {  	[sflag:s3] =	ssyncset.done @!p1 $0x0  }
0x1e: {  	[sflag:s3] =	ssyncadd.s32 @!p1 $0xFFFFF400  }
0x1f: {  	[hbm4b:s14+s0] =	stream.linear.scatter @!p1 [tilespmem:s1], [sflag:$0x3], $0xC00, $0x38;
	[tilespmem:$0x11C00] =	vst v63  }
0x20: {  	_ =	swait.ge @!p1 [sflag:s3], $0xC00  }
0x21: {  	[sflag:s3] =	ssyncset.done @!p1 $0x0  }
0x22: {  	[sflag:s3] =	ssyncadd.s32 @!p1 $0xFFFFF400  }
.LBB2_14:
0x23: {  	s29 =	sadd.s32 $0x1, s29  }
0x24: {  	p2 =	sne.s32 s29, s16  }
.Ltmp1:
0x25: {  	_ = 	snop;
	(pc) =	sbr.rel @!p2 .LBB2_15-.Ltmp1, $1  }
0x26: {  	_ =	sdelay $0x3  }
.LBB2_1:
0x27: {  	[tilespmem:s2], [sflag:$0x1] =	stream.strided.gather [hbm4b:s9+s17], $0x4000, s15, s17, $0x38;
	[tilespmem:$0x11C00] =	vst v63  }
0x28: {  	s30 =	simm.s32 $0x0  }
.LBB2_2:
0x29: {  	s1 =	simm.s32 $0x0;
	s0 =	simm.s32 $0x1  }
0x2a: {  	s3 =	simm.s32 $0x2;
	s25 =	simm.s32 $0x5;
	s26 =	simm.s32 $0x7;
	v7 =	vadd.s32 s1, v0;
	v8 =	vadd.s32 s0, v0  }
0x2b: {  	v9 =	vadd.s32 s3, v0;
	s3 =	simm.s32 $0x4;
	v13 =	vadd.s32 s25, v0;
	v14 =	vadd.s32 s26, v0  }
0x2c: {  	s0 =	simm.s32 $0x3;
	v6 =	vshll.u32 v7, $0x5;
	v10 =	vadd.s32 s3, v0;
	v11 =	vshll.u32 v8, $0x3  }
0x2d: {  	v16 =	vand.u32 $0x7F, v7;
	v15 =	vadd.s32 s0, v0;
	v17 =	vshll.u32 v14, $0x3  }
0x2e: {  	v18 =	vshll.u32 v9, $0x5;
	v19 =	vand.u32 $0x7F, v14;
	v7 =	vshll.u32 v7, $0x3  }
0x2f: {  	s26 =	simm.s32 $0x6;
	v14 =	vshll.u32 v14, $0x5;
	v23 =	vand.u32 $0x7F, v13;
	v24 =	vand.u32 $0x7F, v8  }
0x30: {  	v25 =	vshll.u32 v13, $0x3;
	v27 =	vadd.s32 s26, v0;
	v12 =	vand.u32 $0x3F80, v6  }
0x31: {  	v17 =	vand.u32 $0xC00, v17;
	v20 =	vshll.u32 v15, $0x5;
	v22 =	vand.u32 $0x7F, v10  }
0x32: {  	v28 =	vand.u32 $0x3FE0, v14;
	v14 =	vand.u32 $0xC00, v7;
	v7 =	vshll.u32 v9, $0x3  }
0x33: {  	v18 =	vand.u32 $0x3FE0, v18;
	v9 =	vand.u32 $0x7F, v9;
	v11 =	vand.u32 $0xC00, v11  }
0x34: {  	v30 =	vshll.u32 v27, $0x3;
	v6 =	vor.u32 v4, v12;
	v19 =	vor.u32 v19, v17  }
0x35: {  	s25 =	sshll.u32 s30, $0x6;
	v17 =	vshll.u32 v10, $0x5;
	v10 =	vshll.u32 v10, $0x3;
	v7 =	vand.u32 $0xC00, v7  }
0x36: {  	s31 =	sor.u32 s5, s25;
	v31 =	vor.u32 v24, v11;
	v11 =	vshll.u32 v27, $0x5;
	v24 =	vand.u32 $0xC00, v30  }
0x37: {  	s1 =	sshll.u32 s31, $0x9;
	v35 =	vor.u32 v16, v14;
	v36 =	vand.u32 $0x3FE0, v20;
	v20 =	vshll.u32 v8, $0x5  }
0x38: {  	s1 =	sadd.s32 s1, s7;
	v41 =	vor.u32 v0, v28;
	v30 =	vor.u32 v1, v12;
	v21 =	vor.u32 v2, v19  }
0x39: {  	v10 =	vand.u32 $0xC00, v10;
	[tilespmem:s18], [sflag:$0x1] =	stream.strided.gather [hbm4b:s1+s17], $0x4000, s15, s17, $0x38;
	v7 =	vor.u32 v9, v7;
	v9 =	vshll.u32 v15, $0x3;
	[tilespmem:$0x11C00] =	vst v63  }
0x3a: {  	v15 =	vand.u32 $0x7F, v15;
	v10 =	vor.u32 v22, v10;
	_ =	swait.ge [sflag:s19], $0x4000;
	v9 =	vand.u32 $0xC00, v9  }
0x3b: {  	p2 =	seq.s32 s30, $0x0;
	v33 =	vor.u32 v2, v31;
	v26 =	vor.u32 v2, v10;
	[sflag:s19] =	ssyncset.done $0x0;
	v29 =	vor.u32 v15, v9  }
0x3c: {  	s1 =	simm.s32 @!p2 $0x2;
	v34 =	vand.u32 $0x3F80, v17;
	v9 =	vand.u32 $0xC00, v25;
	[sflag:s19] =	ssyncadd.s32 $0xFFFFC000;
	v25 =	vor.u32 v2, v29  }
0x3d: {  	v14 =	vor.u32 v2, v35;
	v38 =	vor.u32 v0, v36;
	v32 =	vor.u32 v3, v19;
	_ =	swait.ge @!p2 [sflag:s1], $0x4000  }
0x3e: {  	v22 =	vor.u32 v2, v7;
	v7 =	vor.u32 v3, v7;
	v15 =	vand.u32 $0x7F, v27;
	[sflag:s1] =	ssyncset.done @!p2 $0x0  }
0x3f: {  	v16 =	vor.u32 v3, v10;
	v10 =	vshll.u32 v13, $0x5;
	v13 =	vand.u32 $0x3FE0, v20;
	[sflag:s1] =	ssyncadd.s32 @!p2 $0xFFFFC000  }
0x40: {  	v15 =	vor.u32 v15, v24;
	v24 =	vor.u32 v1, v34;
	v23 =	vor.u32 v23, v9;
	v17 =	vld.idx.msk [tilespmem:v26+s2+$0x0], $0xffff  }
0x41: {  	v29 =	vor.u32 v3, v29;
	v27 =	vand.u32 $0x3FE0, v10;
	v39 =	vor.u32 v2, v15;
	v37 =	vld.idx.msk [tilespmem:v25+s2+$0x0], $0xffff  }
0x42: {  	v10 =	vor.u32 v5, v13;
	v9 =	vor.u32 v3, v23;
	v23 =	vor.u32 v2, v23;
	v40 =	vld.idx.msk [tilespmem:v21+s2+$0x0], $0xffff  }
0x43: {  	v26 =	vand.u32 $0x3FE0, v11;
	v20 =	vld.idx.msk [tilespmem:v22+s2+$0x0], $0xffff;
	v21 =	vor.u32 v3, v31;
	v22 =	vor.u32 v5, v28  }
0x44: {  	v28 =	vld.idx.msk [tilespmem:v33+s2+$0x0], $0xffff;
	v31 =	vor.u32 v5, v36;
	v11 =	vor.u32 v0, v26;
	v8 =	vor.u32 v5, v26  }
0x45: {  	v26 =	vld.idx.msk [tilespmem:v14+s2+$0x0], $0xffff;
	v25 =	vor.u32 v0, v18;
	v14 =	vor.u32 v0, v27;
	[tilespmem:v24+s20+$0x0] =	vst.idx.msk $0xffff, v17  }
0x46: {  	v19 =	vld.idx.msk [tilespmem:v39+s2+$0x0], $0xffff;
	v17 =	vor.u32 v0, v13;
	v13 =	vor.u32 v5, v18;
	[tilespmem:v38+s20+$0x0] =	vst.idx.msk $0xffff, v37  }
0x47: {  	s1 =	simm.s32 $0x8;
	v24 =	vor.u32 v3, v35;
	v18 =	vor.u32 v4, v34;
	[tilespmem:v41+s20+$0x0] =	vst.idx.msk $0xffff, v40;
	v29 =	vld.idx.msk [tilespmem:v29+s2+$0x0], $0xffff  }
.LBB2_3:
0x48: {  	v33 =	vadd.s32 s1, v0;
	s3 =	sadd.s32 $0x1, s1;
	s0 =	sadd.s32 $0x2, s1;
	s25 =	sadd.s32 $0x3, s1;
	v27 =	vor.u32 v5, v27;
	v15 =	vor.u32 v3, v15;
	v32 =	vld.idx.msk [tilespmem:v32+s2+$0x0], $0xffff  }
0x49: {  	s26 =	sadd.s32 $0x5, s1;
	v12 =	vshll.u32 v33, $0x5;
	v34 =	vadd.s32 s3, v0;
	v35 =	vadd.s32 s0, v0;
	s0 =	sadd.s32 $0x4, s1;
	s3 =	sadd.s32 $0x6, s1;
	v23 =	vld.idx.msk [tilespmem:v23+s2+$0x0], $0xffff  }
0x4a: {  	p3 =	slt.u32 s1, $0x1F8;
	v37 =	vadd.s32 s26, v0;
	v12 =	vand.u32 $0x3F80, v12;
	v36 =	vadd.s32 s0, v0;
	s0 =	sadd.s32 $0x7, s1;
	s1 =	sadd.s32 $0x8, s1;
	[tilespmem:v30+s20+$0x0] =	vst.idx.msk $0xffff, v26  }
0x4b: {  	v30 =	vshll.u32 v34, $0x3;
	v26 =	vor.u32 v4, v12;
	v38 =	vadd.s32 s0, v0;
	[tilespmem:v25+s20+$0x0] =	vst.idx.msk $0xffff, v20;
	v16 =	vld.idx.msk [tilespmem:v16+s2+$0x0], $0xffff  }
0x4c: {  	v20 =	vand.u32 $0x7F, v33;
	v25 =	vadd.s32 s25, v0;
	v39 =	vshll.u32 v38, $0x3;
	v7 =	vld.idx.msk [tilespmem:v7+s2+$0x0], $0xffff;
	[tilespmem:v31+s20+$0x0] =	vst.idx.msk $0xffff, v29  }
0x4d: {  	v29 =	vshll.u32 v35, $0x5;
	v31 =	vand.u32 $0x7F, v38;
	v39 =	vand.u32 $0xC00, v39;
	v24 =	vld.idx.msk [tilespmem:v24+s2+$0x0], $0xffff;
	[tilespmem:v17+s20+$0x0] =	vst.idx.msk $0xffff, v28  }
0x4e: {  	v17 =	vshll.u32 v33, $0x3;
	v28 =	vshll.u32 v25, $0x5;
	v31 =	vor.u32 v31, v39;
	v21 =	vld.idx.msk [tilespmem:v21+s2+$0x0], $0xffff;
	[tilespmem:v22+s20+$0x0] =	vst.idx.msk $0xffff, v32  }
0x4f: {  	v22 =	vshll.u32 v36, $0x5;
	v32 =	vshll.u32 v38, $0x5;
	v33 =	vor.u32 v2, v31;
	[tilespmem:v11+s20+$0x0] =	vst.idx.msk $0xffff, v19  }
0x50: {  	v11 =	vand.u32 $0x7F, v36;
	v19 =	vshll.u32 v36, $0x3;
	v36 =	vand.u32 $0x3FE0, v32;
	[tilespmem:v14+s20+$0x0] =	vst.idx.msk $0xffff, v23;
	v14 =	vld.idx.msk [tilespmem:v15+s2+$0x0], $0xffff  }
0x51: {  	v17 =	vand.u32 $0xC00, v17;
	v15 =	vshll.u32 v35, $0x3;
	v23 =	vand.u32 $0x7F, v37;
	[tilespmem:v18+s20+$0x0] =	vst.idx.msk $0xffff, v16;
	v9 =	vld.idx.msk [tilespmem:v9+s2+$0x0], $0xffff  }
0x52: {  	v15 =	vand.u32 $0xC00, v15;
	v18 =	vand.u32 $0x3FE0, v29;
	v16 =	vand.u32 $0xC00, v19;
	[tilespmem:v13+s20+$0x0] =	vst.idx.msk $0xffff, v7  }
0x53: {  	v19 =	vshll.u32 v37, $0x3;
	v13 =	vand.u32 $0x7F, v34;
	v7 =	vand.u32 $0x7F, v35;
	[tilespmem:v6+s20+$0x0] =	vst.idx.msk $0xffff, v24;
	v6 =	vmovc v26  }
0x54: {  	v16 =	vor.u32 v11, v16;
	v7 =	vor.u32 v7, v15;
	v15 =	vshll.u32 v25, $0x3;
	v33 =	vld.idx.msk [tilespmem:v33+s2+$0x0], $0xffff  }
0x55: {  	v24 =	vor.u32 v2, v7;
	v11 =	vand.u32 $0xC00, v15;
	v15 =	vor.u32 v2, v16;
	[tilespmem:v10+s20+$0x0] =	vst.idx.msk $0xffff, v21  }
0x56: {  	v7 =	vor.u32 v3, v7;
	v10 =	vand.u32 $0x7F, v25;
	v21 =	vadd.s32 s3, v0;
	[tilespmem:v8+s20+$0x0] =	vst.idx.msk $0xffff, v14  }
0x57: {  	v8 =	vand.u32 $0xC00, v30;
	v10 =	vor.u32 v10, v11;
	v11 =	vand.u32 $0xC00, v19;
	[tilespmem:v27+s20+$0x0] =	vst.idx.msk $0xffff, v9  }
0x58: {  	v14 =	vand.u32 $0x7F, v21;
	v19 =	vshll.u32 v21, $0x3;
	v9 =	vor.u32 v2, v10  }
0x59: {  	v29 =	vor.u32 v13, v8;
	v8 =	vshll.u32 v21, $0x5;
	v13 =	vand.u32 $0xC00, v19  }
0x5a: {  	v38 =	vand.u32 $0x3F80, v22;
	v35 =	vor.u32 v2, v29;
	v19 =	vld.idx.msk [tilespmem:v15+s2+$0x0], $0xffff;
	v15 =	vor.u32 v14, v13  }
0x5b: {  	v8 =	vand.u32 $0x3FE0, v8;
	v13 =	vor.u32 v1, v38;
	v14 =	vor.u32 v23, v11  }
0x5c: {  	v39 =	vand.u32 $0x3FE0, v28;
	v21 =	vor.u32 v20, v17;
	v11 =	vor.u32 v0, v8  }
0x5d: {  	v17 =	vshll.u32 v34, $0x5;
	v22 =	vor.u32 v2, v21;
	v28 =	vld.idx.msk [tilespmem:v9+s2+$0x0], $0xffff;
	v9 =	vor.u32 v3, v14  }
0x5e: {  	v16 =	vor.u32 v3, v16;
	v34 =	vor.u32 v0, v39;
	v40 =	vor.u32 v2, v15  }
0x5f: {  	v41 =	vor.u32 v3, v10;
	v10 =	vshll.u32 v37, $0x5;
	v8 =	vor.u32 v5, v8  }
0x60: {  	v37 =	vor.u32 v0, v36;
	v25 =	vand.u32 $0x3FE0, v17;
	v23 =	vor.u32 v2, v14;
	[tilespmem:v13+s20+$0x0] =	vst.idx.msk $0xffff, v19  }
.Ltmp2:
0x61: {  	v32 =	vor.u32 v3, v31;
	v27 =	vand.u32 $0x3FE0, v10;
	v17 =	vor.u32 v0, v25;
	v20 =	vld.idx.msk [tilespmem:v24+s2+$0x0], $0xffff;
	(pc) =	sbr.rel @p3 .LBB2_3-.Ltmp2, $4  }
0x62: {  	v10 =	vor.u32 v5, v25;
	v25 =	vor.u32 v0, v18;
	v14 =	vor.u32 v0, v27;
	v26 =	vld.idx.msk [tilespmem:v22+s2+$0x0], $0xffff  }
0x63: {  	v30 =	vor.u32 v1, v12;
	v13 =	vor.u32 v5, v18;
	[tilespmem:v34+s20+$0x0] =	vst.idx.msk $0xffff, v28;
	v19 =	vld.idx.msk [tilespmem:v40+s2+$0x0], $0xffff  }
0x64: {  	v24 =	vor.u32 v3, v21;
	v21 =	vor.u32 v3, v29;
	v22 =	vor.u32 v5, v36;
	v29 =	vld.idx.msk [tilespmem:v41+s2+$0x0], $0xffff  }
0x65: {  	v31 =	vor.u32 v5, v39;
	v18 =	vor.u32 v4, v38;
	v28 =	vld.idx.msk [tilespmem:v35+s2+$0x0], $0xffff;
	[tilespmem:v37+s20+$0x0] =	vst.idx.msk $0xffff, v33  }
0x66: {  	_ =	sdelay $0x3  }
0x67: {  	v12 =	vld.idx.msk [tilespmem:v32+s2+$0x0], $0xffff  }
0x68: {  	v23 =	vld.idx.msk [tilespmem:v23+s2+$0x0], $0xffff;
	[tilespmem:v25+s20+$0x0] =	vst.idx.msk $0xffff, v20  }
0x69: {  	v15 =	vor.u32 v3, v15;
	v16 =	vld.idx.msk [tilespmem:v16+s2+$0x0], $0xffff;
	[tilespmem:v30+s20+$0x0] =	vst.idx.msk $0xffff, v26  }
0x6a: {  	[tilespmem:v11+s20+$0x0] =	vst.idx.msk $0xffff, v19  }
0x6b: {  	v7 =	vld.idx.msk [tilespmem:v7+s2+$0x0], $0xffff;
	[tilespmem:v17+s20+$0x0] =	vst.idx.msk $0xffff, v28  }
0x6c: {  	s0 =	simm.s32 $0x0;
	s26 =	simm.s32 $0x1;
	v17 =	vld.idx.msk [tilespmem:v24+s2+$0x0], $0xffff;
	[tilespmem:v22+s20+$0x0] =	vst.idx.msk $0xffff, v12  }
0x6d: {  	s1 =	simm.s32 $0x2;
	s3 =	simm.s32 $0x5;
	v11 =	vadd.s32 s0, v0;
	v19 =	vadd.s32 s26, v0;
	v12 =	vor.u32 v5, v27;
	v20 =	vld.idx.msk [tilespmem:v21+s2+$0x0], $0xffff;
	[tilespmem:v14+s20+$0x0] =	vst.idx.msk $0xffff, v23  }
0x6e: {  	s25 =	simm.s32 $0x7;
	s26 =	simm.s32 $0x3;
	v14 =	vld.idx.msk [tilespmem:v15+s2+$0x0], $0xffff;
	v15 =	vshll.u32 v11, $0x5;
	v21 =	vadd.s32 s1, v0;
	[tilespmem:v18+s20+$0x0] =	vst.idx.msk $0xffff, v16;
	v16 =	vadd.s32 s3, v0  }
0x6f: {  	s1 =	simm.s32 $0x4;
	v22 =	vadd.s32 s25, v0;
	v23 =	vadd.s32 s26, v0;
	v9 =	vld.idx.msk [tilespmem:v9+s2+$0x0], $0xffff;
	v18 =	vand.u32 $0x3F80, v15  }
0x70: {  	v15 =	vadd.s32 s1, v0;
	[tilespmem:v13+s20+$0x0] =	vst.idx.msk $0xffff, v7;
	v13 =	vshll.u32 v19, $0x3;
	v25 =	vshll.u32 v16, $0x3  }
0x71: {  	v7 =	vor.u32 v4, v18;
	v13 =	vand.u32 $0xC00, v13;
	[tilespmem:v6+s20+$0x0] =	vst.idx.msk $0xffff, v17;
	v17 =	vand.u32 $0x7F, v11  }
0x72: {  	v6 =	vshll.u32 v22, $0x3;
	[tilespmem:v10+s20+$0x0] =	vst.idx.msk $0xffff, v20;
	v10 =	vshll.u32 v21, $0x5;
	v20 =	vand.u32 $0x7F, v22  }
0x73: {  	v6 =	vand.u32 $0xC00, v6;
	[tilespmem:v8+s20+$0x0] =	vst.idx.msk $0xffff, v14;
	v8 =	vshll.u32 v11, $0x3;
	v11 =	vshll.u32 v23, $0x5  }
0x74: {  	v14 =	vand.u32 $0x7F, v15;
	v24 =	vor.u32 v20, v6;
	[tilespmem:v12+s20+$0x0] =	vst.idx.msk $0xffff, v9;
	v9 =	vshll.u32 v15, $0x5  }
0x75: {  	v6 =	vshll.u32 v22, $0x5;
	v15 =	vshll.u32 v15, $0x3;
	v8 =	vand.u32 $0xC00, v8  }
0x76: {  	v20 =	vand.u32 $0x7F, v16;
	v28 =	vand.u32 $0x3FE0, v10;
	v36 =	vand.u32 $0x3FE0, v11  }
0x77: {  	s3 =	sshll.u32 s31, $0xB;
	s31 =	sor.u32 $0x20, s31;
	v16 =	vshll.u32 v16, $0x5;
	v12 =	vor.u32 v2, v24;
	v22 =	vand.u32 $0x3FE0, v6  }
0x78: {  	[tilespmem:v31+s20+$0x0] =	vst.idx.msk $0xffff, v29;
	s0 =	sadd.s32 s4, s3;
	s25 =	sshll.u32 s31, $0x9;
	v6 =	vshll.u32 v21, $0x3;
	v10 =	vand.u32 $0xC00, v15;
	v15 =	vand.u32 $0x7F, v19  }
0x79: {  	[hbm4b:s0+s2] =	stream.linear.scatter [tilespmem:s20], [sflag:$0x2], $0x4000, $0x38;
	v21 =	vand.u32 $0x7F, v21;
	v34 =	vand.u32 $0x3F80, v9;
	v35 =	vor.u32 v17, v8;
	[tilespmem:$0x11C00] =	vst v63  }
0x7a: {  	s0 =	sadd.s32 s25, s7;
	v17 =	vshll.u32 v19, $0x5;
	v37 =	vor.u32 v0, v36;
	v32 =	vor.u32 v3, v24  }
0x7b: {  	v6 =	vand.u32 $0xC00, v6;
	v26 =	vor.u32 v14, v10;
	v14 =	vand.u32 $0x7F, v23;
	[tilespmem:s2], [sflag:$0x1] =	stream.strided.gather [hbm4b:s0+s17], $0x4000, s15, s17, $0x38;
	[tilespmem:$0x11C00] =	vst v63  }
0x7c: {  	s26 =	simm.s32 $0x6;
	v31 =	vor.u32 v15, v13;
	v6 =	vor.u32 v21, v6;
	v21 =	vshll.u32 v23, $0x3;
	_ =	swait.ge [sflag:s19], $0x4000  }
0x7d: {  	v23 =	vadd.s32 s26, v0;
	v10 =	vand.u32 $0xC00, v21;
	v21 =	vor.u32 v2, v26;
	[sflag:s19] =	ssyncset.done $0x0  }
0x7e: {  	s0 =	simm.s32 @!p2 $0x2;
	v30 =	vshll.u32 v23, $0x3;
	v29 =	vor.u32 v14, v10;
	v10 =	vand.u32 $0xC00, v25;
	[sflag:s19] =	ssyncadd.s32 $0xFFFFC000  }
0x7f: {  	v14 =	vand.u32 $0x7F, v23;
	v15 =	vand.u32 $0xC00, v30;
	v25 =	vor.u32 v2, v29;
	_ =	swait.ge @!p2 [sflag:s0], $0x4000  }
0x80: {  	v11 =	vor.u32 v2, v35;
	v39 =	vor.u32 v0, v22;
	v14 =	vor.u32 v14, v15;
	[sflag:s0] =	ssyncset.done @!p2 $0x0  }
0x81: {  	v24 =	vor.u32 v3, v35;
	v22 =	vor.u32 v5, v22;
	v38 =	vor.u32 v2, v14;
	[sflag:s0] =	ssyncadd.s32 @!p2 $0xFFFFC000  }
0x82: {  	v27 =	vor.u32 v2, v6;
	v13 =	vshll.u32 v23, $0x5;
	v23 =	vor.u32 v1, v34;
	v21 =	vld.idx.msk [tilespmem:v21+s18+$0x0], $0xffff  }
0x83: {  	v33 =	vor.u32 v2, v31;
	v6 =	vor.u32 v3, v6;
	v13 =	vand.u32 $0x3FE0, v13  }
0x84: {  	v30 =	vor.u32 v1, v18;
	v20 =	vor.u32 v20, v10;
	v10 =	vor.u32 v0, v13;
	v19 =	vld.idx.msk [tilespmem:v25+s18+$0x0], $0xffff  }
0x85: {  	v15 =	vor.u32 v3, v26;
	v29 =	vor.u32 v3, v29;
	v8 =	vor.u32 v5, v13;
	v12 =	vld.idx.msk [tilespmem:v12+s18+$0x0], $0xffff  }
0x86: {  	v13 =	vand.u32 $0x3FE0, v17;
	v26 =	vand.u32 $0x3FE0, v16;
	v9 =	vor.u32 v3, v20;
	v18 =	vld.idx.msk [tilespmem:v38+s18+$0x0], $0xffff  }
0x87: {  	v17 =	vor.u32 v0, v13;
	[tilespmem:v23+s21+$0x0] =	vst.idx.msk $0xffff, v21;
	v23 =	vor.u32 v2, v20;
	v20 =	vld.idx.msk [tilespmem:v27+s18+$0x0], $0xffff  }
0x88: {  	v16 =	vor.u32 v0, v26;
	v25 =	vor.u32 v0, v28;
	v27 =	vld.idx.msk [tilespmem:v11+s18+$0x0], $0xffff;
	v11 =	vor.u32 v5, v13  }
0x89: {  	v13 =	vor.u32 v5, v28;
	v21 =	vor.u32 v3, v31;
	v28 =	vld.idx.msk [tilespmem:v33+s18+$0x0], $0xffff;
	[tilespmem:v37+s21+$0x0] =	vst.idx.msk $0xffff, v19  }
0x8a: {  	s1 =	simm.s32 $0x8;
	v31 =	vor.u32 v5, v36;
	[tilespmem:v39+s21+$0x0] =	vst.idx.msk $0xffff, v12;
	v19 =	vor.u32 v4, v34;
	v29 =	vld.idx.msk [tilespmem:v29+s18+$0x0], $0xffff  }
.LBB2_5:
0x8b: {  	v33 =	vadd.s32 s1, v0;
	s0 =	sadd.s32 $0x1, s1;
	s3 =	sadd.s32 $0x2, s1;
	s25 =	sadd.s32 $0x3, s1;
	v26 =	vor.u32 v5, v26;
	v14 =	vor.u32 v3, v14;
	v32 =	vld.idx.msk [tilespmem:v32+s18+$0x0], $0xffff  }
0x8c: {  	s26 =	sadd.s32 $0x5, s1;
	v12 =	vshll.u32 v33, $0x5;
	v34 =	vadd.s32 s0, v0;
	v35 =	vadd.s32 s3, v0;
	s0 =	sadd.s32 $0x4, s1;
	s3 =	sadd.s32 $0x6, s1;
	v23 =	vld.idx.msk [tilespmem:v23+s18+$0x0], $0xffff  }
0x8d: {  	p2 =	slt.u32 s1, $0x1F8;
	v37 =	vadd.s32 s26, v0;
	v12 =	vand.u32 $0x3F80, v12;
	v36 =	vadd.s32 s0, v0;
	s0 =	sadd.s32 $0x7, s1;
	s1 =	sadd.s32 $0x8, s1;
	[tilespmem:v30+s21+$0x0] =	vst.idx.msk $0xffff, v27  }
0x8e: {  	v30 =	vshll.u32 v34, $0x3;
	v27 =	vor.u32 v4, v12;
	v38 =	vadd.s32 s0, v0;
	[tilespmem:v25+s21+$0x0] =	vst.idx.msk $0xffff, v20;
	v15 =	vld.idx.msk [tilespmem:v15+s18+$0x0], $0xffff  }
0x8f: {  	v20 =	vand.u32 $0x7F, v33;
	v25 =	vadd.s32 s25, v0;
	v39 =	vshll.u32 v38, $0x3;
	v6 =	vld.idx.msk [tilespmem:v6+s18+$0x0], $0xffff;
	[tilespmem:v31+s21+$0x0] =	vst.idx.msk $0xffff, v29  }
0x90: {  	v29 =	vshll.u32 v35, $0x5;
	v31 =	vand.u32 $0x7F, v38;
	v39 =	vand.u32 $0xC00, v39;
	v24 =	vld.idx.msk [tilespmem:v24+s18+$0x0], $0xffff;
	[tilespmem:v17+s21+$0x0] =	vst.idx.msk $0xffff, v28  }
0x91: {  	v17 =	vshll.u32 v33, $0x3;
	v28 =	vshll.u32 v25, $0x5;
	v31 =	vor.u32 v31, v39;
	v21 =	vld.idx.msk [tilespmem:v21+s18+$0x0], $0xffff;
	[tilespmem:v22+s21+$0x0] =	vst.idx.msk $0xffff, v32  }
0x92: {  	v22 =	vshll.u32 v36, $0x5;
	v32 =	vshll.u32 v38, $0x5;
	v33 =	vor.u32 v2, v31;
	[tilespmem:v10+s21+$0x0] =	vst.idx.msk $0xffff, v18  }
0x93: {  	v10 =	vand.u32 $0x7F, v36;
	v18 =	vshll.u32 v36, $0x3;
	v36 =	vand.u32 $0x3FE0, v32;
	[tilespmem:v16+s21+$0x0] =	vst.idx.msk $0xffff, v23;
	v14 =	vld.idx.msk [tilespmem:v14+s18+$0x0], $0xffff  }
0x94: {  	v16 =	vand.u32 $0xC00, v17;
	v17 =	vshll.u32 v35, $0x3;
	v23 =	vand.u32 $0x7F, v37;
	[tilespmem:v19+s21+$0x0] =	vst.idx.msk $0xffff, v15;
	v9 =	vld.idx.msk [tilespmem:v9+s18+$0x0], $0xffff  }
0x95: {  	v15 =	vand.u32 $0xC00, v17;
	v19 =	vand.u32 $0x3FE0, v29;
	v17 =	vand.u32 $0xC00, v18;
	[tilespmem:v13+s21+$0x0] =	vst.idx.msk $0xffff, v6  }
0x96: {  	v18 =	vshll.u32 v37, $0x3;
	v13 =	vand.u32 $0x7F, v34;
	v6 =	vand.u32 $0x7F, v35;
	[tilespmem:v7+s21+$0x0] =	vst.idx.msk $0xffff, v24;
	v7 =	vmovc v27  }
0x97: {  	v17 =	vor.u32 v10, v17;
	v6 =	vor.u32 v6, v15;
	v15 =	vshll.u32 v25, $0x3;
	v33 =	vld.idx.msk [tilespmem:v33+s18+$0x0], $0xffff  }
0x98: {  	v24 =	vor.u32 v2, v6;
	v10 =	vand.u32 $0xC00, v15;
	v15 =	vor.u32 v2, v17;
	[tilespmem:v11+s21+$0x0] =	vst.idx.msk $0xffff, v21  }
0x99: {  	v6 =	vor.u32 v3, v6;
	v11 =	vand.u32 $0x7F, v25;
	v21 =	vadd.s32 s3, v0;
	[tilespmem:v8+s21+$0x0] =	vst.idx.msk $0xffff, v14  }
0x9a: {  	v8 =	vand.u32 $0xC00, v30;
	v11 =	vor.u32 v11, v10;
	v10 =	vand.u32 $0xC00, v18;
	[tilespmem:v26+s21+$0x0] =	vst.idx.msk $0xffff, v9  }
0x9b: {  	v14 =	vand.u32 $0x7F, v21;
	v18 =	vshll.u32 v21, $0x3;
	v9 =	vor.u32 v2, v11  }
0x9c: {  	v29 =	vor.u32 v13, v8;
	v8 =	vshll.u32 v21, $0x5;
	v13 =	vand.u32 $0xC00, v18  }
0x9d: {  	v38 =	vand.u32 $0x3F80, v22;
	v35 =	vor.u32 v2, v29;
	v14 =	vor.u32 v14, v13;
	v18 =	vld.idx.msk [tilespmem:v15+s18+$0x0], $0xffff  }
0x9e: {  	v21 =	vor.u32 v23, v10;
	v13 =	vor.u32 v1, v38;
	v8 =	vand.u32 $0x3FE0, v8  }
0x9f: {  	v39 =	vand.u32 $0x3FE0, v28;
	v22 =	vor.u32 v20, v16;
	v10 =	vor.u32 v0, v8  }
0xa0: {  	v20 =	vshll.u32 v34, $0x5;
	v16 =	vor.u32 v2, v22;
	v28 =	vld.idx.msk [tilespmem:v9+s18+$0x0], $0xffff;
	v9 =	vor.u32 v3, v21  }
0xa1: {  	v34 =	vor.u32 v0, v39;
	v40 =	vor.u32 v2, v14;
	v15 =	vor.u32 v3, v17  }
0xa2: {  	v41 =	vor.u32 v3, v11;
	v11 =	vshll.u32 v37, $0x5;
	v8 =	vor.u32 v5, v8  }
0xa3: {  	v25 =	vand.u32 $0x3FE0, v20;
	v37 =	vor.u32 v0, v36;
	v23 =	vor.u32 v2, v21;
	[tilespmem:v13+s21+$0x0] =	vst.idx.msk $0xffff, v18  }
.Ltmp3:
0xa4: {  	v32 =	vor.u32 v3, v31;
	v26 =	vand.u32 $0x3FE0, v11;
	v17 =	vor.u32 v0, v25;
	v20 =	vld.idx.msk [tilespmem:v24+s18+$0x0], $0xffff;
	(pc) =	sbr.rel @p2 .LBB2_5-.Ltmp3, $4  }
0xa5: {  	v11 =	vor.u32 v5, v25;
	v25 =	vor.u32 v0, v19;
	v27 =	vld.idx.msk [tilespmem:v16+s18+$0x0], $0xffff;
	v16 =	vor.u32 v0, v26  }
0xa6: {  	v30 =	vor.u32 v1, v12;
	v13 =	vor.u32 v5, v19;
	[tilespmem:v34+s21+$0x0] =	vst.idx.msk $0xffff, v28;
	v18 =	vld.idx.msk [tilespmem:v40+s18+$0x0], $0xffff  }
0xa7: {  	v21 =	vor.u32 v3, v29;
	v24 =	vor.u32 v3, v22;
	v22 =	vor.u32 v5, v36;
	v29 =	vld.idx.msk [tilespmem:v41+s18+$0x0], $0xffff  }
0xa8: {  	v31 =	vor.u32 v5, v39;
	v19 =	vor.u32 v4, v38;
	v28 =	vld.idx.msk [tilespmem:v35+s18+$0x0], $0xffff;
	[tilespmem:v37+s21+$0x0] =	vst.idx.msk $0xffff, v33  }
0xa9: {  	_ =	sdelay $0x3  }
0xaa: {  	v12 =	vld.idx.msk [tilespmem:v32+s18+$0x0], $0xffff;
	[tilespmem:v25+s21+$0x0] =	vst.idx.msk $0xffff, v20  }
0xab: {  	v14 =	vor.u32 v3, v14;
	v23 =	vld.idx.msk [tilespmem:v23+s18+$0x0], $0xffff;
	[tilespmem:v30+s21+$0x0] =	vst.idx.msk $0xffff, v27  }
0xac: {  	v15 =	vld.idx.msk [tilespmem:v15+s18+$0x0], $0xffff;
	[tilespmem:v10+s21+$0x0] =	vst.idx.msk $0xffff, v18  }
0xad: {  	v6 =	vld.idx.msk [tilespmem:v6+s18+$0x0], $0xffff;
	[tilespmem:v31+s21+$0x0] =	vst.idx.msk $0xffff, v29  }
0xae: {  	v61 =	vld.idx.msk [tilespmem:v24+s18+$0x0], $0xffff;
	[tilespmem:v17+s21+$0x0] =	vst.idx.msk $0xffff, v28  }
0xaf: {  	[tilespmem:v22+s21+$0x0] =	vst.idx.msk $0xffff, v12;
	v62 =	vld.idx.msk [tilespmem:v21+s18+$0x0], $0xffff  }
0xb0: {  	[tilespmem:v16+s21+$0x0] =	vst.idx.msk $0xffff, v23;
	v10 =	vld.idx.msk [tilespmem:v14+s18+$0x0], $0xffff  }
0xb1: {  	v63 =	vor.u32 v5, v26;
	s30 =	sadd.s32 $0x1, s30;
	[tilespmem:v19+s21+$0x0] =	vst.idx.msk $0xffff, v15;
	v9 =	vld.idx.msk [tilespmem:v9+s18+$0x0], $0xffff  }
0xb2: {  	p2 =	sne.s32 s30, $0x1E;
	[tilespmem:v13+s21+$0x0] =	vst.idx.msk $0xffff, v6  }
.Ltmp4:
0xb3: {  	[tilespmem:v7+s21+$0x0] =	vst.idx.msk $0xffff, v61;
	(pc) =	sbr.rel @p2 .LBB2_2-.Ltmp4, $4  }
0xb4: {  	s0 =	sshll.u32 s31, $0xB;
	[tilespmem:v11+s21+$0x0] =	vst.idx.msk $0xffff, v62  }
0xb5: {  	s0 =	sand.u32 $0x1FFFF800, s0;
	[tilespmem:v8+s21+$0x0] =	vst.idx.msk $0xffff, v10  }
0xb6: {  	s0 =	sadd.s32 s4, s0;
	[tilespmem:v63+s21+$0x0] =	vst.idx.msk $0xffff, v9  }
0xb7: {  	[hbm4b:s0+s2] =	stream.linear.scatter [tilespmem:s21], [sflag:$0x2], $0x4000, $0x38;
	[tilespmem:$0x11C00] =	vst v63  }
0xb8: {  	s0 =	simm.s32 $0x0;
	s31 =	simm.s32 $0x1  }
0xb9: {  	s1 =	simm.s32 $0x2;
	s3 =	simm.s32 $0x4;
	s25 =	simm.s32 $0x5;
	v7 =	vadd.s32 s0, v0;
	v8 =	vadd.s32 s31, v0  }
0xba: {  	s26 =	simm.s32 $0x7;
	s30 =	simm.s32 $0x3;
	v9 =	vadd.s32 s1, v0;
	v10 =	vadd.s32 s3, v0;
	v11 =	vadd.s32 s25, v0  }
0xbb: {  	v14 =	vadd.s32 s26, v0;
	v16 =	vadd.s32 s30, v0;
	v6 =	vshll.u32 v7, $0x5  }
0xbc: {  	v13 =	vshll.u32 v8, $0x3;
	v15 =	vand.u32 $0x7F, v7;
	v17 =	vshll.u32 v14, $0x3  }
0xbd: {  	v18 =	vshll.u32 v9, $0x5;
	v19 =	vand.u32 $0x7F, v14;
	v7 =	vshll.u32 v7, $0x3  }
0xbe: {  	s31 =	simm.s32 $0x6;
	v20 =	vshll.u32 v16, $0x5;
	v14 =	vshll.u32 v14, $0x5;
	v22 =	vand.u32 $0x7F, v10  }
0xbf: {  	v24 =	vand.u32 $0x7F, v11;
	v25 =	vshll.u32 v11, $0x3;
	v27 =	vadd.s32 s31, v0  }
0xc0: {  	v11 =	vshll.u32 v11, $0x5;
	v12 =	vand.u32 $0x3F80, v6;
	v17 =	vand.u32 $0xC00, v17  }
0xc1: {  	v28 =	vand.u32 $0x3FE0, v14;
	v23 =	vand.u32 $0xC00, v7;
	v7 =	vshll.u32 v9, $0x3  }
0xc2: {  	v18 =	vand.u32 $0x3FE0, v18;
	v14 =	vand.u32 $0x7F, v8;
	v9 =	vand.u32 $0x7F, v9  }
0xc3: {  	v13 =	vand.u32 $0xC00, v13;
	v29 =	vand.u32 $0x7F, v27;
	v30 =	vshll.u32 v27, $0x3  }
0xc4: {  	v35 =	vand.u32 $0x3FE0, v20;
	v20 =	vshll.u32 v8, $0x5;
	v6 =	vor.u32 v4, v12  }
0xc5: {  	v19 =	vor.u32 v19, v17;
	v17 =	vshll.u32 v10, $0x5;
	v10 =	vshll.u32 v10, $0x3  }
0xc6: {  	v7 =	vand.u32 $0xC00, v7;
	v31 =	vor.u32 v14, v13;
	v13 =	vshll.u32 v27, $0x5  }
0xc7: {  	v14 =	vand.u32 $0xC00, v30;
	v37 =	vor.u32 v0, v35;
	v10 =	vand.u32 $0xC00, v10  }
0xc8: {  	_ =	swait.ge [sflag:s19], $0x4000;
	v7 =	vor.u32 v9, v7;
	v9 =	vshll.u32 v16, $0x3;
	v22 =	vor.u32 v22, v10  }
0xc9: {  	[sflag:s19] =	ssyncset.done $0x0;
	v16 =	vand.u32 $0x7F, v16;
	v9 =	vand.u32 $0xC00, v9;
	v10 =	vor.u32 v2, v22  }
0xca: {  	[sflag:s19] =	ssyncadd.s32 $0xFFFFC000;
	v40 =	vor.u32 v0, v28;
	v21 =	vor.u32 v2, v19;
	v16 =	vor.u32 v16, v9  }
0xcb: {  	_ =	swait.ge [sflag:s22], $0x4000;
	v33 =	vor.u32 v2, v31;
	v9 =	vand.u32 $0xC00, v25;
	v25 =	vor.u32 v2, v16  }
0xcc: {  	[sflag:s22] =	ssyncset.done $0x0;
	v34 =	vand.u32 $0x3F80, v17;
	v14 =	vor.u32 v29, v14;
	v13 =	vand.u32 $0x3FE0, v13  }
0xcd: {  	[sflag:s22] =	ssyncadd.s32 $0xFFFFC000;
	v29 =	vor.u32 v15, v23;
	v32 =	vor.u32 v3, v19;
	v26 =	vor.u32 v2, v7  }
0xce: {  	v7 =	vor.u32 v3, v7;
	v27 =	vor.u32 v1, v34;
	v30 =	vor.u32 v2, v29;
	v17 =	vld.idx.msk [tilespmem:v10+s2+$0x0], $0xffff  }
0xcf: {  	v8 =	vor.u32 v5, v13;
	v15 =	vor.u32 v3, v22;
	v22 =	vor.u32 v2, v14  }
0xd0: {  	v19 =	vor.u32 v4, v34;
	v24 =	vor.u32 v24, v9;
	v39 =	vor.u32 v3, v16;
	v36 =	vld.idx.msk [tilespmem:v25+s2+$0x0], $0xffff  }
0xd1: {  	v9 =	vor.u32 v3, v24;
	v23 =	vor.u32 v2, v24;
	v24 =	vor.u32 v3, v29;
	v38 =	vld.idx.msk [tilespmem:v21+s2+$0x0], $0xffff  }
0xd2: {  	v10 =	vor.u32 v0, v13;
	v13 =	vand.u32 $0x3FE0, v20;
	v20 =	vld.idx.msk [tilespmem:v26+s2+$0x0], $0xffff;
	v26 =	vand.u32 $0x3FE0, v11  }
0xd3: {  	v11 =	vor.u32 v5, v13;
	v25 =	vor.u32 v0, v18;
	[tilespmem:v27+s20+$0x0] =	vst.idx.msk $0xffff, v17;
	v27 =	vld.idx.msk [tilespmem:v30+s2+$0x0], $0xffff  }
0xd4: {  	v17 =	vor.u32 v0, v13;
	v30 =	vor.u32 v1, v12;
	v13 =	vor.u32 v5, v18;
	v18 =	vld.idx.msk [tilespmem:v22+s2+$0x0], $0xffff  }
0xd5: {  	v21 =	vor.u32 v3, v31;
	v22 =	vor.u32 v5, v28;
	v28 =	vld.idx.msk [tilespmem:v33+s2+$0x0], $0xffff;
	[tilespmem:v37+s20+$0x0] =	vst.idx.msk $0xffff, v36  }
0xd6: {  	s1 =	simm.s32 $0x8;
	v31 =	vor.u32 v5, v35;
	v16 =	vor.u32 v0, v26;
	[tilespmem:v40+s20+$0x0] =	vst.idx.msk $0xffff, v38;
	v29 =	vld.idx.msk [tilespmem:v39+s2+$0x0], $0xffff  }
.LBB2_8:
0xd7: {  	v33 =	vadd.s32 s1, v0;
	s0 =	sadd.s32 $0x1, s1;
	s3 =	sadd.s32 $0x2, s1;
	s25 =	sadd.s32 $0x3, s1;
	v26 =	vor.u32 v5, v26;
	v14 =	vor.u32 v3, v14;
	v32 =	vld.idx.msk [tilespmem:v32+s2+$0x0], $0xffff  }
0xd8: {  	s26 =	sadd.s32 $0x5, s1;
	v12 =	vshll.u32 v33, $0x5;
	v34 =	vadd.s32 s0, v0;
	v35 =	vadd.s32 s3, v0;
	s0 =	sadd.s32 $0x4, s1;
	s3 =	sadd.s32 $0x6, s1;
	v23 =	vld.idx.msk [tilespmem:v23+s2+$0x0], $0xffff  }
0xd9: {  	p2 =	slt.u32 s1, $0x1F8;
	v37 =	vadd.s32 s26, v0;
	v12 =	vand.u32 $0x3F80, v12;
	v36 =	vadd.s32 s0, v0;
	s0 =	sadd.s32 $0x7, s1;
	s1 =	sadd.s32 $0x8, s1;
	[tilespmem:v30+s20+$0x0] =	vst.idx.msk $0xffff, v27  }
0xda: {  	v30 =	vshll.u32 v34, $0x3;
	v27 =	vor.u32 v4, v12;
	v38 =	vadd.s32 s0, v0;
	[tilespmem:v25+s20+$0x0] =	vst.idx.msk $0xffff, v20;
	v15 =	vld.idx.msk [tilespmem:v15+s2+$0x0], $0xffff  }
0xdb: {  	v20 =	vand.u32 $0x7F, v33;
	v25 =	vadd.s32 s25, v0;
	v39 =	vshll.u32 v38, $0x3;
	v7 =	vld.idx.msk [tilespmem:v7+s2+$0x0], $0xffff;
	[tilespmem:v31+s20+$0x0] =	vst.idx.msk $0xffff, v29  }
0xdc: {  	v29 =	vshll.u32 v35, $0x5;
	v31 =	vand.u32 $0x7F, v38;
	v39 =	vand.u32 $0xC00, v39;
	v24 =	vld.idx.msk [tilespmem:v24+s2+$0x0], $0xffff;
	[tilespmem:v17+s20+$0x0] =	vst.idx.msk $0xffff, v28  }
0xdd: {  	v17 =	vshll.u32 v33, $0x3;
	v28 =	vshll.u32 v25, $0x5;
	v31 =	vor.u32 v31, v39;
	v21 =	vld.idx.msk [tilespmem:v21+s2+$0x0], $0xffff;
	[tilespmem:v22+s20+$0x0] =	vst.idx.msk $0xffff, v32  }
0xde: {  	v22 =	vshll.u32 v36, $0x5;
	v32 =	vshll.u32 v38, $0x5;
	v33 =	vor.u32 v2, v31;
	[tilespmem:v10+s20+$0x0] =	vst.idx.msk $0xffff, v18  }
0xdf: {  	v10 =	vand.u32 $0x7F, v36;
	v18 =	vshll.u32 v36, $0x3;
	v36 =	vand.u32 $0x3FE0, v32;
	[tilespmem:v16+s20+$0x0] =	vst.idx.msk $0xffff, v23;
	v14 =	vld.idx.msk [tilespmem:v14+s2+$0x0], $0xffff  }
0xe0: {  	v16 =	vand.u32 $0xC00, v17;
	v17 =	vshll.u32 v35, $0x3;
	v23 =	vand.u32 $0x7F, v37;
	[tilespmem:v19+s20+$0x0] =	vst.idx.msk $0xffff, v15;
	v9 =	vld.idx.msk [tilespmem:v9+s2+$0x0], $0xffff  }
0xe1: {  	v15 =	vand.u32 $0xC00, v17;
	v19 =	vand.u32 $0x3FE0, v29;
	v17 =	vand.u32 $0xC00, v18;
	[tilespmem:v13+s20+$0x0] =	vst.idx.msk $0xffff, v7  }
0xe2: {  	v18 =	vshll.u32 v37, $0x3;
	v13 =	vand.u32 $0x7F, v34;
	v7 =	vand.u32 $0x7F, v35;
	[tilespmem:v6+s20+$0x0] =	vst.idx.msk $0xffff, v24;
	v6 =	vmovc v27  }
0xe3: {  	v17 =	vor.u32 v10, v17;
	v7 =	vor.u32 v7, v15;
	v15 =	vshll.u32 v25, $0x3;
	v33 =	vld.idx.msk [tilespmem:v33+s2+$0x0], $0xffff  }
0xe4: {  	v24 =	vor.u32 v2, v7;
	v10 =	vand.u32 $0xC00, v15;
	v15 =	vor.u32 v2, v17;
	[tilespmem:v11+s20+$0x0] =	vst.idx.msk $0xffff, v21  }
0xe5: {  	v7 =	vor.u32 v3, v7;
	v11 =	vand.u32 $0x7F, v25;
	v21 =	vadd.s32 s3, v0;
	[tilespmem:v8+s20+$0x0] =	vst.idx.msk $0xffff, v14  }
0xe6: {  	v8 =	vand.u32 $0xC00, v30;
	v11 =	vor.u32 v11, v10;
	v10 =	vand.u32 $0xC00, v18;
	[tilespmem:v26+s20+$0x0] =	vst.idx.msk $0xffff, v9  }
0xe7: {  	v14 =	vand.u32 $0x7F, v21;
	v18 =	vshll.u32 v21, $0x3;
	v9 =	vor.u32 v2, v11  }
0xe8: {  	v29 =	vor.u32 v13, v8;
	v8 =	vshll.u32 v21, $0x5;
	v13 =	vand.u32 $0xC00, v18  }
0xe9: {  	v38 =	vand.u32 $0x3F80, v22;
	v35 =	vor.u32 v2, v29;
	v14 =	vor.u32 v14, v13;
	v18 =	vld.idx.msk [tilespmem:v15+s2+$0x0], $0xffff  }
0xea: {  	v21 =	vor.u32 v23, v10;
	v13 =	vor.u32 v1, v38;
	v8 =	vand.u32 $0x3FE0, v8  }
0xeb: {  	v39 =	vand.u32 $0x3FE0, v28;
	v22 =	vor.u32 v20, v16;
	v10 =	vor.u32 v0, v8  }
0xec: {  	v20 =	vshll.u32 v34, $0x5;
	v16 =	vor.u32 v2, v22;
	v28 =	vld.idx.msk [tilespmem:v9+s2+$0x0], $0xffff;
	v9 =	vor.u32 v3, v21  }
0xed: {  	v34 =	vor.u32 v0, v39;
	v40 =	vor.u32 v2, v14;
	v15 =	vor.u32 v3, v17  }
0xee: {  	v41 =	vor.u32 v3, v11;
	v11 =	vshll.u32 v37, $0x5;
	v8 =	vor.u32 v5, v8  }
0xef: {  	v25 =	vand.u32 $0x3FE0, v20;
	v37 =	vor.u32 v0, v36;
	v23 =	vor.u32 v2, v21;
	[tilespmem:v13+s20+$0x0] =	vst.idx.msk $0xffff, v18  }
.Ltmp5:
0xf0: {  	v32 =	vor.u32 v3, v31;
	v26 =	vand.u32 $0x3FE0, v11;
	v17 =	vor.u32 v0, v25;
	v20 =	vld.idx.msk [tilespmem:v24+s2+$0x0], $0xffff;
	(pc) =	sbr.rel @p2 .LBB2_8-.Ltmp5, $4  }
0xf1: {  	v11 =	vor.u32 v5, v25;
	v25 =	vor.u32 v0, v19;
	v27 =	vld.idx.msk [tilespmem:v16+s2+$0x0], $0xffff;
	v16 =	vor.u32 v0, v26  }
0xf2: {  	v30 =	vor.u32 v1, v12;
	v13 =	vor.u32 v5, v19;
	[tilespmem:v34+s20+$0x0] =	vst.idx.msk $0xffff, v28;
	v18 =	vld.idx.msk [tilespmem:v40+s2+$0x0], $0xffff  }
0xf3: {  	v21 =	vor.u32 v3, v29;
	v24 =	vor.u32 v3, v22;
	v22 =	vor.u32 v5, v36;
	v29 =	vld.idx.msk [tilespmem:v41+s2+$0x0], $0xffff  }
0xf4: {  	v31 =	vor.u32 v5, v39;
	v19 =	vor.u32 v4, v38;
	v28 =	vld.idx.msk [tilespmem:v35+s2+$0x0], $0xffff;
	[tilespmem:v37+s20+$0x0] =	vst.idx.msk $0xffff, v33  }
0xf5: {  	_ =	sdelay $0x3  }
0xf6: {  	v12 =	vld.idx.msk [tilespmem:v32+s2+$0x0], $0xffff;
	[tilespmem:v25+s20+$0x0] =	vst.idx.msk $0xffff, v20  }
0xf7: {  	v14 =	vor.u32 v3, v14;
	v23 =	vld.idx.msk [tilespmem:v23+s2+$0x0], $0xffff;
	[tilespmem:v30+s20+$0x0] =	vst.idx.msk $0xffff, v27  }
0xf8: {  	v15 =	vld.idx.msk [tilespmem:v15+s2+$0x0], $0xffff;
	[tilespmem:v10+s20+$0x0] =	vst.idx.msk $0xffff, v18  }
0xf9: {  	v7 =	vld.idx.msk [tilespmem:v7+s2+$0x0], $0xffff;
	[tilespmem:v31+s20+$0x0] =	vst.idx.msk $0xffff, v29  }
0xfa: {  	v61 =	vld.idx.msk [tilespmem:v24+s2+$0x0], $0xffff;
	[tilespmem:v17+s20+$0x0] =	vst.idx.msk $0xffff, v28  }
0xfb: {  	[tilespmem:v22+s20+$0x0] =	vst.idx.msk $0xffff, v12;
	v62 =	vld.idx.msk [tilespmem:v21+s2+$0x0], $0xffff  }
0xfc: {  	[tilespmem:v16+s20+$0x0] =	vst.idx.msk $0xffff, v23;
	v10 =	vld.idx.msk [tilespmem:v14+s2+$0x0], $0xffff  }
0xfd: {  	v63 =	vor.u32 v5, v26;
	[tilespmem:v19+s20+$0x0] =	vst.idx.msk $0xffff, v15;
	v9 =	vld.idx.msk [tilespmem:v9+s2+$0x0], $0xffff  }
0xfe: {  	[tilespmem:v13+s20+$0x0] =	vst.idx.msk $0xffff, v7  }
0xff: {  	[tilespmem:v6+s20+$0x0] =	vst.idx.msk $0xffff, v61  }
0x100: {  	[tilespmem:v11+s20+$0x0] =	vst.idx.msk $0xffff, v62  }
0x101: {  	[tilespmem:v8+s20+$0x0] =	vst.idx.msk $0xffff, v10  }
0x102: {  	[tilespmem:v63+s20+$0x0] =	vst.idx.msk $0xffff, v9  }
0x103: {  	[hbm4b:s10+s2] =	stream.linear.scatter [tilespmem:s20], [sflag:$0x2], $0x4000, $0x38;
	[tilespmem:$0x11C00] =	vst v63  }
0x104: {  	_ =	swait.ge [sflag:s22], $0x4000  }
.Ltmp6:
0x105: {  	[sflag:s22] =	ssyncset.done $0x0;
	(pc) =	sbr.rel @p0 .LBB2_13-.Ltmp6, $4  }
0x106: {  	[sflag:s22] =	ssyncadd.s32 $0xFFFFC000  }
0x107: {  	_ =	swait.ge [sflag:s22], $0x4000  }
0x108: {  	[sflag:s22] =	ssyncset.done $0x0  }
0x109: {  	[sflag:s22] =	ssyncadd.s32 $0xFFFFC000  }
0x10a: {  	s0 =	simm.s32 $0x0;
	s1 =	simm.s32 $0x1  }
0x10b: {  	[tilespmem:s23], [sflag:$0x3] =	stream.linear.gather [hbm4b:s6+s0], $0x400, $0x38;
	[tilespmem:$0x11C00] =	vst v63  }
0x10c: {  	s3 =	simm.s32 $0x2;
	v6 =	vmul.u32 $0x80, v0;
	s30 =	simm.s32 $0x4;
	_ =	swait.ge [sflag:s24], $0x400  }
0x10d: {  	s31 =	simm.s32 $0x3;
	s26 =	simm.s32 $0x7;
	v8 =	vadd.s32 s0, v0;
	v7 =	vadd.s32 s1, v0;
	v10 =	vadd.s32 s3, v0;
	[sflag:s24] =	ssyncset.done $0x0  }
0x10e: {  	s25 =	simm.s32 $0x10400;
	v12 =	vadd.s32 s30, v0;
	v14 =	vadd.s32 s31, v0;
	s30 =	simm.s32 $0x5;
	v27 =	vadd.s32 s26, v0;
	[sflag:s24] =	ssyncadd.s32 $0xFFFFFC00  }
0x10f: {  	v9 =	vand.u32 $0x7F, v10;
	v13 =	vand.u32 $0x7F, v7;
	v11 =	vshll.u32 v8, $0x5;
	[tilespmem:s25], [sflag:$0x3] =	stream.linear.gather [hbm4b:s11+s0], $0x400, $0x38;
	[tilespmem:$0x11C00] =	vst v63  }
0x110: {  	v15 =	vand.u32 $0x7F, v14;
	v16 =	vand.u32 $0x7F, v12;
	v23 =	vadd.s32 s30, v0;
	_ =	swait.ge [sflag:s24], $0x400  }
0x111: {  	v24 =	vshll.u32 v7, $0x5;
	v10 =	vshll.u32 v10, $0x5;
	v25 =	vshll.u32 v12, $0x5;
	[sflag:s24] =	ssyncset.done $0x0  }
0x112: {  	s31 =	simm.s32 $0x10800;
	v33 =	vand.u32 $0x7F, v8;
	v20 =	vor.u32 v6, v13;
	v19 =	vor.u32 v6, v9;
	[sflag:s24] =	ssyncadd.s32 $0xFFFFFC00  }
0x113: {  	v18 =	vand.u32 $0xF80, v11;
	v21 =	vor.u32 v6, v15;
	v22 =	vor.u32 v6, v16;
	[tilespmem:s31], [sflag:$0x3] =	stream.linear.gather [hbm4b:s8+s0], $0x400, $0x38;
	[tilespmem:$0x11C00] =	vst v63  }
0x114: {  	v11 =	vor.u32 $0x800, v6;
	v17 =	vand.u32 $0x7F, v23;
	v29 =	vand.u32 $0xFE0, v10;
	_ =	swait.ge [sflag:s24], $0x400  }
0x115: {  	v10 =	vshll.u32 v14, $0x5;
	v38 =	vand.u32 $0xF80, v25;
	v24 =	vand.u32 $0xFE0, v24;
	[sflag:s24] =	ssyncset.done $0x0  }
0x116: {  	v36 =	vor.u32 v6, v33;
	v9 =	vor.u32 v11, v9;
	v7 =	vor.u32 v11, v15;
	[sflag:s24] =	ssyncadd.s32 $0xFFFFFC00  }
0x117: {  	v14 =	vor.u32 v11, v17;
	v15 =	vor.u32 v0, v29;
	v32 =	vand.u32 $0xFE0, v10;
	[tilespmem:s28], [sflag:$0x3] =	stream.linear.gather [hbm4b:s12+s0], $0x400, $0x38;
	[tilespmem:$0x11C00] =	vst v63  }
0x118: {  	v34 =	vor.u32 v6, v17;
	v10 =	vor.u32 v11, v13;
	v13 =	vshll.u32 v27, $0x5;
	_ =	swait.ge [sflag:s24], $0x400  }
0x119: {  	v25 =	vor.u32 v1, v38;
	v17 =	vor.u32 v11, v16;
	v16 =	vshll.u32 v23, $0x5;
	[sflag:s24] =	ssyncset.done $0x0  }
0x11a: {  	v8 =	vor.u32 v4, v18;
	v18 =	vor.u32 v1, v18;
	v26 =	vor.u32 v0, v24;
	[sflag:s24] =	ssyncadd.s32 $0xFFFFFC00  }
0x11b: {  	s25 =	simm.s32 $0x6;
	v12 =	vor.u32 v0, v32;
	v39 =	vand.u32 $0xFE0, v16;
	v23 =	vand.u32 $0xFE0, v13;
	v30 =	vld.idx.msk [tilespmem:v22+s23+$0x0], $0xffff  }
0x11c: {  	v16 =	vor.u32 v5, v29;
	v13 =	vor.u32 v5, v32;
	v28 =	vadd.s32 s25, v0;
	v29 =	vld.idx.msk [tilespmem:v19+s23+$0x0], $0xffff  }
0x11d: {  	v37 =	vor.u32 v0, v39;
	v40 =	vshll.u32 v28, $0x5;
	v22 =	vand.u32 $0x7F, v27;
	v34 =	vld.idx.msk [tilespmem:v34+s23+$0x0], $0xffff  }
0x11e: {  	v31 =	vor.u32 v5, v23;
	v35 =	vand.u32 $0x7F, v28;
	v28 =	vand.u32 $0xFE0, v40;
	v32 =	vld.idx.msk [tilespmem:v20+s23+$0x0], $0xffff  }
0x11f: {  	v19 =	vor.u32 v0, v23;
	v23 =	vor.u32 v11, v33;
	v33 =	vld.idx.msk [tilespmem:v21+s23+$0x0], $0xffff;
	v21 =	vor.u32 v4, v38  }
0x120: {  	s1 =	simm.s32 $0x8;
	v27 =	vor.u32 v5, v39;
	v20 =	vor.u32 v11, v22;
	v38 =	vor.u32 v6, v22;
	v22 =	vmovc v6  }
.LBB2_11:
0x121: {  	v39 =	vadd.s32 s1, v0;
	s0 =	sadd.s32 $0x1, s1;
	s3 =	sadd.s32 $0x2, s1;
	s25 =	sadd.s32 $0x7, s1;
	[tilespmem:v25+s20+$0x0] =	vst.idx.msk $0xffff, v30;
	v30 =	vor.u32 v11, v35;
	v40 =	vmov v31  }
0x122: {  	s26 =	sadd.s32 $0x6, s1;
	v11 =	vor.u32 v22, v35;
	v25 =	vadd.s32 s0, v0;
	v31 =	vadd.s32 s3, v0;
	s0 =	sadd.s32 $0x3, s1;
	s3 =	sadd.s32 $0x4, s1;
	v36 =	vld.idx.msk [tilespmem:v36+s23+$0x0], $0xffff;
	[tilespmem:v37+s20+$0x0] =	vst.idx.msk $0xffff, v34  }
0x123: {  	p2 =	slt.u32 s1, $0x78;
	v24 =	vor.u32 v5, v24;
	v34 =	vand.u32 $0x7F, v31;
	v35 =	vadd.s32 s3, v0;
	s3 =	sadd.s32 $0x5, s1;
	s1 =	sadd.s32 $0x8, s1;
	[tilespmem:v15+s20+$0x0] =	vst.idx.msk $0xffff, v29;
	v14 =	vld.idx.msk [tilespmem:v14+s23+$0x0], $0xffff  }
0x124: {  	v29 =	vand.u32 $0x7F, v25;
	v15 =	vadd.s32 s0, v0;
	[tilespmem:v26+s20+$0x0] =	vst.idx.msk $0xffff, v32;
	v26 =	vld.idx.msk [tilespmem:v9+s23+$0x0], $0xffff;
	v32 =	vor.u32 v0, v28  }
0x125: {  	v42 =	vor.u32 v5, v28;
	v37 =	vor.u32 v6, v29;
	v41 =	vor.u32 v6, v34;
	v28 =	vld.idx.msk [tilespmem:v38+s23+$0x0], $0xffff  }
0x126: {  	v22 =	vmovc v6;
	v9 =	vshll.u32 v39, $0x5;
	v43 =	vand.u32 $0x7F, v35;
	v38 =	vand.u32 $0x7F, v15;
	[tilespmem:v12+s20+$0x0] =	vst.idx.msk $0xffff, v33;
	v12 =	vld.idx.msk [tilespmem:v17+s23+$0x0], $0xffff  }
0x127: {  	v45 =	vor.u32 v22, v43;
	v33 =	vand.u32 $0xF80, v9;
	v44 =	vor.u32 v22, v38;
	v17 =	vld.idx.msk [tilespmem:v11+s23+$0x0], $0xffff  }
0x128: {  	v47 =	vadd.s32 s25, v0;
	v46 =	vadd.s32 s3, v0;
	v11 =	vor.u32 $0x800, v22;
	[tilespmem:v18+s20+$0x0] =	vst.idx.msk $0xffff, v36;
	v18 =	vld.idx.msk [tilespmem:v7+s23+$0x0], $0xffff  }
0x129: {  	v48 =	vadd.s32 s26, v0;
	v9 =	vor.u32 v11, v34;
	v34 =	vand.u32 $0x7F, v46;
	v36 =	vld.idx.msk [tilespmem:v10+s23+$0x0], $0xffff;
	[tilespmem:v27+s20+$0x0] =	vst.idx.msk $0xffff, v14  }
0x12a: {  	v7 =	vor.u32 v11, v38;
	v27 =	vshll.u32 v25, $0x5;
	v10 =	vshll.u32 v31, $0x5;
	v23 =	vld.idx.msk [tilespmem:v23+s23+$0x0], $0xffff;
	[tilespmem:v16+s20+$0x0] =	vst.idx.msk $0xffff, v26  }
0x12b: {  	v14 =	vor.u32 v11, v34;
	v16 =	vand.u32 $0xFE0, v10;
	v10 =	vshll.u32 v15, $0x5;
	[tilespmem:v19+s20+$0x0] =	vst.idx.msk $0xffff, v28  }
0x12c: {  	v25 =	vshll.u32 v35, $0x5;
	v15 =	vor.u32 v0, v16;
	v19 =	vand.u32 $0xFE0, v10;
	[tilespmem:v21+s20+$0x0] =	vst.idx.msk $0xffff, v12;
	v20 =	vld.idx.msk [tilespmem:v20+s23+$0x0], $0xffff  }
0x12d: {  	v28 =	vor.u32 v22, v34;
	v21 =	vand.u32 $0x7F, v39;
	v12 =	vor.u32 v0, v19;
	[tilespmem:v32+s20+$0x0] =	vst.idx.msk $0xffff, v17  }
0x12e: {  	v38 =	vand.u32 $0xF80, v25;
	v26 =	vshll.u32 v47, $0x5;
	v10 =	vor.u32 v11, v29;
	[tilespmem:v13+s20+$0x0] =	vst.idx.msk $0xffff, v18  }
0x12f: {  	v25 =	vor.u32 v1, v38;
	v17 =	vor.u32 v11, v43;
	v13 =	vshll.u32 v46, $0x5;
	v39 =	vld.idx.msk [tilespmem:v30+s23+$0x0], $0xffff  }
0x130: {  	v31 =	vor.u32 v4, v33;
	v43 =	vand.u32 $0xFE0, v13;
	v30 =	vld.idx.msk [tilespmem:v45+s23+$0x0], $0xffff;
	v45 =	vand.u32 $0xFE0, v26;
	[tilespmem:v24+s20+$0x0] =	vst.idx.msk $0xffff, v36  }
0x131: {  	v18 =	vor.u32 v1, v33;
	v24 =	vand.u32 $0xFE0, v27;
	v27 =	vshll.u32 v48, $0x5;
	v29 =	vld.idx.msk [tilespmem:v41+s23+$0x0], $0xffff;
	[tilespmem:v8+s20+$0x0] =	vst.idx.msk $0xffff, v23  }
.Ltmp7:
0x132: {  	v16 =	vor.u32 v5, v16;
	v26 =	vor.u32 v0, v24;
	v41 =	vand.u32 $0x7F, v47;
	v8 =	vmovc v31;
	v34 =	vld.idx.msk [tilespmem:v28+s23+$0x0], $0xffff;
	(pc) =	sbr.rel @p2 .LBB2_11-.Ltmp7, $4  }
0x133: {  	v36 =	vor.u32 v22, v21;
	v31 =	vor.u32 v5, v45;
	v32 =	vld.idx.msk [tilespmem:v37+s23+$0x0], $0xffff;
	v37 =	vor.u32 v0, v43  }
0x134: {  	v35 =	vand.u32 $0x7F, v48;
	v13 =	vor.u32 v5, v19;
	v19 =	vor.u32 v0, v45;
	[tilespmem:v40+s20+$0x0] =	vst.idx.msk $0xffff, v20  }
0x135: {  	v23 =	vor.u32 v11, v21;
	v28 =	vand.u32 $0xFE0, v27;
	v20 =	vor.u32 v11, v41;
	[tilespmem:v42+s20+$0x0] =	vst.idx.msk $0xffff, v39  }
0x136: {  	v21 =	vor.u32 v4, v38;
	v27 =	vor.u32 v5, v43;
	v38 =	vor.u32 v22, v41;
	v33 =	vld.idx.msk [tilespmem:v44+s23+$0x0], $0xffff  }
0x137: {  	_ =	sdelay $0x2  }
0x138: {  	v6 =	vor.u32 v22, v35  }
0x139: {  	v58 =	vld.idx.msk [tilespmem:v36+s23+$0x0], $0xffff;
	[tilespmem:v37+s20+$0x0] =	vst.idx.msk $0xffff, v34  }
0x13a: {  	[tilespmem:v15+s20+$0x0] =	vst.idx.msk $0xffff, v29;
	v59 =	vld.idx.msk [tilespmem:v38+s23+$0x0], $0xffff  }
0x13b: {  	[tilespmem:v25+s20+$0x0] =	vst.idx.msk $0xffff, v30;
	v14 =	vld.idx.msk [tilespmem:v14+s23+$0x0], $0xffff  }
0x13c: {  	v9 =	vld.idx.msk [tilespmem:v9+s23+$0x0], $0xffff;
	[tilespmem:v26+s20+$0x0] =	vst.idx.msk $0xffff, v32  }
0x13d: {  	v60 =	vor.u32 v0, v28;
	[tilespmem:v12+s20+$0x0] =	vst.idx.msk $0xffff, v33;
	v6 =	vld.idx.msk [tilespmem:v6+s23+$0x0], $0xffff  }
0x13e: {  	v11 =	vor.u32 v11, v35;
	v61 =	vld.idx.msk [tilespmem:v17+s23+$0x0], $0xffff;
	[tilespmem:v18+s20+$0x0] =	vst.idx.msk $0xffff, v58  }
0x13f: {  	v62 =	vor.u32 v5, v24;
	v10 =	vld.idx.msk [tilespmem:v10+s23+$0x0], $0xffff;
	[tilespmem:v19+s20+$0x0] =	vst.idx.msk $0xffff, v59  }
0x140: {  	v7 =	vld.idx.msk [tilespmem:v7+s23+$0x0], $0xffff;
	[tilespmem:v27+s20+$0x0] =	vst.idx.msk $0xffff, v14  }
0x141: {  	[tilespmem:v16+s20+$0x0] =	vst.idx.msk $0xffff, v9;
	v63 =	vld.idx.msk [tilespmem:v23+s23+$0x0], $0xffff  }
0x142: {  	v15 =	vld.idx.msk [tilespmem:v20+s23+$0x0], $0xffff;
	[tilespmem:v60+s20+$0x0] =	vst.idx.msk $0xffff, v6  }
0x143: {  	[tilespmem:v21+s20+$0x0] =	vst.idx.msk $0xffff, v61;
	v6 =	vor.u32 v5, v28;
	v11 =	vld.idx.msk [tilespmem:v11+s23+$0x0], $0xffff  }
0x144: {  	[tilespmem:v62+s20+$0x0] =	vst.idx.msk $0xffff, v10  }
0x145: {  	[tilespmem:v13+s20+$0x0] =	vst.idx.msk $0xffff, v7  }
0x146: {  	[tilespmem:v8+s20+$0x0] =	vst.idx.msk $0xffff, v63  }
0x147: {  	[tilespmem:v31+s20+$0x0] =	vst.idx.msk $0xffff, v15  }
.Ltmp8:
0x148: {  	[tilespmem:v6+s20+$0x0] =	vst.idx.msk $0xffff, v11;
	(pc) =	sbr.rel .LBB2_14-.Ltmp8, $4  }
0x149: {  	[hbm4b:s13+s2] =	stream.linear.scatter [tilespmem:s20], [sflag:$0x3], $0x1000, $0x38;
	[tilespmem:$0x11C00] =	vst v63  }
0x14a: {  	_ =	swait.ge [sflag:s24], $0x1000  }
0x14b: {  	[sflag:s24] =	ssyncset.done $0x0  }
0x14c: {  	[sflag:s24] =	ssyncadd.s32 $0xFFFFF000  }
.LBB2_15:
0x14d: {  	_ =	sfence.sel $0x180000  }
0x14e: {  	[bflag:$0x0] =	sbarrier.arrive $0xFFFF  }
0x14f: {  	_ =	strace $0x90000047  }
0x150: {  	s0 =	stileid.u32;
	[bflag:$0x2] =	sbarrier.arrive $0xFFFF  }
0x151: {  	p0 =	sne.s32 s0, $0x0;
	s0 =	rddreg [dreg:$0x3]  }
0x152: {  	s0 =	sadd.s32 @!p0 $0x100000, s0  }
0x153: {  	[sflag:s0] =	ssyncadd.tile.s32 @!p0 $0x1;
	_ =	shalt  }
.Lfunc_end2:
_tile_overlayer_lowered:
.L_overlay_start_2:
0x154: {  	(tag) =	ssettag $0x2  }
0x155: {  	s0 =	rddreg [dreg:$0x0];
	s2 =	stileid.u32  }
0x156: {  	s1 =	rddreg [dreg:$0x1];
	p0 =	sne.s32 s2, $0x0  }
0x157: {  	s3 =	rddreg [dreg:$0x2];
	[bflag:$0x3] =	sbarrier.arrive $0xFFFF;
	s2 =	simm.s32 @!p0 $0x1C03  }
0x158: {  	[timem:s3], [sflag:s2] =	dma.local @!p0 [hbm:s0], s1  }
0x159: {  	s0 =	simm.s32 @!p0 $0x3  }
0x15a: {  	_ =	swait.ge @!p0 [sflag:s0], s1  }
0x15b: {  	s1 =	ssub.s32 @!p0 $0x0, s1;
	[sflag:s0] =	ssyncset.done @!p0 $0x0  }
0x15c: {  	[sflag:s0] =	ssyncadd.s32 @!p0 s1  }
0x15d: {  	[bflag:$0x3] =	sbarrier.arrive $0xFFFF  }
0x15e: {  	_ =	shalt  }

// kernel: kernel.7.cloned.1.call-start
scs
__scs_entry_jumppad:
0x0: {  	(pc) =	sbr.rel $0x88, $3  }
0x1: {  	(tag) =	ssettag $0x0;
	lr =	simm.s32 $0x1  }
0x2: {  	[smem:$0x3F9D] =	sst lr;
	_ =	strace $0xD0000000  }
0x3: {  	_ = 	snop  }
0x4: {  	_ = 	snop  }
0x5: {  	_ = 	snop  }
0x6: {  	_ = 	snop  }
0x7: {  	_ = 	snop  }
__scs_overlays_trampoline_lowered:
0x8: {  	[smem:$0x3FAC] =	sst s0  }
0x9: {  	[smem:$0x3FAD] =	sst s1  }
0xa: {  	[smem:$0x3FAE] =	sst s2  }
0xb: {  	[smem:$0x3FAF] =	sst s3  }
0xc: {  	[smem:$0x3FB0] =	sst s4  }
0xd: {  	[smem:$0x3FB1] =	sst s5  }
0xe: {  	[smem:$0x3FB2] =	sst s6  }
0xf: {  	[smem:$0x3FB3] =	sst s7  }
0x10: {  	[smem:$0x3FB4] =	sst s8  }
0x11: {  	[smem:$0x3FB5] =	sst s9;
	s0 =	simm.s32 @!p0 $0x0  }
0x12: {  	s1 =	sld [smem:$0x3F9B];
	s0 =	simm.s32 @p0 $0x1  }
0x13: {  	[smem:$0x3FB6] =	sst s0;
	s0 =	simm.s32 @!p1 $0x0  }
0x14: {  	s2 =	sld [smem:$0x3F9A];
	s0 =	simm.s32 @p1 $0x1  }
0x15: {  	[smem:$0x3FB7] =	sst s0;
	s0 =	simm.s32 @!p2 $0x0  }
0x16: {  	s3 =	sld [smem:$0x3FDB];
	s0 =	simm.s32 @p2 $0x1  }
0x17: {  	s4 =	simm.s32 $0x1BF5;
	[smem:$0x3FB9] =	sst s0  }
0x18: {  	s0 =	sld [smem:$0x3F9C];
	_ =	swait.ge [sflag:s4], $0x0  }
0x19: {  	s7 =	sld [smem:$0x3F9D]  }
0x1a: {  	s8 =	sadd.s32 $0xFFFFE003, lr  }
0x1b: {  	s9 =	sadd.s32 $0xFFFFFEF7, lr;
	s5 =	simm.s32 $0xFFFFFFFF;
	p2 =	slt.u32 s8, $0xFFFFF086  }
0x1c: {  	p1 =	slt.u32 s9, $0xF7A;
	s5 =	simm.s32 @!p2 $0x0  }
0x1d: {  	s5 =	simm.s32 @p1 $0x1;
	p0 =	seq.s32 s7, s2  }
0x1e: {  	s7 =	smul.u32 @!p0 $0xF7A, s2;
	p2 =	seq.s32 @!p0 s5, $0x0  }
0x1f: {  	s9 =	smul.u32 $0xF7A, s1;
	s8 =	simm.s32 @!p0 $0x1BF5;
	p2 =	por !p2, p0  }
0x20: {  	[sflag:s8] =	ssyncset.s32 @!p0 $0xFFFFF086;
	s6 =	sadd.s32 @!p0 s3, s7;
	s7 =	simm.s32 @!p0 $0x108  }
0x21: {  	s3 =	sadd.s32 s3, s9;
	s6 =	sadd.s32 @!p0 $0x88, s6;
	s7 =	simm.s32 @p2 $0x1082  }
0x22: {  	[simem:s7], [sflag:s8] =	dma.local @!p0 [hbm:s6], $0xF7A  }
0x23: {  	s9 =	sor.u32 $0xD0000000, s2;
	s6 =	simm.s32 $0x108;
	_ =	swait.ge @!p0 [sflag:s8], $0x0  }
0x24: {  	s3 =	sadd.s32 $0x88, s3;
	s6 =	simm.s32 @!p1 $0x1082;
	[sflag:s4] =	ssyncset.s32 $0xFFFFF086  }
0x25: {  	[simem:s6], [sflag:s4] =	dma.local [hbm:s3], $0xF7A  }
0x26: {  	[smem:$0x3F9D] =	sst s1;
	(tag) =	ssettag s2;
	_ =	strace s9  }
0x27: {  	s1 =	sld [smem:$0x3FAD]  }
0x28: {  	s2 =	sld [smem:$0x3FAE]  }
0x29: {  	s4 =	sld [smem:$0x3FB0]  }
0x2a: {  	p0 =	seq.s32 s5, $0x0;
	s5 =	sld [smem:$0x3FB1]  }
0x2b: {  	s6 =	sld [smem:$0x3FB2]  }
0x2c: {  	s7 =	sld [smem:$0x3FB3]  }
0x2d: {  	s3 =	simm.s32 $0x108;
	s8 =	sld [smem:$0x3FB4]  }
0x2e: {  	s3 =	simm.s32 @!p0 $0x1082;
	s9 =	sld [smem:$0x3FB5]  }
0x2f: {  	lr =	sadd.s32 s0, s3;
	s0 =	sld [smem:$0x3FAC]  }
0x30: {  	s3 =	sld [smem:$0x3FAF]  }
0x31: {  	[smem:$0x3FB8] =	sst s10  }
0x32: {  	s10 =	sld [smem:$0x3FB6];
	_ =	sdelay $0x3  }
0x33: {  	p0 =	seq.s32 s10, $0x1;
	s10 =	sld [smem:$0x3FB8];
	_ =	sdelay $0x3  }
0x34: {  	[smem:$0x3FB8] =	sst s10  }
0x35: {  	s10 =	sld [smem:$0x3FB7];
	_ =	sdelay $0x3  }
0x36: {  	p1 =	seq.s32 s10, $0x1;
	s10 =	sld [smem:$0x3FB8];
	_ =	sdelay $0x3  }
0x37: {  	[smem:$0x3FB8] =	sst s10  }
0x38: {  	s10 =	sld [smem:$0x3FB9]  }
0x39: {  	_ = 	snop;
	(pc) =	sbr.ind lr, $3  }
0x3a: {  	_ = 	snop  }
0x3b: {  	_ = 	snop  }
0x3c: {  	p2 =	seq.s32 s10, $0x1;
	s10 =	sld [smem:$0x3FB8]  }
0x3d: {  	_ =	shalt  }
0x3e: {  	_ =	shalt  }
0x3f: {  	_ =	shalt  }
0x40: {  	_ =	shalt  }
0x41: {  	_ =	shalt  }
0x42: {  	_ =	shalt  }
0x43: {  	_ =	shalt  }
0x44: {  	_ =	shalt  }
0x45: {  	_ =	shalt  }
0x46: {  	_ =	shalt  }
0x47: {  	_ =	shalt  }
0x48: {  	_ =	shalt  }
0x49: {  	_ =	shalt  }
0x4a: {  	_ =	shalt  }
0x4b: {  	_ =	shalt  }
0x4c: {  	_ =	shalt  }
0x4d: {  	_ =	shalt  }
0x4e: {  	_ =	shalt  }
0x4f: {  	_ =	shalt  }
0x50: {  	_ =	shalt  }
0x51: {  	_ =	shalt  }
0x52: {  	_ =	shalt  }
0x53: {  	_ =	shalt  }
0x54: {  	_ =	shalt  }
0x55: {  	_ =	shalt  }
0x56: {  	_ =	shalt  }
0x57: {  	_ =	shalt  }
0x58: {  	_ =	shalt  }
0x59: {  	_ =	shalt  }
0x5a: {  	_ =	shalt  }
0x5b: {  	_ =	shalt  }
0x5c: {  	_ =	shalt  }
0x5d: {  	_ =	shalt  }
0x5e: {  	_ =	shalt  }
0x5f: {  	_ =	shalt  }
0x60: {  	_ =	shalt  }
0x61: {  	_ =	shalt  }
0x62: {  	_ =	shalt  }
0x63: {  	_ =	shalt  }
0x64: {  	_ =	shalt  }
0x65: {  	_ =	shalt  }
0x66: {  	_ =	shalt  }
0x67: {  	_ =	shalt  }
0x68: {  	_ =	shalt  }
0x69: {  	_ =	shalt  }
0x6a: {  	_ =	shalt  }
0x6b: {  	_ =	shalt  }
0x6c: {  	_ =	shalt  }
0x6d: {  	_ =	shalt  }
0x6e: {  	_ =	shalt  }
0x6f: {  	_ =	shalt  }
0x70: {  	_ =	shalt  }
0x71: {  	_ =	shalt  }
0x72: {  	_ =	shalt  }
0x73: {  	_ =	shalt  }
0x74: {  	_ =	shalt  }
0x75: {  	_ =	shalt  }
0x76: {  	_ =	shalt  }
0x77: {  	_ =	shalt  }
0x78: {  	_ =	shalt  }
0x79: {  	_ =	shalt  }
0x7a: {  	_ =	shalt  }
0x7b: {  	_ =	shalt  }
0x7c: {  	_ =	shalt  }
0x7d: {  	_ =	shalt  }
0x7e: {  	_ =	shalt  }
0x7f: {  	_ =	shalt  }
0x80: {  	_ =	shalt  }
0x81: {  	_ =	shalt  }
0x82: {  	_ =	shalt  }
0x83: {  	_ =	shalt  }
0x84: {  	_ =	shalt  }
0x85: {  	_ =	shalt  }
0x86: {  	_ =	shalt  }
0x87: {  	_ =	shalt  }
.Lfunc_end0:
.L_simem_size_0:
called_computation.1_lowered:
.L_overlay_start_0:
0x88: {  	s2 =	sld [smem:$0x3FD9]  }
0x89: {  	s3 =	sld [smem:$0x3FFE];
	_ =	sdelay $0x1  }
0x8a: {  	s1 =	srdreg.scid  }
0x8b: {  	s0 =	sand.u32 $0x1, s1  }
0x8c: {  	s17 =	sshll.u32 s0, $0xA;
	s2 =	sadd.s32 s3, s2  }
0x8d: {  	s2 =	sadd.s32 s2, s17  }
0x8e: {  	[smem:$0x3FC4] =	sst s2  }
0x8f: {  	_ = 	snop  }
0x90: {  	s2 =	sld [smem:$0x3FC6]  }
0x91: {  	s18 =	sld [smem:$0x3FD0];
	(tm) =	ssettm $0x1  }
0x92: {  	s4 =	sld [smem:$0x3FFB];
	_ =	sdelay $0x3  }
0x93: {  	_ =	strace s4  }
0x94: {  	s4 =	sld [smem:$0x3FFC];
	_ =	sdelay $0x3  }
0x95: {  	_ =	strace s4  }
0x96: {  	s4 =	sld [smem:$0x3FFD];
	_ =	sdelay $0x3  }
0x97: {  	_ =	strace s4  }
0x98: {  	_ =	strace $0x8FFFFFFF  }
0x99: {  	s19 =	sld [smem:$0x3FDB];
	_ =	sdelay $0x1  }
0x9a: {  	s5 =	simm.s32 $_scs_section_size  }
0x9b: {  	s6 =	simm.s32 $_size__tile_overlayer_lowered;
	s7 =	simm.s32 $_tile_overlayer_lowered  }
0x9c: {  	s22 =	simm.s32 $0x1BFF;
	s21 =	sshll.u32 s7, $0x1;
	s4 =	sadd.s32 s5, s19  }
0x9d: {  	s8 =	simm.s32 $0x0;
	s20 =	sshll.u32 s6, $0x1;
	s6 =	sadd.s32 s21, s4  }
0x9e: {  	[timem:s8], [sflag:s22] =	dma.local [hbm:s6], s20  }
0x9f: {  	_ =	swait.ge [sflag:s22], s20  }
0xa0: {  	s5 =	ssub.s32 $0x0, s20;
	[sflag:s22] =	ssyncset.done $0x0  }
0xa1: {  	[sflag:s22] =	ssyncadd.s32 s5;
	_ =	sdelay $0x1  }
0xa2: {  	s23 =	simm.s32 $0x1B8B  }
0xa3: {  	_ =	swait.ge [sflag:s23], $0x1  }
0xa4: {  	[sflag:s23] =	ssyncset.done $0x0  }
0xa5: {  	s25 =	simm.s32 $0x1B8E;
	s24 =	sld [smem:$0x3FFE];
	[sflag:s23] =	ssyncadd.s32 $0xFFFFFFFF  }
0xa6: {  	s26 =	simm.s32 $execute0_lowered;
	[smem:$0x3FD2] =	sst s25  }
0xa7: {  	s6 =	sshll.u32 s26, $0x1;
	_ =	strace $0x80000049;
	[dreg:$0x1] =	wrdreg $0xFFFFFFFF  }
0xa8: {  	s28 =	simm.s32 $_size_execute0_lowered;
	s4 =	sadd.s32 s4, s6;
	[dreg:$0x0] =	wrdreg $0x0  }
0xa9: {  	s6 =	sshll.u32 s28, $0x1;
	[dreg:$0x2] =	wrdreg s4  }
0xaa: {  	[dreg:$0x3] =	wrdreg s6  }
0xab: {  	[dreg:$0x4] =	wrdreg $0xC0  }
0xac: {  	_ =	task [dreg:s8], $0x5FFFF  }
0xad: {  	[dreg:$0x1] =	wrdreg $0xFFFFFFFF  }
0xae: {  	[dreg:$0x0] =	wrdreg $0x60  }
0xaf: {  	[dreg:$0x2] =	wrdreg s24  }
0xb0: {  	[dreg:$0x3] =	wrdreg s2  }
0xb1: {  	[dreg:$0x4] =	wrdreg s18  }
0xb2: {  	[dreg:$0x5] =	wrdreg $0x9  }
0xb3: {  	_ =	task.clear_ibuf [dreg:s8], $0x6FFFF;
	_ =	strace $0x90000049  }
0xb4: {  	s29 =	simm.s32 $0x9;
	_ =	strace $0x8000004B  }
0xb5: {  	_ =	swait.ge [sflag:s29], $0x1  }
0xb6: {  	[sflag:s29] =	ssyncadd.s32 $0xFFFFFFFF  }
0xb7: {  	_ =	strace $0x9000004B  }
0xb8: {  	_ =	sfence  }
0xb9: {  	s30 =	sld [smem:$0x0];
	_ =	sdelay $0x2  }
0xba: {  	s31 =	sshll.u32 s1, $0xD;
	s1 =	sshrl.u32 s1, $0x2  }
0xbb: {  	s3 =	sand.u32 $0x4000, s31;
	s1 =	sadd.s32 s1, s30  }
0xbc: {  	s0 =	sor.u32 s3, s0;
	s1 =	sshll.u32 s1, $0x11  }
0xbd: {  	s0 =	sor.u32 s1, s0  }
0xbe: {  	s0 =	sadd.s32 $0x8F2B, s0  }
0xbf: {  	[sflag:s0] =	ssyncadd.remote.s32 $0x1  }
0xc0: {  	_ =	sfence.sel $0xFFFF  }
0xc1: {  	[dreg:$0x0] =	wrdreg $0xFFFFFFFF;
	(pc) =	sbr.abs _section_cstart, $3  }
0xc2: {  	[dreg:$0x1] =	wrdreg $0xFFFFFFFF  }
0xc3: {  	_ =	task.clear_ibuf [dreg:s8], $0x2FFFF;
	_ =	strace $0x9FFFFFFF  }
0xc4: {  	(tm) =	ssettm $0x7FFFFFFF  }
0xc5: {  	_ =	shalt  }
tec
execute0_lowered:
.L_overlay_start_1:
0x0: {  	(tag) =	ssettag $0x1  }
0x1: {  	s0 =	rddreg [dreg:$0x0]  }
0x2: {  	s1 =	rddreg [dreg:$0x2];
	s2 =	srdreg.scid  }
0x3: {  	s9 =	simm.s32 $0x0;
	s4 =	stileid.u32;
	s15 =	simm.s32 $0x2  }
0x4: {  	s16 =	simm.s32 $0x80;
	s11 =	simm.s32 $0x680;
	s22 =	simm.s32 $0x900  }
0x5: {  	s13 =	simm.s32 $0x980;
	s20 =	simm.s32 $0xA00;
	s30 =	simm.s32 $0xB00  }
0x6: {  	s17 =	simm.s32 $0xB80;
	s21 =	simm.s32 $0xC80;
	s2 =	sand.u32 $0x1, s2  }
0x7: {  	[smem:$0x7FF] =	sst s9;
	s5 =	sadd.s32 $0x800, s0;
	s3 =	sshll.u32 s2, $0x4  }
0x8: {  	s6 =	sadd.s32 $0x3DE200, s0;
	_ =	strace $0x8000004A;
	s3 =	sor.u32 s4, s3  }
0x9: {  	s2 =	ssub.s32 $0x2, s2;
	s4 =	sadd.s32 $0x3D1200, s0;
	s7 =	smul.u32 $0x3400, s3  }
0xa: {  	s23 =	sshrl.u32 s2, $0x1;
	s8 =	smul.u32 $0x680, s3;
	s26 =	sshll.u32 s3, $0x3  }
0xb: {  	s0 =	ssub.s32 s2, s23;
	s28 =	sshll.u32 s3, $0x6;
	s29 =	sor.u32 $0x2, s26  }
0xc: {  	s31 =	sor.u32 $0x3, s26;
	s1 =	sadd.s32 s1, s28;
	[dreg:$0x6] =	wrdreg s29  }
0xd: {  	s0 =	smax.u32 s0, $0x1;
	s26 =	simm.s32 $0xC00;
	[dreg:$0x7] =	wrdreg s31  }
0xe: {  	s7 =	sshrl.u32 s7, $0x3;
	s24 =	sadd.s32 s4, s8;
	[dreg:$0x8] =	wrdreg s1  }
0xf: {  	[dreg:$0x9] =	wrdreg s0;
	s1 =	simm.s32 $0x0;
	s25 =	sadd.s32 s4, s7  }
0x10: {  	[dreg:$0x4] =	wrdreg s24;
	s7 =	simm.s32 $0xA80;
	s2 =	sadd.s32 $0xD0, s25  }
0x11: {  	vm0 =	vmmov $0x3ff;
	v0 =	vlaneseq.u32;
	s24 =	simm.s32 $0x1;
	[dreg:$0x5] =	wrdreg s2;
	s2 =	simm.s32 $0x3  }
.LBB2_1:
0x12: {  	[dreg:$0xa] =	wrdreg s1  }
0x13: {  	s0 =	rddreg [dreg:$0x1];
	s12 =	simm.s32 $0x1BC20  }
0x14: {  	[tilespmem:s12], [sflag:$0x3] =	stream.linear.gather [hbm4b:s0+s9], $0x1, $0x38;
	[tilespmem:$0x1BC30] =	vst v63  }
0x15: {  	_ =	swait.ge [sflag:s2], $0x1  }
0x16: {  	[sflag:s2] =	ssyncset.done $0x0  }
0x17: {  	s14 =	rddreg [dreg:$0x4];
	[sflag:s2] =	ssyncadd.s32 $0xFFFFFFFF  }
0x18: {  	v1 =	vld [tilespmem:$0x1BC20];
	[tilespmem:s9], [sflag:$0x2] =	stream.linear.gather [hbm4b:s14+s9], $0x680, $0x38  }
0x19: {  	_ =	swait.ge [sflag:s15], $0x680  }
0x1a: {  	[sflag:s15] =	ssyncset.done $0x0  }
0x1b: {  	s18 =	simm.s32 $0xD00;
	[sflag:s15] =	ssyncadd.s32 $0xFFFFF980  }
0x1c: {  	[tilespmem:s18], [sflag:$0x1] =	stream.indirect.gather [hbm4b:s5+s16], $0x20, s9, s16, $0xb8;
	[tilespmem:$0x1BC30] =	vst v63  }
0x1d: {  	s19 =	simm.s32 $0x1AD00  }
0x1e: {  	[tilespmem:s19], [sflag:$0x1] =	stream.indirect.gather [hbm4b:s6+s16], $0x1, s9, s16, $0xb8;
	[tilespmem:$0x1BC30] =	vst v63  }
0x1f: {  	s23 =	simm.s32 $0x1D00  }
0x20: {  	[tilespmem:s23], [sflag:$0x1] =	stream.indirect.gather [hbm4b:s5+s16], $0x20, s16, s16, $0xb8;
	[tilespmem:$0x1BC30] =	vst v63  }
0x21: {  	s25 =	simm.s32 $0x1AD80  }
0x22: {  	[tilespmem:s25], [sflag:$0x1] =	stream.indirect.gather [hbm4b:s6+s16], $0x1, s16, s16, $0xb8;
	[tilespmem:$0x1BC30] =	vst v63  }
0x23: {  	s29 =	simm.s32 $0x100;
	s2 =	simm.s32 $0x2D00  }
0x24: {  	[tilespmem:s2], [sflag:$0x1] =	stream.indirect.gather [hbm4b:s5+s16], $0x20, s29, s16, $0xb8;
	[tilespmem:$0x1BC30] =	vst v63  }
0x25: {  	s3 =	simm.s32 $0x1AE00  }
0x26: {  	[tilespmem:s3], [sflag:$0x1] =	stream.indirect.gather [hbm4b:s6+s16], $0x1, s29, s16, $0xb8;
	[tilespmem:$0x1BC30] =	vst v63  }
0x27: {  	s8 =	simm.s32 $0x180;
	s10 =	simm.s32 $0x3D00  }
0x28: {  	[tilespmem:s10], [sflag:$0x1] =	stream.indirect.gather [hbm4b:s5+s16], $0x20, s8, s16, $0xb8;
	[tilespmem:$0x1BC30] =	vst v63  }
0x29: {  	s12 =	simm.s32 $0x1AE80  }
0x2a: {  	[tilespmem:s12], [sflag:$0x1] =	stream.indirect.gather [hbm4b:s6+s16], $0x1, s8, s16, $0xb8;
	[tilespmem:$0x1BC30] =	vst v63  }
0x2b: {  	s14 =	simm.s32 $0x200;
	s18 =	simm.s32 $0x4D00  }
0x2c: {  	[tilespmem:s18], [sflag:$0x1] =	stream.indirect.gather [hbm4b:s5+s16], $0x20, s14, s16, $0xb8;
	[tilespmem:$0x1BC30] =	vst v63  }
0x2d: {  	s19 =	simm.s32 $0x1AF00  }
0x2e: {  	[tilespmem:s19], [sflag:$0x1] =	stream.indirect.gather [hbm4b:s6+s16], $0x1, s14, s16, $0xb8;
	[tilespmem:$0x1BC30] =	vst v63  }
0x2f: {  	s23 =	simm.s32 $0x280;
	s25 =	simm.s32 $0x5D00  }
0x30: {  	[tilespmem:s25], [sflag:$0x1] =	stream.indirect.gather [hbm4b:s5+s16], $0x20, s23, s16, $0xb8;
	[tilespmem:$0x1BC30] =	vst v63  }
0x31: {  	s29 =	simm.s32 $0x1AF80  }
0x32: {  	[tilespmem:s29], [sflag:$0x1] =	stream.indirect.gather [hbm4b:s6+s16], $0x1, s23, s16, $0xb8;
	[tilespmem:$0x1BC30] =	vst v63  }
0x33: {  	s2 =	simm.s32 $0x300;
	s3 =	simm.s32 $0x6D00  }
0x34: {  	[tilespmem:s3], [sflag:$0x1] =	stream.indirect.gather [hbm4b:s5+s16], $0x20, s2, s16, $0xb8;
	[tilespmem:$0x1BC30] =	vst v63  }
0x35: {  	s8 =	simm.s32 $0x1B000  }
0x36: {  	[tilespmem:s8], [sflag:$0x1] =	stream.indirect.gather [hbm4b:s6+s16], $0x1, s2, s16, $0xb8;
	[tilespmem:$0x1BC30] =	vst v63  }
0x37: {  	s10 =	simm.s32 $0x380;
	s12 =	simm.s32 $0x7D00  }
0x38: {  	[tilespmem:s12], [sflag:$0x1] =	stream.indirect.gather [hbm4b:s5+s16], $0x20, s10, s16, $0xb8;
	[tilespmem:$0x1BC30] =	vst v63  }
0x39: {  	s14 =	simm.s32 $0x1B080  }
0x3a: {  	[tilespmem:s14], [sflag:$0x1] =	stream.indirect.gather [hbm4b:s6+s16], $0x1, s10, s16, $0xb8;
	[tilespmem:$0x1BC30] =	vst v63  }
0x3b: {  	s18 =	simm.s32 $0x400;
	s19 =	simm.s32 $0x8D00  }
0x3c: {  	[tilespmem:s19], [sflag:$0x1] =	stream.indirect.gather [hbm4b:s5+s16], $0x20, s18, s16, $0xb8;
	[tilespmem:$0x1BC30] =	vst v63  }
0x3d: {  	s23 =	simm.s32 $0x1B100  }
0x3e: {  	[tilespmem:s23], [sflag:$0x1] =	stream.indirect.gather [hbm4b:s6+s16], $0x1, s18, s16, $0xb8;
	[tilespmem:$0x1BC30] =	vst v63  }
0x3f: {  	s25 =	simm.s32 $0x480;
	s29 =	simm.s32 $0x9D00  }
0x40: {  	(v2sf) =	vpush v1, $0x0;
	[tilespmem:s29], [sflag:$0x1] =	stream.indirect.gather [hbm4b:s5+s16], $0x20, s25, s16, $0xb8;
	[tilespmem:$0x1BC30] =	vst v63  }
0x41: {  	s2 =	simm.s32 $0x1B180  }
0x42: {  	[tilespmem:s2], [sflag:$0x1] =	stream.indirect.gather [hbm4b:s6+s16], $0x1, s25, s16, $0xb8;
	[tilespmem:$0x1BC30] =	vst v63  }
0x43: {  	s3 =	simm.s32 $0x500;
	s8 =	simm.s32 $0xAD00  }
0x44: {  	[tilespmem:s8], [sflag:$0x1] =	stream.indirect.gather [hbm4b:s5+s16], $0x20, s3, s16, $0xb8;
	[tilespmem:$0x1BC30] =	vst v63  }
0x45: {  	s10 =	simm.s32 $0x1B200  }
0x46: {  	[tilespmem:s10], [sflag:$0x1] =	stream.indirect.gather [hbm4b:s6+s16], $0x1, s3, s16, $0xb8;
	[tilespmem:$0x1BC30] =	vst v63  }
0x47: {  	s12 =	simm.s32 $0x580;
	s14 =	simm.s32 $0xBD00  }
0x48: {  	[tilespmem:s14], [sflag:$0x1] =	stream.indirect.gather [hbm4b:s5+s16], $0x20, s12, s16, $0xb8;
	[tilespmem:$0x1BC30] =	vst v63  }
0x49: {  	s18 =	simm.s32 $0x1B280  }
0x4a: {  	[tilespmem:s18], [sflag:$0x1] =	stream.indirect.gather [hbm4b:s6+s16], $0x1, s12, s16, $0xb8;
	[tilespmem:$0x1BC30] =	vst v63  }
0x4b: {  	s19 =	simm.s32 $0x600;
	s23 =	simm.s32 $0xCD00  }
0x4c: {  	[tilespmem:s23], [sflag:$0x1] =	stream.indirect.gather [hbm4b:s5+s16], $0x20, s19, s16, $0xb8;
	[tilespmem:$0x1BC30] =	vst v63  }
0x4d: {  	s25 =	simm.s32 $0x1B300  }
0x4e: {  	[tilespmem:s25], [sflag:$0x1] =	stream.indirect.gather [hbm4b:s6+s16], $0x1, s19, s16, $0xb8;
	[tilespmem:$0x1BC30] =	vst v63  }
0x4f: {  	s31 =	simm.s32 $0x0;
	s28 =	spop (v2sf);
	s29 =	rddreg [dreg:$0x5]  }
0x50: {  	[tilespmem:s11], [sflag:$0x2] =	stream.linear.gather [hbm4b:s29+s9], $0x680, $0x38;
	[tilespmem:$0x1BC30] =	vst v63  }
.LBB2_2:
0x51: {  	_ =	swait.ge [sflag:s15], $0x680  }
0x52: {  	[sflag:s15] =	ssyncset.done $0x0  }
0x53: {  	s0 =	simm.s32 $0xDD00;
	[sflag:s15] =	ssyncadd.s32 $0xFFFFF980  }
0x54: {  	[tilespmem:s0], [sflag:$0x1] =	stream.indirect.gather [hbm4b:s5+s16], $0x20, s11, s16, $0xb8;
	[tilespmem:$0x1BC30] =	vst v63  }
0x55: {  	s19 =	simm.s32 $0x1B390  }
0x56: {  	[tilespmem:s19], [sflag:$0x1] =	stream.indirect.gather [hbm4b:s6+s16], $0x1, s11, s16, $0xb8;
	[tilespmem:$0x1BC30] =	vst v63  }
0x57: {  	s23 =	simm.s32 $0x700;
	s1 =	simm.s32 $0xED00  }
0x58: {  	[tilespmem:s1], [sflag:$0x1] =	stream.indirect.gather [hbm4b:s5+s16], $0x20, s23, s16, $0xb8;
	[tilespmem:$0x1BC30] =	vst v63  }
0x59: {  	s25 =	simm.s32 $0x1B410  }
0x5a: {  	[tilespmem:s25], [sflag:$0x1] =	stream.indirect.gather [hbm4b:s6+s16], $0x1, s23, s16, $0xb8;
	[tilespmem:$0x1BC30] =	vst v63  }
0x5b: {  	s29 =	simm.s32 $0x780;
	s2 =	simm.s32 $0xFD00  }
0x5c: {  	[tilespmem:s2], [sflag:$0x1] =	stream.indirect.gather [hbm4b:s5+s16], $0x20, s29, s16, $0xb8;
	[tilespmem:$0x1BC30] =	vst v63  }
0x5d: {  	s3 =	simm.s32 $0x1B490  }
0x5e: {  	[tilespmem:s3], [sflag:$0x1] =	stream.indirect.gather [hbm4b:s6+s16], $0x1, s29, s16, $0xb8;
	[tilespmem:$0x1BC30] =	vst v63  }
0x5f: {  	s8 =	simm.s32 $0x800;
	s9 =	simm.s32 $0x10D00  }
0x60: {  	[tilespmem:s9], [sflag:$0x1] =	stream.indirect.gather [hbm4b:s5+s16], $0x20, s8, s16, $0xb8;
	[tilespmem:$0x1BC30] =	vst v63  }
0x61: {  	s10 =	simm.s32 $0x1B510  }
0x62: {  	[tilespmem:s10], [sflag:$0x1] =	stream.indirect.gather [hbm4b:s6+s16], $0x1, s8, s16, $0xb8;
	[tilespmem:$0x1BC30] =	vst v63  }
0x63: {  	s12 =	simm.s32 $0x880;
	s14 =	simm.s32 $0x11D00  }
0x64: {  	[tilespmem:s14], [sflag:$0x1] =	stream.indirect.gather [hbm4b:s5+s16], $0x20, s12, s16, $0xb8;
	[tilespmem:$0x1BC30] =	vst v63  }
0x65: {  	s18 =	simm.s32 $0x1B590  }
0x66: {  	[tilespmem:s18], [sflag:$0x1] =	stream.indirect.gather [hbm4b:s6+s16], $0x1, s12, s16, $0xb8;
	[tilespmem:$0x1BC30] =	vst v63  }
0x67: {  	s19 =	simm.s32 $0x12D00  }
0x68: {  	[tilespmem:s19], [sflag:$0x1] =	stream.indirect.gather [hbm4b:s5+s16], $0x20, s22, s16, $0xb8;
	[tilespmem:$0x1BC30] =	vst v63  }
0x69: {  	s23 =	simm.s32 $0x1B610  }
0x6a: {  	[tilespmem:s23], [sflag:$0x1] =	stream.indirect.gather [hbm4b:s6+s16], $0x1, s22, s16, $0xb8;
	[tilespmem:$0x1BC30] =	vst v63  }
0x6b: {  	s25 =	simm.s32 $0x13D00  }
0x6c: {  	[tilespmem:s25], [sflag:$0x1] =	stream.indirect.gather [hbm4b:s5+s16], $0x20, s13, s16, $0xb8;
	[tilespmem:$0x1BC30] =	vst v63  }
0x6d: {  	s29 =	simm.s32 $0x1B690  }
0x6e: {  	[tilespmem:s29], [sflag:$0x1] =	stream.indirect.gather [hbm4b:s6+s16], $0x1, s13, s16, $0xb8;
	[tilespmem:$0x1BC30] =	vst v63  }
0x6f: {  	s1 =	simm.s32 $0x14D00  }
0x70: {  	[tilespmem:s1], [sflag:$0x1] =	stream.indirect.gather [hbm4b:s5+s16], $0x20, s20, s16, $0xb8;
	[tilespmem:$0x1BC30] =	vst v63  }
0x71: {  	s2 =	simm.s32 $0x1B710  }
0x72: {  	[tilespmem:s2], [sflag:$0x1] =	stream.indirect.gather [hbm4b:s6+s16], $0x1, s20, s16, $0xb8;
	[tilespmem:$0x1BC30] =	vst v63  }
0x73: {  	s3 =	simm.s32 $0x15D00  }
0x74: {  	[tilespmem:s3], [sflag:$0x1] =	stream.indirect.gather [hbm4b:s5+s16], $0x20, s7, s16, $0xb8;
	[tilespmem:$0x1BC30] =	vst v63  }
0x75: {  	s8 =	simm.s32 $0x1B790  }
0x76: {  	[tilespmem:s8], [sflag:$0x1] =	stream.indirect.gather [hbm4b:s6+s16], $0x1, s7, s16, $0xb8;
	[tilespmem:$0x1BC30] =	vst v63  }
0x77: {  	s9 =	simm.s32 $0x16D00  }
0x78: {  	[tilespmem:s9], [sflag:$0x1] =	stream.indirect.gather [hbm4b:s5+s16], $0x20, s30, s16, $0xb8;
	[tilespmem:$0x1BC30] =	vst v63  }
0x79: {  	s10 =	simm.s32 $0x1B810  }
0x7a: {  	[tilespmem:s10], [sflag:$0x1] =	stream.indirect.gather [hbm4b:s6+s16], $0x1, s30, s16, $0xb8;
	[tilespmem:$0x1BC30] =	vst v63  }
0x7b: {  	s12 =	simm.s32 $0x17D00  }
0x7c: {  	[tilespmem:s12], [sflag:$0x1] =	stream.indirect.gather [hbm4b:s5+s16], $0x20, s17, s16, $0xb8;
	[tilespmem:$0x1BC30] =	vst v63  }
0x7d: {  	s14 =	simm.s32 $0x1B890  }
0x7e: {  	[tilespmem:s14], [sflag:$0x1] =	stream.indirect.gather [hbm4b:s6+s16], $0x1, s17, s16, $0xb8;
	[tilespmem:$0x1BC30] =	vst v63  }
0x7f: {  	s18 =	simm.s32 $0x18D00  }
0x80: {  	[tilespmem:s18], [sflag:$0x1] =	stream.indirect.gather [hbm4b:s5+s16], $0x20, s26, s16, $0xb8;
	[tilespmem:$0x1BC30] =	vst v63  }
0x81: {  	s19 =	simm.s32 $0x1B910  }
0x82: {  	[tilespmem:s19], [sflag:$0x1] =	stream.indirect.gather [hbm4b:s6+s16], $0x1, s26, s16, $0xb8;
	[tilespmem:$0x1BC30] =	vst v63  }
0x83: {  	s23 =	simm.s32 $0x19D00  }
0x84: {  	[tilespmem:s23], [sflag:$0x1] =	stream.indirect.gather [hbm4b:s5+s16], $0x20, s21, s16, $0xb8;
	[tilespmem:$0x1BC30] =	vst v63  }
0x85: {  	s25 =	simm.s32 $0x1B990  }
0x86: {  	[tilespmem:s25], [sflag:$0x1] =	stream.indirect.gather [hbm4b:s6+s16], $0x1, s21, s16, $0xb8;
	[tilespmem:$0x1BC30] =	vst v63  }
0x87: {  	_ =	swait.ge [sflag:s24], $0x1000  }
0x88: {  	[sflag:s24] =	ssyncset.done $0x0  }
0x89: {  	[sflag:s24] =	ssyncadd.s32 $0xFFFFF000  }
0x8a: {  	_ =	swait.ge [sflag:s24], $0x80  }
0x8b: {  	[sflag:s24] =	ssyncset.done $0x0  }
0x8c: {  	[sflag:s24] =	ssyncadd.s32 $0xFFFFFF80  }
0x8d: {  	_ =	swait.ge [sflag:s24], $0x1000  }
0x8e: {  	[sflag:s24] =	ssyncset.done $0x0  }
0x8f: {  	[sflag:s24] =	ssyncadd.s32 $0xFFFFF000  }
0x90: {  	_ =	swait.ge [sflag:s24], $0x80  }
0x91: {  	[sflag:s24] =	ssyncset.done $0x0  }
0x92: {  	[sflag:s24] =	ssyncadd.s32 $0xFFFFFF80  }
0x93: {  	_ =	swait.ge [sflag:s24], $0x1000  }
0x94: {  	[sflag:s24] =	ssyncset.done $0x0  }
0x95: {  	[sflag:s24] =	ssyncadd.s32 $0xFFFFF000  }
0x96: {  	_ =	swait.ge [sflag:s24], $0x80  }
0x97: {  	[sflag:s24] =	ssyncset.done $0x0  }
0x98: {  	[sflag:s24] =	ssyncadd.s32 $0xFFFFFF80  }
0x99: {  	_ =	swait.ge [sflag:s24], $0x1000  }
0x9a: {  	[sflag:s24] =	ssyncset.done $0x0  }
0x9b: {  	[sflag:s24] =	ssyncadd.s32 $0xFFFFF000  }
0x9c: {  	_ =	swait.ge [sflag:s24], $0x80  }
0x9d: {  	[sflag:s24] =	ssyncset.done $0x0  }
0x9e: {  	[sflag:s24] =	ssyncadd.s32 $0xFFFFFF80  }
0x9f: {  	_ =	swait.ge [sflag:s24], $0x1000  }
0xa0: {  	[sflag:s24] =	ssyncset.done $0x0  }
0xa1: {  	[sflag:s24] =	ssyncadd.s32 $0xFFFFF000  }
0xa2: {  	_ =	swait.ge [sflag:s24], $0x80  }
0xa3: {  	[sflag:s24] =	ssyncset.done $0x0  }
0xa4: {  	[sflag:s24] =	ssyncadd.s32 $0xFFFFFF80  }
0xa5: {  	_ =	swait.ge [sflag:s24], $0x1000  }
0xa6: {  	[sflag:s24] =	ssyncset.done $0x0  }
0xa7: {  	[sflag:s24] =	ssyncadd.s32 $0xFFFFF000  }
0xa8: {  	_ =	swait.ge [sflag:s24], $0x80  }
0xa9: {  	[sflag:s24] =	ssyncset.done $0x0  }
0xaa: {  	[sflag:s24] =	ssyncadd.s32 $0xFFFFFF80  }
0xab: {  	_ =	swait.ge [sflag:s24], $0x1000  }
0xac: {  	[sflag:s24] =	ssyncset.done $0x0  }
0xad: {  	[sflag:s24] =	ssyncadd.s32 $0xFFFFF000  }
0xae: {  	_ =	swait.ge [sflag:s24], $0x80  }
0xaf: {  	[sflag:s24] =	ssyncset.done $0x0  }
0xb0: {  	[sflag:s24] =	ssyncadd.s32 $0xFFFFFF80  }
0xb1: {  	_ =	swait.ge [sflag:s24], $0x1000  }
0xb2: {  	[sflag:s24] =	ssyncset.done $0x0  }
0xb3: {  	[sflag:s24] =	ssyncadd.s32 $0xFFFFF000  }
0xb4: {  	_ =	swait.ge [sflag:s24], $0x80  }
0xb5: {  	[sflag:s24] =	ssyncset.done $0x0  }
0xb6: {  	[sflag:s24] =	ssyncadd.s32 $0xFFFFFF80  }
0xb7: {  	_ =	swait.ge [sflag:s24], $0x1000  }
0xb8: {  	[sflag:s24] =	ssyncset.done $0x0  }
0xb9: {  	[sflag:s24] =	ssyncadd.s32 $0xFFFFF000  }
0xba: {  	_ =	swait.ge [sflag:s24], $0x80  }
0xbb: {  	[sflag:s24] =	ssyncset.done $0x0  }
0xbc: {  	[sflag:s24] =	ssyncadd.s32 $0xFFFFFF80  }
0xbd: {  	_ =	swait.ge [sflag:s24], $0x1000  }
0xbe: {  	[sflag:s24] =	ssyncset.done $0x0  }
0xbf: {  	[sflag:s24] =	ssyncadd.s32 $0xFFFFF000  }
0xc0: {  	_ =	swait.ge [sflag:s24], $0x80  }
0xc1: {  	[sflag:s24] =	ssyncset.done $0x0  }
0xc2: {  	[sflag:s24] =	ssyncadd.s32 $0xFFFFFF80  }
0xc3: {  	_ =	swait.ge [sflag:s24], $0x1000  }
0xc4: {  	[sflag:s24] =	ssyncset.done $0x0  }
0xc5: {  	[sflag:s24] =	ssyncadd.s32 $0xFFFFF000  }
0xc6: {  	_ =	swait.ge [sflag:s24], $0x80  }
0xc7: {  	[sflag:s24] =	ssyncset.done $0x0  }
0xc8: {  	[sflag:s24] =	ssyncadd.s32 $0xFFFFFF80  }
0xc9: {  	_ =	swait.ge [sflag:s24], $0x1000  }
0xca: {  	[sflag:s24] =	ssyncset.done $0x0  }
0xcb: {  	[sflag:s24] =	ssyncadd.s32 $0xFFFFF000  }
0xcc: {  	_ =	swait.ge [sflag:s24], $0x80  }
0xcd: {  	[sflag:s24] =	ssyncset.done $0x0  }
0xce: {  	[sflag:s24] =	ssyncadd.s32 $0xFFFFFF80  }
0xcf: {  	p0 =	seq.s32 s31, $0x3;
	_ =	swait.ge [sflag:s24], $0x1000  }
0xd0: {  	s1 =	sshll.u32 s31, $0x1;
	[sflag:s24] =	ssyncset.done $0x0;
	s0 =	rddreg [dreg:$0x6]  }
0xd1: {  	[sflag:s24] =	ssyncadd.s32 $0xFFFFF000;
	s2 =	sadd.s32 @!p0 s1, s0  }
0xd2: {  	_ =	swait.ge [sflag:s24], $0x80;
	s2 =	smul.u32 @!p0 $0xD0, s2  }
0xd3: {  	s29 =	sshll.u32 s31, $0x7;
	s3 =	simm.s32 @!p0 $0x0;
	[sflag:s24] =	ssyncset.done $0x0  }
0xd4: {  	s8 =	sand.u32 $0x3FFFFF80, s29;
	[sflag:s24] =	ssyncadd.s32 $0xFFFFFF80;
	s2 =	sadd.s32 @!p0 s4, s2  }
0xd5: {  	[tilespmem:s3], [sflag:$0x2] =	stream.linear.gather @!p0 [hbm4b:s2+s3], $0x680, $0x38;
	[tilespmem:$0x1BC30] =	vst v63  }
0xd6: {  	s10 =	simm.s32 $0x1AD00;
	s14 =	simm.s32 $0x0;
	s2 =	sadd.s32 $0x1BA20, s8  }
0xd7: {  	s18 =	simm.s32 $0x0;
	s23 =	simm.s32 $0xEA0;
	v1 =	vmov s2;
	s2 =	simm.s32 $0x0  }
.LBB2_3:
0xd8: {  	v2 =	vld [tilespmem:s23+$0xFFFFFE60]  }
0xd9: {  	v3 =	vld [tilespmem:s23+$0xFFFFFE70]  }
0xda: {  	v4 =	vld [tilespmem:s23+$0xFFFFFE80]  }
0xdb: {  	v5 =	vld [tilespmem:s23+$0xFFFFFE90]  }
0xdc: {  	v6 =	vld [tilespmem:s23+$0xFFFFFEA0]  }
0xdd: {  	v7 =	vld [tilespmem:s23+$0xFFFFFEB0]  }
0xde: {  	v8 =	vld [tilespmem:s23+$0xFFFFFEC0]  }
0xdf: {  	v11 =	vld [tilespmem:s23+$0xFFFFFED0];
	v9 =	vmul.f32 v2, v2;
	v10 =	vmul.f32 v4, v4;
	v2 =	vadd.f32 $0.0e+00, v2  }
0xe0: {  	v14 =	vld [tilespmem:s23+$0xFFFFFEE0];
	v12 =	vmul.f32 v3, v3;
	v13 =	vmul.f32 v5, v5;
	v3 =	vadd.f32 $0.0e+00, v3  }
0xe1: {  	v15 =	vmul.f32 v6, v6;
	v9 =	vadd.f32 v10, v9;
	v10 =	vld [tilespmem:s23+$0xFFFFFEF0];
	v2 =	vadd.f32 v4, v2  }
0xe2: {  	v12 =	vadd.f32 v13, v12;
	v13 =	vmul.f32 v7, v7;
	v4 =	vld [tilespmem:s23+$0xFFFFFF00];
	v3 =	vadd.f32 v5, v3  }
0xe3: {  	v5 =	vadd.f32 v15, v9;
	v9 =	vmul.f32 v8, v8;
	v15 =	vld [tilespmem:s23+$0xFFFFFF10];
	v2 =	vadd.f32 v6, v2  }
0xe4: {  	v6 =	vadd.f32 v13, v12;
	v12 =	vmul.f32 v11, v11;
	v13 =	vld [tilespmem:s23+$0xFFFFFF20];
	v3 =	vadd.f32 v7, v3  }
0xe5: {  	v7 =	vmul.f32 v14, v14;
	v5 =	vadd.f32 v9, v5;
	v9 =	vld [tilespmem:s23+$0xFFFFFF30];
	v2 =	vadd.f32 v8, v2  }
0xe6: {  	v6 =	vadd.f32 v12, v6;
	v12 =	vld [tilespmem:s23+$0xFFFFFF40];
	v3 =	vadd.f32 v11, v3;
	v8 =	vmul.f32 v10, v10  }
0xe7: {  	v11 =	vld [tilespmem:s23+$0xFFFFFF50];
	v5 =	vadd.f32 v7, v5;
	v7 =	vmul.f32 v4, v4;
	v2 =	vadd.f32 v14, v2  }
0xe8: {  	v14 =	vld [tilespmem:s23+$0xFFFFFF60];
	v3 =	vadd.f32 v10, v3;
	v6 =	vadd.f32 v8, v6;
	v8 =	vmul.f32 v15, v15  }
0xe9: {  	v10 =	vld [tilespmem:s23+$0xFFFFFF70];
	v5 =	vadd.f32 v7, v5;
	v7 =	vmul.f32 v13, v13;
	v2 =	vadd.f32 v4, v2  }
0xea: {  	v3 =	vadd.f32 v15, v3;
	v15 =	vld [tilespmem:s23+$0xFFFFFF90];
	v4 =	vadd.f32 v8, v6;
	v6 =	vmul.f32 v9, v9  }
0xeb: {  	v8 =	vld [tilespmem:s23+$0xFFFFFF80];
	v5 =	vadd.f32 v7, v5;
	v7 =	vmul.f32 v12, v12  }
0xec: {  	v2 =	vadd.f32 v13, v2;
	v13 =	vld [tilespmem:s23+$0xFFFFFFA0];
	v4 =	vadd.f32 v6, v4;
	v6 =	vmul.f32 v11, v11  }
0xed: {  	v3 =	vadd.f32 v9, v3;
	v9 =	vld [tilespmem:s23+$0xFFFFFFB0];
	v5 =	vadd.f32 v7, v5;
	v7 =	vmul.f32 v14, v14  }
0xee: {  	v2 =	vadd.f32 v12, v2;
	v12 =	vld [tilespmem:s23+$0xFFFFFFC0];
	v4 =	vadd.f32 v6, v4;
	v6 =	vmul.f32 v10, v10  }
0xef: {  	v3 =	vadd.f32 v11, v3;
	v5 =	vadd.f32 v7, v5;
	v7 =	vld [tilespmem:s23+$0xFFFFFFD0]  }
0xf0: {  	v16 =	vld [tilespmem:s23+$0xFFFFFFE0];
	v11 =	vmul.f32 v8, v8;
	v4 =	vadd.f32 v6, v4;
	v6 =	vmul.f32 v15, v15  }
0xf1: {  	v2 =	vadd.f32 v14, v2;
	v3 =	vadd.f32 v10, v3;
	v14 =	vld [tilespmem:s23+$0xFFFFFFF0];
	v10 =	vmul.f32 v13, v13  }
0xf2: {  	v5 =	vadd.f32 v11, v5;
	v11 =	vld [tilespmem:s23+$0x0];
	v4 =	vadd.f32 v6, v4;
	v6 =	vmul.f32 v9, v9  }
0xf3: {  	v2 =	vadd.f32 v8, v2;
	v3 =	vadd.f32 v15, v3;
	v15 =	vld [tilespmem:s23+$0x10];
	v8 =	vmul.f32 v12, v12  }
0xf4: {  	v5 =	vadd.f32 v10, v5;
	v10 =	vld [tilespmem:s23+$0x20];
	v4 =	vadd.f32 v6, v4;
	v6 =	vmul.f32 v7, v7  }
0xf5: {  	v2 =	vadd.f32 v13, v2;
	v3 =	vadd.f32 v9, v3;
	v9 =	vmul.f32 v16, v16;
	v13 =	vld [tilespmem:s23+$0x30]  }
0xf6: {  	v5 =	vadd.f32 v8, v5;
	v8 =	vld [tilespmem:s23+$0x40];
	v4 =	vadd.f32 v6, v4;
	v6 =	vmul.f32 v14, v14  }
0xf7: {  	v2 =	vadd.f32 v12, v2;
	v3 =	vadd.f32 v7, v3;
	v12 =	vld [tilespmem:s23+$0x50];
	v7 =	vmul.f32 v11, v11  }
0xf8: {  	v5 =	vadd.f32 v9, v5;
	v9 =	vld [tilespmem:s23+$0x60];
	v4 =	vadd.f32 v6, v4;
	v6 =	vmul.f32 v15, v15  }
0xf9: {  	v2 =	vadd.f32 v16, v2;
	v3 =	vadd.f32 v14, v3;
	v16 =	vld [tilespmem:s23+$0x70];
	v14 =	vmul.f32 v10, v10  }
0xfa: {  	v5 =	vadd.f32 v7, v5;
	v7 =	vld [tilespmem:s23+$0x80];
	v4 =	vadd.f32 v6, v4;
	v6 =	vmul.f32 v13, v13  }
0xfb: {  	v2 =	vadd.f32 v11, v2;
	v3 =	vadd.f32 v15, v3;
	v15 =	vld [tilespmem:s23+$0x90];
	v11 =	vmul.f32 v8, v8  }
0xfc: {  	v5 =	vadd.f32 v14, v5;
	v14 =	vld [tilespmem:s23+$0xA0];
	v4 =	vadd.f32 v6, v4;
	v6 =	vmul.f32 v12, v12  }
0xfd: {  	v2 =	vadd.f32 v10, v2;
	v3 =	vadd.f32 v13, v3;
	v13 =	vld [tilespmem:s23+$0xB0];
	v10 =	vmul.f32 v9, v9  }
0xfe: {  	v17 =	vld [tilespmem:s23+$0xC0];
	v5 =	vadd.f32 v11, v5;
	v4 =	vadd.f32 v6, v4;
	v6 =	vmul.f32 v16, v16  }
0xff: {  	v11 =	vld [tilespmem:s23+$0xD0];
	v2 =	vadd.f32 v8, v2;
	v3 =	vadd.f32 v12, v3;
	v8 =	vmul.f32 v7, v7  }
0x100: {  	v12 =	vld [tilespmem:s23+$0xF0];
	v5 =	vadd.f32 v10, v5;
	v4 =	vadd.f32 v6, v4;
	v6 =	vmul.f32 v15, v15  }
0x101: {  	v10 =	vld [tilespmem:s23+$0xE0];
	v2 =	vadd.f32 v9, v2;
	v3 =	vadd.f32 v16, v3;
	v9 =	vmul.f32 v14, v14  }
0x102: {  	v5 =	vadd.f32 v8, v5;
	v8 =	vld [tilespmem:s23+$0x100];
	v4 =	vadd.f32 v6, v4;
	v6 =	vmul.f32 v13, v13  }
0x103: {  	v16 =	vmul.f32 v17, v17;
	v2 =	vadd.f32 v7, v2;
	v3 =	vadd.f32 v15, v3;
	v7 =	vld [tilespmem:s23+$0x110]  }
0x104: {  	v15 =	vmul.f32 v11, v11;
	v5 =	vadd.f32 v9, v5;
	v4 =	vadd.f32 v6, v4;
	v6 =	vld [tilespmem:s23+$0x120]  }
0x105: {  	v2 =	vadd.f32 v14, v2;
	v3 =	vadd.f32 v13, v3;
	v13 =	vld [tilespmem:s23+$0x130];
	v14 =	vmul.f32 v12, v12  }
0x106: {  	v9 =	vmul.f32 v10, v10;
	v5 =	vadd.f32 v16, v5;
	v4 =	vadd.f32 v15, v4;
	v15 =	vld [tilespmem:s23+$0x140]  }
0x107: {  	v2 =	vadd.f32 v17, v2;
	v3 =	vadd.f32 v11, v3;
	v16 =	vld [tilespmem:s23+$0x150];
	v11 =	vmul.f32 v8, v8  }
0x108: {  	v5 =	vadd.f32 v9, v5;
	v9 =	vmul.f32 v7, v7;
	v4 =	vadd.f32 v14, v4;
	v14 =	vld [tilespmem:s23+$0x160]  }
0x109: {  	v17 =	vld [tilespmem:s23+$0x170];
	v2 =	vadd.f32 v10, v2;
	v3 =	vadd.f32 v12, v3;
	v10 =	vmul.f32 v6, v6  }
0x10a: {  	v18 =	vld [tilespmem:s23+$0x180];
	v5 =	vadd.f32 v11, v5;
	v4 =	vadd.f32 v9, v4;
	v9 =	vmul.f32 v13, v13  }
0x10b: {  	v19 =	vld [tilespmem:s23+$0x190];
	v2 =	vadd.f32 v8, v2;
	v3 =	vadd.f32 v7, v3;
	v8 =	vmul.f32 v15, v15  }
0x10c: {  	s9 =	sadd.s32 $0x340, s23;
	v5 =	vadd.f32 v10, v5;
	v4 =	vadd.f32 v9, v4;
	v9 =	vmul.f32 v16, v16  }
0x10d: {  	v12 =	vld [tilespmem:s9+$0xFFFFFE70];
	v2 =	vadd.f32 v6, v2;
	v6 =	vadd.f32 v13, v3;
	v10 =	vmul.f32 v14, v14  }
0x10e: {  	v7 =	vld [tilespmem:s9+$0xFFFFFE60];
	v5 =	vadd.f32 v8, v5;
	v4 =	vadd.f32 v9, v4;
	v9 =	vmul.f32 v17, v17  }
0x10f: {  	v11 =	vld [tilespmem:s9+$0xFFFFFE90];
	v13 =	vmul.f32 v18, v18;
	v2 =	vadd.f32 v15, v2;
	v6 =	vadd.f32 v16, v6  }
0x110: {  	v3 =	vld [tilespmem:s10+$0x0];
	v5 =	vadd.f32 v10, v5;
	v10 =	vmul.f32 v19, v19;
	v4 =	vadd.f32 v9, v4  }
0x111: {  	s3 =	sadd.s32 $0x10, s18;
	v8 =	vld [tilespmem:s9+$0xFFFFFE80];
	v14 =	vadd.f32 v14, v2;
	v6 =	vadd.f32 v17, v6  }
0x112: {  	s19 =	sand.u32 $0x6, s18;
	s3 =	sand.u32 $0xFF8, s3;
	v2 =	vimm.f32 $0.0e+00;
	v9 =	vld [tilespmem:s9+$0xFFFFFEA0];
	v17 =	vadd.f32 v13, v5;
	v20 =	vadd.f32 v10, v4  }
0x113: {  	s25 =	simm.s32 $0x2;
	s19 =	sor.u32 s19, s3;
	v15 =	vadd.f32 v18, v14;
	v16 =	vadd.f32 v19, v6;
	v14 =	vmul.f32 v7, v7;
	v10 =	vld [tilespmem:s9+$0xFFFFFEB0]  }
0x114: {  	s29 =	smov.u32 s18;
	s3 =	simm.s32 $0x1;
	v13 =	vmul.f32 v12, v12;
	v5 =	vld [tilespmem:s19+$0x1AD00];
	s19 =	smov.u32 s10;
	v4 =	vmov s14;
	v6 =	vadd.f32 v20, v17  }
.LBB2_4:
0x115: {  	p1 =	sne.s32 s25, $0xF;
	v17 =	vld [tilespmem:s9+$0xFFFFFEC0];
	v15 =	vmul.f32 v15, v15;
	v16 =	vmul.f32 v16, v16;
	vm1 =	veq.s32 v4, v0  }
0x116: {  	v4 =	vadd.f32 $0.0e+00, v7;
	v7 =	vmul.f32 v8, v8;
	v18 =	vmul.f32 v11, v11;
	v19 =	vld [tilespmem:s9+$0xFFFFFED0];
	(xrf2) =	vadd.scan.msk.f32 $0xffff, v6  }
0x117: {  	v6 =	vadd.f32 $0.0e+00, v12;
	v12 =	vmul.f32 v9, v9;
	v20 =	vld [tilespmem:s9+$0xFFFFFEE0];
	v15 =	vadd.f32 v16, v15  }
0x118: {  	v7 =	vadd.f32 v7, v14;
	v13 =	vadd.f32 v18, v13;
	v14 =	vmul.f32 v10, v10;
	v16 =	vld [tilespmem:s9+$0xFFFFFEF0]  }
0x119: {  	v4 =	vadd.f32 v8, v4;
	v6 =	vadd.f32 v11, v6;
	v8 =	vld [tilespmem:s9+$0xFFFFFF00];
	v5 =	vnsel vm0, $0x0, v5;
	(xrf2) =	vadd.scan.msk.f32 $0xffff, v15  }
0x11a: {  	v7 =	vadd.f32 v12, v7;
	v11 =	vmul.f32 v17, v17;
	v12 =	vld [tilespmem:s9+$0xFFFFFF10];
	v5 =	vadd.f32 v5, v3  }
0x11b: {  	v3 =	vadd.f32 v9, v4;
	v4 =	vadd.f32 v14, v13;
	v9 =	vmul.f32 v19, v19;
	v13 =	vld [tilespmem:s9+$0xFFFFFF20]  }
0x11c: {  	v6 =	vadd.f32 v10, v6;
	v7 =	vadd.f32 v11, v7;
	v10 =	vmul.f32 v20, v20;
	v11 =	vld [tilespmem:s9+$0xFFFFFF30]  }
0x11d: {  	v14 =	vadd.f32 v17, v3;
	v4 =	vadd.f32 v9, v4;
	v9 =	vmul.f32 v16, v16;
	v3 =	vld [tilespmem:s9+$0xC0];
	(xrf2) =	vadd.scan.msk.f32 $0xffff, v5  }
0x11e: {  	v5 =	vadd.f32 v19, v6;
	v6 =	vadd.f32 v10, v7;
	v7 =	vmul.f32 v8, v8;
	v10 =	vld [tilespmem:s9+$0xFFFFFF40]  }
0x11f: {  	v14 =	vadd.f32 v20, v14;
	v4 =	vadd.f32 v9, v4;
	v9 =	vmul.f32 v12, v12;
	v15 =	vld [tilespmem:s9+$0xFFFFFF50]  }
0x120: {  	v5 =	vadd.f32 v16, v5;
	v6 =	vadd.f32 v7, v6;
	v7 =	vmul.f32 v13, v13;
	v16 =	vld [tilespmem:s9+$0xFFFFFF60];
	v17, _, _ =	vpop (xrf2)  }
0x121: {  	v8 =	vadd.f32 v8, v14;
	v9 =	vadd.f32 v9, v4;
	v14 =	vmul.f32 v11, v11;
	v18 =	vld [tilespmem:s9+$0xFFFFFF70]  }
0x122: {  	v5 =	vadd.f32 v12, v5;
	v6 =	vadd.f32 v7, v6;
	v7 =	vld [tilespmem:s9+$0xFFFFFF80];
	v4 =	vmul.f32 v3, v3  }
0x123: {  	v9 =	vadd.f32 v14, v9;
	v12 =	vmul.f32 v10, v10;
	v14 =	vld [tilespmem:s9+$0xFFFFFF90];
	v19, _, _ =	vpop (xrf2);
	(v2sf) =	vpush v17, $0xF  }
0x124: {  	v8 =	vadd.f32 v13, v8;
	v13 =	vmul.f32 v15, v15;
	v17 =	vld [tilespmem:s9+$0xFFFFFFA0];
	(v2sf) =	vpush v19, $0xF  }
0x125: {  	v5 =	vadd.f32 v11, v5;
	v6 =	vadd.f32 v12, v6;
	v11 =	vmul.f32 v16, v16;
	v12 =	vld [tilespmem:s9+$0xFFFFFFB0]  }
0x126: {  	v8 =	vadd.f32 v10, v8;
	v9 =	vadd.f32 v13, v9;
	v10 =	vmul.f32 v18, v18;
	v13 =	vld [tilespmem:s9+$0xFFFFFFC0]  }
0x127: {  	v5 =	vadd.f32 v15, v5;
	v6 =	vadd.f32 v11, v6;
	v11 =	vmul.f32 v7, v7;
	v15 =	vld [tilespmem:s9+$0xFFFFFFD0];
	v19, _, _ =	vpop (xrf2)  }
0x128: {  	v9 =	vadd.f32 v10, v9;
	v10 =	vmul.f32 v14, v14;
	v20 =	vld [tilespmem:s9+$0xFFFFFFE0];
	(v2sf) =	vpush v19, $0xF  }
0x129: {  	v8 =	vadd.f32 v16, v8;
	v5 =	vadd.f32 v18, v5;
	v16 =	vmul.f32 v17, v17;
	v18 =	vld [tilespmem:s9+$0xFFFFFFF0]  }
0x12a: {  	v6 =	vadd.f32 v11, v6;
	v9 =	vadd.f32 v10, v9;
	v10 =	vmul.f32 v12, v12;
	v11 =	vld [tilespmem:s9+$0x0]  }
0x12b: {  	v7 =	vadd.f32 v7, v8;
	v5 =	vadd.f32 v14, v5;
	v8 =	vmul.f32 v13, v13;
	v14 =	vld [tilespmem:s9+$0x10]  }
0x12c: {  	v6 =	vadd.f32 v16, v6;
	v9 =	vadd.f32 v10, v9;
	v10 =	vmul.f32 v15, v15;
	v16 =	vld [tilespmem:s9+$0x20]  }
0x12d: {  	v7 =	vadd.f32 v17, v7;
	v5 =	vadd.f32 v12, v5;
	v12 =	vmul.f32 v20, v20;
	v17 =	vld [tilespmem:s9+$0x30]  }
0x12e: {  	v6 =	vadd.f32 v8, v6;
	v8 =	vadd.f32 v10, v9;
	v9 =	vmul.f32 v18, v18;
	v10 =	vld [tilespmem:s9+$0x40]  }
0x12f: {  	v7 =	vadd.f32 v13, v7;
	v5 =	vadd.f32 v15, v5;
	v13 =	vmul.f32 v11, v11;
	v15 =	vld [tilespmem:s9+$0x50]  }
0x130: {  	v6 =	vadd.f32 v12, v6;
	v8 =	vadd.f32 v9, v8;
	v9 =	vmul.f32 v14, v14;
	v12 =	vld [tilespmem:s9+$0x60]  }
0x131: {  	v7 =	vadd.f32 v20, v7;
	v5 =	vadd.f32 v18, v5;
	v18 =	vmul.f32 v16, v16;
	v19 =	vld [tilespmem:s9+$0x70]  }
0x132: {  	v6 =	vadd.f32 v13, v6;
	v8 =	vadd.f32 v9, v8;
	v9 =	vmul.f32 v17, v17;
	v13 =	vld [tilespmem:s9+$0x80];
	s0 =	spop (v2sf)  }
0x133: {  	v7 =	vadd.f32 v11, v7;
	v5 =	vadd.f32 v14, v5;
	v11 =	vmul.f32 v10, v10;
	v14 =	vld [tilespmem:s9+$0x90];
	s12 =	spop (v2sf)  }
0x134: {  	v6 =	vadd.f32 v18, v6;
	v8 =	vadd.f32 v9, v8;
	v9 =	vmul.f32 v15, v15;
	v18 =	vld [tilespmem:s9+$0xA0];
	s0 =	ssub.f32 s12, s0  }
0x135: {  	v7 =	vadd.f32 v16, v7;
	v5 =	vadd.f32 v17, v5;
	v16 =	vmul.f32 v12, v12;
	v17 =	vld [tilespmem:s9+$0xB0]  }
0x136: {  	v6 =	vadd.f32 v11, v6;
	v8 =	vadd.f32 v9, v8;
	v9 =	vmul.f32 v19, v19;
	v11 =	vld [tilespmem:s9+$0xD0];
	s0 =	smul.f32 $5.000000000e-01, s0  }
0x137: {  	v7 =	vadd.f32 v10, v7;
	v5 =	vadd.f32 v15, v5;
	v10 =	vmul.f32 v13, v13;
	s12 =	spop (v2sf)  }
0x138: {  	v6 =	vadd.f32 v16, v6;
	v8 =	vadd.f32 v9, v8;
	v9 =	vmul.f32 v14, v14;
	v15 =	vld [tilespmem:s9+$0xE0];
	s0 =	sadd.f32 s0, s12  }
0x139: {  	v7 =	vadd.f32 v12, v7;
	v5 =	vadd.f32 v19, v5;
	v12 =	vmul.f32 v18, v18;
	v16 =	vld [tilespmem:s9+$0xF0]  }
0x13a: {  	v6 =	vadd.f32 v10, v6;
	v8 =	vadd.f32 v9, v8;
	v9 =	vmul.f32 v17, v17;
	v10 =	vld [tilespmem:s9+$0x100];
	s0 =	sadd.f32 s0, s28  }
0x13b: {  	v7 =	vadd.f32 v13, v7;
	v5 =	vadd.f32 v14, v5;
	v13 =	vmul.f32 v11, v11;
	v14 =	vld [tilespmem:s9+$0x110]  }
0x13c: {  	v6 =	vadd.f32 v12, v6;
	v8 =	vadd.f32 v9, v8;
	v9 =	vld [tilespmem:s9+$0x120];
	v2 =	vsel vm1, s0, v2  }
0x13d: {  	v7 =	vadd.f32 v18, v7;
	v5 =	vadd.f32 v17, v5;
	v12 =	vmul.f32 v15, v15;
	v17 =	vld [tilespmem:s9+$0x130]  }
0x13e: {  	v4 =	vadd.f32 v4, v6;
	v6 =	vadd.f32 v13, v8;
	v8 =	vmul.f32 v16, v16;
	v13 =	vld [tilespmem:s9+$0x140]  }
0x13f: {  	v3 =	vadd.f32 v3, v7;
	v5 =	vadd.f32 v11, v5;
	v7 =	vmul.f32 v10, v10;
	v11 =	vld [tilespmem:s9+$0x150]  }
0x140: {  	v4 =	vadd.f32 v12, v4;
	v6 =	vadd.f32 v8, v6;
	v8 =	vmul.f32 v14, v14;
	v18 =	vld [tilespmem:s9+$0x160]  }
0x141: {  	v3 =	vadd.f32 v15, v3;
	v5 =	vadd.f32 v16, v5;
	v12 =	vmul.f32 v9, v9;
	v15 =	vld [tilespmem:s9+$0x170]  }
0x142: {  	v4 =	vadd.f32 v7, v4;
	v6 =	vadd.f32 v8, v6;
	v7 =	vmul.f32 v17, v17;
	v16 =	vld [tilespmem:s9+$0x180]  }
0x143: {  	v3 =	vadd.f32 v10, v3;
	v5 =	vadd.f32 v14, v5;
	v8 =	vmul.f32 v13, v13;
	v14 =	vld [tilespmem:s9+$0x190]  }
0x144: {  	s19 =	sadd.s32 $0x1A, s19;
	v4 =	vadd.f32 v12, v4;
	v6 =	vadd.f32 v7, v6;
	v10 =	vmul.f32 v11, v11  }
0x145: {  	v9 =	vadd.f32 v9, v3;
	v5 =	vadd.f32 v17, v5;
	s9 =	sadd.s32 $0x340, s9;
	v17 =	vmul.f32 v18, v18;
	v3 =	vld [tilespmem:s19+$0x0]  }
0x146: {  	v4 =	vadd.f32 v8, v4;
	v7 =	vld [tilespmem:s9+$0xFFFFFE60];
	v6 =	vadd.f32 v10, v6;
	v10 =	vmul.f32 v15, v15  }
0x147: {  	v9 =	vadd.f32 v13, v9;
	v5 =	vadd.f32 v11, v5;
	v12 =	vld [tilespmem:s9+$0xFFFFFE70];
	v13 =	vmul.f32 v16, v16  }
.Ltmp0:
0x148: {  	s29 =	sadd.s32 $0x1A, s29;
	v4 =	vadd.f32 v17, v4;
	v8 =	vld [tilespmem:s9+$0xFFFFFE80];
	v6 =	vadd.f32 v10, v6;
	v10 =	vmul.f32 v14, v14;
	(pc) =	sbr.rel @p1 .LBB2_4-.Ltmp0, $4  }
0x149: {  	s0 =	sadd.s32 $0x10, s29;
	v17 =	vadd.f32 v18, v9;
	v5 =	vadd.f32 v15, v5;
	v11 =	vld [tilespmem:s9+$0xFFFFFE90]  }
0x14a: {  	s12 =	sand.u32 $0x6, s29;
	s0 =	sand.u32 $0xFF8, s0;
	v18 =	vadd.f32 v13, v4;
	v9 =	vld [tilespmem:s9+$0xFFFFFEA0];
	v6 =	vadd.f32 v10, v6  }
0x14b: {  	s0 =	sor.u32 s12, s0;
	v15 =	vadd.f32 v16, v17;
	v16 =	vadd.f32 v14, v5;
	v4 =	vmov s3;
	s3 =	smov.u32 s25;
	v10 =	vld [tilespmem:s9+$0xFFFFFEB0]  }
0x14c: {  	s25 =	sadd.s32 $0x1, s25;
	v14 =	vmul.f32 v7, v7;
	v13 =	vmul.f32 v12, v12;
	v5 =	vld [tilespmem:s0+$0x1AD00];
	v6 =	vadd.f32 v6, v18  }
0x14d: {  	v15 =	vmul.f32 v15, v15  }
0x14e: {  	v17 =	vld [tilespmem:s9+$0xFFFFFEC0];
	v16 =	vmul.f32 v16, v16;
	v18 =	vmul.f32 v8, v8  }
0x14f: {  	v19 =	vld [tilespmem:s9+$0xFFFFFED0];
	v20 =	vadd.f32 $0.0e+00, v7;
	v12 =	vadd.f32 $0.0e+00, v12;
	v21 =	vmul.f32 v11, v11  }
0x150: {  	v22 =	vld [tilespmem:s9+$0xFFFFFEE0];
	v7 =	vadd.f32 v16, v15;
	v41 =	vmul.f32 v9, v9;
	v14 =	vadd.f32 v18, v14  }
0x151: {  	v42 =	vld [tilespmem:s9+$0xFFFFFEF0];
	v44 =	vadd.f32 v8, v20;
	v46 =	vadd.f32 v11, v12  }
0x152: {  	v45 =	vld [tilespmem:s9+$0xFFFFFF00];
	v13 =	vadd.f32 v21, v13;
	v43 =	vmul.f32 v10, v10;
	v47 =	vadd.f32 v41, v14  }
0x153: {  	v49 =	vld [tilespmem:s9+$0xFFFFFF10];
	v8 =	vadd.f32 v9, v44;
	v53 =	vadd.f32 v10, v46  }
0x154: {  	v52 =	vld [tilespmem:s9+$0xFFFFFF20];
	v48 =	vmul.f32 v17, v17;
	v50 =	vadd.f32 v43, v13;
	v51 =	vmul.f32 v19, v19  }
0x155: {  	v56 =	vld [tilespmem:s9+$0xFFFFFF30];
	v55 =	vmul.f32 v22, v22;
	v8 =	vadd.f32 v17, v8;
	v10 =	vadd.f32 v19, v53  }
0x156: {  	v58 =	vld [tilespmem:s9+$0xFFFFFF40];
	v57 =	vmul.f32 v42, v42;
	v54 =	vadd.f32 v48, v47;
	v9 =	vadd.f32 v51, v50  }
0x157: {  	v60 =	vld [tilespmem:s9+$0xFFFFFF50];
	v59 =	vmul.f32 v45, v45;
	v8 =	vadd.f32 v22, v8;
	v10 =	vadd.f32 v42, v10  }
0x158: {  	v62 =	vld [tilespmem:s9+$0xFFFFFF60];
	v61 =	vmul.f32 v49, v49;
	v11 =	vadd.f32 v55, v54;
	v9 =	vadd.f32 v57, v9  }
0x159: {  	v24 =	vld [tilespmem:s9+$0xFFFFFF70];
	v63 =	vmul.f32 v52, v52;
	v8 =	vadd.f32 v45, v8;
	v10 =	vadd.f32 v49, v10  }
0x15a: {  	v26 =	vld [tilespmem:s9+$0xFFFFFF80];
	v25 =	vmul.f32 v56, v56;
	v11 =	vadd.f32 v59, v11;
	v9 =	vadd.f32 v61, v9  }
0x15b: {  	v28 =	vld [tilespmem:s9+$0xFFFFFF90];
	v27 =	vmul.f32 v58, v58;
	v8 =	vadd.f32 v52, v8;
	v10 =	vadd.f32 v56, v10  }
0x15c: {  	v30 =	vld [tilespmem:s9+$0xFFFFFFA0];
	v29 =	vmul.f32 v60, v60;
	v11 =	vadd.f32 v63, v11;
	v9 =	vadd.f32 v25, v9  }
0x15d: {  	v32 =	vld [tilespmem:s9+$0xFFFFFFB0];
	v31 =	vmul.f32 v62, v62;
	v8 =	vadd.f32 v58, v8;
	v10 =	vadd.f32 v60, v10  }
0x15e: {  	v34 =	vld [tilespmem:s9+$0xFFFFFFC0];
	v33 =	vmul.f32 v24, v24;
	v11 =	vadd.f32 v27, v11;
	v9 =	vadd.f32 v29, v9  }
0x15f: {  	v36 =	vld [tilespmem:s9+$0xFFFFFFD0];
	v35 =	vmul.f32 v26, v26;
	v8 =	vadd.f32 v62, v8;
	v10 =	vadd.f32 v24, v10  }
0x160: {  	v38 =	vld [tilespmem:s9+$0xFFFFFFE0];
	v37 =	vmul.f32 v28, v28;
	v11 =	vadd.f32 v31, v11;
	v9 =	vadd.f32 v33, v9  }
0x161: {  	v40 =	vld [tilespmem:s9+$0xFFFFFFF0];
	v39 =	vmul.f32 v30, v30;
	v8 =	vadd.f32 v26, v8;
	v10 =	vadd.f32 v28, v10  }
0x162: {  	v44 =	vld [tilespmem:s9+$0x10];
	v41 =	vmul.f32 v32, v32;
	v11 =	vadd.f32 v35, v11;
	v9 =	vadd.f32 v37, v9  }
0x163: {  	v43 =	vmul.f32 v34, v34;
	v42 =	vld [tilespmem:s9+$0x0];
	v8 =	vadd.f32 v30, v8;
	v10 =	vadd.f32 v32, v10  }
0x164: {  	v46 =	vld [tilespmem:s9+$0x20];
	v45 =	vmul.f32 v36, v36;
	v11 =	vadd.f32 v39, v11;
	v9 =	vadd.f32 v41, v9  }
0x165: {  	v47 =	vmul.f32 v38, v38;
	v48 =	vld [tilespmem:s9+$0x30];
	v8 =	vadd.f32 v34, v8;
	v10 =	vadd.f32 v36, v10  }
0x166: {  	v53 =	vld [tilespmem:s9+$0x50];
	v49 =	vmul.f32 v40, v40;
	v11 =	vadd.f32 v43, v11;
	v9 =	vadd.f32 v45, v9  }
0x167: {  	v50 =	vld [tilespmem:s9+$0x40];
	v52 =	vmul.f32 v44, v44;
	v8 =	vadd.f32 v38, v8;
	v10 =	vadd.f32 v40, v10  }
0x168: {  	v54 =	vld [tilespmem:s9+$0x60];
	v51 =	vmul.f32 v42, v42;
	v11 =	vadd.f32 v47, v11;
	v9 =	vadd.f32 v49, v9  }
0x169: {  	v55 =	vmul.f32 v46, v46;
	v56 =	vld [tilespmem:s9+$0x70];
	v8 =	vadd.f32 v42, v8;
	v10 =	vadd.f32 v44, v10  }
0x16a: {  	v57 =	vmul.f32 v48, v48;
	v58 =	vld [tilespmem:s9+$0x80];
	v11 =	vadd.f32 v51, v11;
	v9 =	vadd.f32 v52, v9  }
0x16b: {  	v61 =	vmul.f32 v53, v53;
	v60 =	vld [tilespmem:s9+$0x90];
	v8 =	vadd.f32 v46, v8;
	v10 =	vadd.f32 v48, v10  }
0x16c: {  	v59 =	vmul.f32 v50, v50;
	v63 =	vld [tilespmem:s9+$0xB0];
	v11 =	vadd.f32 v55, v11;
	v9 =	vadd.f32 v57, v9  }
0x16d: {  	v25 =	vmul.f32 v54, v54;
	v62 =	vld [tilespmem:s9+$0xA0];
	v8 =	vadd.f32 v50, v8;
	v10 =	vadd.f32 v53, v10  }
0x16e: {  	v27 =	vld [tilespmem:s9+$0xD0];
	v26 =	vmul.f32 v56, v56;
	v11 =	vadd.f32 v59, v11;
	v9 =	vadd.f32 v61, v9  }
0x16f: {  	v24 =	vld [tilespmem:s9+$0xC0];
	v28 =	vmul.f32 v58, v58;
	v8 =	vadd.f32 v54, v8;
	v10 =	vadd.f32 v56, v10  }
0x170: {  	v29 =	vmul.f32 v60, v60;
	v30 =	vld [tilespmem:s9+$0xE0];
	v11 =	vadd.f32 v25, v11;
	v9 =	vadd.f32 v26, v9  }
0x171: {  	v33 =	vmul.f32 v63, v63;
	v32 =	vld [tilespmem:s9+$0xF0];
	v8 =	vadd.f32 v58, v8;
	v10 =	vadd.f32 v60, v10  }
0x172: {  	v31 =	vmul.f32 v62, v62;
	v34 =	vld [tilespmem:s9+$0x100];
	v11 =	vadd.f32 v28, v11;
	v9 =	vadd.f32 v29, v9  }
0x173: {  	v37 =	vmul.f32 v27, v27;
	v36 =	vld [tilespmem:s9+$0x110];
	v8 =	vadd.f32 v62, v8;
	v10 =	vadd.f32 v63, v10  }
0x174: {  	v35 =	vmul.f32 v24, v24;
	v38 =	vld [tilespmem:s9+$0x120];
	v11 =	vadd.f32 v31, v11;
	v9 =	vadd.f32 v33, v9  }
0x175: {  	v40 =	vld [tilespmem:s9+$0x130];
	v39 =	vmul.f32 v30, v30;
	v8 =	vadd.f32 v24, v8;
	v10 =	vadd.f32 v27, v10  }
0x176: {  	v41 =	vmul.f32 v32, v32;
	v42 =	vld [tilespmem:s9+$0x140];
	v11 =	vadd.f32 v35, v11;
	v9 =	vadd.f32 v37, v9  }
0x177: {  	v44 =	vld [tilespmem:s9+$0x150];
	v43 =	vmul.f32 v34, v34;
	v8 =	vadd.f32 v30, v8;
	v10 =	vadd.f32 v32, v10  }
0x178: {  	v45 =	vmul.f32 v36, v36;
	v46 =	vld [tilespmem:s9+$0x160];
	v11 =	vadd.f32 v39, v11;
	v9 =	vadd.f32 v41, v9  }
0x179: {  	v48 =	vld [tilespmem:s9+$0x170];
	v47 =	vmul.f32 v38, v38;
	v8 =	vadd.f32 v34, v8;
	v10 =	vadd.f32 v36, v10  }
0x17a: {  	v52 =	vld [tilespmem:s9+$0x190];
	v49 =	vmul.f32 v40, v40;
	v11 =	vadd.f32 v43, v11;
	v9 =	vadd.f32 v45, v9  }
0x17b: {  	v50 =	vld [tilespmem:s9+$0x180];
	v51 =	vmul.f32 v42, v42;
	v8 =	vadd.f32 v38, v8;
	v10 =	vadd.f32 v40, v10  }
0x17c: {  	v53 =	vmul.f32 v44, v44;
	v11 =	vadd.f32 v47, v11;
	v9 =	vadd.f32 v49, v9  }
0x17d: {  	v54 =	vmul.f32 v46, v46;
	v8 =	vadd.f32 v42, v8;
	v10 =	vadd.f32 v44, v10  }
0x17e: {  	v55 =	vmul.f32 v48, v48;
	v11 =	vadd.f32 v51, v11;
	v9 =	vadd.f32 v53, v9  }
0x17f: {  	s0 =	sadd.s32 $0x1A, s29;
	v57 =	vmul.f32 v52, v52;
	v8 =	vadd.f32 v46, v8;
	v10 =	vadd.f32 v48, v10  }
0x180: {  	s29 =	sadd.s32 $0x10, s0;
	v56 =	vmul.f32 v50, v50;
	v11 =	vadd.f32 v54, v11;
	v9 =	vadd.f32 v55, v9  }
0x181: {  	s0 =	sand.u32 $0x6, s0;
	s9 =	sand.u32 $0xFF8, s29;
	v8 =	vadd.f32 v50, v8;
	v10 =	vadd.f32 v52, v10  }
0x182: {  	v5 =	vnsel vm0, $0x0, v5;
	s0 =	sor.u32 s0, s9;
	v11 =	vadd.f32 v56, v11;
	v9 =	vadd.f32 v57, v9  }
0x183: {  	s12 =	sadd.s32 $0x1A, s19;
	(xrf2) =	vadd.scan.msk.f32 $0xffff, v6;
	v3 =	vadd.f32 v5, v3;
	v58 =	vld [tilespmem:s0+$0x1AD00];
	v59 =	vmul.f32 v8, v8;
	v60 =	vmul.f32 v10, v10  }
0x184: {  	(xrf2) =	vadd.scan.msk.f32 $0xffff, v7;
	v61 =	vld [tilespmem:s12+$0x0];
	v9 =	vadd.f32 v9, v11  }
0x185: {  	(xrf2) =	vadd.scan.msk.f32 $0xffff, v3;
	v3 =	vadd.f32 v60, v59  }
0x186: {  	(xrf2) =	vadd.scan.msk.f32 $0xffff, v9  }
0x187: {  	(xrf2) =	vadd.scan.msk.f32 $0xffff, v3  }
0x188: {  	v3 =	vnsel vm0, $0x0, v58  }
0x189: {  	v3 =	vadd.f32 v3, v61;
	_ =	sdelay $0x1  }
0x18a: {  	(xrf2) =	vadd.scan.msk.f32 $0xffff, v3;
	_ =	sdelay $0x1  }
0x18b: {  	v3, _, _ =	vpop (xrf2)  }
0x18c: {  	v62, _, _ =	vpop (xrf2);
	(v2sf) =	vpush v3, $0xF  }
0x18d: {  	v3, _, _ =	vpop (xrf2);
	(v2sf) =	vpush v62, $0xF  }
0x18e: {  	(v2sf) =	vpush v3, $0xF;
	v3, _, _ =	vpop (xrf2)  }
0x18f: {  	v63, _, _ =	vpop (xrf2);
	(v2sf) =	vpush v3, $0xF  }
0x190: {  	(v2sf) =	vpush v63, $0xF;
	_ =	sdelay $0x2  }
0x191: {  	v3, _, _ =	vpop (xrf2)  }
0x192: {  	(v2sf) =	vpush v3, $0xF;
	_ =	sdelay $0x6  }
0x193: {  	s19 =	spop (v2sf)  }
0x194: {  	s25 =	spop (v2sf)  }
0x195: {  	s12 =	spop (v2sf)  }
0x196: {  	s0 =	ssub.f32 s25, s19;
	s29 =	spop (v2sf)  }
0x197: {  	s25 =	spop (v2sf)  }
0x198: {  	s0 =	smul.f32 $5.000000000e-01, s0;
	s9 =	ssub.f32 s25, s29  }
0x199: {  	_ = 	snop  }
0x19a: {  	s0 =	sadd.f32 s0, s12;
	s9 =	smul.f32 $5.000000000e-01, s9  }
0x19b: {  	s25 =	sshll.u32 s2, $0x4;
	s2 =	sadd.s32 $0x1, s2;
	s29 =	spop (v2sf)  }
0x19c: {  	p1 =	sne.s32 s2, $0x4;
	s9 =	sadd.f32 s9, s29  }
.Ltmp1:
0x19d: {  	s0 =	sadd.f32 s0, s28;
	(pc) =	sbr.rel @p1 .LBB2_3-.Ltmp1, $4  }
0x19e: {  	vm1 =	veq.s32 v4, v0;
	v3 =	vmov s3;
	s19 =	sadd.f32 s9, s28  }
0x19f: {  	v2 =	vsel vm1, s0, v2;
	vm1 =	veq.s32 v3, v0  }
0x1a0: {  	s29 =	sand.u32 $0x3FFFFFF0, s25;
	v2 =	vsel vm1, s19, v2  }
0x1a1: {  	s18 =	sadd.s32 $0x1A0, s18;
	s10 =	sadd.s32 $0x1A0, s10;
	s23 =	sadd.s32 $0x3400, s23;
	[tilespmem:v1+s29+$0x0 ss:$0x1] =	vst.idx.msk $0xffff, v2  }
.Ltmp2:
0x1a2: {  	(pc) =	sbr.rel @p0 .LBB2_8-.Ltmp2, $1  }
0x1a3: {  	_ =	sdelay $0x3  }
0x1a4: {  	_ =	swait.ge [sflag:s15], $0x680  }
0x1a5: {  	[sflag:s15] =	ssyncset.done $0x0  }
0x1a6: {  	s0 =	simm.s32 $0x0;
	s2 =	simm.s32 $0xD00;
	[sflag:s15] =	ssyncadd.s32 $0xFFFFF980  }
0x1a7: {  	[tilespmem:s2], [sflag:$0x1] =	stream.indirect.gather [hbm4b:s5+s16], $0x20, s0, s16, $0xb8;
	[tilespmem:$0x1BC30] =	vst v63  }
0x1a8: {  	s14 =	simm.s32 $0x1AD00  }
0x1a9: {  	[tilespmem:s14], [sflag:$0x1] =	stream.indirect.gather [hbm4b:s6+s16], $0x1, s0, s16, $0xb8;
	[tilespmem:$0x1BC30] =	vst v63  }
0x1aa: {  	s18 =	simm.s32 $0x1D00  }
0x1ab: {  	[tilespmem:s18], [sflag:$0x1] =	stream.indirect.gather [hbm4b:s5+s16], $0x20, s16, s16, $0xb8;
	[tilespmem:$0x1BC30] =	vst v63  }
0x1ac: {  	s19 =	simm.s32 $0x1AD80  }
0x1ad: {  	[tilespmem:s19], [sflag:$0x1] =	stream.indirect.gather [hbm4b:s6+s16], $0x1, s16, s16, $0xb8;
	[tilespmem:$0x1BC30] =	vst v63  }
0x1ae: {  	s23 =	simm.s32 $0x100;
	s25 =	simm.s32 $0x2D00  }
0x1af: {  	[tilespmem:s25], [sflag:$0x1] =	stream.indirect.gather [hbm4b:s5+s16], $0x20, s23, s16, $0xb8;
	[tilespmem:$0x1BC30] =	vst v63  }
0x1b0: {  	s29 =	simm.s32 $0x1AE00  }
0x1b1: {  	[tilespmem:s29], [sflag:$0x1] =	stream.indirect.gather [hbm4b:s6+s16], $0x1, s23, s16, $0xb8;
	[tilespmem:$0x1BC30] =	vst v63  }
0x1b2: {  	s3 =	simm.s32 $0x180;
	s9 =	simm.s32 $0x3D00  }
0x1b3: {  	[tilespmem:s9], [sflag:$0x1] =	stream.indirect.gather [hbm4b:s5+s16], $0x20, s3, s16, $0xb8;
	[tilespmem:$0x1BC30] =	vst v63  }
0x1b4: {  	s10 =	simm.s32 $0x1AE80  }
0x1b5: {  	[tilespmem:s10], [sflag:$0x1] =	stream.indirect.gather [hbm4b:s6+s16], $0x1, s3, s16, $0xb8;
	[tilespmem:$0x1BC30] =	vst v63  }
0x1b6: {  	s12 =	simm.s32 $0x200;
	s14 =	simm.s32 $0x4D00  }
0x1b7: {  	[tilespmem:s14], [sflag:$0x1] =	stream.indirect.gather [hbm4b:s5+s16], $0x20, s12, s16, $0xb8;
	[tilespmem:$0x1BC30] =	vst v63  }
0x1b8: {  	s18 =	simm.s32 $0x1AF00  }
0x1b9: {  	[tilespmem:s18], [sflag:$0x1] =	stream.indirect.gather [hbm4b:s6+s16], $0x1, s12, s16, $0xb8;
	[tilespmem:$0x1BC30] =	vst v63  }
0x1ba: {  	s19 =	simm.s32 $0x280;
	s23 =	simm.s32 $0x5D00  }
0x1bb: {  	[tilespmem:s23], [sflag:$0x1] =	stream.indirect.gather [hbm4b:s5+s16], $0x20, s19, s16, $0xb8;
	[tilespmem:$0x1BC30] =	vst v63  }
0x1bc: {  	s25 =	simm.s32 $0x1AF80  }
0x1bd: {  	[tilespmem:s25], [sflag:$0x1] =	stream.indirect.gather [hbm4b:s6+s16], $0x1, s19, s16, $0xb8;
	[tilespmem:$0x1BC30] =	vst v63  }
0x1be: {  	s29 =	simm.s32 $0x300;
	s3 =	simm.s32 $0x6D00  }
0x1bf: {  	[tilespmem:s3], [sflag:$0x1] =	stream.indirect.gather [hbm4b:s5+s16], $0x20, s29, s16, $0xb8;
	[tilespmem:$0x1BC30] =	vst v63  }
0x1c0: {  	s9 =	simm.s32 $0x1B000  }
0x1c1: {  	[tilespmem:s9], [sflag:$0x1] =	stream.indirect.gather [hbm4b:s6+s16], $0x1, s29, s16, $0xb8;
	[tilespmem:$0x1BC30] =	vst v63  }
0x1c2: {  	s10 =	simm.s32 $0x380;
	s12 =	simm.s32 $0x7D00  }
0x1c3: {  	[tilespmem:s12], [sflag:$0x1] =	stream.indirect.gather [hbm4b:s5+s16], $0x20, s10, s16, $0xb8;
	[tilespmem:$0x1BC30] =	vst v63  }
0x1c4: {  	s14 =	simm.s32 $0x1B080  }
0x1c5: {  	[tilespmem:s14], [sflag:$0x1] =	stream.indirect.gather [hbm4b:s6+s16], $0x1, s10, s16, $0xb8;
	[tilespmem:$0x1BC30] =	vst v63  }
0x1c6: {  	s18 =	simm.s32 $0x400;
	s19 =	simm.s32 $0x8D00  }
0x1c7: {  	[tilespmem:s19], [sflag:$0x1] =	stream.indirect.gather [hbm4b:s5+s16], $0x20, s18, s16, $0xb8;
	[tilespmem:$0x1BC30] =	vst v63  }
0x1c8: {  	s23 =	simm.s32 $0x1B100  }
0x1c9: {  	[tilespmem:s23], [sflag:$0x1] =	stream.indirect.gather [hbm4b:s6+s16], $0x1, s18, s16, $0xb8;
	[tilespmem:$0x1BC30] =	vst v63  }
0x1ca: {  	s25 =	simm.s32 $0x480;
	s29 =	simm.s32 $0x9D00  }
0x1cb: {  	[tilespmem:s29], [sflag:$0x1] =	stream.indirect.gather [hbm4b:s5+s16], $0x20, s25, s16, $0xb8;
	[tilespmem:$0x1BC30] =	vst v63  }
0x1cc: {  	s3 =	simm.s32 $0x1B180  }
0x1cd: {  	[tilespmem:s3], [sflag:$0x1] =	stream.indirect.gather [hbm4b:s6+s16], $0x1, s25, s16, $0xb8;
	[tilespmem:$0x1BC30] =	vst v63  }
0x1ce: {  	s9 =	simm.s32 $0x500;
	s10 =	simm.s32 $0xAD00  }
0x1cf: {  	[tilespmem:s10], [sflag:$0x1] =	stream.indirect.gather [hbm4b:s5+s16], $0x20, s9, s16, $0xb8;
	[tilespmem:$0x1BC30] =	vst v63  }
0x1d0: {  	s12 =	simm.s32 $0x1B200  }
0x1d1: {  	[tilespmem:s12], [sflag:$0x1] =	stream.indirect.gather [hbm4b:s6+s16], $0x1, s9, s16, $0xb8;
	[tilespmem:$0x1BC30] =	vst v63  }
0x1d2: {  	s14 =	simm.s32 $0x580;
	s18 =	simm.s32 $0xBD00  }
0x1d3: {  	[tilespmem:s18], [sflag:$0x1] =	stream.indirect.gather [hbm4b:s5+s16], $0x20, s14, s16, $0xb8;
	[tilespmem:$0x1BC30] =	vst v63  }
0x1d4: {  	s19 =	simm.s32 $0x1B280  }
0x1d5: {  	[tilespmem:s19], [sflag:$0x1] =	stream.indirect.gather [hbm4b:s6+s16], $0x1, s14, s16, $0xb8;
	[tilespmem:$0x1BC30] =	vst v63  }
0x1d6: {  	s23 =	simm.s32 $0x600;
	s25 =	simm.s32 $0xCD00  }
0x1d7: {  	[tilespmem:s25], [sflag:$0x1] =	stream.indirect.gather [hbm4b:s5+s16], $0x20, s23, s16, $0xb8;
	[tilespmem:$0x1BC30] =	vst v63  }
0x1d8: {  	s29 =	simm.s32 $0x1B300  }
0x1d9: {  	[tilespmem:s29], [sflag:$0x1] =	stream.indirect.gather [hbm4b:s6+s16], $0x1, s23, s16, $0xb8;
	[tilespmem:$0x1BC30] =	vst v63  }
.LBB2_8:
0x1da: {  	_ =	swait.ge [sflag:s24], $0x1000  }
0x1db: {  	[sflag:s24] =	ssyncset.done $0x0  }
0x1dc: {  	[sflag:s24] =	ssyncadd.s32 $0xFFFFF000  }
0x1dd: {  	_ =	swait.ge [sflag:s24], $0x80  }
0x1de: {  	[sflag:s24] =	ssyncset.done $0x0  }
0x1df: {  	[sflag:s24] =	ssyncadd.s32 $0xFFFFFF80  }
0x1e0: {  	_ =	swait.ge [sflag:s24], $0x1000  }
0x1e1: {  	[sflag:s24] =	ssyncset.done $0x0  }
0x1e2: {  	[sflag:s24] =	ssyncadd.s32 $0xFFFFF000  }
0x1e3: {  	_ =	swait.ge [sflag:s24], $0x80  }
0x1e4: {  	[sflag:s24] =	ssyncset.done $0x0  }
0x1e5: {  	[sflag:s24] =	ssyncadd.s32 $0xFFFFFF80  }
0x1e6: {  	_ =	swait.ge [sflag:s24], $0x1000  }
0x1e7: {  	[sflag:s24] =	ssyncset.done $0x0  }
0x1e8: {  	[sflag:s24] =	ssyncadd.s32 $0xFFFFF000  }
0x1e9: {  	_ =	swait.ge [sflag:s24], $0x80  }
0x1ea: {  	[sflag:s24] =	ssyncset.done $0x0  }
0x1eb: {  	[sflag:s24] =	ssyncadd.s32 $0xFFFFFF80  }
0x1ec: {  	_ =	swait.ge [sflag:s24], $0x1000  }
0x1ed: {  	[sflag:s24] =	ssyncset.done $0x0  }
0x1ee: {  	[sflag:s24] =	ssyncadd.s32 $0xFFFFF000  }
0x1ef: {  	_ =	swait.ge [sflag:s24], $0x80  }
0x1f0: {  	[sflag:s24] =	ssyncset.done $0x0  }
0x1f1: {  	[sflag:s24] =	ssyncadd.s32 $0xFFFFFF80  }
0x1f2: {  	_ =	swait.ge [sflag:s24], $0x1000  }
0x1f3: {  	[sflag:s24] =	ssyncset.done $0x0  }
0x1f4: {  	[sflag:s24] =	ssyncadd.s32 $0xFFFFF000  }
0x1f5: {  	_ =	swait.ge [sflag:s24], $0x80  }
0x1f6: {  	[sflag:s24] =	ssyncset.done $0x0  }
0x1f7: {  	[sflag:s24] =	ssyncadd.s32 $0xFFFFFF80  }
0x1f8: {  	_ =	swait.ge [sflag:s24], $0x1000  }
0x1f9: {  	[sflag:s24] =	ssyncset.done $0x0  }
0x1fa: {  	[sflag:s24] =	ssyncadd.s32 $0xFFFFF000  }
0x1fb: {  	_ =	swait.ge [sflag:s24], $0x80  }
0x1fc: {  	[sflag:s24] =	ssyncset.done $0x0  }
0x1fd: {  	[sflag:s24] =	ssyncadd.s32 $0xFFFFFF80  }
0x1fe: {  	_ =	swait.ge [sflag:s24], $0x1000  }
0x1ff: {  	[sflag:s24] =	ssyncset.done $0x0  }
0x200: {  	[sflag:s24] =	ssyncadd.s32 $0xFFFFF000  }
0x201: {  	_ =	swait.ge [sflag:s24], $0x80  }
0x202: {  	[sflag:s24] =	ssyncset.done $0x0  }
0x203: {  	[sflag:s24] =	ssyncadd.s32 $0xFFFFFF80  }
0x204: {  	_ =	swait.ge [sflag:s24], $0x1000  }
0x205: {  	[sflag:s24] =	ssyncset.done $0x0  }
0x206: {  	[sflag:s24] =	ssyncadd.s32 $0xFFFFF000  }
0x207: {  	_ =	swait.ge [sflag:s24], $0x80  }
0x208: {  	[sflag:s24] =	ssyncset.done $0x0  }
0x209: {  	[sflag:s24] =	ssyncadd.s32 $0xFFFFFF80  }
0x20a: {  	_ =	swait.ge [sflag:s24], $0x1000  }
0x20b: {  	[sflag:s24] =	ssyncset.done $0x0  }
0x20c: {  	[sflag:s24] =	ssyncadd.s32 $0xFFFFF000  }
0x20d: {  	_ =	swait.ge [sflag:s24], $0x80  }
0x20e: {  	[sflag:s24] =	ssyncset.done $0x0  }
0x20f: {  	[sflag:s24] =	ssyncadd.s32 $0xFFFFFF80  }
0x210: {  	_ =	swait.ge [sflag:s24], $0x1000  }
0x211: {  	[sflag:s24] =	ssyncset.done $0x0  }
0x212: {  	[sflag:s24] =	ssyncadd.s32 $0xFFFFF000  }
0x213: {  	_ =	swait.ge [sflag:s24], $0x80  }
0x214: {  	[sflag:s24] =	ssyncset.done $0x0  }
0x215: {  	[sflag:s24] =	ssyncadd.s32 $0xFFFFFF80  }
0x216: {  	_ =	swait.ge [sflag:s24], $0x1000  }
0x217: {  	[sflag:s24] =	ssyncset.done $0x0  }
0x218: {  	[sflag:s24] =	ssyncadd.s32 $0xFFFFF000  }
0x219: {  	_ =	swait.ge [sflag:s24], $0x80  }
0x21a: {  	[sflag:s24] =	ssyncset.done $0x0  }
0x21b: {  	[sflag:s24] =	ssyncadd.s32 $0xFFFFFF80  }
0x21c: {  	_ =	swait.ge [sflag:s24], $0x1000  }
0x21d: {  	[sflag:s24] =	ssyncset.done $0x0  }
0x21e: {  	[sflag:s24] =	ssyncadd.s32 $0xFFFFF000  }
0x21f: {  	_ =	swait.ge [sflag:s24], $0x80  }
0x220: {  	[sflag:s24] =	ssyncset.done $0x0  }
0x221: {  	[sflag:s24] =	ssyncadd.s32 $0xFFFFFF80  }
0x222: {  	_ =	swait.ge [sflag:s24], $0x1000  }
0x223: {  	[sflag:s24] =	ssyncset.done $0x0  }
0x224: {  	[sflag:s24] =	ssyncadd.s32 $0xFFFFF000  }
0x225: {  	_ =	swait.ge [sflag:s24], $0x80  }
0x226: {  	s0 =	rddreg [dreg:$0x7]  }
0x227: {  	s0 =	sadd.s32 @!p0 s1, s0  }
0x228: {  	s0 =	smul.u32 @!p0 $0xD0, s0  }
0x229: {  	s2 =	simm.s32 @!p0 $0x680;
	s29 =	sadd.s32 $0x1BA60, s8;
	[sflag:s24] =	ssyncset.done $0x0  }
0x22a: {  	[sflag:s24] =	ssyncadd.s32 $0xFFFFFF80;
	s1 =	simm.s32 @!p0 $0x0;
	s0 =	sadd.s32 @!p0 s4, s0  }
0x22b: {  	[tilespmem:s2], [sflag:$0x2] =	stream.linear.gather @!p0 [hbm4b:s0+s1], $0x680, $0x38;
	[tilespmem:$0x1BC30] =	vst v63  }
0x22c: {  	s8 =	simm.s32 $0xD00;
	s14 =	simm.s32 $0x0;
	v1 =	vmov s29;
	s1 =	simm.s32 $0x0  }
.LBB2_9:
0x22d: {  	v2 =	vmov s8;
	_ =	sdelay $0x3  }
0x22e: {  	s2 =	simm.s32 $0x0  }
0x22f: {  	v3 =	vld.idx.msk [tilespmem:v2+s2+$0xD260 ss:$0x1], $0xffff  }
0x230: {  	v4 =	vld.idx.msk [tilespmem:v2+s2+$0xD000 ss:$0x1], $0xffff  }
0x231: {  	v5 =	vld.idx.msk [tilespmem:v2+s2+$0xD010 ss:$0x1], $0xffff  }
0x232: {  	v6 =	vld.idx.msk [tilespmem:v2+s2+$0xD020 ss:$0x1], $0xffff  }
0x233: {  	v7 =	vld.idx.msk [tilespmem:v2+s2+$0xD030 ss:$0x1], $0xffff  }
0x234: {  	v8 =	vld.idx.msk [tilespmem:v2+s2+$0xD040 ss:$0x1], $0xffff  }
0x235: {  	v9 =	vld.idx.msk [tilespmem:v2+s2+$0xD050 ss:$0x1], $0xffff  }
0x236: {  	v10 =	vld.idx.msk [tilespmem:v2+s2+$0xD060 ss:$0x1], $0xffff  }
0x237: {  	v11 =	vld.idx.msk [tilespmem:v2+s2+$0xD070 ss:$0x1], $0xffff;
	v12 =	vmul.f32 v4, v4;
	v13 =	vmul.f32 v6, v6  }
0x238: {  	v16 =	vld.idx.msk [tilespmem:v2+s2+$0xD080 ss:$0x1], $0xffff;
	v14 =	vmul.f32 v5, v5;
	v4 =	vadd.f32 $0.0e+00, v4;
	v15 =	vmul.f32 v7, v7  }
0x239: {  	v18 =	vld.idx.msk [tilespmem:v2+s2+$0xD090 ss:$0x1], $0xffff;
	v5 =	vadd.f32 $0.0e+00, v5;
	v17 =	vmul.f32 v8, v8;
	v12 =	vadd.f32 v13, v12  }
0x23a: {  	v13 =	vadd.f32 v15, v14;
	v14 =	vmul.f32 v9, v9;
	v15 =	vld.idx.msk [tilespmem:v2+s2+$0xD0A0 ss:$0x1], $0xffff;
	v4 =	vadd.f32 v6, v4  }
0x23b: {  	v5 =	vadd.f32 v7, v5;
	v6 =	vld.idx.msk [tilespmem:v2+s2+$0xD0B0 ss:$0x1], $0xffff;
	v7 =	vadd.f32 v17, v12;
	v12 =	vmul.f32 v10, v10  }
0x23c: {  	v17 =	vld.idx.msk [tilespmem:v2+s2+$0xD0C0 ss:$0x1], $0xffff;
	v4 =	vadd.f32 v8, v4;
	v8 =	vadd.f32 v14, v13;
	v13 =	vmul.f32 v11, v11  }
0x23d: {  	v14 =	vld.idx.msk [tilespmem:v2+s2+$0xD0D0 ss:$0x1], $0xffff;
	v5 =	vadd.f32 v9, v5;
	v9 =	vmul.f32 v16, v16;
	v7 =	vadd.f32 v12, v7  }
0x23e: {  	v12 =	vld.idx.msk [tilespmem:v2+s2+$0xD0E0 ss:$0x1], $0xffff;
	v4 =	vadd.f32 v10, v4;
	v8 =	vadd.f32 v13, v8;
	v10 =	vmul.f32 v18, v18  }
0x23f: {  	v5 =	vadd.f32 v11, v5;
	v11 =	vld.idx.msk [tilespmem:v2+s2+$0xD0F0 ss:$0x1], $0xffff;
	v7 =	vadd.f32 v9, v7;
	v9 =	vmul.f32 v15, v15  }
0x240: {  	v13 =	vld.idx.msk [tilespmem:v2+s2+$0xD100 ss:$0x1], $0xffff;
	v4 =	vadd.f32 v16, v4;
	v8 =	vadd.f32 v10, v8;
	v10 =	vmul.f32 v6, v6  }
0x241: {  	v5 =	vadd.f32 v18, v5;
	v16 =	vld.idx.msk [tilespmem:v2+s2+$0xD110 ss:$0x1], $0xffff;
	v7 =	vadd.f32 v9, v7;
	v9 =	vmul.f32 v17, v17  }
0x242: {  	v4 =	vadd.f32 v15, v4;
	v8 =	vadd.f32 v10, v8;
	v10 =	vmul.f32 v14, v14;
	v15 =	vld.idx.msk [tilespmem:v2+s2+$0xD120 ss:$0x1], $0xffff  }
0x243: {  	v5 =	vadd.f32 v6, v5;
	v6 =	vadd.f32 v9, v7;
	v7 =	vld.idx.msk [tilespmem:v2+s2+$0xD130 ss:$0x1], $0xffff;
	v9 =	vmul.f32 v12, v12  }
0x244: {  	v8 =	vadd.f32 v10, v8;
	v10 =	vld.idx.msk [tilespmem:v2+s2+$0xD140 ss:$0x1], $0xffff;
	v4 =	vadd.f32 v17, v4;
	v17 =	vmul.f32 v11, v11  }
0x245: {  	v18 =	vld.idx.msk [tilespmem:v2+s2+$0xD150 ss:$0x1], $0xffff;
	v5 =	vadd.f32 v14, v5;
	v6 =	vadd.f32 v9, v6;
	v9 =	vmul.f32 v13, v13  }
0x246: {  	v14 =	vld.idx.msk [tilespmem:v2+s2+$0xD160 ss:$0x1], $0xffff;
	v4 =	vadd.f32 v12, v4;
	v8 =	vadd.f32 v17, v8;
	v12 =	vmul.f32 v16, v16  }
0x247: {  	v17 =	vld.idx.msk [tilespmem:v2+s2+$0xD170 ss:$0x1], $0xffff;
	v5 =	vadd.f32 v11, v5;
	v6 =	vadd.f32 v9, v6  }
0x248: {  	v11 =	vld.idx.msk [tilespmem:v2+s2+$0xD180 ss:$0x1], $0xffff;
	v9 =	vmul.f32 v15, v15;
	v8 =	vadd.f32 v12, v8;
	v12 =	vmul.f32 v7, v7  }
0x249: {  	v19 =	vld.idx.msk [tilespmem:v2+s2+$0xD190 ss:$0x1], $0xffff;
	v4 =	vadd.f32 v13, v4;
	v5 =	vadd.f32 v16, v5;
	v13 =	vmul.f32 v10, v10  }
0x24a: {  	v16 =	vld.idx.msk [tilespmem:v2+s2+$0xD1A0 ss:$0x1], $0xffff;
	v6 =	vadd.f32 v9, v6;
	v9 =	vmul.f32 v18, v18;
	v8 =	vadd.f32 v12, v8  }
0x24b: {  	v4 =	vadd.f32 v15, v4;
	v5 =	vadd.f32 v7, v5;
	v7 =	vmul.f32 v14, v14;
	v12 =	vld.idx.msk [tilespmem:v2+s2+$0xD1B0 ss:$0x1], $0xffff  }
0x24c: {  	v15 =	vld.idx.msk [tilespmem:v2+s2+$0xD1C0 ss:$0x1], $0xffff;
	v6 =	vadd.f32 v13, v6;
	v8 =	vadd.f32 v9, v8;
	v9 =	vmul.f32 v17, v17  }
0x24d: {  	v13 =	vld.idx.msk [tilespmem:v2+s2+$0xD1D0 ss:$0x1], $0xffff;
	v4 =	vadd.f32 v10, v4;
	v5 =	vadd.f32 v18, v5;
	v10 =	vmul.f32 v11, v11  }
0x24e: {  	v18 =	vld.idx.msk [tilespmem:v2+s2+$0xD1E0 ss:$0x1], $0xffff;
	v6 =	vadd.f32 v7, v6;
	v7 =	vadd.f32 v9, v8;
	v8 =	vmul.f32 v19, v19  }
0x24f: {  	v4 =	vadd.f32 v14, v4;
	v5 =	vadd.f32 v17, v5;
	v14 =	vmul.f32 v16, v16;
	v9 =	vld.idx.msk [tilespmem:v2+s2+$0xD1F0 ss:$0x1], $0xffff  }
0x250: {  	v17 =	vld.idx.msk [tilespmem:v2+s2+$0xD200 ss:$0x1], $0xffff;
	v6 =	vadd.f32 v10, v6;
	v7 =	vadd.f32 v8, v7;
	v8 =	vmul.f32 v12, v12  }
0x251: {  	v10 =	vld.idx.msk [tilespmem:v2+s2+$0xD210 ss:$0x1], $0xffff;
	v4 =	vadd.f32 v11, v4;
	v5 =	vadd.f32 v19, v5;
	v11 =	vmul.f32 v15, v15  }
0x252: {  	v19 =	vld.idx.msk [tilespmem:v2+s2+$0xD220 ss:$0x1], $0xffff;
	v6 =	vadd.f32 v14, v6;
	v7 =	vadd.f32 v8, v7;
	v8 =	vmul.f32 v13, v13  }
0x253: {  	v14 =	vld.idx.msk [tilespmem:v2+s2+$0xD230 ss:$0x1], $0xffff;
	v4 =	vadd.f32 v16, v4;
	v5 =	vadd.f32 v12, v5;
	v12 =	vmul.f32 v18, v18  }
0x254: {  	v16 =	vld.idx.msk [tilespmem:v2+s2+$0xD240 ss:$0x1], $0xffff;
	v6 =	vadd.f32 v11, v6;
	v7 =	vadd.f32 v8, v7;
	v8 =	vmul.f32 v9, v9  }
0x255: {  	v11 =	vld.idx.msk [tilespmem:v2+s2+$0xD250 ss:$0x1], $0xffff;
	v4 =	vadd.f32 v15, v4;
	v5 =	vadd.f32 v13, v5;
	v13 =	vmul.f32 v17, v17  }
0x256: {  	v20 =	vld.idx.msk [tilespmem:v2+s2+$0xD310 ss:$0x1], $0xffff;
	v6 =	vadd.f32 v12, v6;
	v7 =	vadd.f32 v8, v7;
	v8 =	vmul.f32 v10, v10  }
0x257: {  	v15 =	vld.idx.msk [tilespmem:v2+s2+$0xD270 ss:$0x1], $0xffff;
	v4 =	vadd.f32 v18, v4;
	v5 =	vadd.f32 v9, v5;
	v9 =	vmul.f32 v19, v19  }
0x258: {  	v12 =	vld.idx.msk [tilespmem:v2+s2+$0xD280 ss:$0x1], $0xffff;
	v6 =	vadd.f32 v13, v6;
	v7 =	vadd.f32 v8, v7;
	v8 =	vmul.f32 v14, v14  }
0x259: {  	v13 =	vld.idx.msk [tilespmem:v2+s2+$0xD290 ss:$0x1], $0xffff;
	v4 =	vadd.f32 v17, v4;
	v5 =	vadd.f32 v10, v5;
	v10 =	vmul.f32 v16, v16  }
0x25a: {  	v17 =	vld.idx.msk [tilespmem:v2+s2+$0xD2A0 ss:$0x1], $0xffff;
	v6 =	vadd.f32 v9, v6;
	v7 =	vadd.f32 v8, v7;
	v8 =	vmul.f32 v11, v11  }
0x25b: {  	v18 =	vmul.f32 v3, v3;
	v9 =	vld.idx.msk [tilespmem:v2+s2+$0xD2B0 ss:$0x1], $0xffff;
	v4 =	vadd.f32 v19, v4;
	v5 =	vadd.f32 v14, v5  }
0x25c: {  	v14 =	vld.idx.msk [tilespmem:v2+s2+$0xD2C0 ss:$0x1], $0xffff;
	v19 =	vmul.f32 v15, v15;
	v6 =	vadd.f32 v10, v6;
	v7 =	vadd.f32 v8, v7  }
0x25d: {  	v4 =	vadd.f32 v16, v4;
	v5 =	vadd.f32 v11, v5;
	v10 =	vmul.f32 v12, v12;
	v8 =	vld.idx.msk [tilespmem:v2+s2+$0xD2D0 ss:$0x1], $0xffff  }
0x25e: {  	v11 =	vld.idx.msk [tilespmem:v2+s2+$0xD2E0 ss:$0x1], $0xffff;
	v16 =	vmul.f32 v13, v13;
	v6 =	vadd.f32 v18, v6;
	v7 =	vadd.f32 v19, v7  }
0x25f: {  	v18 =	vld.idx.msk [tilespmem:v2+s2+$0xD2F0 ss:$0x1], $0xffff;
	v3 =	vadd.f32 v3, v4;
	v4 =	vadd.f32 v15, v5;
	v15 =	vmul.f32 v17, v17  }
0x260: {  	v19 =	vld.idx.msk [tilespmem:v2+s2+$0xD300 ss:$0x1], $0xffff;
	v6 =	vadd.f32 v10, v6;
	v10 =	vmul.f32 v9, v9;
	v7 =	vadd.f32 v16, v7  }
0x261: {  	v5 =	vld.idx.msk [tilespmem:v2+s2+$0xD320 ss:$0x1], $0xffff;
	v3 =	vadd.f32 v12, v3;
	v12 =	vadd.f32 v13, v4;
	v16 =	vmul.f32 v14, v14  }
0x262: {  	s3 =	simm.s32 $0x340;
	v13 =	vld.idx.msk [tilespmem:v2+s2+$0xD330 ss:$0x1], $0xffff;
	v6 =	vadd.f32 v15, v6;
	v15 =	vmul.f32 v8, v8;
	v10 =	vadd.f32 v10, v7  }
0x263: {  	v4 =	vld.idx.msk [tilespmem:v2+s3+$0xD260 ss:$0x1], $0xffff;
	v3 =	vadd.f32 v17, v3;
	v9 =	vadd.f32 v9, v12;
	v17 =	vmul.f32 v11, v11  }
0x264: {  	v12 =	vld.idx.msk [tilespmem:v2+s3+$0xD010 ss:$0x1], $0xffff;
	v16 =	vadd.f32 v16, v6;
	v10 =	vadd.f32 v15, v10;
	v15 =	vmul.f32 v18, v18  }
0x265: {  	v7 =	vld.idx.msk [tilespmem:v2+s3+$0xD060 ss:$0x1], $0xffff;
	v3 =	vadd.f32 v14, v3;
	v9 =	vadd.f32 v8, v9;
	v14 =	vmul.f32 v19, v19  }
0x266: {  	v6 =	vld.idx.msk [tilespmem:v2+s3+$0xD000 ss:$0x1], $0xffff;
	v16 =	vadd.f32 v17, v16;
	v10 =	vadd.f32 v15, v10;
	v15 =	vmul.f32 v20, v20  }
0x267: {  	v8 =	vld.idx.msk [tilespmem:v2+s3+$0xD020 ss:$0x1], $0xffff;
	v21 =	vmul.f32 v13, v13;
	v3 =	vadd.f32 v11, v3;
	v17 =	vadd.f32 v18, v9  }
0x268: {  	v18 =	vmul.f32 v5, v5;
	v11 =	vld.idx.msk [tilespmem:v2+s3+$0xD030 ss:$0x1], $0xffff;
	v14 =	vadd.f32 v14, v16;
	v15 =	vadd.f32 v15, v10  }
0x269: {  	s0 =	sadd.s32 $0x10, s1;
	s10 =	simm.s32 $0x1A00;
	s18 =	sand.u32 $0x6, s1;
	v9 =	vld.idx.msk [tilespmem:v2+s3+$0xD040 ss:$0x1], $0xffff;
	v16 =	vadd.f32 v19, v3;
	v17 =	vadd.f32 v20, v17  }
0x26a: {  	s9 =	smov.u32 s1;
	s19 =	sand.u32 $0xFF8, s0;
	s2 =	simm.s32 $0x0;
	v3 =	vimm.f32 $0.0e+00;
	v10 =	vld.idx.msk [tilespmem:v2+s3+$0xD050 ss:$0x1], $0xffff;
	v14 =	vadd.f32 v18, v14;
	v15 =	vadd.f32 v21, v15  }
.LBB2_10:
0x26b: {  	p0 =	sne.s32 s10, $0xC300;
	v18 =	vld.idx.msk [tilespmem:v2+s3+$0xD070 ss:$0x1], $0xffff;
	v5 =	vadd.f32 v5, v16;
	v13 =	vadd.f32 v13, v17;
	s0 =	sor.u32 s18, s19;
	v16 =	vmov s2  }
0x26c: {  	v17 =	vmul.f32 v6, v6;
	v19 =	vmul.f32 v12, v12;
	s12 =	sand.u32 $0x7FE, s9;
	v20 =	vld [tilespmem:s0+$0x1B390];
	v14 =	vadd.f32 v15, v14  }
0x26d: {  	vm1 =	veq.s32 v16, v0;
	v15 =	vld [tilespmem:s12+$0x1B390];
	v5 =	vmul.f32 v5, v5;
	v13 =	vmul.f32 v13, v13  }
0x26e: {  	v6 =	vadd.f32 $0.0e+00, v6;
	v16 =	vmul.f32 v8, v8;
	v21 =	vmul.f32 v11, v11;
	v22 =	vld.idx.msk [tilespmem:v2+s3+$0xD080 ss:$0x1], $0xffff;
	(xrf2) =	vadd.scan.msk.f32 $0xffff, v14  }
0x26f: {  	v12 =	vadd.f32 $0.0e+00, v12;
	v14 =	vmul.f32 v9, v9;
	v23 =	vld.idx.msk [tilespmem:v2+s3+$0xD090 ss:$0x1], $0xffff;
	v5 =	vadd.f32 v13, v5  }
0x270: {  	v13 =	vadd.f32 v16, v17;
	v16 =	vadd.f32 v21, v19;
	v17 =	vmul.f32 v10, v10;
	v19 =	vld.idx.msk [tilespmem:v2+s3+$0xD0A0 ss:$0x1], $0xffff  }
0x271: {  	v6 =	vadd.f32 v8, v6;
	v8 =	vadd.f32 v11, v12;
	v11 =	vld.idx.msk [tilespmem:v2+s3+$0xD0B0 ss:$0x1], $0xffff;
	v12 =	vnsel vm0, $0x0, v20;
	(xrf2) =	vadd.scan.msk.f32 $0xffff, v5  }
0x272: {  	v5 =	vadd.f32 v14, v13;
	v13 =	vmul.f32 v7, v7;
	v14 =	vld.idx.msk [tilespmem:v2+s3+$0xD0C0 ss:$0x1], $0xffff;
	v12 =	vadd.f32 v12, v15  }
0x273: {  	v6 =	vadd.f32 v9, v6;
	v9 =	vadd.f32 v17, v16;
	v15 =	vmul.f32 v18, v18;
	v16 =	vld.idx.msk [tilespmem:v2+s3+$0xD0D0 ss:$0x1], $0xffff  }
0x274: {  	v8 =	vadd.f32 v10, v8;
	v5 =	vadd.f32 v13, v5;
	v10 =	vmul.f32 v22, v22;
	v13 =	vld.idx.msk [tilespmem:v2+s3+$0xD0E0 ss:$0x1], $0xffff  }
0x275: {  	v6 =	vadd.f32 v7, v6;
	v7 =	vadd.f32 v15, v9;
	v9 =	vmul.f32 v23, v23;
	(xrf2) =	vadd.scan.msk.f32 $0xffff, v12  }
0x276: {  	v8 =	vadd.f32 v18, v8;
	v5 =	vadd.f32 v10, v5;
	v10 =	vmul.f32 v19, v19;
	v12 =	vld.idx.msk [tilespmem:v2+s3+$0xD0F0 ss:$0x1], $0xffff  }
0x277: {  	v6 =	vadd.f32 v22, v6;
	v7 =	vadd.f32 v9, v7;
	v9 =	vmul.f32 v11, v11;
	v15 =	vld.idx.msk [tilespmem:v2+s3+$0xD100 ss:$0x1], $0xffff  }
0x278: {  	v8 =	vadd.f32 v23, v8;
	v5 =	vadd.f32 v10, v5;
	v10 =	vmul.f32 v14, v14;
	v17 =	vld.idx.msk [tilespmem:v2+s3+$0xD110 ss:$0x1], $0xffff;
	v18, _, _ =	vpop (xrf2)  }
0x279: {  	v6 =	vadd.f32 v19, v6;
	v7 =	vadd.f32 v9, v7;
	v9 =	vmul.f32 v16, v16;
	v19 =	vld.idx.msk [tilespmem:v2+s3+$0xD120 ss:$0x1], $0xffff  }
0x27a: {  	v8 =	vadd.f32 v11, v8;
	v10 =	vadd.f32 v10, v5;
	v5 =	vmul.f32 v4, v4;
	v11 =	vld.idx.msk [tilespmem:v2+s3+$0xD130 ss:$0x1], $0xffff  }
0x27b: {  	v7 =	vadd.f32 v9, v7;
	v9 =	vmul.f32 v13, v13;
	v20 =	vld.idx.msk [tilespmem:v2+s3+$0xD140 ss:$0x1], $0xffff;
	v21, _, _ =	vpop (xrf2);
	(v2sf) =	vpush v18, $0xF  }
0x27c: {  	v6 =	vadd.f32 v14, v6;
	v14 =	vmul.f32 v12, v12;
	v18 =	vld.idx.msk [tilespmem:v2+s3+$0xD150 ss:$0x1], $0xffff;
	(v2sf) =	vpush v21, $0xF  }
0x27d: {  	v8 =	vadd.f32 v16, v8;
	v9 =	vadd.f32 v9, v10;
	v10 =	vmul.f32 v15, v15;
	v16 =	vld.idx.msk [tilespmem:v2+s3+$0xD160 ss:$0x1], $0xffff  }
0x27e: {  	v6 =	vadd.f32 v13, v6;
	v7 =	vadd.f32 v14, v7;
	v13 =	vmul.f32 v17, v17;
	v14 =	vld.idx.msk [tilespmem:v2+s3+$0xD170 ss:$0x1], $0xffff  }
0x27f: {  	v8 =	vadd.f32 v12, v8;
	v9 =	vadd.f32 v10, v9;
	v10 =	vmul.f32 v19, v19;
	v12 =	vld.idx.msk [tilespmem:v2+s3+$0xD180 ss:$0x1], $0xffff;
	v21, _, _ =	vpop (xrf2)  }
0x280: {  	v7 =	vadd.f32 v13, v7;
	v13 =	vmul.f32 v11, v11;
	v22 =	vld.idx.msk [tilespmem:v2+s3+$0xD190 ss:$0x1], $0xffff;
	(v2sf) =	vpush v21, $0xF  }
0x281: {  	v6 =	vadd.f32 v15, v6;
	v8 =	vadd.f32 v17, v8;
	v15 =	vmul.f32 v20, v20;
	v17 =	vld.idx.msk [tilespmem:v2+s3+$0xD1A0 ss:$0x1], $0xffff  }
0x282: {  	v9 =	vadd.f32 v10, v9;
	v7 =	vadd.f32 v13, v7;
	v10 =	vmul.f32 v18, v18;
	v13 =	vld.idx.msk [tilespmem:v2+s3+$0xD1B0 ss:$0x1], $0xffff  }
0x283: {  	v6 =	vadd.f32 v19, v6;
	v8 =	vadd.f32 v11, v8;
	v11 =	vmul.f32 v16, v16;
	v19 =	vld.idx.msk [tilespmem:v2+s3+$0xD1C0 ss:$0x1], $0xffff  }
0x284: {  	v9 =	vadd.f32 v15, v9;
	v7 =	vadd.f32 v10, v7;
	v10 =	vmul.f32 v14, v14;
	v15 =	vld.idx.msk [tilespmem:v2+s3+$0xD1D0 ss:$0x1], $0xffff  }
0x285: {  	v6 =	vadd.f32 v20, v6;
	v8 =	vadd.f32 v18, v8;
	v18 =	vmul.f32 v12, v12;
	v20 =	vld.idx.msk [tilespmem:v2+s3+$0xD1E0 ss:$0x1], $0xffff  }
0x286: {  	v9 =	vadd.f32 v11, v9;
	v7 =	vadd.f32 v10, v7;
	v10 =	vmul.f32 v22, v22;
	v11 =	vld.idx.msk [tilespmem:v2+s3+$0xD1F0 ss:$0x1], $0xffff  }
0x287: {  	v6 =	vadd.f32 v16, v6;
	v8 =	vadd.f32 v14, v8;
	v14 =	vmul.f32 v17, v17;
	v16 =	vld.idx.msk [tilespmem:v2+s3+$0xD200 ss:$0x1], $0xffff  }
0x288: {  	v9 =	vadd.f32 v18, v9;
	v7 =	vadd.f32 v10, v7;
	v10 =	vmul.f32 v13, v13;
	v18 =	vld.idx.msk [tilespmem:v2+s3+$0xD210 ss:$0x1], $0xffff  }
0x289: {  	v6 =	vadd.f32 v12, v6;
	v8 =	vadd.f32 v22, v8;
	v12 =	vmul.f32 v19, v19;
	v21 =	vld.idx.msk [tilespmem:v2+s3+$0xD220 ss:$0x1], $0xffff  }
0x28a: {  	v9 =	vadd.f32 v14, v9;
	v7 =	vadd.f32 v10, v7;
	v10 =	vmul.f32 v15, v15;
	v14 =	vld.idx.msk [tilespmem:v2+s3+$0xD230 ss:$0x1], $0xffff;
	s0 =	spop (v2sf)  }
0x28b: {  	v6 =	vadd.f32 v17, v6;
	v8 =	vadd.f32 v13, v8;
	v13 =	vmul.f32 v20, v20;
	v17 =	vld.idx.msk [tilespmem:v2+s3+$0xD240 ss:$0x1], $0xffff;
	s12 =	spop (v2sf)  }
0x28c: {  	v9 =	vadd.f32 v12, v9;
	v7 =	vadd.f32 v10, v7;
	v10 =	vmul.f32 v11, v11;
	v12 =	vld.idx.msk [tilespmem:v2+s3+$0xD250 ss:$0x1], $0xffff;
	s0 =	ssub.f32 s12, s0  }
0x28d: {  	v6 =	vadd.f32 v19, v6;
	v8 =	vadd.f32 v15, v8;
	v15 =	vmul.f32 v16, v16;
	v19 =	vld.idx.msk [tilespmem:v2+s3+$0xD270 ss:$0x1], $0xffff  }
0x28e: {  	v9 =	vadd.f32 v13, v9;
	v7 =	vadd.f32 v10, v7;
	v10 =	vmul.f32 v18, v18;
	s0 =	smul.f32 $5.000000000e-01, s0  }
0x28f: {  	v6 =	vadd.f32 v20, v6;
	v8 =	vadd.f32 v11, v8;
	v11 =	vmul.f32 v21, v21;
	v13 =	vld.idx.msk [tilespmem:v2+s3+$0xD280 ss:$0x1], $0xffff;
	s12 =	spop (v2sf)  }
0x290: {  	v9 =	vadd.f32 v15, v9;
	v7 =	vadd.f32 v10, v7;
	v10 =	vmul.f32 v14, v14;
	v15 =	vld.idx.msk [tilespmem:v2+s3+$0xD290 ss:$0x1], $0xffff;
	s0 =	sadd.f32 s0, s12  }
0x291: {  	v6 =	vadd.f32 v16, v6;
	v8 =	vadd.f32 v18, v8;
	v16 =	vmul.f32 v17, v17;
	v18 =	vld.idx.msk [tilespmem:v2+s3+$0xD2A0 ss:$0x1], $0xffff  }
0x292: {  	v9 =	vadd.f32 v11, v9;
	v7 =	vadd.f32 v10, v7;
	v10 =	vmul.f32 v12, v12;
	v11 =	vld.idx.msk [tilespmem:v2+s3+$0xD2B0 ss:$0x1], $0xffff;
	s0 =	sadd.f32 s0, s28  }
0x293: {  	v6 =	vadd.f32 v21, v6;
	v8 =	vadd.f32 v14, v8;
	v14 =	vmul.f32 v19, v19;
	v20 =	vld.idx.msk [tilespmem:v2+s3+$0xD2C0 ss:$0x1], $0xffff  }
0x294: {  	v9 =	vadd.f32 v16, v9;
	v7 =	vadd.f32 v10, v7;
	v10 =	vld.idx.msk [tilespmem:v2+s3+$0xD2D0 ss:$0x1], $0xffff;
	v3 =	vsel vm1, s0, v3  }
0x295: {  	v6 =	vadd.f32 v17, v6;
	v8 =	vadd.f32 v12, v8;
	v12 =	vmul.f32 v13, v13;
	v16 =	vld.idx.msk [tilespmem:v2+s3+$0xD2E0 ss:$0x1], $0xffff  }
0x296: {  	v5 =	vadd.f32 v5, v9;
	v7 =	vadd.f32 v14, v7;
	v9 =	vmul.f32 v15, v15;
	v14 =	vld.idx.msk [tilespmem:v2+s3+$0xD2F0 ss:$0x1], $0xffff  }
0x297: {  	v4 =	vadd.f32 v4, v6;
	v6 =	vadd.f32 v19, v8;
	v8 =	vmul.f32 v18, v18;
	v17 =	vld.idx.msk [tilespmem:v2+s3+$0xD300 ss:$0x1], $0xffff  }
0x298: {  	v12 =	vadd.f32 v12, v5;
	v7 =	vadd.f32 v9, v7;
	v9 =	vmul.f32 v11, v11;
	v19 =	vld.idx.msk [tilespmem:v2+s3+$0xD310 ss:$0x1], $0xffff  }
0x299: {  	v21 =	vadd.f32 v13, v4;
	v6 =	vadd.f32 v15, v6;
	v15 =	vmul.f32 v20, v20;
	v5 =	vld.idx.msk [tilespmem:v2+s3+$0xD320 ss:$0x1], $0xffff  }
0x29a: {  	v8 =	vadd.f32 v8, v12;
	v9 =	vadd.f32 v9, v7;
	v12 =	vmul.f32 v10, v10;
	v13 =	vld.idx.msk [tilespmem:v2+s3+$0xD330 ss:$0x1], $0xffff;
	s3 =	sshra.s32 s10, $0x2  }
0x29b: {  	v18 =	vadd.f32 v18, v21;
	v11 =	vadd.f32 v11, v6;
	v21 =	vmul.f32 v16, v16;
	v4 =	vld.idx.msk [tilespmem:v2+s3+$0xD260 ss:$0x1], $0xffff  }
0x29c: {  	v8 =	vadd.f32 v15, v8;
	v9 =	vadd.f32 v12, v9;
	v15 =	vmul.f32 v14, v14;
	v7 =	vld.idx.msk [tilespmem:v2+s3+$0xD060 ss:$0x1], $0xffff  }
0x29d: {  	v18 =	vadd.f32 v20, v18;
	v10 =	vadd.f32 v10, v11;
	v20 =	vmul.f32 v17, v17;
	v6 =	vld.idx.msk [tilespmem:v2+s3+$0xD000 ss:$0x1], $0xffff  }
.Ltmp3:
0x29e: {  	v21 =	vadd.f32 v21, v8;
	v9 =	vadd.f32 v15, v9;
	v15 =	vmul.f32 v19, v19;
	v12 =	vld.idx.msk [tilespmem:v2+s3+$0xD010 ss:$0x1], $0xffff;
	(pc) =	sbr.rel @p0 .LBB2_10-.Ltmp3, $4  }
0x29f: {  	v16 =	vadd.f32 v16, v18;
	v10 =	vadd.f32 v14, v10;
	v14 =	vmul.f32 v5, v5;
	v8 =	vld.idx.msk [tilespmem:v2+s3+$0xD020 ss:$0x1], $0xffff  }
0x2a0: {  	s9 =	sadd.s32 $0x1A, s9;
	v18 =	vadd.f32 v20, v21;
	v15 =	vadd.f32 v15, v9;
	v20 =	vmul.f32 v13, v13;
	v11 =	vld.idx.msk [tilespmem:v2+s3+$0xD030 ss:$0x1], $0xffff  }
0x2a1: {  	s2 =	sadd.s32 $0x1, s2;
	s0 =	sadd.s32 $0x10, s9;
	v16 =	vadd.f32 v17, v16;
	v17 =	vadd.f32 v19, v10;
	v9 =	vld.idx.msk [tilespmem:v2+s3+$0xD040 ss:$0x1], $0xffff  }
0x2a2: {  	s18 =	sand.u32 $0x6, s9;
	s19 =	sand.u32 $0xFF8, s0;
	s10 =	sadd.s32 $0xD00, s10;
	v14 =	vadd.f32 v14, v18;
	v15 =	vadd.f32 v20, v15;
	v10 =	vld.idx.msk [tilespmem:v2+s3+$0xD050 ss:$0x1], $0xffff  }
0x2a3: {  	_ =	sdelay $0x1  }
0x2a4: {  	v5 =	vadd.f32 v5, v16;
	v13 =	vadd.f32 v13, v17;
	v32 =	vmul.f32 v6, v6  }
0x2a5: {  	v33 =	vmul.f32 v12, v12;
	v35 =	vadd.f32 $0.0e+00, v6;
	v36 =	vadd.f32 $0.0e+00, v12  }
0x2a6: {  	v19 =	vld.idx.msk [tilespmem:v2+s3+$0xD070 ss:$0x1], $0xffff;
	v34 =	vmul.f32 v8, v8;
	v18 =	vmul.f32 v5, v5;
	v5 =	vadd.f32 v15, v14  }
0x2a7: {  	v21 =	vld.idx.msk [tilespmem:v2+s3+$0xD080 ss:$0x1], $0xffff;
	v13 =	vmul.f32 v13, v13;
	v20 =	vmul.f32 v11, v11;
	v41 =	vadd.f32 v8, v35  }
0x2a8: {  	v23 =	vld.idx.msk [tilespmem:v2+s3+$0xD090 ss:$0x1], $0xffff;
	v42 =	vadd.f32 v11, v36;
	v22 =	vmul.f32 v9, v9;
	v37 =	vadd.f32 v34, v32  }
0x2a9: {  	v40 =	vld.idx.msk [tilespmem:v2+s3+$0xD0A0 ss:$0x1], $0xffff;
	v6 =	vadd.f32 v13, v18;
	v38 =	vadd.f32 v20, v33;
	v39 =	vmul.f32 v10, v10  }
0x2aa: {  	v43 =	vld.idx.msk [tilespmem:v2+s3+$0xD0B0 ss:$0x1], $0xffff;
	v44 =	vmul.f32 v7, v7;
	v8 =	vadd.f32 v9, v41;
	v49 =	vadd.f32 v10, v42  }
0x2ab: {  	v45 =	vld.idx.msk [tilespmem:v2+s3+$0xD0C0 ss:$0x1], $0xffff;
	v13 =	vadd.f32 v22, v37;
	v47 =	vmul.f32 v19, v19;
	v46 =	vadd.f32 v39, v38  }
0x2ac: {  	v48 =	vld.idx.msk [tilespmem:v2+s3+$0xD0D0 ss:$0x1], $0xffff;
	v51 =	vmul.f32 v21, v21;
	v52 =	vadd.f32 v7, v8;
	v10 =	vadd.f32 v19, v49  }
0x2ad: {  	v55 =	vld.idx.msk [tilespmem:v2+s3+$0xD0E0 ss:$0x1], $0xffff;
	v54 =	vmul.f32 v23, v23;
	v50 =	vadd.f32 v44, v13;
	v53 =	vadd.f32 v47, v46  }
0x2ae: {  	v57 =	vld.idx.msk [tilespmem:v2+s3+$0xD0F0 ss:$0x1], $0xffff;
	v56 =	vmul.f32 v40, v40;
	v7 =	vadd.f32 v21, v52;
	v10 =	vadd.f32 v23, v10  }
0x2af: {  	v59 =	vld.idx.msk [tilespmem:v2+s3+$0xD100 ss:$0x1], $0xffff;
	v58 =	vmul.f32 v43, v43;
	v11 =	vadd.f32 v51, v50;
	v8 =	vadd.f32 v54, v53  }
0x2b0: {  	v62 =	vld.idx.msk [tilespmem:v2+s3+$0xD110 ss:$0x1], $0xffff;
	v60 =	vmul.f32 v45, v45;
	v7 =	vadd.f32 v40, v7;
	v10 =	vadd.f32 v43, v10  }
0x2b1: {  	v63 =	vld.idx.msk [tilespmem:v2+s3+$0xD120 ss:$0x1], $0xffff;
	v61 =	vmul.f32 v48, v48;
	v11 =	vadd.f32 v56, v11;
	v8 =	vadd.f32 v58, v8  }
0x2b2: {  	v25 =	vld.idx.msk [tilespmem:v2+s3+$0xD130 ss:$0x1], $0xffff;
	v24 =	vmul.f32 v55, v55;
	v7 =	vadd.f32 v45, v7;
	v10 =	vadd.f32 v48, v10  }
0x2b3: {  	v26 =	vld.idx.msk [tilespmem:v2+s3+$0xD140 ss:$0x1], $0xffff;
	v27 =	vmul.f32 v57, v57;
	v11 =	vadd.f32 v60, v11;
	v8 =	vadd.f32 v61, v8  }
0x2b4: {  	v29 =	vld.idx.msk [tilespmem:v2+s3+$0xD150 ss:$0x1], $0xffff;
	v28 =	vmul.f32 v59, v59;
	v7 =	vadd.f32 v55, v7;
	v10 =	vadd.f32 v57, v10  }
0x2b5: {  	v30 =	vld.idx.msk [tilespmem:v2+s3+$0xD160 ss:$0x1], $0xffff;
	v31 =	vmul.f32 v62, v62;
	v9 =	vadd.f32 v24, v11;
	v8 =	vadd.f32 v27, v8  }
0x2b6: {  	v32 =	vld.idx.msk [tilespmem:v2+s3+$0xD170 ss:$0x1], $0xffff;
	v33 =	vmul.f32 v63, v63;
	v7 =	vadd.f32 v59, v7;
	v10 =	vadd.f32 v62, v10  }
0x2b7: {  	v36 =	vld.idx.msk [tilespmem:v2+s3+$0xD190 ss:$0x1], $0xffff;
	v35 =	vmul.f32 v25, v25;
	v9 =	vadd.f32 v28, v9;
	v8 =	vadd.f32 v31, v8  }
0x2b8: {  	v34 =	vld.idx.msk [tilespmem:v2+s3+$0xD180 ss:$0x1], $0xffff;
	v37 =	vmul.f32 v26, v26;
	v7 =	vadd.f32 v63, v7;
	v10 =	vadd.f32 v25, v10  }
0x2b9: {  	v38 =	vld.idx.msk [tilespmem:v2+s3+$0xD1A0 ss:$0x1], $0xffff;
	v39 =	vmul.f32 v29, v29;
	v9 =	vadd.f32 v33, v9;
	v8 =	vadd.f32 v35, v8  }
0x2ba: {  	v41 =	vmul.f32 v30, v30;
	v40 =	vld.idx.msk [tilespmem:v2+s3+$0xD1B0 ss:$0x1], $0xffff;
	v7 =	vadd.f32 v26, v7;
	v10 =	vadd.f32 v29, v10  }
0x2bb: {  	v42 =	vld.idx.msk [tilespmem:v2+s3+$0xD1C0 ss:$0x1], $0xffff;
	v43 =	vmul.f32 v32, v32;
	v9 =	vadd.f32 v37, v9;
	v8 =	vadd.f32 v39, v8  }
0x2bc: {  	v44 =	vld.idx.msk [tilespmem:v2+s3+$0xD1D0 ss:$0x1], $0xffff;
	v47 =	vmul.f32 v36, v36;
	v7 =	vadd.f32 v30, v7;
	v10 =	vadd.f32 v32, v10  }
0x2bd: {  	v46 =	vld.idx.msk [tilespmem:v2+s3+$0xD1E0 ss:$0x1], $0xffff;
	v45 =	vmul.f32 v34, v34;
	v9 =	vadd.f32 v41, v9;
	v8 =	vadd.f32 v43, v8  }
0x2be: {  	v49 =	vmul.f32 v38, v38;
	v48 =	vld.idx.msk [tilespmem:v2+s3+$0xD1F0 ss:$0x1], $0xffff;
	v7 =	vadd.f32 v34, v7;
	v10 =	vadd.f32 v36, v10  }
0x2bf: {  	v50 =	vld.idx.msk [tilespmem:v2+s3+$0xD200 ss:$0x1], $0xffff;
	v51 =	vmul.f32 v40, v40;
	v9 =	vadd.f32 v45, v9;
	v8 =	vadd.f32 v47, v8  }
0x2c0: {  	v52 =	vld.idx.msk [tilespmem:v2+s3+$0xD210 ss:$0x1], $0xffff;
	v53 =	vmul.f32 v42, v42;
	v7 =	vadd.f32 v38, v7;
	v10 =	vadd.f32 v40, v10  }
0x2c1: {  	v54 =	vld.idx.msk [tilespmem:v2+s3+$0xD220 ss:$0x1], $0xffff;
	v55 =	vmul.f32 v44, v44;
	v9 =	vadd.f32 v49, v9;
	v8 =	vadd.f32 v51, v8  }
0x2c2: {  	v56 =	vld.idx.msk [tilespmem:v2+s3+$0xD230 ss:$0x1], $0xffff;
	v57 =	vmul.f32 v46, v46;
	v7 =	vadd.f32 v42, v7;
	v10 =	vadd.f32 v44, v10  }
0x2c3: {  	v58 =	vld.idx.msk [tilespmem:v2+s3+$0xD240 ss:$0x1], $0xffff;
	v59 =	vmul.f32 v48, v48;
	v9 =	vadd.f32 v53, v9;
	v8 =	vadd.f32 v55, v8  }
0x2c4: {  	v60 =	vld.idx.msk [tilespmem:v2+s3+$0xD250 ss:$0x1], $0xffff;
	v61 =	vmul.f32 v50, v50;
	v7 =	vadd.f32 v46, v7;
	v10 =	vadd.f32 v48, v10  }
0x2c5: {  	v62 =	vmul.f32 v52, v52;
	v9 =	vadd.f32 v57, v9;
	v8 =	vadd.f32 v59, v8  }
0x2c6: {  	v24 =	vmul.f32 v54, v54;
	v63 =	vld.idx.msk [tilespmem:v2+s3+$0xD270 ss:$0x1], $0xffff;
	v7 =	vadd.f32 v50, v7;
	v10 =	vadd.f32 v52, v10  }
0x2c7: {  	v25 =	vld.idx.msk [tilespmem:v2+s3+$0xD280 ss:$0x1], $0xffff;
	v26 =	vmul.f32 v56, v56;
	v9 =	vadd.f32 v61, v9;
	v8 =	vadd.f32 v62, v8  }
0x2c8: {  	v27 =	vld.idx.msk [tilespmem:v2+s3+$0xD290 ss:$0x1], $0xffff;
	v28 =	vmul.f32 v58, v58;
	v7 =	vadd.f32 v54, v7;
	v10 =	vadd.f32 v56, v10  }
0x2c9: {  	v29 =	vld.idx.msk [tilespmem:v2+s3+$0xD2A0 ss:$0x1], $0xffff;
	v30 =	vmul.f32 v60, v60;
	v9 =	vadd.f32 v24, v9;
	v8 =	vadd.f32 v26, v8  }
0x2ca: {  	v31 =	vmul.f32 v4, v4;
	v32 =	vld.idx.msk [tilespmem:v2+s3+$0xD2B0 ss:$0x1], $0xffff;
	v7 =	vadd.f32 v58, v7;
	v10 =	vadd.f32 v60, v10  }
0x2cb: {  	v33 =	vmul.f32 v63, v63;
	v34 =	vld.idx.msk [tilespmem:v2+s3+$0xD2C0 ss:$0x1], $0xffff;
	v9 =	vadd.f32 v28, v9;
	v8 =	vadd.f32 v30, v8  }
0x2cc: {  	v35 =	vld.idx.msk [tilespmem:v2+s3+$0xD2D0 ss:$0x1], $0xffff;
	v36 =	vmul.f32 v25, v25;
	v37 =	vadd.f32 v4, v7;
	v38 =	vadd.f32 v63, v10  }
0x2cd: {  	v39 =	vld.idx.msk [tilespmem:v2+s3+$0xD2E0 ss:$0x1], $0xffff;
	v40 =	vmul.f32 v27, v27;
	v9 =	vadd.f32 v31, v9;
	v8 =	vadd.f32 v33, v8  }
0x2ce: {  	v41 =	vld.idx.msk [tilespmem:v2+s3+$0xD2F0 ss:$0x1], $0xffff;
	v42 =	vmul.f32 v29, v29;
	v4 =	vadd.f32 v25, v37;
	v7 =	vadd.f32 v27, v38  }
0x2cf: {  	v43 =	vld.idx.msk [tilespmem:v2+s3+$0xD300 ss:$0x1], $0xffff;
	v44 =	vmul.f32 v32, v32;
	v9 =	vadd.f32 v36, v9;
	v8 =	vadd.f32 v40, v8  }
0x2d0: {  	v45 =	vld.idx.msk [tilespmem:v2+s3+$0xD310 ss:$0x1], $0xffff;
	v46 =	vmul.f32 v34, v34;
	v4 =	vadd.f32 v29, v4;
	v7 =	vadd.f32 v32, v7  }
0x2d1: {  	v47 =	vld.idx.msk [tilespmem:v2+s3+$0xD320 ss:$0x1], $0xffff;
	v48 =	vmul.f32 v35, v35;
	v9 =	vadd.f32 v42, v9;
	v8 =	vadd.f32 v44, v8  }
0x2d2: {  	v2 =	vld.idx.msk [tilespmem:v2+s3+$0xD330 ss:$0x1], $0xffff;
	v49 =	vmul.f32 v39, v39;
	v4 =	vadd.f32 v34, v4;
	v7 =	vadd.f32 v35, v7  }
0x2d3: {  	s0 =	sor.u32 s18, s19;
	v50 =	vmul.f32 v41, v41;
	v9 =	vadd.f32 v46, v9;
	v8 =	vadd.f32 v48, v8  }
0x2d4: {  	s12 =	sand.u32 $0x7FE, s9;
	v51 =	vld [tilespmem:s0+$0x1B390];
	v52 =	vmul.f32 v43, v43;
	v4 =	vadd.f32 v39, v4;
	v7 =	vadd.f32 v41, v7  }
0x2d5: {  	v53 =	vld [tilespmem:s12+$0x1B390];
	v54 =	vmul.f32 v45, v45;
	v9 =	vadd.f32 v49, v9;
	v8 =	vadd.f32 v50, v8  }
0x2d6: {  	s18 =	sadd.s32 $0x1A, s9;
	v55 =	vmul.f32 v47, v47;
	v4 =	vadd.f32 v43, v4;
	v7 =	vadd.f32 v45, v7  }
0x2d7: {  	s19 =	sadd.s32 $0x10, s18;
	v56 =	vmul.f32 v2, v2;
	v9 =	vadd.f32 v52, v9;
	v8 =	vadd.f32 v54, v8  }
0x2d8: {  	s9 =	sand.u32 $0x6, s18;
	s3 =	sand.u32 $0xFF8, s19;
	v4 =	vadd.f32 v47, v4;
	v2 =	vadd.f32 v2, v7  }
0x2d9: {  	s3 =	sor.u32 s9, s3;
	v57 =	vnsel vm0, $0x0, v51;
	v9 =	vadd.f32 v55, v9;
	v8 =	vadd.f32 v56, v8  }
0x2da: {  	(xrf2) =	vadd.scan.msk.f32 $0xffff, v5;
	s0 =	sand.u32 $0x7FE, s18;
	v59 =	vld [tilespmem:s3+$0x1B390];
	v58 =	vadd.f32 v57, v53;
	v4 =	vmul.f32 v4, v4;
	v2 =	vmul.f32 v2, v2  }
0x2db: {  	(xrf2) =	vadd.scan.msk.f32 $0xffff, v6;
	v61 =	vld [tilespmem:s0+$0x1B390];
	v60 =	vadd.f32 v8, v9  }
0x2dc: {  	(xrf2) =	vadd.scan.msk.f32 $0xffff, v58;
	v2 =	vadd.f32 v2, v4  }
0x2dd: {  	(xrf2) =	vadd.scan.msk.f32 $0xffff, v60  }
0x2de: {  	(xrf2) =	vadd.scan.msk.f32 $0xffff, v2  }
0x2df: {  	v2 =	vnsel vm0, $0x0, v59  }
0x2e0: {  	v2 =	vadd.f32 v2, v61;
	_ =	sdelay $0x1  }
0x2e1: {  	(xrf2) =	vadd.scan.msk.f32 $0xffff, v2;
	_ =	sdelay $0x1  }
0x2e2: {  	v2, _, _ =	vpop (xrf2)  }
0x2e3: {  	v62, _, _ =	vpop (xrf2);
	(v2sf) =	vpush v2, $0xF  }
0x2e4: {  	v2, _, _ =	vpop (xrf2);
	(v2sf) =	vpush v62, $0xF  }
0x2e5: {  	(v2sf) =	vpush v2, $0xF;
	v2, _, _ =	vpop (xrf2)  }
0x2e6: {  	v63, _, _ =	vpop (xrf2);
	(v2sf) =	vpush v2, $0xF  }
0x2e7: {  	(v2sf) =	vpush v63, $0xF;
	_ =	sdelay $0x2  }
0x2e8: {  	v2, _, _ =	vpop (xrf2)  }
0x2e9: {  	(v2sf) =	vpush v2, $0xF;
	_ =	sdelay $0x6  }
0x2ea: {  	s23 =	spop (v2sf)  }
0x2eb: {  	s25 =	spop (v2sf)  }
0x2ec: {  	s29 =	spop (v2sf)  }
0x2ed: {  	s10 =	spop (v2sf)  }
0x2ee: {  	s0 =	ssub.f32 s25, s23;
	s12 =	spop (v2sf)  }
0x2ef: {  	s3 =	ssub.f32 s12, s10  }
0x2f0: {  	s0 =	smul.f32 $5.000000000e-01, s0  }
0x2f1: {  	s25 =	sshll.u32 s14, $0x4;
	s3 =	smul.f32 $5.000000000e-01, s3  }
0x2f2: {  	s14 =	sadd.s32 $0x1, s14;
	s0 =	sadd.f32 s0, s29;
	s18 =	spop (v2sf)  }
0x2f3: {  	p0 =	sne.s32 s14, $0x4;
	s3 =	sadd.f32 s3, s18  }
.Ltmp4:
0x2f4: {  	s19 =	sadd.s32 $0x1, s2;
	v2 =	vmov s2;
	s0 =	sadd.f32 s0, s28;
	(pc) =	sbr.rel @p0 .LBB2_9-.Ltmp4, $4  }
0x2f5: {  	vm1 =	veq.s32 v2, v0;
	v2 =	vmov s19;
	s23 =	sadd.f32 s3, s28  }
0x2f6: {  	v3 =	vsel vm1, s0, v3;
	vm1 =	veq.s32 v2, v0  }
0x2f7: {  	s29 =	sand.u32 $0x3FFFFFF0, s25;
	v2 =	vsel vm1, s23, v3  }
0x2f8: {  	s1 =	sadd.s32 $0x1A0, s1;
	s8 =	sadd.s32 $0x3400, s8;
	[tilespmem:v1+s29+$0x0 ss:$0x1] =	vst.idx.msk $0xffff, v2  }
0x2f9: {  	s31 =	sadd.s32 $0x1, s31  }
0x2fa: {  	p0 =	sne.s32 s31, $0x4  }
.Ltmp5:
0x2fb: {  	_ = 	snop;
	(pc) =	sbr.rel @p0 .LBB2_2-.Ltmp5, $1  }
0x2fc: {  	_ =	sdelay $0x3  }
0x2fd: {  	s9 =	simm.s32 $0x0  }
0x2fe: {  	s0 =	rddreg [dreg:$0x8];
	s1 =	simm.s32 $0x1BA20;
	s2 =	simm.s32 $0x3  }
0x2ff: {  	[hbm4b:s0+s9] =	stream.linear.scatter [tilespmem:s1], [sflag:$0x3], $0x200, $0x38;
	[tilespmem:$0x1BC30] =	vst v63  }
0x300: {  	_ =	swait.ge [sflag:s2], $0x200  }
0x301: {  	s29 =	rddreg [dreg:$0xa]  }
0x302: {  	s31 =	rddreg [dreg:$0x9];
	s1 =	sadd.s32 $0x1, s29  }
0x303: {  	p0 =	sne.s32 s1, s31  }
.Ltmp6:
0x304: {  	_ = 	snop;
	(pc) =	sbr.rel @p0 .LBB2_1-.Ltmp6, $3  }
0x305: {  	_ =	sdelay $0x1  }
0x306: {  	[sflag:s2] =	ssyncset.done $0x0  }
0x307: {  	[sflag:s2] =	ssyncadd.s32 $0xFFFFFE00  }
0x308: {  	_ =	sfence.sel $0x180000  }
0x309: {  	[bflag:$0x0] =	sbarrier.arrive $0xFFFF  }
0x30a: {  	_ =	strace $0x9000004A  }
0x30b: {  	s0 =	stileid.u32;
	[bflag:$0x2] =	sbarrier.arrive $0xFFFF  }
0x30c: {  	p0 =	sne.s32 s0, $0x0;
	s0 =	rddreg [dreg:$0x3]  }
0x30d: {  	s0 =	sadd.s32 @!p0 $0x100000, s0  }
0x30e: {  	[sflag:s0] =	ssyncadd.tile.s32 @!p0 $0x1;
	_ =	shalt  }
.Lfunc_end2:
_tile_overlayer_lowered:
.L_overlay_start_2:
0x30f: {  	(tag) =	ssettag $0x2  }
0x310: {  	s0 =	rddreg [dreg:$0x0];
	s2 =	stileid.u32  }
0x311: {  	s1 =	rddreg [dreg:$0x1];
	p0 =	sne.s32 s2, $0x0  }
0x312: {  	s3 =	rddreg [dreg:$0x2];
	[bflag:$0x3] =	sbarrier.arrive $0xFFFF;
	s2 =	simm.s32 @!p0 $0x1C03  }
0x313: {  	[timem:s3], [sflag:s2] =	dma.local @!p0 [hbm:s0], s1  }
0x314: {  	s0 =	simm.s32 @!p0 $0x3  }
0x315: {  	_ =	swait.ge @!p0 [sflag:s0], s1  }
0x316: {  	s1 =	ssub.s32 @!p0 $0x0, s1;
	[sflag:s0] =	ssyncset.done @!p0 $0x0  }
0x317: {  	[sflag:s0] =	ssyncadd.s32 @!p0 s1  }
0x318: {  	[bflag:$0x3] =	sbarrier.arrive $0xFFFF  }
0x319: {  	_ =	shalt  }

</sc_bundles>
